<compile_context>
chip_gen: v7x
topology: tpu7x:2x2x1
jax: 0.10.2.dev20260603
libtpu: 0.0.44.dev20260713+nightly
codegen_flags: <defaults>
</compile_context>

<pallas_src>
import functools

import jax
import jax.numpy as jnp
from jax import lax
from jax.experimental import pallas as pl
from jax.experimental.pallas import tpu as pltpu
from jax.experimental.pallas import tpu_sc as plsc

E = 8
B = 32
D = 1024
H1, H2, H3 = 512, 256, 128
V = 50257

NC = 2
NS = 16
L = 16

C = 1024
NCH = 50
VP = C * NCH
OC = 2048
ONCH = VP // OC
OUT_W = (V + 1) * 2




def _routing_body(x_ref, w1, b1, g1, be1, w2, b2, g2, be2, w3, b3, g3, be3,
                  wo, bo, out_ref):
    eps = 1e-6
    x = x_ref[...]
    for (w, b, g, be, n) in ((w1, b1, g1, be1, H1),
                             (w2, b2, g2, be2, H2),
                             (w3, b3, g3, be3, H3)):
        h = lax.dot_general(x, w[...], (((1,), (1,)), ((), ())),
                            preferred_element_type=jnp.float32)
        h = h + b[...]
        h = jnp.where(h > 0, h, jnp.exp(jnp.minimum(h, 0.0)) - 1.0)
        mean = jnp.mean(h, axis=-1, keepdims=True)
        var = jnp.sum((h - mean) ** 2, axis=-1, keepdims=True) / (n - 1)
        x = g[...] * (h - mean) / (jnp.sqrt(var) + eps) + be[...]
    logits = lax.dot_general(x, wo[...], (((1,), (1,)), ((), ())),
                             preferred_element_type=jnp.float32)
    logits = logits.reshape(E, B)
    m = jnp.max(logits, axis=-1, keepdims=True)
    ex = jnp.exp(logits - m)
    out_ref[...] = ex / jnp.sum(ex, axis=-1, keepdims=True)


def _routing(x, w1, b1, g1, be1, w2, b2, g2, be2, w3, b3, g3, be3, wo, bo):
    return pl.pallas_call(
        _routing_body,
        out_shape=jax.ShapeDtypeStruct((E, B), jnp.float32),
    )(x, w1, b1, g1, be1, w2, b2, g2, be2, w3, b3, g3, be3, wo, bo)




def _mix_body(pr_hbm, ids_hbm, w_hbm, out_hbm,
              pr_buf, ids_buf, w_buf, resp, acc, ostage, sems):
    b = lax.axis_index("s") * NC + lax.axis_index("c")
    iota = lax.iota(jnp.int32, L)
    zero = jnp.zeros((L,), jnp.float32)

    def _issue(row, c, slot):
        pltpu.async_copy(pr_hbm.at[row, pl.ds(c * C, C)],
                         pr_buf.at[pl.ds(slot * C, C)], sems.at[slot, 0])
        pltpu.async_copy(ids_hbm.at[row, pl.ds(c * C, C)],
                         ids_buf.at[pl.ds(slot * C, C)], sems.at[slot, 1])

    def _wait(row, c, slot):
        pltpu.make_async_copy(pr_hbm.at[row, pl.ds(c * C, C)],
                              pr_buf.at[pl.ds(slot * C, C)],
                              sems.at[slot, 0]).wait()
        pltpu.make_async_copy(ids_hbm.at[row, pl.ds(c * C, C)],
                              ids_buf.at[pl.ds(slot * C, C)],
                              sems.at[slot, 1]).wait()

    pltpu.sync_copy(w_hbm.at[b], w_buf)
    _issue(b, 0, 0)

    def _clear(i, _):
        s = pl.ds(pl.multiple_of(i * L, L), L)
        resp[s] = zero
        acc[s] = zero
        return 0

    lax.fori_loop(0, VP // L, _clear, 0)

    for e in range(E):
        w_vec = w_buf[e]
        row = e * B + b

        def _pair(g, _, w_vec=w_vec, row=row):
            for slot in (0, 1):
                c = g * 2 + slot
                _wait(row, c, slot)

                @pl.when(c + 1 < NCH)
                def _():
                    _issue(row, c + 1, 1 - slot)

                def _rmw(i, pend, slot=slot, w_vec=w_vec):
                    s = pl.ds(pl.multiple_of(slot * C + i * L, L), L)
                    p = pr_buf[s] * w_vec
                    t = ids_buf[s]
                    cur = plsc.load_gather(resp, [t])
                    m = jnp.maximum(cur, p)
                    plsc.store_scatter(resp, [t], m)
                    back = plsc.load_gather(resp, [t])
                    return pend | (m > back)

                nofix = jnp.zeros((L,), jnp.bool_)
                pend = lax.fori_loop(0, C // L, _rmw, nofix)
                lax.while_loop(
                    jnp.any,
                    lambda _, _rmw=_rmw, nofix=nofix: lax.fori_loop(
                        0, C // L, _rmw, nofix),
                    pend)
            return 0

        lax.fori_loop(0, NCH // 2, _pair, 0)
        if e + 1 < E:
            _issue((e + 1) * B + b, 0, 0)

        def _accum(i, _):
            s = pl.ds(pl.multiple_of(i * L, L), L)
            acc[s] = acc[s] + resp[s]
            resp[s] = zero
            return 0

        lax.fori_loop(0, VP // L, _accum, 0)

    even = iota * 2
    odd = even + 1

    def _ochunk(c, _):
        def _ov(i, _):
            off = c * OC + i * L
            s = pl.ds(pl.multiple_of(off, L), L)
            p = acc[s]
            vid = off + iota
            vf = jnp.where(vid == V, -1.0, vid.astype(jnp.float32))
            base = pl.multiple_of(i * L * 2, 2 * L)
            plsc.store_scatter(ostage, [base + even], p)
            plsc.store_scatter(ostage, [base + odd], vf)
            return 0

        lax.fori_loop(0, OC // L, _ov, 0)
        return 0

    def _owrite(c, _):
        _ochunk(c, 0)
        pltpu.sync_copy(ostage, out_hbm.at[b, pl.ds(c * 2 * OC, 2 * OC)])
        return 0

    lax.fori_loop(0, ONCH, _owrite, 0)


@functools.partial(jax.jit, static_argnames=())
def _mix(pr, ids, wb):
    mesh = plsc.VectorSubcoreMesh(core_axis_name="c", subcore_axis_name="s",
                                  num_cores=NC, num_subcores=NS)
    f = pl.kernel(
        _mix_body,
        out_type=jax.ShapeDtypeStruct((B, 2 * VP), jnp.float32),
        mesh=mesh,
        compiler_params=pltpu.CompilerParams(needs_layout_passes=False),
        scratch_types=[
            pltpu.VMEM((2 * C,), jnp.float32),
            pltpu.VMEM((2 * C,), jnp.int32),
            pltpu.VMEM((E, L), jnp.float32),
            pltpu.VMEM((VP,), jnp.float32),
            pltpu.VMEM((VP,), jnp.float32),
            pltpu.VMEM((2 * OC,), jnp.float32),
            pltpu.SemaphoreType.DMA((2, 2)),
        ],
    )
    return f(pr, ids, wb)


def kernel(endpoint_emb, prediction, W1, b1, g1, be1, W2, b2, g2, be2,
           W3, b3, g3, be3, Wo, bo):
    x = endpoint_emb.reshape(E * B, D)
    routing = _routing(
        x, W1, b1.reshape(1, H1), g1.reshape(1, H1), be1.reshape(1, H1),
        W2, b2.reshape(1, H2), g2.reshape(1, H2), be2.reshape(1, H2),
        W3, b3.reshape(1, H3), g3.reshape(1, H3), be3.reshape(1, H3),
        Wo, bo.reshape(1, 1))
    wb = jnp.broadcast_to(routing.T[:, :, None], (B, E, L))
    pr = prediction[:, :, :V, 0]
    ids = prediction[:, :, :V, 1].astype(jnp.int32)
    pr_p = jnp.pad(pr, ((0, 0), (0, 0), (0, VP - V))).reshape(E * B, VP)
    ids_p = jnp.pad(ids, ((0, 0), (0, 0), (0, VP - V))).reshape(E * B, VP)
    out = _mix(pr_p, ids_p, wb)
    return out[:, :OUT_W].reshape(B, V + 1, 2)

# --- scband reference (transcript-rebuilt; emitter-appended) ---
"""Pipeline reference for scband-base-moe-84086869721240 (READ-ONLY COPY).

The authoritative reference and input builder live on the scoring server;
editing this copy changes nothing except your own understanding.
"""

import jax, jax.numpy as jnp
import numpy as np

E = 8
B = 32
D = 1024
H = [512, 256, 128]
V = 50257  # bittensor.__vocab_size__


def _layer_norm(x, g, b, eps=1e-6):
    # Annotated-transformer style LayerNorm: a_2*(x-mean)/(std+eps)+b_2, torch std is unbiased (ddof=1)
    mean = jnp.mean(x, axis=-1, keepdims=True)
    std = jnp.std(x, axis=-1, ddof=1, keepdims=True)
    return g * (x - mean) / (std + eps) + b


def setup_inputs(seed: int = 0) -> dict:
    key = jax.random.key(seed)
    ks = jax.random.split(key, 16)
    endpoint_emb = jax.random.normal(ks[0], (E, B, D), dtype=jnp.float32)
    # prediction[..., 0] = probability column, prediction[..., 1] = token-id column (stored as float, cast in forward)
    probs = jax.random.uniform(ks[1], (E, B, V + 1), dtype=jnp.float32)
    ids = jax.random.randint(ks[2], (E, B, V + 1), 0, V).astype(jnp.float32)
    prediction = jnp.stack([probs, ids], axis=-1)
    dims = [D] + H
    params = {}
    for i in range(3):
        bound = 1.0 / np.sqrt(dims[i])
        params['W%d' % (i + 1)] = jax.random.uniform(ks[3 + 2 * i], (dims[i + 1], dims[i]), jnp.float32, -bound, bound)
        params['b%d' % (i + 1)] = jax.random.uniform(ks[4 + 2 * i], (dims[i + 1],), jnp.float32, -bound, bound)
        params['g%d' % (i + 1)] = jnp.ones((dims[i + 1],), jnp.float32)
        params['be%d' % (i + 1)] = jnp.zeros((dims[i + 1],), jnp.float32)
    bound = 1.0 / np.sqrt(H[-1])
    params['Wo'] = jax.random.uniform(ks[10], (1, H[-1]), jnp.float32, -bound, bound)
    params['bo'] = jax.random.uniform(ks[11], (1,), jnp.float32, -bound, bound)
    out = {'endpoint_emb': endpoint_emb, 'prediction': prediction}
    out.update(params)
    return out


def reference(endpoint_emb, prediction, W1, b1, g1, be1, W2, b2, g2, be2, W3, b3, g3, be3, Wo, bo):
    x = endpoint_emb
    for (W, b, g, be) in ((W1, b1, g1, be1), (W2, b2, g2, be2), (W3, b3, g3, be3)):
        x = x @ W.T + b
        x = jax.nn.elu(x)
        x = _layer_norm(x, g, be)
    logits = (x @ Wo.T + bo)[..., 0]          # [E, B] after squeeze(-1)
    routing_scores = jax.nn.softmax(logits, axis=-1)  # softmax over last dim, as in the torch code
    # mix_response
    mixed = jnp.zeros((B, V + 1, 2), jnp.float32)
    all_logits = jnp.arange(V, dtype=jnp.float32)
    mixed = mixed.at[:, :-1, 1].set(jnp.broadcast_to(all_logits, (B, V)))
    brow = jnp.arange(B)[:, None]
    for e in range(E):
        pr = prediction[e, :, :-1, 0]                      # [B, V]
        ids = prediction[e, :, :-1, 1].astype(jnp.int32)   # [B, V]
        order = jnp.argsort(pr, axis=1)                    # ascending sort by prob
        sp = jnp.take_along_axis(pr, order, axis=1)
        si = jnp.take_along_axis(ids, order, axis=1)
        resp = jnp.zeros((B, V), jnp.float32).at[brow, si].set(sp)  # scatter-overwrite by token id
        mixed = mixed.at[:, :-1, 0].add(routing_scores[e][:, None] * resp)
    mixed = mixed.at[:, -1, 0].set(0.0)
    mixed = mixed.at[:, -1, 1].set(-1.0)
    return mixed

if __name__ == "__main__":
    import jax
    _d = setup_inputs()
    print(jax.jit(kernel)(*tuple(_d.values())))

</pallas_src>

<mosaic_0001>
#map = affine_map<(d0, d1) -> (0, 0)>
#map1 = affine_map<(d0, d1) -> (0, 0, 0)>
module attributes {stable_mosaic.version = 14 : i64} {
  func.func @_mix_body(%arg0: i32, %arg1: i32, %arg2: memref<256x51200xf32, #tpu.memory_space<hbm>>, %arg3: memref<256x51200xi32, #tpu.memory_space<hbm>>, %arg4: memref<32x8x16xf32, #tpu.memory_space<hbm>>, %arg5: memref<32x102400xf32, #tpu.memory_space<hbm>>, %arg6: memref<2048xf32, #tpu.memory_space<vmem>>, %arg7: memref<2048xi32, #tpu.memory_space<vmem>>, %arg8: memref<8x16xf32, #tpu.memory_space<vmem>>, %arg9: memref<51200xf32, #tpu.memory_space<vmem>>, %arg10: memref<51200xf32, #tpu.memory_space<vmem>>, %arg11: memref<4096xf32, #tpu.memory_space<vmem>>, %arg12: memref<2x2x!tpu.dma_semaphore, #tpu.memory_space<semaphore_mem>>) attributes {dimension_semantics = [#tpu.dimension_semantics<core_parallel>, #tpu.dimension_semantics<subcore_parallel>], iteration_bounds = array<i64: 2, 16>, scalar_prefetch = 0 : i64, scratch_operands = 7 : i64, tpu.core_type = #tpu.core_type<sc_vector_subcore>, window_params = [{transform_indices = #map}, {transform_indices = #map}, {transform_indices = #map1}, {transform_indices = #map}]} {
    %mul3A = arith.constant 2 : i32
    %mul3A_0 = arith.muli %arg1, %mul3A : i32
    %add3A = arith.addi %mul3A_0, %arg0 : i32
    %iota3A = tpu.iota {dimensions = array<i32: 0>} : vector<16xi32>
    %broadcast_in_dim3A = arith.constant 0.000000e+00 : f32
    %broadcast_in_dim3A_1 = vector.broadcast %broadcast_in_dim3A : f32 to vector<16xf32>
    "tpu.region"() ({
      %run_scoped3A = tpu.sem_alloc : memref<!tpu.dma_semaphore, #tpu.memory_space<semaphore_mem>>
      %dma_start3A_417 = arith.constant 0 : i32
      %dma_start3A_418 = arith.constant 0 : i32
      %dma_start3A_419 = tpu.memref_slice %arg4[%add3A, %dma_start3A_417, %dma_start3A_418] : memref<32x8x16xf32, #tpu.memory_space<hbm>> -> memref<1x8x16xf32, #tpu.memory_space<hbm>>
      %dma_start3A_420 = tpu.memref_squeeze %dma_start3A_419 : memref<1x8x16xf32, #tpu.memory_space<hbm>> -> memref<8x16xf32, #tpu.memory_space<hbm>>
      %dma_start3A_421 = arith.constant 0 : i32
      %dma_start3A_422 = arith.constant 0 : i32
      %dma_start3A_423 = tpu.memref_slice %arg4[%add3A, %dma_start3A_421, %dma_start3A_422] : memref<32x8x16xf32, #tpu.memory_space<hbm>> -> memref<1x8x16xf32, #tpu.memory_space<hbm>>
      %dma_start3A_424 = tpu.memref_squeeze %dma_start3A_423 : memref<1x8x16xf32, #tpu.memory_space<hbm>> -> memref<8x16xf32, #tpu.memory_space<hbm>>
      tpu.enqueue_dma source(%dma_start3A_424 : memref<8x16xf32, #tpu.memory_space<hbm>>) target(%arg8 : memref<8x16xf32, #tpu.memory_space<vmem>>) target_semaphore(%run_scoped3A : memref<!tpu.dma_semaphore, #tpu.memory_space<semaphore_mem>>)
      %dma_wait3A = arith.constant 0 : i32
      %dma_wait3A_425 = arith.constant 0 : i32
      %dma_wait3A_426 = tpu.memref_slice %arg4[%add3A, %dma_wait3A, %dma_wait3A_425] : memref<32x8x16xf32, #tpu.memory_space<hbm>> -> memref<1x8x16xf32, #tpu.memory_space<hbm>>
      %dma_wait3A_427 = tpu.memref_squeeze %dma_wait3A_426 : memref<1x8x16xf32, #tpu.memory_space<hbm>> -> memref<8x16xf32, #tpu.memory_space<hbm>>
      %dma_wait3A_428 = arith.constant 0 : i32
      %dma_wait3A_429 = arith.constant 0 : i32
      %dma_wait3A_430 = tpu.memref_slice %arg4[%add3A, %dma_wait3A_428, %dma_wait3A_429] : memref<32x8x16xf32, #tpu.memory_space<hbm>> -> memref<1x8x16xf32, #tpu.memory_space<hbm>>
      %dma_wait3A_431 = tpu.memref_squeeze %dma_wait3A_430 : memref<1x8x16xf32, #tpu.memory_space<hbm>> -> memref<8x16xf32, #tpu.memory_space<hbm>>
      tpu.wait_dma2 semaphore(%run_scoped3A : memref<!tpu.dma_semaphore, #tpu.memory_space<semaphore_mem>>) src(%dma_wait3A_431 : memref<8x16xf32, #tpu.memory_space<hbm>>) dst(%arg8 : memref<8x16xf32, #tpu.memory_space<vmem>>)
      tpu.yield
    }) : () -> ()
    %dma_start3A = arith.constant 0 : i32
    %dma_start3A_2 = arith.constant 0 : i32
    %dma_start3A_3 = arith.constant 0 : i32
    %dma_start3A_4 = tpu.memref_slice %arg6[%dma_start3A_3] : memref<2048xf32, #tpu.memory_space<vmem>> -> memref<1024xf32, #tpu.memory_space<vmem>>
    %dma_start3A_5 = arith.constant 0 : i32
    %dma_start3A_6 = tpu.memref_slice %arg2[%add3A, %dma_start3A_5] : memref<256x51200xf32, #tpu.memory_space<hbm>> -> memref<1x1024xf32, #tpu.memory_space<hbm>>
    %dma_start3A_7 = tpu.memref_squeeze %dma_start3A_6 : memref<1x1024xf32, #tpu.memory_space<hbm>> -> memref<1024xf32, #tpu.memory_space<hbm>>
    %dma_start3A_8 = tpu.memref_slice %arg12[%dma_start3A, %dma_start3A_2] : memref<2x2x!tpu.dma_semaphore, #tpu.memory_space<semaphore_mem>> -> memref<1x1x!tpu.dma_semaphore, #tpu.memory_space<semaphore_mem>>
    %dma_start3A_9 = tpu.memref_squeeze %dma_start3A_8 : memref<1x1x!tpu.dma_semaphore, #tpu.memory_space<semaphore_mem>> -> memref<!tpu.dma_semaphore, #tpu.memory_space<semaphore_mem>>
    %dma_start3A_10 = arith.constant 0 : i32
    %dma_start3A_11 = tpu.memref_slice %arg6[%dma_start3A_10] : memref<2048xf32, #tpu.memory_space<vmem>> -> memref<1024xf32, #tpu.memory_space<vmem>>
    %dma_start3A_12 = arith.constant 0 : i32
    %dma_start3A_13 = tpu.memref_slice %arg2[%add3A, %dma_start3A_12] : memref<256x51200xf32, #tpu.memory_space<hbm>> -> memref<1x1024xf32, #tpu.memory_space<hbm>>
    %dma_start3A_14 = tpu.memref_squeeze %dma_start3A_13 : memref<1x1024xf32, #tpu.memory_space<hbm>> -> memref<1024xf32, #tpu.memory_space<hbm>>
    tpu.enqueue_dma source(%dma_start3A_14 : memref<1024xf32, #tpu.memory_space<hbm>>) target(%dma_start3A_11 : memref<1024xf32, #tpu.memory_space<vmem>>) target_semaphore(%dma_start3A_9 : memref<!tpu.dma_semaphore, #tpu.memory_space<semaphore_mem>>)
    %dma_start3A_15 = arith.constant 0 : i32
    %dma_start3A_16 = arith.constant 1 : i32
    %dma_start3A_17 = arith.constant 0 : i32
    %dma_start3A_18 = tpu.memref_slice %arg7[%dma_start3A_17] : memref<2048xi32, #tpu.memory_space<vmem>> -> memref<1024xi32, #tpu.memory_space<vmem>>
    %dma_start3A_19 = arith.constant 0 : i32
    %dma_start3A_20 = tpu.memref_slice %arg3[%add3A, %dma_start3A_19] : memref<256x51200xi32, #tpu.memory_space<hbm>> -> memref<1x1024xi32, #tpu.memory_space<hbm>>
    %dma_start3A_21 = tpu.memref_squeeze %dma_start3A_20 : memref<1x1024xi32, #tpu.memory_space<hbm>> -> memref<1024xi32, #tpu.memory_space<hbm>>
    %dma_start3A_22 = tpu.memref_slice %arg12[%dma_start3A_15, %dma_start3A_16] : memref<2x2x!tpu.dma_semaphore, #tpu.memory_space<semaphore_mem>> -> memref<1x1x!tpu.dma_semaphore, #tpu.memory_space<semaphore_mem>>
    %dma_start3A_23 = tpu.memref_squeeze %dma_start3A_22 : memref<1x1x!tpu.dma_semaphore, #tpu.memory_space<semaphore_mem>> -> memref<!tpu.dma_semaphore, #tpu.memory_space<semaphore_mem>>
    %dma_start3A_24 = arith.constant 0 : i32
    %dma_start3A_25 = tpu.memref_slice %arg7[%dma_start3A_24] : memref<2048xi32, #tpu.memory_space<vmem>> -> memref<1024xi32, #tpu.memory_space<vmem>>
    %dma_start3A_26 = arith.constant 0 : i32
    %dma_start3A_27 = tpu.memref_slice %arg3[%add3A, %dma_start3A_26] : memref<256x51200xi32, #tpu.memory_space<hbm>> -> memref<1x1024xi32, #tpu.memory_space<hbm>>
    %dma_start3A_28 = tpu.memref_squeeze %dma_start3A_27 : memref<1x1024xi32, #tpu.memory_space<hbm>> -> memref<1024xi32, #tpu.memory_space<hbm>>
    tpu.enqueue_dma source(%dma_start3A_28 : memref<1024xi32, #tpu.memory_space<hbm>>) target(%dma_start3A_25 : memref<1024xi32, #tpu.memory_space<vmem>>) target_semaphore(%dma_start3A_23 : memref<!tpu.dma_semaphore, #tpu.memory_space<semaphore_mem>>)
    %scan3A = arith.constant 0 : i32
    %scan3A_29 = arith.constant 0 : i32
    %scan3A_30 = arith.constant 3200 : i32
    %scan3A_31 = arith.addi %scan3A_29, %scan3A_30 : i32
    %scan3A_32 = arith.constant 1 : i32
    %scan3A_33 = scf.for %scan3A_417 = %scan3A_29 to %scan3A_31 step %scan3A_32 iter_args(%scan3A_418 = %scan3A) -> (i32)  : i32 {
      %mul3A_419 = arith.constant 16 : i32
      %mul3A_420 = arith.muli %scan3A_417, %mul3A_419 : i32
      %multiple_of3A = tpu.assume_multiple %mul3A_420, 16 : i32
      %swap3A = arith.index_cast %multiple_of3A : i32 to index
      %swap3A_421 = tpu.vector_load %arg9[%swap3A] {strides = array<i32>} : memref<51200xf32, #tpu.memory_space<vmem>>, vector<16xf32>,
      tpu.vector_store %arg9[%swap3A], %broadcast_in_dim3A_1 {strides = array<i32>} : memref<51200xf32, #tpu.memory_space<vmem>>, vector<16xf32>,
      %swap3A_422 = arith.index_cast %multiple_of3A : i32 to index
      %swap3A_423 = tpu.vector_load %arg10[%swap3A_422] {strides = array<i32>} : memref<51200xf32, #tpu.memory_space<vmem>>, vector<16xf32>,
      tpu.vector_store %arg10[%swap3A_422], %broadcast_in_dim3A_1 {strides = array<i32>} : memref<51200xf32, #tpu.memory_space<vmem>>, vector<16xf32>,
      %scan3A_424 = arith.constant 0 : i32
      scf.yield %scan3A_424 : i32
    }
    %scan3A_34 = arith.constant 3200 : i32
    %get3A = arith.constant 0 : i32
    %get3A_35 = arith.index_cast %get3A : i32 to index
    %get3A_36 = arith.constant 0 : index
    %get3A_37 = tpu.vector_load %arg8[%get3A_35, %get3A_36] {strides = array<i32>} : memref<8x16xf32, #tpu.memory_space<vmem>>, vector<16xf32>,
    %add3A_38 = arith.constant 0 : i32
    %add3A_39 = arith.addi %add3A_38, %add3A : i32
    %scan3A_40 = arith.constant 0 : i32
    %scan3A_41 = arith.constant 0 : i32
    %scan3A_42 = arith.constant 25 : i32
    %scan3A_43 = arith.addi %scan3A_41, %scan3A_42 : i32
    %scan3A_44 = arith.constant 1 : i32
    %scan3A_45 = scf.for %scan3A_417 = %scan3A_41 to %scan3A_43 step %scan3A_44 iter_args(%scan3A_418 = %scan3A_40) -> (i32)  : i32 {
      %mul3A_419 = arith.constant 2 : i32
      %mul3A_420 = arith.muli %scan3A_417, %mul3A_419 : i32
      %add3A_421 = arith.constant 0 : i32
      %add3A_422 = arith.addi %mul3A_420, %add3A_421 : i32
      %mul3A_423 = arith.constant 1024 : i32
      %mul3A_424 = arith.muli %add3A_422, %mul3A_423 : i32
      %dma_wait3A = arith.constant 0 : i32
      %dma_wait3A_425 = arith.constant 0 : i32
      %dma_wait3A_426 = arith.constant 0 : i32
      %dma_wait3A_427 = tpu.memref_slice %arg6[%dma_wait3A_426] : memref<2048xf32, #tpu.memory_space<vmem>> -> memref<1024xf32, #tpu.memory_space<vmem>>
      %dma_wait3A_428 = tpu.memref_slice %arg2[%add3A_39, %mul3A_424] : memref<256x51200xf32, #tpu.memory_space<hbm>> -> memref<1x1024xf32, #tpu.memory_space<hbm>>
      %dma_wait3A_429 = tpu.memref_squeeze %dma_wait3A_428 : memref<1x1024xf32, #tpu.memory_space<hbm>> -> memref<1024xf32, #tpu.memory_space<hbm>>
      %dma_wait3A_430 = tpu.memref_slice %arg12[%dma_wait3A, %dma_wait3A_425] : memref<2x2x!tpu.dma_semaphore, #tpu.memory_space<semaphore_mem>> -> memref<1x1x!tpu.dma_semaphore, #tpu.memory_space<semaphore_mem>>
      %dma_wait3A_431 = tpu.memref_squeeze %dma_wait3A_430 : memref<1x1x!tpu.dma_semaphore, #tpu.memory_space<semaphore_mem>> -> memref<!tpu.dma_semaphore, #tpu.memory_space<semaphore_mem>>
      %dma_wait3A_432 = arith.constant 0 : i32
      %dma_wait3A_433 = tpu.memref_slice %arg6[%dma_wait3A_432] : memref<2048xf32, #tpu.memory_space<vmem>> -> memref<1024xf32, #tpu.memory_space<vmem>>
      %dma_wait3A_434 = tpu.memref_slice %arg2[%add3A_39, %mul3A_424] : memref<256x51200xf32, #tpu.memory_space<hbm>> -> memref<1x1024xf32, #tpu.memory_space<hbm>>
      %dma_wait3A_435 = tpu.memref_squeeze %dma_wait3A_434 : memref<1x1024xf32, #tpu.memory_space<hbm>> -> memref<1024xf32, #tpu.memory_space<hbm>>
      tpu.wait_dma2 semaphore(%dma_wait3A_431 : memref<!tpu.dma_semaphore, #tpu.memory_space<semaphore_mem>>) src(%dma_wait3A_435 : memref<1024xf32, #tpu.memory_space<hbm>>) dst(%dma_wait3A_433 : memref<1024xf32, #tpu.memory_space<vmem>>)
      %mul3A_436 = arith.constant 1024 : i32
      %mul3A_437 = arith.muli %add3A_422, %mul3A_436 : i32
      %dma_wait3A_438 = arith.constant 0 : i32
      %dma_wait3A_439 = arith.constant 1 : i32
      %dma_wait3A_440 = arith.constant 0 : i32
      %dma_wait3A_441 = tpu.memref_slice %arg7[%dma_wait3A_440] : memref<2048xi32, #tpu.memory_space<vmem>> -> memref<1024xi32, #tpu.memory_space<vmem>>
      %dma_wait3A_442 = tpu.memref_slice %arg3[%add3A_39, %mul3A_437] : memref<256x51200xi32, #tpu.memory_space<hbm>> -> memref<1x1024xi32, #tpu.memory_space<hbm>>
      %dma_wait3A_443 = tpu.memref_squeeze %dma_wait3A_442 : memref<1x1024xi32, #tpu.memory_space<hbm>> -> memref<1024xi32, #tpu.memory_space<hbm>>
      %dma_wait3A_444 = tpu.memref_slice %arg12[%dma_wait3A_438, %dma_wait3A_439] : memref<2x2x!tpu.dma_semaphore, #tpu.memory_space<semaphore_mem>> -> memref<1x1x!tpu.dma_semaphore, #tpu.memory_space<semaphore_mem>>
      %dma_wait3A_445 = tpu.memref_squeeze %dma_wait3A_444 : memref<1x1x!tpu.dma_semaphore, #tpu.memory_space<semaphore_mem>> -> memref<!tpu.dma_semaphore, #tpu.memory_space<semaphore_mem>>
      %dma_wait3A_446 = arith.constant 0 : i32
      %dma_wait3A_447 = tpu.memref_slice %arg7[%dma_wait3A_446] : memref<2048xi32, #tpu.memory_space<vmem>> -> memref<1024xi32, #tpu.memory_space<vmem>>
      %dma_wait3A_448 = tpu.memref_slice %arg3[%add3A_39, %mul3A_437] : memref<256x51200xi32, #tpu.memory_space<hbm>> -> memref<1x1024xi32, #tpu.memory_space<hbm>>
      %dma_wait3A_449 = tpu.memref_squeeze %dma_wait3A_448 : memref<1x1024xi32, #tpu.memory_space<hbm>> -> memref<1024xi32, #tpu.memory_space<hbm>>
      tpu.wait_dma2 semaphore(%dma_wait3A_445 : memref<!tpu.dma_semaphore, #tpu.memory_space<semaphore_mem>>) src(%dma_wait3A_449 : memref<1024xi32, #tpu.memory_space<hbm>>) dst(%dma_wait3A_447 : memref<1024xi32, #tpu.memory_space<vmem>>)
      %add3A_450 = arith.constant 1 : i32
      %add3A_451 = arith.addi %add3A_422, %add3A_450 : i32
      %lt3A = arith.constant 50 : i32
      %lt3A_452 = arith.cmpi slt, %add3A_451, %lt3A : i32
      %convert_element_type3A = arith.extui %lt3A_452 : i1 to i32
      %cond3A = arith.constant 0 : i32
      %cond3A_453 = arith.cmpi ne, %convert_element_type3A, %cond3A : i32
      scf.if %cond3A_453 {
        %add3A_511 = arith.constant 1 : i32
        %add3A_512 = arith.addi %add3A_422, %add3A_511 : i32
        %mul3A_513 = arith.constant 1024 : i32
        %mul3A_514 = arith.muli %add3A_512, %mul3A_513 : i32
        %dma_start3A_515 = arith.constant 1 : i32
        %dma_start3A_516 = arith.constant 0 : i32
        %dma_start3A_517 = arith.constant 1024 : i32
        %dma_start3A_518 = tpu.memref_slice %arg6[%dma_start3A_517] : memref<2048xf32, #tpu.memory_space<vmem>> -> memref<1024xf32, #tpu.memory_space<vmem>>
        %dma_start3A_519 = tpu.memref_slice %arg2[%add3A_39, %mul3A_514] : memref<256x51200xf32, #tpu.memory_space<hbm>> -> memref<1x1024xf32, #tpu.memory_space<hbm>>
        %dma_start3A_520 = tpu.memref_squeeze %dma_start3A_519 : memref<1x1024xf32, #tpu.memory_space<hbm>> -> memref<1024xf32, #tpu.memory_space<hbm>>
        %dma_start3A_521 = tpu.memref_slice %arg12[%dma_start3A_515, %dma_start3A_516] : memref<2x2x!tpu.dma_semaphore, #tpu.memory_space<semaphore_mem>> -> memref<1x1x!tpu.dma_semaphore, #tpu.memory_space<semaphore_mem>>
        %dma_start3A_522 = tpu.memref_squeeze %dma_start3A_521 : memref<1x1x!tpu.dma_semaphore, #tpu.memory_space<semaphore_mem>> -> memref<!tpu.dma_semaphore, #tpu.memory_space<semaphore_mem>>
        %dma_start3A_523 = arith.constant 1024 : i32
        %dma_start3A_524 = tpu.memref_slice %arg6[%dma_start3A_523] : memref<2048xf32, #tpu.memory_space<vmem>> -> memref<1024xf32, #tpu.memory_space<vmem>>
        %dma_start3A_525 = tpu.memref_slice %arg2[%add3A_39, %mul3A_514] : memref<256x51200xf32, #tpu.memory_space<hbm>> -> memref<1x1024xf32, #tpu.memory_space<hbm>>
        %dma_start3A_526 = tpu.memref_squeeze %dma_start3A_525 : memref<1x1024xf32, #tpu.memory_space<hbm>> -> memref<1024xf32, #tpu.memory_space<hbm>>
        tpu.enqueue_dma source(%dma_start3A_526 : memref<1024xf32, #tpu.memory_space<hbm>>) target(%dma_start3A_524 : memref<1024xf32, #tpu.memory_space<vmem>>) target_semaphore(%dma_start3A_522 : memref<!tpu.dma_semaphore, #tpu.memory_space<semaphore_mem>>)
        %mul3A_527 = arith.constant 1024 : i32
        %mul3A_528 = arith.muli %add3A_512, %mul3A_527 : i32
        %dma_start3A_529 = arith.constant 1 : i32
        %dma_start3A_530 = arith.constant 1 : i32
        %dma_start3A_531 = arith.constant 1024 : i32
        %dma_start3A_532 = tpu.memref_slice %arg7[%dma_start3A_531] : memref<2048xi32, #tpu.memory_space<vmem>> -> memref<1024xi32, #tpu.memory_space<vmem>>
        %dma_start3A_533 = tpu.memref_slice %arg3[%add3A_39, %mul3A_528] : memref<256x51200xi32, #tpu.memory_space<hbm>> -> memref<1x1024xi32, #tpu.memory_space<hbm>>
        %dma_start3A_534 = tpu.memref_squeeze %dma_start3A_533 : memref<1x1024xi32, #tpu.memory_space<hbm>> -> memref<1024xi32, #tpu.memory_space<hbm>>
        %dma_start3A_535 = tpu.memref_slice %arg12[%dma_start3A_529, %dma_start3A_530] : memref<2x2x!tpu.dma_semaphore, #tpu.memory_space<semaphore_mem>> -> memref<1x1x!tpu.dma_semaphore, #tpu.memory_space<semaphore_mem>>
        %dma_start3A_536 = tpu.memref_squeeze %dma_start3A_535 : memref<1x1x!tpu.dma_semaphore, #tpu.memory_space<semaphore_mem>> -> memref<!tpu.dma_semaphore, #tpu.memory_space<semaphore_mem>>
        %dma_start3A_537 = arith.constant 1024 : i32
        %dma_start3A_538 = tpu.memref_slice %arg7[%dma_start3A_537] : memref<2048xi32, #tpu.memory_space<vmem>> -> memref<1024xi32, #tpu.memory_space<vmem>>
        %dma_start3A_539 = tpu.memref_slice %arg3[%add3A_39, %mul3A_528] : memref<256x51200xi32, #tpu.memory_space<hbm>> -> memref<1x1024xi32, #tpu.memory_space<hbm>>
        %dma_start3A_540 = tpu.memref_squeeze %dma_start3A_539 : memref<1x1024xi32, #tpu.memory_space<hbm>> -> memref<1024xi32, #tpu.memory_space<hbm>>
        tpu.enqueue_dma source(%dma_start3A_540 : memref<1024xi32, #tpu.memory_space<hbm>>) target(%dma_start3A_538 : memref<1024xi32, #tpu.memory_space<vmem>>) target_semaphore(%dma_start3A_536 : memref<!tpu.dma_semaphore, #tpu.memory_space<semaphore_mem>>)
      } else {
      }
      %broadcast_in_dim3A_454 = arith.constant false
      %broadcast_in_dim3A_455 = vector.broadcast %broadcast_in_dim3A_454 : i1 to vector<16xi1>
      %scan3A_456 = arith.constant 0 : i32
      %scan3A_457 = arith.constant 64 : i32
      %scan3A_458 = arith.addi %scan3A_456, %scan3A_457 : i32
      %scan3A_459 = arith.constant 1 : i32
      %scan3A_460 = scf.for %scan3A_511 = %scan3A_456 to %scan3A_458 step %scan3A_459 iter_args(%scan3A_512 = %broadcast_in_dim3A_455) -> (vector<16xi1>)  : i32 {
        %mul3A_513 = arith.constant 16 : i32
        %mul3A_514 = arith.muli %scan3A_511, %mul3A_513 : i32
        %add3A_515 = arith.constant 0 : i32
        %add3A_516 = arith.addi %add3A_515, %mul3A_514 : i32
        %multiple_of3A = tpu.assume_multiple %add3A_516, 16 : i32
        %get3A_517 = arith.index_cast %multiple_of3A : i32 to index
        %get3A_518 = tpu.vector_load %arg6[%get3A_517] {strides = array<i32>} : memref<2048xf32, #tpu.memory_space<vmem>>, vector<16xf32>,
        %mul3A_519 = arith.mulf %get3A_518, %get3A_37 : vector<16xf32>
        %get3A_520 = arith.index_cast %multiple_of3A : i32 to index
        %get3A_521 = tpu.vector_load %arg7[%get3A_520] {strides = array<i32>} : memref<2048xi32, #tpu.memory_space<vmem>>, vector<16xi32>,
        %gather3A = tpu.vector_load_idx %arg9[%get3A_521] : memref<51200xf32, #tpu.memory_space<vmem>>[vector<16xi32>], vector<16xf32>,
        %max3A = arith.maximumf %gather3A, %mul3A_519 : vector<16xf32>
        tpu.vector_store_idx %arg9[%get3A_521], %max3A : memref<51200xf32, #tpu.memory_space<vmem>>[vector<16xi32>], vector<16xf32>,
        %gather3A_522 = tpu.vector_load_idx %arg9[%get3A_521] : memref<51200xf32, #tpu.memory_space<vmem>>[vector<16xi32>], vector<16xf32>,
        %gt3A = arith.cmpf ogt, %max3A, %gather3A_522 : vector<16xf32>
        %or3A = arith.ori %scan3A_512, %gt3A : vector<16xi1>
        scf.yield %or3A : vector<16xi1>
      }
      %scan3A_461 = arith.constant 64 : i32
      %while3A = scf.while (%while3A_511 = %scan3A_460) : (vector<16xi1>) -> vector<16xi1> {
        %reduce_or3A = arith.constant 1.000000e+00 : f32
        %reduce_or3A_512 = arith.constant 0.000000e+00 : f32
        %reduce_or3A_513 = vector.broadcast %reduce_or3A : f32 to vector<16xf32>
        %reduce_or3A_514 = vector.broadcast %reduce_or3A_512 : f32 to vector<16xf32>
        %reduce_or3A_515 = arith.select %while3A_511, %reduce_or3A_513, %reduce_or3A_514 : vector<16xi1>, vector<16xf32>
        %reduce_or3A_516 = arith.constant true
        %reduce_or3A_517 = vector.broadcast %reduce_or3A_516 : i1 to vector<16xi1>
        %reduce_or3A_518 = tpu.scan <max>, %reduce_or3A_515 masked %reduce_or3A_517 : vector<16xf32>, vector<16xi1> -> vector<16xf32>
        %reduce_or3A_519 = vector.extract %reduce_or3A_518[15] : f32 from vector<16xf32>
        %reduce_or3A_520 = arith.constant 0.000000e+00 : f32
        %reduce_or3A_521 = arith.cmpf ogt, %reduce_or3A_519, %reduce_or3A_520 : f32
        scf.condition(%reduce_or3A_521) %while3A_511 : vector<16xi1>
      } do {
      ^bb0(%while3A_511: vector<16xi1>):
        %scan3A_512 = arith.constant 0 : i32
        %scan3A_513 = arith.constant 64 : i32
        %scan3A_514 = arith.addi %scan3A_512, %scan3A_513 : i32
        %scan3A_515 = arith.constant 1 : i32
        %scan3A_516 = scf.for %scan3A_518 = %scan3A_512 to %scan3A_514 step %scan3A_515 iter_args(%scan3A_519 = %broadcast_in_dim3A_455) -> (vector<16xi1>)  : i32 {
          %mul3A_520 = arith.constant 16 : i32
          %mul3A_521 = arith.muli %scan3A_518, %mul3A_520 : i32
          %add3A_522 = arith.constant 0 : i32
          %add3A_523 = arith.addi %add3A_522, %mul3A_521 : i32
          %multiple_of3A = tpu.assume_multiple %add3A_523, 16 : i32
          %get3A_524 = arith.index_cast %multiple_of3A : i32 to index
          %get3A_525 = tpu.vector_load %arg6[%get3A_524] {strides = array<i32>} : memref<2048xf32, #tpu.memory_space<vmem>>, vector<16xf32>,
          %mul3A_526 = arith.mulf %get3A_525, %get3A_37 : vector<16xf32>
          %get3A_527 = arith.index_cast %multiple_of3A : i32 to index
          %get3A_528 = tpu.vector_load %arg7[%get3A_527] {strides = array<i32>} : memref<2048xi32, #tpu.memory_space<vmem>>, vector<16xi32>,
          %gather3A = tpu.vector_load_idx %arg9[%get3A_528] : memref<51200xf32, #tpu.memory_space<vmem>>[vector<16xi32>], vector<16xf32>,
          %max3A = arith.maximumf %gather3A, %mul3A_526 : vector<16xf32>
          tpu.vector_store_idx %arg9[%get3A_528], %max3A : memref<51200xf32, #tpu.memory_space<vmem>>[vector<16xi32>], vector<16xf32>,
          %gather3A_529 = tpu.vector_load_idx %arg9[%get3A_528] : memref<51200xf32, #tpu.memory_space<vmem>>[vector<16xi32>], vector<16xf32>,
          %gt3A = arith.cmpf ogt, %max3A, %gather3A_529 : vector<16xf32>
          %or3A = arith.ori %scan3A_519, %gt3A : vector<16xi1>
          scf.yield %or3A : vector<16xi1>
        }
        %scan3A_517 = arith.constant 64 : i32
        scf.yield %scan3A_516 : vector<16xi1>
      }
      %mul3A_462 = arith.constant 2 : i32
      %mul3A_463 = arith.muli %scan3A_417, %mul3A_462 : i32
      %add3A_464 = arith.constant 1 : i32
      %add3A_465 = arith.addi %mul3A_463, %add3A_464 : i32
      %mul3A_466 = arith.constant 1024 : i32
      %mul3A_467 = arith.muli %add3A_465, %mul3A_466 : i32
      %dma_wait3A_468 = arith.constant 1 : i32
      %dma_wait3A_469 = arith.constant 0 : i32
      %dma_wait3A_470 = arith.constant 1024 : i32
      %dma_wait3A_471 = tpu.memref_slice %arg6[%dma_wait3A_470] : memref<2048xf32, #tpu.memory_space<vmem>> -> memref<1024xf32, #tpu.memory_space<vmem>>
      %dma_wait3A_472 = tpu.memref_slice %arg2[%add3A_39, %mul3A_467] : memref<256x51200xf32, #tpu.memory_space<hbm>> -> memref<1x1024xf32, #tpu.memory_space<hbm>>
      %dma_wait3A_473 = tpu.memref_squeeze %dma_wait3A_472 : memref<1x1024xf32, #tpu.memory_space<hbm>> -> memref<1024xf32, #tpu.memory_space<hbm>>
      %dma_wait3A_474 = tpu.memref_slice %arg12[%dma_wait3A_468, %dma_wait3A_469] : memref<2x2x!tpu.dma_semaphore, #tpu.memory_space<semaphore_mem>> -> memref<1x1x!tpu.dma_semaphore, #tpu.memory_space<semaphore_mem>>
      %dma_wait3A_475 = tpu.memref_squeeze %dma_wait3A_474 : memref<1x1x!tpu.dma_semaphore, #tpu.memory_space<semaphore_mem>> -> memref<!tpu.dma_semaphore, #tpu.memory_space<semaphore_mem>>
      %dma_wait3A_476 = arith.constant 1024 : i32
      %dma_wait3A_477 = tpu.memref_slice %arg6[%dma_wait3A_476] : memref<2048xf32, #tpu.memory_space<vmem>> -> memref<1024xf32, #tpu.memory_space<vmem>>
      %dma_wait3A_478 = tpu.memref_slice %arg2[%add3A_39, %mul3A_467] : memref<256x51200xf32, #tpu.memory_space<hbm>> -> memref<1x1024xf32, #tpu.memory_space<hbm>>
      %dma_wait3A_479 = tpu.memref_squeeze %dma_wait3A_478 : memref<1x1024xf32, #tpu.memory_space<hbm>> -> memref<1024xf32, #tpu.memory_space<hbm>>
      tpu.wait_dma2 semaphore(%dma_wait3A_475 : memref<!tpu.dma_semaphore, #tpu.memory_space<semaphore_mem>>) src(%dma_wait3A_479 : memref<1024xf32, #tpu.memory_space<hbm>>) dst(%dma_wait3A_477 : memref<1024xf32, #tpu.memory_space<vmem>>)
      %mul3A_480 = arith.constant 1024 : i32
      %mul3A_481 = arith.muli %add3A_465, %mul3A_480 : i32
      %dma_wait3A_482 = arith.constant 1 : i32
      %dma_wait3A_483 = arith.constant 1 : i32
      %dma_wait3A_484 = arith.constant 1024 : i32
      %dma_wait3A_485 = tpu.memref_slice %arg7[%dma_wait3A_484] : memref<2048xi32, #tpu.memory_space<vmem>> -> memref<1024xi32, #tpu.memory_space<vmem>>
      %dma_wait3A_486 = tpu.memref_slice %arg3[%add3A_39, %mul3A_481] : memref<256x51200xi32, #tpu.memory_space<hbm>> -> memref<1x1024xi32, #tpu.memory_space<hbm>>
      %dma_wait3A_487 = tpu.memref_squeeze %dma_wait3A_486 : memref<1x1024xi32, #tpu.memory_space<hbm>> -> memref<1024xi32, #tpu.memory_space<hbm>>
      %dma_wait3A_488 = tpu.memref_slice %arg12[%dma_wait3A_482, %dma_wait3A_483] : memref<2x2x!tpu.dma_semaphore, #tpu.memory_space<semaphore_mem>> -> memref<1x1x!tpu.dma_semaphore, #tpu.memory_space<semaphore_mem>>
      %dma_wait3A_489 = tpu.memref_squeeze %dma_wait3A_488 : memref<1x1x!tpu.dma_semaphore, #tpu.memory_space<semaphore_mem>> -> memref<!tpu.dma_semaphore, #tpu.memory_space<semaphore_mem>>
      %dma_wait3A_490 = arith.constant 1024 : i32
      %dma_wait3A_491 = tpu.memref_slice %arg7[%dma_wait3A_490] : memref<2048xi32, #tpu.memory_space<vmem>> -> memref<1024xi32, #tpu.memory_space<vmem>>
      %dma_wait3A_492 = tpu.memref_slice %arg3[%add3A_39, %mul3A_481] : memref<256x51200xi32, #tpu.memory_space<hbm>> -> memref<1x1024xi32, #tpu.memory_space<hbm>>
      %dma_wait3A_493 = tpu.memref_squeeze %dma_wait3A_492 : memref<1x1024xi32, #tpu.memory_space<hbm>> -> memref<1024xi32, #tpu.memory_space<hbm>>
      tpu.wait_dma2 semaphore(%dma_wait3A_489 : memref<!tpu.dma_semaphore, #tpu.memory_space<semaphore_mem>>) src(%dma_wait3A_493 : memref<1024xi32, #tpu.memory_space<hbm>>) dst(%dma_wait3A_491 : memref<1024xi32, #tpu.memory_space<vmem>>)
      %add3A_494 = arith.constant 1 : i32
      %add3A_495 = arith.addi %add3A_465, %add3A_494 : i32
      %lt3A_496 = arith.constant 50 : i32
      %lt3A_497 = arith.cmpi slt, %add3A_495, %lt3A_496 : i32
      %convert_element_type3A_498 = arith.extui %lt3A_497 : i1 to i32
      %cond3A_499 = arith.constant 0 : i32
      %cond3A_500 = arith.cmpi ne, %convert_element_type3A_498, %cond3A_499 : i32
      scf.if %cond3A_500 {
        %add3A_511 = arith.constant 1 : i32
        %add3A_512 = arith.addi %add3A_465, %add3A_511 : i32
        %mul3A_513 = arith.constant 1024 : i32
        %mul3A_514 = arith.muli %add3A_512, %mul3A_513 : i32
        %dma_start3A_515 = arith.constant 0 : i32
        %dma_start3A_516 = arith.constant 0 : i32
        %dma_start3A_517 = arith.constant 0 : i32
        %dma_start3A_518 = tpu.memref_slice %arg6[%dma_start3A_517] : memref<2048xf32, #tpu.memory_space<vmem>> -> memref<1024xf32, #tpu.memory_space<vmem>>
        %dma_start3A_519 = tpu.memref_slice %arg2[%add3A_39, %mul3A_514] : memref<256x51200xf32, #tpu.memory_space<hbm>> -> memref<1x1024xf32, #tpu.memory_space<hbm>>
        %dma_start3A_520 = tpu.memref_squeeze %dma_start3A_519 : memref<1x1024xf32, #tpu.memory_space<hbm>> -> memref<1024xf32, #tpu.memory_space<hbm>>
        %dma_start3A_521 = tpu.memref_slice %arg12[%dma_start3A_515, %dma_start3A_516] : memref<2x2x!tpu.dma_semaphore, #tpu.memory_space<semaphore_mem>> -> memref<1x1x!tpu.dma_semaphore, #tpu.memory_space<semaphore_mem>>
        %dma_start3A_522 = tpu.memref_squeeze %dma_start3A_521 : memref<1x1x!tpu.dma_semaphore, #tpu.memory_space<semaphore_mem>> -> memref<!tpu.dma_semaphore, #tpu.memory_space<semaphore_mem>>
        %dma_start3A_523 = arith.constant 0 : i32
        %dma_start3A_524 = tpu.memref_slice %arg6[%dma_start3A_523] : memref<2048xf32, #tpu.memory_space<vmem>> -> memref<1024xf32, #tpu.memory_space<vmem>>
        %dma_start3A_525 = tpu.memref_slice %arg2[%add3A_39, %mul3A_514] : memref<256x51200xf32, #tpu.memory_space<hbm>> -> memref<1x1024xf32, #tpu.memory_space<hbm>>
        %dma_start3A_526 = tpu.memref_squeeze %dma_start3A_525 : memref<1x1024xf32, #tpu.memory_space<hbm>> -> memref<1024xf32, #tpu.memory_space<hbm>>
        tpu.enqueue_dma source(%dma_start3A_526 : memref<1024xf32, #tpu.memory_space<hbm>>) target(%dma_start3A_524 : memref<1024xf32, #tpu.memory_space<vmem>>) target_semaphore(%dma_start3A_522 : memref<!tpu.dma_semaphore, #tpu.memory_space<semaphore_mem>>)
        %mul3A_527 = arith.constant 1024 : i32
        %mul3A_528 = arith.muli %add3A_512, %mul3A_527 : i32
        %dma_start3A_529 = arith.constant 0 : i32
        %dma_start3A_530 = arith.constant 1 : i32
        %dma_start3A_531 = arith.constant 0 : i32
        %dma_start3A_532 = tpu.memref_slice %arg7[%dma_start3A_531] : memref<2048xi32, #tpu.memory_space<vmem>> -> memref<1024xi32, #tpu.memory_space<vmem>>
        %dma_start3A_533 = tpu.memref_slice %arg3[%add3A_39, %mul3A_528] : memref<256x51200xi32, #tpu.memory_space<hbm>> -> memref<1x1024xi32, #tpu.memory_space<hbm>>
        %dma_start3A_534 = tpu.memref_squeeze %dma_start3A_533 : memref<1x1024xi32, #tpu.memory_space<hbm>> -> memref<1024xi32, #tpu.memory_space<hbm>>
        %dma_start3A_535 = tpu.memref_slice %arg12[%dma_start3A_529, %dma_start3A_530] : memref<2x2x!tpu.dma_semaphore, #tpu.memory_space<semaphore_mem>> -> memref<1x1x!tpu.dma_semaphore, #tpu.memory_space<semaphore_mem>>
        %dma_start3A_536 = tpu.memref_squeeze %dma_start3A_535 : memref<1x1x!tpu.dma_semaphore, #tpu.memory_space<semaphore_mem>> -> memref<!tpu.dma_semaphore, #tpu.memory_space<semaphore_mem>>
        %dma_start3A_537 = arith.constant 0 : i32
        %dma_start3A_538 = tpu.memref_slice %arg7[%dma_start3A_537] : memref<2048xi32, #tpu.memory_space<vmem>> -> memref<1024xi32, #tpu.memory_space<vmem>>
        %dma_start3A_539 = tpu.memref_slice %arg3[%add3A_39, %mul3A_528] : memref<256x51200xi32, #tpu.memory_space<hbm>> -> memref<1x1024xi32, #tpu.memory_space<hbm>>
        %dma_start3A_540 = tpu.memref_squeeze %dma_start3A_539 : memref<1x1024xi32, #tpu.memory_space<hbm>> -> memref<1024xi32, #tpu.memory_space<hbm>>
        tpu.enqueue_dma source(%dma_start3A_540 : memref<1024xi32, #tpu.memory_space<hbm>>) target(%dma_start3A_538 : memref<1024xi32, #tpu.memory_space<vmem>>) target_semaphore(%dma_start3A_536 : memref<!tpu.dma_semaphore, #tpu.memory_space<semaphore_mem>>)
      } else {
      }
      %broadcast_in_dim3A_501 = arith.constant false
      %broadcast_in_dim3A_502 = vector.broadcast %broadcast_in_dim3A_501 : i1 to vector<16xi1>
      %scan3A_503 = arith.constant 0 : i32
      %scan3A_504 = arith.constant 64 : i32
      %scan3A_505 = arith.addi %scan3A_503, %scan3A_504 : i32
      %scan3A_506 = arith.constant 1 : i32
      %scan3A_507 = scf.for %scan3A_511 = %scan3A_503 to %scan3A_505 step %scan3A_506 iter_args(%scan3A_512 = %broadcast_in_dim3A_502) -> (vector<16xi1>)  : i32 {
        %mul3A_513 = arith.constant 16 : i32
        %mul3A_514 = arith.muli %scan3A_511, %mul3A_513 : i32
        %add3A_515 = arith.constant 1024 : i32
        %add3A_516 = arith.addi %add3A_515, %mul3A_514 : i32
        %multiple_of3A = tpu.assume_multiple %add3A_516, 16 : i32
        %get3A_517 = arith.index_cast %multiple_of3A : i32 to index
        %get3A_518 = tpu.vector_load %arg6[%get3A_517] {strides = array<i32>} : memref<2048xf32, #tpu.memory_space<vmem>>, vector<16xf32>,
        %mul3A_519 = arith.mulf %get3A_518, %get3A_37 : vector<16xf32>
        %get3A_520 = arith.index_cast %multiple_of3A : i32 to index
        %get3A_521 = tpu.vector_load %arg7[%get3A_520] {strides = array<i32>} : memref<2048xi32, #tpu.memory_space<vmem>>, vector<16xi32>,
        %gather3A = tpu.vector_load_idx %arg9[%get3A_521] : memref<51200xf32, #tpu.memory_space<vmem>>[vector<16xi32>], vector<16xf32>,
        %max3A = arith.maximumf %gather3A, %mul3A_519 : vector<16xf32>
        tpu.vector_store_idx %arg9[%get3A_521], %max3A : memref<51200xf32, #tpu.memory_space<vmem>>[vector<16xi32>], vector<16xf32>,
        %gather3A_522 = tpu.vector_load_idx %arg9[%get3A_521] : memref<51200xf32, #tpu.memory_space<vmem>>[vector<16xi32>], vector<16xf32>,
        %gt3A = arith.cmpf ogt, %max3A, %gather3A_522 : vector<16xf32>
        %or3A = arith.ori %scan3A_512, %gt3A : vector<16xi1>
        scf.yield %or3A : vector<16xi1>
      }
      %scan3A_508 = arith.constant 64 : i32
      %while3A_509 = scf.while (%while3A_511 = %scan3A_507) : (vector<16xi1>) -> vector<16xi1> {
        %reduce_or3A = arith.constant 1.000000e+00 : f32
        %reduce_or3A_512 = arith.constant 0.000000e+00 : f32
        %reduce_or3A_513 = vector.broadcast %reduce_or3A : f32 to vector<16xf32>
        %reduce_or3A_514 = vector.broadcast %reduce_or3A_512 : f32 to vector<16xf32>
        %reduce_or3A_515 = arith.select %while3A_511, %reduce_or3A_513, %reduce_or3A_514 : vector<16xi1>, vector<16xf32>
        %reduce_or3A_516 = arith.constant true
        %reduce_or3A_517 = vector.broadcast %reduce_or3A_516 : i1 to vector<16xi1>
        %reduce_or3A_518 = tpu.scan <max>, %reduce_or3A_515 masked %reduce_or3A_517 : vector<16xf32>, vector<16xi1> -> vector<16xf32>
        %reduce_or3A_519 = vector.extract %reduce_or3A_518[15] : f32 from vector<16xf32>
        %reduce_or3A_520 = arith.constant 0.000000e+00 : f32
        %reduce_or3A_521 = arith.cmpf ogt, %reduce_or3A_519, %reduce_or3A_520 : f32
        scf.condition(%reduce_or3A_521) %while3A_511 : vector<16xi1>
      } do {
      ^bb0(%while3A_511: vector<16xi1>):
        %scan3A_512 = arith.constant 0 : i32
        %scan3A_513 = arith.constant 64 : i32
        %scan3A_514 = arith.addi %scan3A_512, %scan3A_513 : i32
        %scan3A_515 = arith.constant 1 : i32
        %scan3A_516 = scf.for %scan3A_518 = %scan3A_512 to %scan3A_514 step %scan3A_515 iter_args(%scan3A_519 = %broadcast_in_dim3A_502) -> (vector<16xi1>)  : i32 {
          %mul3A_520 = arith.constant 16 : i32
          %mul3A_521 = arith.muli %scan3A_518, %mul3A_520 : i32
          %add3A_522 = arith.constant 1024 : i32
          %add3A_523 = arith.addi %add3A_522, %mul3A_521 : i32
          %multiple_of3A = tpu.assume_multiple %add3A_523, 16 : i32
          %get3A_524 = arith.index_cast %multiple_of3A : i32 to index
          %get3A_525 = tpu.vector_load %arg6[%get3A_524] {strides = array<i32>} : memref<2048xf32, #tpu.memory_space<vmem>>, vector<16xf32>,
          %mul3A_526 = arith.mulf %get3A_525, %get3A_37 : vector<16xf32>
          %get3A_527 = arith.index_cast %multiple_of3A : i32 to index
          %get3A_528 = tpu.vector_load %arg7[%get3A_527] {strides = array<i32>} : memref<2048xi32, #tpu.memory_space<vmem>>, vector<16xi32>,
          %gather3A = tpu.vector_load_idx %arg9[%get3A_528] : memref<51200xf32, #tpu.memory_space<vmem>>[vector<16xi32>], vector<16xf32>,
          %max3A = arith.maximumf %gather3A, %mul3A_526 : vector<16xf32>
          tpu.vector_store_idx %arg9[%get3A_528], %max3A : memref<51200xf32, #tpu.memory_space<vmem>>[vector<16xi32>], vector<16xf32>,
          %gather3A_529 = tpu.vector_load_idx %arg9[%get3A_528] : memref<51200xf32, #tpu.memory_space<vmem>>[vector<16xi32>], vector<16xf32>,
          %gt3A = arith.cmpf ogt, %max3A, %gather3A_529 : vector<16xf32>
          %or3A = arith.ori %scan3A_519, %gt3A : vector<16xi1>
          scf.yield %or3A : vector<16xi1>
        }
        %scan3A_517 = arith.constant 64 : i32
        scf.yield %scan3A_516 : vector<16xi1>
      }
      %scan3A_510 = arith.constant 0 : i32
      scf.yield %scan3A_510 : i32
    }
    %scan3A_46 = arith.constant 25 : i32
    %add3A_47 = arith.constant 32 : i32
    %add3A_48 = arith.addi %add3A_47, %add3A : i32
    %dma_start3A_49 = arith.constant 0 : i32
    %dma_start3A_50 = arith.constant 0 : i32
    %dma_start3A_51 = arith.constant 0 : i32
    %dma_start3A_52 = tpu.memref_slice %arg6[%dma_start3A_51] : memref<2048xf32, #tpu.memory_space<vmem>> -> memref<1024xf32, #tpu.memory_space<vmem>>
    %dma_start3A_53 = arith.constant 0 : i32
    %dma_start3A_54 = tpu.memref_slice %arg2[%add3A_48, %dma_start3A_53] : memref<256x51200xf32, #tpu.memory_space<hbm>> -> memref<1x1024xf32, #tpu.memory_space<hbm>>
    %dma_start3A_55 = tpu.memref_squeeze %dma_start3A_54 : memref<1x1024xf32, #tpu.memory_space<hbm>> -> memref<1024xf32, #tpu.memory_space<hbm>>
    %dma_start3A_56 = tpu.memref_slice %arg12[%dma_start3A_49, %dma_start3A_50] : memref<2x2x!tpu.dma_semaphore, #tpu.memory_space<semaphore_mem>> -> memref<1x1x!tpu.dma_semaphore, #tpu.memory_space<semaphore_mem>>
    %dma_start3A_57 = tpu.memref_squeeze %dma_start3A_56 : memref<1x1x!tpu.dma_semaphore, #tpu.memory_space<semaphore_mem>> -> memref<!tpu.dma_semaphore, #tpu.memory_space<semaphore_mem>>
    %dma_start3A_58 = arith.constant 0 : i32
    %dma_start3A_59 = tpu.memref_slice %arg6[%dma_start3A_58] : memref<2048xf32, #tpu.memory_space<vmem>> -> memref<1024xf32, #tpu.memory_space<vmem>>
    %dma_start3A_60 = arith.constant 0 : i32
    %dma_start3A_61 = tpu.memref_slice %arg2[%add3A_48, %dma_start3A_60] : memref<256x51200xf32, #tpu.memory_space<hbm>> -> memref<1x1024xf32, #tpu.memory_space<hbm>>
    %dma_start3A_62 = tpu.memref_squeeze %dma_start3A_61 : memref<1x1024xf32, #tpu.memory_space<hbm>> -> memref<1024xf32, #tpu.memory_space<hbm>>
    tpu.enqueue_dma source(%dma_start3A_62 : memref<1024xf32, #tpu.memory_space<hbm>>) target(%dma_start3A_59 : memref<1024xf32, #tpu.memory_space<vmem>>) target_semaphore(%dma_start3A_57 : memref<!tpu.dma_semaphore, #tpu.memory_space<semaphore_mem>>)
    %dma_start3A_63 = arith.constant 0 : i32
    %dma_start3A_64 = arith.constant 1 : i32
    %dma_start3A_65 = arith.constant 0 : i32
    %dma_start3A_66 = tpu.memref_slice %arg7[%dma_start3A_65] : memref<2048xi32, #tpu.memory_space<vmem>> -> memref<1024xi32, #tpu.memory_space<vmem>>
    %dma_start3A_67 = arith.constant 0 : i32
    %dma_start3A_68 = tpu.memref_slice %arg3[%add3A_48, %dma_start3A_67] : memref<256x51200xi32, #tpu.memory_space<hbm>> -> memref<1x1024xi32, #tpu.memory_space<hbm>>
    %dma_start3A_69 = tpu.memref_squeeze %dma_start3A_68 : memref<1x1024xi32, #tpu.memory_space<hbm>> -> memref<1024xi32, #tpu.memory_space<hbm>>
    %dma_start3A_70 = tpu.memref_slice %arg12[%dma_start3A_63, %dma_start3A_64] : memref<2x2x!tpu.dma_semaphore, #tpu.memory_space<semaphore_mem>> -> memref<1x1x!tpu.dma_semaphore, #tpu.memory_space<semaphore_mem>>
    %dma_start3A_71 = tpu.memref_squeeze %dma_start3A_70 : memref<1x1x!tpu.dma_semaphore, #tpu.memory_space<semaphore_mem>> -> memref<!tpu.dma_semaphore, #tpu.memory_space<semaphore_mem>>
    %dma_start3A_72 = arith.constant 0 : i32
    %dma_start3A_73 = tpu.memref_slice %arg7[%dma_start3A_72] : memref<2048xi32, #tpu.memory_space<vmem>> -> memref<1024xi32, #tpu.memory_space<vmem>>
    %dma_start3A_74 = arith.constant 0 : i32
    %dma_start3A_75 = tpu.memref_slice %arg3[%add3A_48, %dma_start3A_74] : memref<256x51200xi32, #tpu.memory_space<hbm>> -> memref<1x1024xi32, #tpu.memory_space<hbm>>
    %dma_start3A_76 = tpu.memref_squeeze %dma_start3A_75 : memref<1x1024xi32, #tpu.memory_space<hbm>> -> memref<1024xi32, #tpu.memory_space<hbm>>
    tpu.enqueue_dma source(%dma_start3A_76 : memref<1024xi32, #tpu.memory_space<hbm>>) target(%dma_start3A_73 : memref<1024xi32, #tpu.memory_space<vmem>>) target_semaphore(%dma_start3A_71 : memref<!tpu.dma_semaphore, #tpu.memory_space<semaphore_mem>>)
    %scan3A_77 = arith.constant 0 : i32
    %scan3A_78 = arith.constant 0 : i32
    %scan3A_79 = arith.constant 3200 : i32
    %scan3A_80 = arith.addi %scan3A_78, %scan3A_79 : i32
    %scan3A_81 = arith.constant 1 : i32
    %scan3A_82 = scf.for %scan3A_417 = %scan3A_78 to %scan3A_80 step %scan3A_81 iter_args(%scan3A_418 = %scan3A_77) -> (i32)  : i32 {
      %mul3A_419 = arith.constant 16 : i32
      %mul3A_420 = arith.muli %scan3A_417, %mul3A_419 : i32
      %multiple_of3A = tpu.assume_multiple %mul3A_420, 16 : i32
      %get3A_421 = arith.index_cast %multiple_of3A : i32 to index
      %get3A_422 = tpu.vector_load %arg10[%get3A_421] {strides = array<i32>} : memref<51200xf32, #tpu.memory_space<vmem>>, vector<16xf32>,
      %get3A_423 = arith.index_cast %multiple_of3A : i32 to index
      %get3A_424 = tpu.vector_load %arg9[%get3A_423] {strides = array<i32>} : memref<51200xf32, #tpu.memory_space<vmem>>, vector<16xf32>,
      %add3A_425 = arith.addf %get3A_422, %get3A_424 : vector<16xf32>
      %swap3A = arith.index_cast %multiple_of3A : i32 to index
      %swap3A_426 = tpu.vector_load %arg10[%swap3A] {strides = array<i32>} : memref<51200xf32, #tpu.memory_space<vmem>>, vector<16xf32>,
      tpu.vector_store %arg10[%swap3A], %add3A_425 {strides = array<i32>} : memref<51200xf32, #tpu.memory_space<vmem>>, vector<16xf32>,
      %swap3A_427 = arith.index_cast %multiple_of3A : i32 to index
      %swap3A_428 = tpu.vector_load %arg9[%swap3A_427] {strides = array<i32>} : memref<51200xf32, #tpu.memory_space<vmem>>, vector<16xf32>,
      tpu.vector_store %arg9[%swap3A_427], %broadcast_in_dim3A_1 {strides = array<i32>} : memref<51200xf32, #tpu.memory_space<vmem>>, vector<16xf32>,
      %scan3A_429 = arith.constant 0 : i32
      scf.yield %scan3A_429 : i32
    }
    %scan3A_83 = arith.constant 3200 : i32
    %get3A_84 = arith.constant 1 : i32
    %get3A_85 = arith.index_cast %get3A_84 : i32 to index
    %get3A_86 = arith.constant 0 : index
    %get3A_87 = tpu.vector_load %arg8[%get3A_85, %get3A_86] {strides = array<i32>} : memref<8x16xf32, #tpu.memory_space<vmem>>, vector<16xf32>,
    %add3A_88 = arith.constant 32 : i32
    %add3A_89 = arith.addi %add3A_88, %add3A : i32
    %scan3A_90 = arith.constant 0 : i32
    %scan3A_91 = arith.constant 0 : i32
    %scan3A_92 = arith.constant 25 : i32
    %scan3A_93 = arith.addi %scan3A_91, %scan3A_92 : i32
    %scan3A_94 = arith.constant 1 : i32
    %scan3A_95 = scf.for %scan3A_417 = %scan3A_91 to %scan3A_93 step %scan3A_94 iter_args(%scan3A_418 = %scan3A_90) -> (i32)  : i32 {
      %mul3A_419 = arith.constant 2 : i32
      %mul3A_420 = arith.muli %scan3A_417, %mul3A_419 : i32
      %add3A_421 = arith.constant 0 : i32
      %add3A_422 = arith.addi %mul3A_420, %add3A_421 : i32
      %mul3A_423 = arith.constant 1024 : i32
      %mul3A_424 = arith.muli %add3A_422, %mul3A_423 : i32
      %dma_wait3A = arith.constant 0 : i32
      %dma_wait3A_425 = arith.constant 0 : i32
      %dma_wait3A_426 = arith.constant 0 : i32
      %dma_wait3A_427 = tpu.memref_slice %arg6[%dma_wait3A_426] : memref<2048xf32, #tpu.memory_space<vmem>> -> memref<1024xf32, #tpu.memory_space<vmem>>
      %dma_wait3A_428 = tpu.memref_slice %arg2[%add3A_89, %mul3A_424] : memref<256x51200xf32, #tpu.memory_space<hbm>> -> memref<1x1024xf32, #tpu.memory_space<hbm>>
      %dma_wait3A_429 = tpu.memref_squeeze %dma_wait3A_428 : memref<1x1024xf32, #tpu.memory_space<hbm>> -> memref<1024xf32, #tpu.memory_space<hbm>>
      %dma_wait3A_430 = tpu.memref_slice %arg12[%dma_wait3A, %dma_wait3A_425] : memref<2x2x!tpu.dma_semaphore, #tpu.memory_space<semaphore_mem>> -> memref<1x1x!tpu.dma_semaphore, #tpu.memory_space<semaphore_mem>>
      %dma_wait3A_431 = tpu.memref_squeeze %dma_wait3A_430 : memref<1x1x!tpu.dma_semaphore, #tpu.memory_space<semaphore_mem>> -> memref<!tpu.dma_semaphore, #tpu.memory_space<semaphore_mem>>
      %dma_wait3A_432 = arith.constant 0 : i32
      %dma_wait3A_433 = tpu.memref_slice %arg6[%dma_wait3A_432] : memref<2048xf32, #tpu.memory_space<vmem>> -> memref<1024xf32, #tpu.memory_space<vmem>>
      %dma_wait3A_434 = tpu.memref_slice %arg2[%add3A_89, %mul3A_424] : memref<256x51200xf32, #tpu.memory_space<hbm>> -> memref<1x1024xf32, #tpu.memory_space<hbm>>
      %dma_wait3A_435 = tpu.memref_squeeze %dma_wait3A_434 : memref<1x1024xf32, #tpu.memory_space<hbm>> -> memref<1024xf32, #tpu.memory_space<hbm>>
      tpu.wait_dma2 semaphore(%dma_wait3A_431 : memref<!tpu.dma_semaphore, #tpu.memory_space<semaphore_mem>>) src(%dma_wait3A_435 : memref<1024xf32, #tpu.memory_space<hbm>>) dst(%dma_wait3A_433 : memref<1024xf32, #tpu.memory_space<vmem>>)
      %mul3A_436 = arith.constant 1024 : i32
      %mul3A_437 = arith.muli %add3A_422, %mul3A_436 : i32
      %dma_wait3A_438 = arith.constant 0 : i32
      %dma_wait3A_439 = arith.constant 1 : i32
      %dma_wait3A_440 = arith.constant 0 : i32
      %dma_wait3A_441 = tpu.memref_slice %arg7[%dma_wait3A_440] : memref<2048xi32, #tpu.memory_space<vmem>> -> memref<1024xi32, #tpu.memory_space<vmem>>
      %dma_wait3A_442 = tpu.memref_slice %arg3[%add3A_89, %mul3A_437] : memref<256x51200xi32, #tpu.memory_space<hbm>> -> memref<1x1024xi32, #tpu.memory_space<hbm>>
      %dma_wait3A_443 = tpu.memref_squeeze %dma_wait3A_442 : memref<1x1024xi32, #tpu.memory_space<hbm>> -> memref<1024xi32, #tpu.memory_space<hbm>>
      %dma_wait3A_444 = tpu.memref_slice %arg12[%dma_wait3A_438, %dma_wait3A_439] : memref<2x2x!tpu.dma_semaphore, #tpu.memory_space<semaphore_mem>> -> memref<1x1x!tpu.dma_semaphore, #tpu.memory_space<semaphore_mem>>
      %dma_wait3A_445 = tpu.memref_squeeze %dma_wait3A_444 : memref<1x1x!tpu.dma_semaphore, #tpu.memory_space<semaphore_mem>> -> memref<!tpu.dma_semaphore, #tpu.memory_space<semaphore_mem>>
      %dma_wait3A_446 = arith.constant 0 : i32
      %dma_wait3A_447 = tpu.memref_slice %arg7[%dma_wait3A_446] : memref<2048xi32, #tpu.memory_space<vmem>> -> memref<1024xi32, #tpu.memory_space<vmem>>
      %dma_wait3A_448 = tpu.memref_slice %arg3[%add3A_89, %mul3A_437] : memref<256x51200xi32, #tpu.memory_space<hbm>> -> memref<1x1024xi32, #tpu.memory_space<hbm>>
      %dma_wait3A_449 = tpu.memref_squeeze %dma_wait3A_448 : memref<1x1024xi32, #tpu.memory_space<hbm>> -> memref<1024xi32, #tpu.memory_space<hbm>>
      tpu.wait_dma2 semaphore(%dma_wait3A_445 : memref<!tpu.dma_semaphore, #tpu.memory_space<semaphore_mem>>) src(%dma_wait3A_449 : memref<1024xi32, #tpu.memory_space<hbm>>) dst(%dma_wait3A_447 : memref<1024xi32, #tpu.memory_space<vmem>>)
      %add3A_450 = arith.constant 1 : i32
      %add3A_451 = arith.addi %add3A_422, %add3A_450 : i32
      %lt3A = arith.constant 50 : i32
      %lt3A_452 = arith.cmpi slt, %add3A_451, %lt3A : i32
      %convert_element_type3A = arith.extui %lt3A_452 : i1 to i32
      %cond3A = arith.constant 0 : i32
      %cond3A_453 = arith.cmpi ne, %convert_element_type3A, %cond3A : i32
      scf.if %cond3A_453 {
        %add3A_511 = arith.constant 1 : i32
        %add3A_512 = arith.addi %add3A_422, %add3A_511 : i32
        %mul3A_513 = arith.constant 1024 : i32
        %mul3A_514 = arith.muli %add3A_512, %mul3A_513 : i32
        %dma_start3A_515 = arith.constant 1 : i32
        %dma_start3A_516 = arith.constant 0 : i32
        %dma_start3A_517 = arith.constant 1024 : i32
        %dma_start3A_518 = tpu.memref_slice %arg6[%dma_start3A_517] : memref<2048xf32, #tpu.memory_space<vmem>> -> memref<1024xf32, #tpu.memory_space<vmem>>
        %dma_start3A_519 = tpu.memref_slice %arg2[%add3A_89, %mul3A_514] : memref<256x51200xf32, #tpu.memory_space<hbm>> -> memref<1x1024xf32, #tpu.memory_space<hbm>>
        %dma_start3A_520 = tpu.memref_squeeze %dma_start3A_519 : memref<1x1024xf32, #tpu.memory_space<hbm>> -> memref<1024xf32, #tpu.memory_space<hbm>>
        %dma_start3A_521 = tpu.memref_slice %arg12[%dma_start3A_515, %dma_start3A_516] : memref<2x2x!tpu.dma_semaphore, #tpu.memory_space<semaphore_mem>> -> memref<1x1x!tpu.dma_semaphore, #tpu.memory_space<semaphore_mem>>
        %dma_start3A_522 = tpu.memref_squeeze %dma_start3A_521 : memref<1x1x!tpu.dma_semaphore, #tpu.memory_space<semaphore_mem>> -> memref<!tpu.dma_semaphore, #tpu.memory_space<semaphore_mem>>
        %dma_start3A_523 = arith.constant 1024 : i32
        %dma_start3A_524 = tpu.memref_slice %arg6[%dma_start3A_523] : memref<2048xf32, #tpu.memory_space<vmem>> -> memref<1024xf32, #tpu.memory_space<vmem>>
        %dma_start3A_525 = tpu.memref_slice %arg2[%add3A_89, %mul3A_514] : memref<256x51200xf32, #tpu.memory_space<hbm>> -> memref<1x1024xf32, #tpu.memory_space<hbm>>
        %dma_start3A_526 = tpu.memref_squeeze %dma_start3A_525 : memref<1x1024xf32, #tpu.memory_space<hbm>> -> memref<1024xf32, #tpu.memory_space<hbm>>
        tpu.enqueue_dma source(%dma_start3A_526 : memref<1024xf32, #tpu.memory_space<hbm>>) target(%dma_start3A_524 : memref<1024xf32, #tpu.memory_space<vmem>>) target_semaphore(%dma_start3A_522 : memref<!tpu.dma_semaphore, #tpu.memory_space<semaphore_mem>>)
        %mul3A_527 = arith.constant 1024 : i32
        %mul3A_528 = arith.muli %add3A_512, %mul3A_527 : i32
        %dma_start3A_529 = arith.constant 1 : i32
        %dma_start3A_530 = arith.constant 1 : i32
        %dma_start3A_531 = arith.constant 1024 : i32
        %dma_start3A_532 = tpu.memref_slice %arg7[%dma_start3A_531] : memref<2048xi32, #tpu.memory_space<vmem>> -> memref<1024xi32, #tpu.memory_space<vmem>>
        %dma_start3A_533 = tpu.memref_slice %arg3[%add3A_89, %mul3A_528] : memref<256x51200xi32, #tpu.memory_space<hbm>> -> memref<1x1024xi32, #tpu.memory_space<hbm>>
        %dma_start3A_534 = tpu.memref_squeeze %dma_start3A_533 : memref<1x1024xi32, #tpu.memory_space<hbm>> -> memref<1024xi32, #tpu.memory_space<hbm>>
        %dma_start3A_535 = tpu.memref_slice %arg12[%dma_start3A_529, %dma_start3A_530] : memref<2x2x!tpu.dma_semaphore, #tpu.memory_space<semaphore_mem>> -> memref<1x1x!tpu.dma_semaphore, #tpu.memory_space<semaphore_mem>>
        %dma_start3A_536 = tpu.memref_squeeze %dma_start3A_535 : memref<1x1x!tpu.dma_semaphore, #tpu.memory_space<semaphore_mem>> -> memref<!tpu.dma_semaphore, #tpu.memory_space<semaphore_mem>>
        %dma_start3A_537 = arith.constant 1024 : i32
        %dma_start3A_538 = tpu.memref_slice %arg7[%dma_start3A_537] : memref<2048xi32, #tpu.memory_space<vmem>> -> memref<1024xi32, #tpu.memory_space<vmem>>
        %dma_start3A_539 = tpu.memref_slice %arg3[%add3A_89, %mul3A_528] : memref<256x51200xi32, #tpu.memory_space<hbm>> -> memref<1x1024xi32, #tpu.memory_space<hbm>>
        %dma_start3A_540 = tpu.memref_squeeze %dma_start3A_539 : memref<1x1024xi32, #tpu.memory_space<hbm>> -> memref<1024xi32, #tpu.memory_space<hbm>>
        tpu.enqueue_dma source(%dma_start3A_540 : memref<1024xi32, #tpu.memory_space<hbm>>) target(%dma_start3A_538 : memref<1024xi32, #tpu.memory_space<vmem>>) target_semaphore(%dma_start3A_536 : memref<!tpu.dma_semaphore, #tpu.memory_space<semaphore_mem>>)
      } else {
      }
      %broadcast_in_dim3A_454 = arith.constant false
      %broadcast_in_dim3A_455 = vector.broadcast %broadcast_in_dim3A_454 : i1 to vector<16xi1>
      %scan3A_456 = arith.constant 0 : i32
      %scan3A_457 = arith.constant 64 : i32
      %scan3A_458 = arith.addi %scan3A_456, %scan3A_457 : i32
      %scan3A_459 = arith.constant 1 : i32
      %scan3A_460 = scf.for %scan3A_511 = %scan3A_456 to %scan3A_458 step %scan3A_459 iter_args(%scan3A_512 = %broadcast_in_dim3A_455) -> (vector<16xi1>)  : i32 {
        %mul3A_513 = arith.constant 16 : i32
        %mul3A_514 = arith.muli %scan3A_511, %mul3A_513 : i32
        %add3A_515 = arith.constant 0 : i32
        %add3A_516 = arith.addi %add3A_515, %mul3A_514 : i32
        %multiple_of3A = tpu.assume_multiple %add3A_516, 16 : i32
        %get3A_517 = arith.index_cast %multiple_of3A : i32 to index
        %get3A_518 = tpu.vector_load %arg6[%get3A_517] {strides = array<i32>} : memref<2048xf32, #tpu.memory_space<vmem>>, vector<16xf32>,
        %mul3A_519 = arith.mulf %get3A_518, %get3A_87 : vector<16xf32>
        %get3A_520 = arith.index_cast %multiple_of3A : i32 to index
        %get3A_521 = tpu.vector_load %arg7[%get3A_520] {strides = array<i32>} : memref<2048xi32, #tpu.memory_space<vmem>>, vector<16xi32>,
        %gather3A = tpu.vector_load_idx %arg9[%get3A_521] : memref<51200xf32, #tpu.memory_space<vmem>>[vector<16xi32>], vector<16xf32>,
        %max3A = arith.maximumf %gather3A, %mul3A_519 : vector<16xf32>
        tpu.vector_store_idx %arg9[%get3A_521], %max3A : memref<51200xf32, #tpu.memory_space<vmem>>[vector<16xi32>], vector<16xf32>,
        %gather3A_522 = tpu.vector_load_idx %arg9[%get3A_521] : memref<51200xf32, #tpu.memory_space<vmem>>[vector<16xi32>], vector<16xf32>,
        %gt3A = arith.cmpf ogt, %max3A, %gather3A_522 : vector<16xf32>
        %or3A = arith.ori %scan3A_512, %gt3A : vector<16xi1>
        scf.yield %or3A : vector<16xi1>
      }
      %scan3A_461 = arith.constant 64 : i32
      %while3A = scf.while (%while3A_511 = %scan3A_460) : (vector<16xi1>) -> vector<16xi1> {
        %reduce_or3A = arith.constant 1.000000e+00 : f32
        %reduce_or3A_512 = arith.constant 0.000000e+00 : f32
        %reduce_or3A_513 = vector.broadcast %reduce_or3A : f32 to vector<16xf32>
        %reduce_or3A_514 = vector.broadcast %reduce_or3A_512 : f32 to vector<16xf32>
        %reduce_or3A_515 = arith.select %while3A_511, %reduce_or3A_513, %reduce_or3A_514 : vector<16xi1>, vector<16xf32>
        %reduce_or3A_516 = arith.constant true
        %reduce_or3A_517 = vector.broadcast %reduce_or3A_516 : i1 to vector<16xi1>
        %reduce_or3A_518 = tpu.scan <max>, %reduce_or3A_515 masked %reduce_or3A_517 : vector<16xf32>, vector<16xi1> -> vector<16xf32>
        %reduce_or3A_519 = vector.extract %reduce_or3A_518[15] : f32 from vector<16xf32>
        %reduce_or3A_520 = arith.constant 0.000000e+00 : f32
        %reduce_or3A_521 = arith.cmpf ogt, %reduce_or3A_519, %reduce_or3A_520 : f32
        scf.condition(%reduce_or3A_521) %while3A_511 : vector<16xi1>
      } do {
      ^bb0(%while3A_511: vector<16xi1>):
        %scan3A_512 = arith.constant 0 : i32
        %scan3A_513 = arith.constant 64 : i32
        %scan3A_514 = arith.addi %scan3A_512, %scan3A_513 : i32
        %scan3A_515 = arith.constant 1 : i32
        %scan3A_516 = scf.for %scan3A_518 = %scan3A_512 to %scan3A_514 step %scan3A_515 iter_args(%scan3A_519 = %broadcast_in_dim3A_455) -> (vector<16xi1>)  : i32 {
          %mul3A_520 = arith.constant 16 : i32
          %mul3A_521 = arith.muli %scan3A_518, %mul3A_520 : i32
          %add3A_522 = arith.constant 0 : i32
          %add3A_523 = arith.addi %add3A_522, %mul3A_521 : i32
          %multiple_of3A = tpu.assume_multiple %add3A_523, 16 : i32
          %get3A_524 = arith.index_cast %multiple_of3A : i32 to index
          %get3A_525 = tpu.vector_load %arg6[%get3A_524] {strides = array<i32>} : memref<2048xf32, #tpu.memory_space<vmem>>, vector<16xf32>,
          %mul3A_526 = arith.mulf %get3A_525, %get3A_87 : vector<16xf32>
          %get3A_527 = arith.index_cast %multiple_of3A : i32 to index
          %get3A_528 = tpu.vector_load %arg7[%get3A_527] {strides = array<i32>} : memref<2048xi32, #tpu.memory_space<vmem>>, vector<16xi32>,
          %gather3A = tpu.vector_load_idx %arg9[%get3A_528] : memref<51200xf32, #tpu.memory_space<vmem>>[vector<16xi32>], vector<16xf32>,
          %max3A = arith.maximumf %gather3A, %mul3A_526 : vector<16xf32>
          tpu.vector_store_idx %arg9[%get3A_528], %max3A : memref<51200xf32, #tpu.memory_space<vmem>>[vector<16xi32>], vector<16xf32>,
          %gather3A_529 = tpu.vector_load_idx %arg9[%get3A_528] : memref<51200xf32, #tpu.memory_space<vmem>>[vector<16xi32>], vector<16xf32>,
          %gt3A = arith.cmpf ogt, %max3A, %gather3A_529 : vector<16xf32>
          %or3A = arith.ori %scan3A_519, %gt3A : vector<16xi1>
          scf.yield %or3A : vector<16xi1>
        }
        %scan3A_517 = arith.constant 64 : i32
        scf.yield %scan3A_516 : vector<16xi1>
      }
      %mul3A_462 = arith.constant 2 : i32
      %mul3A_463 = arith.muli %scan3A_417, %mul3A_462 : i32
      %add3A_464 = arith.constant 1 : i32
      %add3A_465 = arith.addi %mul3A_463, %add3A_464 : i32
      %mul3A_466 = arith.constant 1024 : i32
      %mul3A_467 = arith.muli %add3A_465, %mul3A_466 : i32
      %dma_wait3A_468 = arith.constant 1 : i32
      %dma_wait3A_469 = arith.constant 0 : i32
      %dma_wait3A_470 = arith.constant 1024 : i32
      %dma_wait3A_471 = tpu.memref_slice %arg6[%dma_wait3A_470] : memref<2048xf32, #tpu.memory_space<vmem>> -> memref<1024xf32, #tpu.memory_space<vmem>>
      %dma_wait3A_472 = tpu.memref_slice %arg2[%add3A_89, %mul3A_467] : memref<256x51200xf32, #tpu.memory_space<hbm>> -> memref<1x1024xf32, #tpu.memory_space<hbm>>
      %dma_wait3A_473 = tpu.memref_squeeze %dma_wait3A_472 : memref<1x1024xf32, #tpu.memory_space<hbm>> -> memref<1024xf32, #tpu.memory_space<hbm>>
      %dma_wait3A_474 = tpu.memref_slice %arg12[%dma_wait3A_468, %dma_wait3A_469] : memref<2x2x!tpu.dma_semaphore, #tpu.memory_space<semaphore_mem>> -> memref<1x1x!tpu.dma_semaphore, #tpu.memory_space<semaphore_mem>>
      %dma_wait3A_475 = tpu.memref_squeeze %dma_wait3A_474 : memref<1x1x!tpu.dma_semaphore, #tpu.memory_space<semaphore_mem>> -> memref<!tpu.dma_semaphore, #tpu.memory_space<semaphore_mem>>
      %dma_wait3A_476 = arith.constant 1024 : i32
      %dma_wait3A_477 = tpu.memref_slice %arg6[%dma_wait3A_476] : memref<2048xf32, #tpu.memory_space<vmem>> -> memref<1024xf32, #tpu.memory_space<vmem>>
      %dma_wait3A_478 = tpu.memref_slice %arg2[%add3A_89, %mul3A_467] : memref<256x51200xf32, #tpu.memory_space<hbm>> -> memref<1x1024xf32, #tpu.memory_space<hbm>>
      %dma_wait3A_479 = tpu.memref_squeeze %dma_wait3A_478 : memref<1x1024xf32, #tpu.memory_space<hbm>> -> memref<1024xf32, #tpu.memory_space<hbm>>
      tpu.wait_dma2 semaphore(%dma_wait3A_475 : memref<!tpu.dma_semaphore, #tpu.memory_space<semaphore_mem>>) src(%dma_wait3A_479 : memref<1024xf32, #tpu.memory_space<hbm>>) dst(%dma_wait3A_477 : memref<1024xf32, #tpu.memory_space<vmem>>)
      %mul3A_480 = arith.constant 1024 : i32
      %mul3A_481 = arith.muli %add3A_465, %mul3A_480 : i32
      %dma_wait3A_482 = arith.constant 1 : i32
      %dma_wait3A_483 = arith.constant 1 : i32
      %dma_wait3A_484 = arith.constant 1024 : i32
      %dma_wait3A_485 = tpu.memref_slice %arg7[%dma_wait3A_484] : memref<2048xi32, #tpu.memory_space<vmem>> -> memref<1024xi32, #tpu.memory_space<vmem>>
      %dma_wait3A_486 = tpu.memref_slice %arg3[%add3A_89, %mul3A_481] : memref<256x51200xi32, #tpu.memory_space<hbm>> -> memref<1x1024xi32, #tpu.memory_space<hbm>>
      %dma_wait3A_487 = tpu.memref_squeeze %dma_wait3A_486 : memref<1x1024xi32, #tpu.memory_space<hbm>> -> memref<1024xi32, #tpu.memory_space<hbm>>
      %dma_wait3A_488 = tpu.memref_slice %arg12[%dma_wait3A_482, %dma_wait3A_483] : memref<2x2x!tpu.dma_semaphore, #tpu.memory_space<semaphore_mem>> -> memref<1x1x!tpu.dma_semaphore, #tpu.memory_space<semaphore_mem>>
      %dma_wait3A_489 = tpu.memref_squeeze %dma_wait3A_488 : memref<1x1x!tpu.dma_semaphore, #tpu.memory_space<semaphore_mem>> -> memref<!tpu.dma_semaphore, #tpu.memory_space<semaphore_mem>>
      %dma_wait3A_490 = arith.constant 1024 : i32
      %dma_wait3A_491 = tpu.memref_slice %arg7[%dma_wait3A_490] : memref<2048xi32, #tpu.memory_space<vmem>> -> memref<1024xi32, #tpu.memory_space<vmem>>
      %dma_wait3A_492 = tpu.memref_slice %arg3[%add3A_89, %mul3A_481] : memref<256x51200xi32, #tpu.memory_space<hbm>> -> memref<1x1024xi32, #tpu.memory_space<hbm>>
      %dma_wait3A_493 = tpu.memref_squeeze %dma_wait3A_492 : memref<1x1024xi32, #tpu.memory_space<hbm>> -> memref<1024xi32, #tpu.memory_space<hbm>>
      tpu.wait_dma2 semaphore(%dma_wait3A_489 : memref<!tpu.dma_semaphore, #tpu.memory_space<semaphore_mem>>) src(%dma_wait3A_493 : memref<1024xi32, #tpu.memory_space<hbm>>) dst(%dma_wait3A_491 : memref<1024xi32, #tpu.memory_space<vmem>>)
      %add3A_494 = arith.constant 1 : i32
      %add3A_495 = arith.addi %add3A_465, %add3A_494 : i32
      %lt3A_496 = arith.constant 50 : i32
      %lt3A_497 = arith.cmpi slt, %add3A_495, %lt3A_496 : i32
      %convert_element_type3A_498 = arith.extui %lt3A_497 : i1 to i32
      %cond3A_499 = arith.constant 0 : i32
      %cond3A_500 = arith.cmpi ne, %convert_element_type3A_498, %cond3A_499 : i32
      scf.if %cond3A_500 {
        %add3A_511 = arith.constant 1 : i32
        %add3A_512 = arith.addi %add3A_465, %add3A_511 : i32
        %mul3A_513 = arith.constant 1024 : i32
        %mul3A_514 = arith.muli %add3A_512, %mul3A_513 : i32
        %dma_start3A_515 = arith.constant 0 : i32
        %dma_start3A_516 = arith.constant 0 : i32
        %dma_start3A_517 = arith.constant 0 : i32
        %dma_start3A_518 = tpu.memref_slice %arg6[%dma_start3A_517] : memref<2048xf32, #tpu.memory_space<vmem>> -> memref<1024xf32, #tpu.memory_space<vmem>>
        %dma_start3A_519 = tpu.memref_slice %arg2[%add3A_89, %mul3A_514] : memref<256x51200xf32, #tpu.memory_space<hbm>> -> memref<1x1024xf32, #tpu.memory_space<hbm>>
        %dma_start3A_520 = tpu.memref_squeeze %dma_start3A_519 : memref<1x1024xf32, #tpu.memory_space<hbm>> -> memref<1024xf32, #tpu.memory_space<hbm>>
        %dma_start3A_521 = tpu.memref_slice %arg12[%dma_start3A_515, %dma_start3A_516] : memref<2x2x!tpu.dma_semaphore, #tpu.memory_space<semaphore_mem>> -> memref<1x1x!tpu.dma_semaphore, #tpu.memory_space<semaphore_mem>>
        %dma_start3A_522 = tpu.memref_squeeze %dma_start3A_521 : memref<1x1x!tpu.dma_semaphore, #tpu.memory_space<semaphore_mem>> -> memref<!tpu.dma_semaphore, #tpu.memory_space<semaphore_mem>>
        %dma_start3A_523 = arith.constant 0 : i32
        %dma_start3A_524 = tpu.memref_slice %arg6[%dma_start3A_523] : memref<2048xf32, #tpu.memory_space<vmem>> -> memref<1024xf32, #tpu.memory_space<vmem>>
        %dma_start3A_525 = tpu.memref_slice %arg2[%add3A_89, %mul3A_514] : memref<256x51200xf32, #tpu.memory_space<hbm>> -> memref<1x1024xf32, #tpu.memory_space<hbm>>
        %dma_start3A_526 = tpu.memref_squeeze %dma_start3A_525 : memref<1x1024xf32, #tpu.memory_space<hbm>> -> memref<1024xf32, #tpu.memory_space<hbm>>
        tpu.enqueue_dma source(%dma_start3A_526 : memref<1024xf32, #tpu.memory_space<hbm>>) target(%dma_start3A_524 : memref<1024xf32, #tpu.memory_space<vmem>>) target_semaphore(%dma_start3A_522 : memref<!tpu.dma_semaphore, #tpu.memory_space<semaphore_mem>>)
        %mul3A_527 = arith.constant 1024 : i32
        %mul3A_528 = arith.muli %add3A_512, %mul3A_527 : i32
        %dma_start3A_529 = arith.constant 0 : i32
        %dma_start3A_530 = arith.constant 1 : i32
        %dma_start3A_531 = arith.constant 0 : i32
        %dma_start3A_532 = tpu.memref_slice %arg7[%dma_start3A_531] : memref<2048xi32, #tpu.memory_space<vmem>> -> memref<1024xi32, #tpu.memory_space<vmem>>
        %dma_start3A_533 = tpu.memref_slice %arg3[%add3A_89, %mul3A_528] : memref<256x51200xi32, #tpu.memory_space<hbm>> -> memref<1x1024xi32, #tpu.memory_space<hbm>>
        %dma_start3A_534 = tpu.memref_squeeze %dma_start3A_533 : memref<1x1024xi32, #tpu.memory_space<hbm>> -> memref<1024xi32, #tpu.memory_space<hbm>>
        %dma_start3A_535 = tpu.memref_slice %arg12[%dma_start3A_529, %dma_start3A_530] : memref<2x2x!tpu.dma_semaphore, #tpu.memory_space<semaphore_mem>> -> memref<1x1x!tpu.dma_semaphore, #tpu.memory_space<semaphore_mem>>
        %dma_start3A_536 = tpu.memref_squeeze %dma_start3A_535 : memref<1x1x!tpu.dma_semaphore, #tpu.memory_space<semaphore_mem>> -> memref<!tpu.dma_semaphore, #tpu.memory_space<semaphore_mem>>
        %dma_start3A_537 = arith.constant 0 : i32
        %dma_start3A_538 = tpu.memref_slice %arg7[%dma_start3A_537] : memref<2048xi32, #tpu.memory_space<vmem>> -> memref<1024xi32, #tpu.memory_space<vmem>>
        %dma_start3A_539 = tpu.memref_slice %arg3[%add3A_89, %mul3A_528] : memref<256x51200xi32, #tpu.memory_space<hbm>> -> memref<1x1024xi32, #tpu.memory_space<hbm>>
        %dma_start3A_540 = tpu.memref_squeeze %dma_start3A_539 : memref<1x1024xi32, #tpu.memory_space<hbm>> -> memref<1024xi32, #tpu.memory_space<hbm>>
        tpu.enqueue_dma source(%dma_start3A_540 : memref<1024xi32, #tpu.memory_space<hbm>>) target(%dma_start3A_538 : memref<1024xi32, #tpu.memory_space<vmem>>) target_semaphore(%dma_start3A_536 : memref<!tpu.dma_semaphore, #tpu.memory_space<semaphore_mem>>)
      } else {
      }
      %broadcast_in_dim3A_501 = arith.constant false
      %broadcast_in_dim3A_502 = vector.broadcast %broadcast_in_dim3A_501 : i1 to vector<16xi1>
      %scan3A_503 = arith.constant 0 : i32
      %scan3A_504 = arith.constant 64 : i32
      %scan3A_505 = arith.addi %scan3A_503, %scan3A_504 : i32
      %scan3A_506 = arith.constant 1 : i32
      %scan3A_507 = scf.for %scan3A_511 = %scan3A_503 to %scan3A_505 step %scan3A_506 iter_args(%scan3A_512 = %broadcast_in_dim3A_502) -> (vector<16xi1>)  : i32 {
        %mul3A_513 = arith.constant 16 : i32
        %mul3A_514 = arith.muli %scan3A_511, %mul3A_513 : i32
        %add3A_515 = arith.constant 1024 : i32
        %add3A_516 = arith.addi %add3A_515, %mul3A_514 : i32
        %multiple_of3A = tpu.assume_multiple %add3A_516, 16 : i32
        %get3A_517 = arith.index_cast %multiple_of3A : i32 to index
        %get3A_518 = tpu.vector_load %arg6[%get3A_517] {strides = array<i32>} : memref<2048xf32, #tpu.memory_space<vmem>>, vector<16xf32>,
        %mul3A_519 = arith.mulf %get3A_518, %get3A_87 : vector<16xf32>
        %get3A_520 = arith.index_cast %multiple_of3A : i32 to index
        %get3A_521 = tpu.vector_load %arg7[%get3A_520] {strides = array<i32>} : memref<2048xi32, #tpu.memory_space<vmem>>, vector<16xi32>,
        %gather3A = tpu.vector_load_idx %arg9[%get3A_521] : memref<51200xf32, #tpu.memory_space<vmem>>[vector<16xi32>], vector<16xf32>,
        %max3A = arith.maximumf %gather3A, %mul3A_519 : vector<16xf32>
        tpu.vector_store_idx %arg9[%get3A_521], %max3A : memref<51200xf32, #tpu.memory_space<vmem>>[vector<16xi32>], vector<16xf32>,
        %gather3A_522 = tpu.vector_load_idx %arg9[%get3A_521] : memref<51200xf32, #tpu.memory_space<vmem>>[vector<16xi32>], vector<16xf32>,
        %gt3A = arith.cmpf ogt, %max3A, %gather3A_522 : vector<16xf32>
        %or3A = arith.ori %scan3A_512, %gt3A : vector<16xi1>
        scf.yield %or3A : vector<16xi1>
      }
      %scan3A_508 = arith.constant 64 : i32
      %while3A_509 = scf.while (%while3A_511 = %scan3A_507) : (vector<16xi1>) -> vector<16xi1> {
        %reduce_or3A = arith.constant 1.000000e+00 : f32
        %reduce_or3A_512 = arith.constant 0.000000e+00 : f32
        %reduce_or3A_513 = vector.broadcast %reduce_or3A : f32 to vector<16xf32>
        %reduce_or3A_514 = vector.broadcast %reduce_or3A_512 : f32 to vector<16xf32>
        %reduce_or3A_515 = arith.select %while3A_511, %reduce_or3A_513, %reduce_or3A_514 : vector<16xi1>, vector<16xf32>
        %reduce_or3A_516 = arith.constant true
        %reduce_or3A_517 = vector.broadcast %reduce_or3A_516 : i1 to vector<16xi1>
        %reduce_or3A_518 = tpu.scan <max>, %reduce_or3A_515 masked %reduce_or3A_517 : vector<16xf32>, vector<16xi1> -> vector<16xf32>
        %reduce_or3A_519 = vector.extract %reduce_or3A_518[15] : f32 from vector<16xf32>
        %reduce_or3A_520 = arith.constant 0.000000e+00 : f32
        %reduce_or3A_521 = arith.cmpf ogt, %reduce_or3A_519, %reduce_or3A_520 : f32
        scf.condition(%reduce_or3A_521) %while3A_511 : vector<16xi1>
      } do {
      ^bb0(%while3A_511: vector<16xi1>):
        %scan3A_512 = arith.constant 0 : i32
        %scan3A_513 = arith.constant 64 : i32
        %scan3A_514 = arith.addi %scan3A_512, %scan3A_513 : i32
        %scan3A_515 = arith.constant 1 : i32
        %scan3A_516 = scf.for %scan3A_518 = %scan3A_512 to %scan3A_514 step %scan3A_515 iter_args(%scan3A_519 = %broadcast_in_dim3A_502) -> (vector<16xi1>)  : i32 {
          %mul3A_520 = arith.constant 16 : i32
          %mul3A_521 = arith.muli %scan3A_518, %mul3A_520 : i32
          %add3A_522 = arith.constant 1024 : i32
          %add3A_523 = arith.addi %add3A_522, %mul3A_521 : i32
          %multiple_of3A = tpu.assume_multiple %add3A_523, 16 : i32
          %get3A_524 = arith.index_cast %multiple_of3A : i32 to index
          %get3A_525 = tpu.vector_load %arg6[%get3A_524] {strides = array<i32>} : memref<2048xf32, #tpu.memory_space<vmem>>, vector<16xf32>,
          %mul3A_526 = arith.mulf %get3A_525, %get3A_87 : vector<16xf32>
          %get3A_527 = arith.index_cast %multiple_of3A : i32 to index
          %get3A_528 = tpu.vector_load %arg7[%get3A_527] {strides = array<i32>} : memref<2048xi32, #tpu.memory_space<vmem>>, vector<16xi32>,
          %gather3A = tpu.vector_load_idx %arg9[%get3A_528] : memref<51200xf32, #tpu.memory_space<vmem>>[vector<16xi32>], vector<16xf32>,
          %max3A = arith.maximumf %gather3A, %mul3A_526 : vector<16xf32>
          tpu.vector_store_idx %arg9[%get3A_528], %max3A : memref<51200xf32, #tpu.memory_space<vmem>>[vector<16xi32>], vector<16xf32>,
          %gather3A_529 = tpu.vector_load_idx %arg9[%get3A_528] : memref<51200xf32, #tpu.memory_space<vmem>>[vector<16xi32>], vector<16xf32>,
          %gt3A = arith.cmpf ogt, %max3A, %gather3A_529 : vector<16xf32>
          %or3A = arith.ori %scan3A_519, %gt3A : vector<16xi1>
          scf.yield %or3A : vector<16xi1>
        }
        %scan3A_517 = arith.constant 64 : i32
        scf.yield %scan3A_516 : vector<16xi1>
      }
      %scan3A_510 = arith.constant 0 : i32
      scf.yield %scan3A_510 : i32
    }
    %scan3A_96 = arith.constant 25 : i32
    %add3A_97 = arith.constant 64 : i32
    %add3A_98 = arith.addi %add3A_97, %add3A : i32
    %dma_start3A_99 = arith.constant 0 : i32
    %dma_start3A_100 = arith.constant 0 : i32
    %dma_start3A_101 = arith.constant 0 : i32
    %dma_start3A_102 = tpu.memref_slice %arg6[%dma_start3A_101] : memref<2048xf32, #tpu.memory_space<vmem>> -> memref<1024xf32, #tpu.memory_space<vmem>>
    %dma_start3A_103 = arith.constant 0 : i32
    %dma_start3A_104 = tpu.memref_slice %arg2[%add3A_98, %dma_start3A_103] : memref<256x51200xf32, #tpu.memory_space<hbm>> -> memref<1x1024xf32, #tpu.memory_space<hbm>>
    %dma_start3A_105 = tpu.memref_squeeze %dma_start3A_104 : memref<1x1024xf32, #tpu.memory_space<hbm>> -> memref<1024xf32, #tpu.memory_space<hbm>>
    %dma_start3A_106 = tpu.memref_slice %arg12[%dma_start3A_99, %dma_start3A_100] : memref<2x2x!tpu.dma_semaphore, #tpu.memory_space<semaphore_mem>> -> memref<1x1x!tpu.dma_semaphore, #tpu.memory_space<semaphore_mem>>
    %dma_start3A_107 = tpu.memref_squeeze %dma_start3A_106 : memref<1x1x!tpu.dma_semaphore, #tpu.memory_space<semaphore_mem>> -> memref<!tpu.dma_semaphore, #tpu.memory_space<semaphore_mem>>
    %dma_start3A_108 = arith.constant 0 : i32
    %dma_start3A_109 = tpu.memref_slice %arg6[%dma_start3A_108] : memref<2048xf32, #tpu.memory_space<vmem>> -> memref<1024xf32, #tpu.memory_space<vmem>>
    %dma_start3A_110 = arith.constant 0 : i32
    %dma_start3A_111 = tpu.memref_slice %arg2[%add3A_98, %dma_start3A_110] : memref<256x51200xf32, #tpu.memory_space<hbm>> -> memref<1x1024xf32, #tpu.memory_space<hbm>>
    %dma_start3A_112 = tpu.memref_squeeze %dma_start3A_111 : memref<1x1024xf32, #tpu.memory_space<hbm>> -> memref<1024xf32, #tpu.memory_space<hbm>>
    tpu.enqueue_dma source(%dma_start3A_112 : memref<1024xf32, #tpu.memory_space<hbm>>) target(%dma_start3A_109 : memref<1024xf32, #tpu.memory_space<vmem>>) target_semaphore(%dma_start3A_107 : memref<!tpu.dma_semaphore, #tpu.memory_space<semaphore_mem>>)
    %dma_start3A_113 = arith.constant 0 : i32
    %dma_start3A_114 = arith.constant 1 : i32
    %dma_start3A_115 = arith.constant 0 : i32
    %dma_start3A_116 = tpu.memref_slice %arg7[%dma_start3A_115] : memref<2048xi32, #tpu.memory_space<vmem>> -> memref<1024xi32, #tpu.memory_space<vmem>>
    %dma_start3A_117 = arith.constant 0 : i32
    %dma_start3A_118 = tpu.memref_slice %arg3[%add3A_98, %dma_start3A_117] : memref<256x51200xi32, #tpu.memory_space<hbm>> -> memref<1x1024xi32, #tpu.memory_space<hbm>>
    %dma_start3A_119 = tpu.memref_squeeze %dma_start3A_118 : memref<1x1024xi32, #tpu.memory_space<hbm>> -> memref<1024xi32, #tpu.memory_space<hbm>>
    %dma_start3A_120 = tpu.memref_slice %arg12[%dma_start3A_113, %dma_start3A_114] : memref<2x2x!tpu.dma_semaphore, #tpu.memory_space<semaphore_mem>> -> memref<1x1x!tpu.dma_semaphore, #tpu.memory_space<semaphore_mem>>
    %dma_start3A_121 = tpu.memref_squeeze %dma_start3A_120 : memref<1x1x!tpu.dma_semaphore, #tpu.memory_space<semaphore_mem>> -> memref<!tpu.dma_semaphore, #tpu.memory_space<semaphore_mem>>
    %dma_start3A_122 = arith.constant 0 : i32
    %dma_start3A_123 = tpu.memref_slice %arg7[%dma_start3A_122] : memref<2048xi32, #tpu.memory_space<vmem>> -> memref<1024xi32, #tpu.memory_space<vmem>>
    %dma_start3A_124 = arith.constant 0 : i32
    %dma_start3A_125 = tpu.memref_slice %arg3[%add3A_98, %dma_start3A_124] : memref<256x51200xi32, #tpu.memory_space<hbm>> -> memref<1x1024xi32, #tpu.memory_space<hbm>>
    %dma_start3A_126 = tpu.memref_squeeze %dma_start3A_125 : memref<1x1024xi32, #tpu.memory_space<hbm>> -> memref<1024xi32, #tpu.memory_space<hbm>>
    tpu.enqueue_dma source(%dma_start3A_126 : memref<1024xi32, #tpu.memory_space<hbm>>) target(%dma_start3A_123 : memref<1024xi32, #tpu.memory_space<vmem>>) target_semaphore(%dma_start3A_121 : memref<!tpu.dma_semaphore, #tpu.memory_space<semaphore_mem>>)
    %scan3A_127 = arith.constant 0 : i32
    %scan3A_128 = arith.constant 0 : i32
    %scan3A_129 = arith.constant 3200 : i32
    %scan3A_130 = arith.addi %scan3A_128, %scan3A_129 : i32
    %scan3A_131 = arith.constant 1 : i32
    %scan3A_132 = scf.for %scan3A_417 = %scan3A_128 to %scan3A_130 step %scan3A_131 iter_args(%scan3A_418 = %scan3A_127) -> (i32)  : i32 {
      %mul3A_419 = arith.constant 16 : i32
      %mul3A_420 = arith.muli %scan3A_417, %mul3A_419 : i32
      %multiple_of3A = tpu.assume_multiple %mul3A_420, 16 : i32
      %get3A_421 = arith.index_cast %multiple_of3A : i32 to index
      %get3A_422 = tpu.vector_load %arg10[%get3A_421] {strides = array<i32>} : memref<51200xf32, #tpu.memory_space<vmem>>, vector<16xf32>,
      %get3A_423 = arith.index_cast %multiple_of3A : i32 to index
      %get3A_424 = tpu.vector_load %arg9[%get3A_423] {strides = array<i32>} : memref<51200xf32, #tpu.memory_space<vmem>>, vector<16xf32>,
      %add3A_425 = arith.addf %get3A_422, %get3A_424 : vector<16xf32>
      %swap3A = arith.index_cast %multiple_of3A : i32 to index
      %swap3A_426 = tpu.vector_load %arg10[%swap3A] {strides = array<i32>} : memref<51200xf32, #tpu.memory_space<vmem>>, vector<16xf32>,
      tpu.vector_store %arg10[%swap3A], %add3A_425 {strides = array<i32>} : memref<51200xf32, #tpu.memory_space<vmem>>, vector<16xf32>,
      %swap3A_427 = arith.index_cast %multiple_of3A : i32 to index
      %swap3A_428 = tpu.vector_load %arg9[%swap3A_427] {strides = array<i32>} : memref<51200xf32, #tpu.memory_space<vmem>>, vector<16xf32>,
      tpu.vector_store %arg9[%swap3A_427], %broadcast_in_dim3A_1 {strides = array<i32>} : memref<51200xf32, #tpu.memory_space<vmem>>, vector<16xf32>,
      %scan3A_429 = arith.constant 0 : i32
      scf.yield %scan3A_429 : i32
    }
    %scan3A_133 = arith.constant 3200 : i32
    %get3A_134 = arith.constant 2 : i32
    %get3A_135 = arith.index_cast %get3A_134 : i32 to index
    %get3A_136 = arith.constant 0 : index
    %get3A_137 = tpu.vector_load %arg8[%get3A_135, %get3A_136] {strides = array<i32>} : memref<8x16xf32, #tpu.memory_space<vmem>>, vector<16xf32>,
    %add3A_138 = arith.constant 64 : i32
    %add3A_139 = arith.addi %add3A_138, %add3A : i32
    %scan3A_140 = arith.constant 0 : i32
    %scan3A_141 = arith.constant 0 : i32
    %scan3A_142 = arith.constant 25 : i32
    %scan3A_143 = arith.addi %scan3A_141, %scan3A_142 : i32
    %scan3A_144 = arith.constant 1 : i32
    %scan3A_145 = scf.for %scan3A_417 = %scan3A_141 to %scan3A_143 step %scan3A_144 iter_args(%scan3A_418 = %scan3A_140) -> (i32)  : i32 {
      %mul3A_419 = arith.constant 2 : i32
      %mul3A_420 = arith.muli %scan3A_417, %mul3A_419 : i32
      %add3A_421 = arith.constant 0 : i32
      %add3A_422 = arith.addi %mul3A_420, %add3A_421 : i32
      %mul3A_423 = arith.constant 1024 : i32
      %mul3A_424 = arith.muli %add3A_422, %mul3A_423 : i32
      %dma_wait3A = arith.constant 0 : i32
      %dma_wait3A_425 = arith.constant 0 : i32
      %dma_wait3A_426 = arith.constant 0 : i32
      %dma_wait3A_427 = tpu.memref_slice %arg6[%dma_wait3A_426] : memref<2048xf32, #tpu.memory_space<vmem>> -> memref<1024xf32, #tpu.memory_space<vmem>>
      %dma_wait3A_428 = tpu.memref_slice %arg2[%add3A_139, %mul3A_424] : memref<256x51200xf32, #tpu.memory_space<hbm>> -> memref<1x1024xf32, #tpu.memory_space<hbm>>
      %dma_wait3A_429 = tpu.memref_squeeze %dma_wait3A_428 : memref<1x1024xf32, #tpu.memory_space<hbm>> -> memref<1024xf32, #tpu.memory_space<hbm>>
      %dma_wait3A_430 = tpu.memref_slice %arg12[%dma_wait3A, %dma_wait3A_425] : memref<2x2x!tpu.dma_semaphore, #tpu.memory_space<semaphore_mem>> -> memref<1x1x!tpu.dma_semaphore, #tpu.memory_space<semaphore_mem>>
      %dma_wait3A_431 = tpu.memref_squeeze %dma_wait3A_430 : memref<1x1x!tpu.dma_semaphore, #tpu.memory_space<semaphore_mem>> -> memref<!tpu.dma_semaphore, #tpu.memory_space<semaphore_mem>>
      %dma_wait3A_432 = arith.constant 0 : i32
      %dma_wait3A_433 = tpu.memref_slice %arg6[%dma_wait3A_432] : memref<2048xf32, #tpu.memory_space<vmem>> -> memref<1024xf32, #tpu.memory_space<vmem>>
      %dma_wait3A_434 = tpu.memref_slice %arg2[%add3A_139, %mul3A_424] : memref<256x51200xf32, #tpu.memory_space<hbm>> -> memref<1x1024xf32, #tpu.memory_space<hbm>>
      %dma_wait3A_435 = tpu.memref_squeeze %dma_wait3A_434 : memref<1x1024xf32, #tpu.memory_space<hbm>> -> memref<1024xf32, #tpu.memory_space<hbm>>
      tpu.wait_dma2 semaphore(%dma_wait3A_431 : memref<!tpu.dma_semaphore, #tpu.memory_space<semaphore_mem>>) src(%dma_wait3A_435 : memref<1024xf32, #tpu.memory_space<hbm>>) dst(%dma_wait3A_433 : memref<1024xf32, #tpu.memory_space<vmem>>)
      %mul3A_436 = arith.constant 1024 : i32
      %mul3A_437 = arith.muli %add3A_422, %mul3A_436 : i32
      %dma_wait3A_438 = arith.constant 0 : i32
      %dma_wait3A_439 = arith.constant 1 : i32
      %dma_wait3A_440 = arith.constant 0 : i32
      %dma_wait3A_441 = tpu.memref_slice %arg7[%dma_wait3A_440] : memref<2048xi32, #tpu.memory_space<vmem>> -> memref<1024xi32, #tpu.memory_space<vmem>>
      %dma_wait3A_442 = tpu.memref_slice %arg3[%add3A_139, %mul3A_437] : memref<256x51200xi32, #tpu.memory_space<hbm>> -> memref<1x1024xi32, #tpu.memory_space<hbm>>
      %dma_wait3A_443 = tpu.memref_squeeze %dma_wait3A_442 : memref<1x1024xi32, #tpu.memory_space<hbm>> -> memref<1024xi32, #tpu.memory_space<hbm>>
      %dma_wait3A_444 = tpu.memref_slice %arg12[%dma_wait3A_438, %dma_wait3A_439] : memref<2x2x!tpu.dma_semaphore, #tpu.memory_space<semaphore_mem>> -> memref<1x1x!tpu.dma_semaphore, #tpu.memory_space<semaphore_mem>>
      %dma_wait3A_445 = tpu.memref_squeeze %dma_wait3A_444 : memref<1x1x!tpu.dma_semaphore, #tpu.memory_space<semaphore_mem>> -> memref<!tpu.dma_semaphore, #tpu.memory_space<semaphore_mem>>
      %dma_wait3A_446 = arith.constant 0 : i32
      %dma_wait3A_447 = tpu.memref_slice %arg7[%dma_wait3A_446] : memref<2048xi32, #tpu.memory_space<vmem>> -> memref<1024xi32, #tpu.memory_space<vmem>>
      %dma_wait3A_448 = tpu.memref_slice %arg3[%add3A_139, %mul3A_437] : memref<256x51200xi32, #tpu.memory_space<hbm>> -> memref<1x1024xi32, #tpu.memory_space<hbm>>
      %dma_wait3A_449 = tpu.memref_squeeze %dma_wait3A_448 : memref<1x1024xi32, #tpu.memory_space<hbm>> -> memref<1024xi32, #tpu.memory_space<hbm>>
      tpu.wait_dma2 semaphore(%dma_wait3A_445 : memref<!tpu.dma_semaphore, #tpu.memory_space<semaphore_mem>>) src(%dma_wait3A_449 : memref<1024xi32, #tpu.memory_space<hbm>>) dst(%dma_wait3A_447 : memref<1024xi32, #tpu.memory_space<vmem>>)
      %add3A_450 = arith.constant 1 : i32
      %add3A_451 = arith.addi %add3A_422, %add3A_450 : i32
      %lt3A = arith.constant 50 : i32
      %lt3A_452 = arith.cmpi slt, %add3A_451, %lt3A : i32
      %convert_element_type3A = arith.extui %lt3A_452 : i1 to i32
      %cond3A = arith.constant 0 : i32
      %cond3A_453 = arith.cmpi ne, %convert_element_type3A, %cond3A : i32
      scf.if %cond3A_453 {
        %add3A_511 = arith.constant 1 : i32
        %add3A_512 = arith.addi %add3A_422, %add3A_511 : i32
        %mul3A_513 = arith.constant 1024 : i32
        %mul3A_514 = arith.muli %add3A_512, %mul3A_513 : i32
        %dma_start3A_515 = arith.constant 1 : i32
        %dma_start3A_516 = arith.constant 0 : i32
        %dma_start3A_517 = arith.constant 1024 : i32
        %dma_start3A_518 = tpu.memref_slice %arg6[%dma_start3A_517] : memref<2048xf32, #tpu.memory_space<vmem>> -> memref<1024xf32, #tpu.memory_space<vmem>>
        %dma_start3A_519 = tpu.memref_slice %arg2[%add3A_139, %mul3A_514] : memref<256x51200xf32, #tpu.memory_space<hbm>> -> memref<1x1024xf32, #tpu.memory_space<hbm>>
        %dma_start3A_520 = tpu.memref_squeeze %dma_start3A_519 : memref<1x1024xf32, #tpu.memory_space<hbm>> -> memref<1024xf32, #tpu.memory_space<hbm>>
        %dma_start3A_521 = tpu.memref_slice %arg12[%dma_start3A_515, %dma_start3A_516] : memref<2x2x!tpu.dma_semaphore, #tpu.memory_space<semaphore_mem>> -> memref<1x1x!tpu.dma_semaphore, #tpu.memory_space<semaphore_mem>>
        %dma_start3A_522 = tpu.memref_squeeze %dma_start3A_521 : memref<1x1x!tpu.dma_semaphore, #tpu.memory_space<semaphore_mem>> -> memref<!tpu.dma_semaphore, #tpu.memory_space<semaphore_mem>>
        %dma_start3A_523 = arith.constant 1024 : i32
        %dma_start3A_524 = tpu.memref_slice %arg6[%dma_start3A_523] : memref<2048xf32, #tpu.memory_space<vmem>> -> memref<1024xf32, #tpu.memory_space<vmem>>
        %dma_start3A_525 = tpu.memref_slice %arg2[%add3A_139, %mul3A_514] : memref<256x51200xf32, #tpu.memory_space<hbm>> -> memref<1x1024xf32, #tpu.memory_space<hbm>>
        %dma_start3A_526 = tpu.memref_squeeze %dma_start3A_525 : memref<1x1024xf32, #tpu.memory_space<hbm>> -> memref<1024xf32, #tpu.memory_space<hbm>>
        tpu.enqueue_dma source(%dma_start3A_526 : memref<1024xf32, #tpu.memory_space<hbm>>) target(%dma_start3A_524 : memref<1024xf32, #tpu.memory_space<vmem>>) target_semaphore(%dma_start3A_522 : memref<!tpu.dma_semaphore, #tpu.memory_space<semaphore_mem>>)
        %mul3A_527 = arith.constant 1024 : i32
        %mul3A_528 = arith.muli %add3A_512, %mul3A_527 : i32
        %dma_start3A_529 = arith.constant 1 : i32
        %dma_start3A_530 = arith.constant 1 : i32
        %dma_start3A_531 = arith.constant 1024 : i32
        %dma_start3A_532 = tpu.memref_slice %arg7[%dma_start3A_531] : memref<2048xi32, #tpu.memory_space<vmem>> -> memref<1024xi32, #tpu.memory_space<vmem>>
        %dma_start3A_533 = tpu.memref_slice %arg3[%add3A_139, %mul3A_528] : memref<256x51200xi32, #tpu.memory_space<hbm>> -> memref<1x1024xi32, #tpu.memory_space<hbm>>
        %dma_start3A_534 = tpu.memref_squeeze %dma_start3A_533 : memref<1x1024xi32, #tpu.memory_space<hbm>> -> memref<1024xi32, #tpu.memory_space<hbm>>
        %dma_start3A_535 = tpu.memref_slice %arg12[%dma_start3A_529, %dma_start3A_530] : memref<2x2x!tpu.dma_semaphore, #tpu.memory_space<semaphore_mem>> -> memref<1x1x!tpu.dma_semaphore, #tpu.memory_space<semaphore_mem>>
        %dma_start3A_536 = tpu.memref_squeeze %dma_start3A_535 : memref<1x1x!tpu.dma_semaphore, #tpu.memory_space<semaphore_mem>> -> memref<!tpu.dma_semaphore, #tpu.memory_space<semaphore_mem>>
        %dma_start3A_537 = arith.constant 1024 : i32
        %dma_start3A_538 = tpu.memref_slice %arg7[%dma_start3A_537] : memref<2048xi32, #tpu.memory_space<vmem>> -> memref<1024xi32, #tpu.memory_space<vmem>>
        %dma_start3A_539 = tpu.memref_slice %arg3[%add3A_139, %mul3A_528] : memref<256x51200xi32, #tpu.memory_space<hbm>> -> memref<1x1024xi32, #tpu.memory_space<hbm>>
        %dma_start3A_540 = tpu.memref_squeeze %dma_start3A_539 : memref<1x1024xi32, #tpu.memory_space<hbm>> -> memref<1024xi32, #tpu.memory_space<hbm>>
        tpu.enqueue_dma source(%dma_start3A_540 : memref<1024xi32, #tpu.memory_space<hbm>>) target(%dma_start3A_538 : memref<1024xi32, #tpu.memory_space<vmem>>) target_semaphore(%dma_start3A_536 : memref<!tpu.dma_semaphore, #tpu.memory_space<semaphore_mem>>)
      } else {
      }
      %broadcast_in_dim3A_454 = arith.constant false
      %broadcast_in_dim3A_455 = vector.broadcast %broadcast_in_dim3A_454 : i1 to vector<16xi1>
      %scan3A_456 = arith.constant 0 : i32
      %scan3A_457 = arith.constant 64 : i32
      %scan3A_458 = arith.addi %scan3A_456, %scan3A_457 : i32
      %scan3A_459 = arith.constant 1 : i32
      %scan3A_460 = scf.for %scan3A_511 = %scan3A_456 to %scan3A_458 step %scan3A_459 iter_args(%scan3A_512 = %broadcast_in_dim3A_455) -> (vector<16xi1>)  : i32 {
        %mul3A_513 = arith.constant 16 : i32
        %mul3A_514 = arith.muli %scan3A_511, %mul3A_513 : i32
        %add3A_515 = arith.constant 0 : i32
        %add3A_516 = arith.addi %add3A_515, %mul3A_514 : i32
        %multiple_of3A = tpu.assume_multiple %add3A_516, 16 : i32
        %get3A_517 = arith.index_cast %multiple_of3A : i32 to index
        %get3A_518 = tpu.vector_load %arg6[%get3A_517] {strides = array<i32>} : memref<2048xf32, #tpu.memory_space<vmem>>, vector<16xf32>,
        %mul3A_519 = arith.mulf %get3A_518, %get3A_137 : vector<16xf32>
        %get3A_520 = arith.index_cast %multiple_of3A : i32 to index
        %get3A_521 = tpu.vector_load %arg7[%get3A_520] {strides = array<i32>} : memref<2048xi32, #tpu.memory_space<vmem>>, vector<16xi32>,
        %gather3A = tpu.vector_load_idx %arg9[%get3A_521] : memref<51200xf32, #tpu.memory_space<vmem>>[vector<16xi32>], vector<16xf32>,
        %max3A = arith.maximumf %gather3A, %mul3A_519 : vector<16xf32>
        tpu.vector_store_idx %arg9[%get3A_521], %max3A : memref<51200xf32, #tpu.memory_space<vmem>>[vector<16xi32>], vector<16xf32>,
        %gather3A_522 = tpu.vector_load_idx %arg9[%get3A_521] : memref<51200xf32, #tpu.memory_space<vmem>>[vector<16xi32>], vector<16xf32>,
        %gt3A = arith.cmpf ogt, %max3A, %gather3A_522 : vector<16xf32>
        %or3A = arith.ori %scan3A_512, %gt3A : vector<16xi1>
        scf.yield %or3A : vector<16xi1>
      }
      %scan3A_461 = arith.constant 64 : i32
      %while3A = scf.while (%while3A_511 = %scan3A_460) : (vector<16xi1>) -> vector<16xi1> {
        %reduce_or3A = arith.constant 1.000000e+00 : f32
        %reduce_or3A_512 = arith.constant 0.000000e+00 : f32
        %reduce_or3A_513 = vector.broadcast %reduce_or3A : f32 to vector<16xf32>
        %reduce_or3A_514 = vector.broadcast %reduce_or3A_512 : f32 to vector<16xf32>
        %reduce_or3A_515 = arith.select %while3A_511, %reduce_or3A_513, %reduce_or3A_514 : vector<16xi1>, vector<16xf32>
        %reduce_or3A_516 = arith.constant true
        %reduce_or3A_517 = vector.broadcast %reduce_or3A_516 : i1 to vector<16xi1>
        %reduce_or3A_518 = tpu.scan <max>, %reduce_or3A_515 masked %reduce_or3A_517 : vector<16xf32>, vector<16xi1> -> vector<16xf32>
        %reduce_or3A_519 = vector.extract %reduce_or3A_518[15] : f32 from vector<16xf32>
        %reduce_or3A_520 = arith.constant 0.000000e+00 : f32
        %reduce_or3A_521 = arith.cmpf ogt, %reduce_or3A_519, %reduce_or3A_520 : f32
        scf.condition(%reduce_or3A_521) %while3A_511 : vector<16xi1>
      } do {
      ^bb0(%while3A_511: vector<16xi1>):
        %scan3A_512 = arith.constant 0 : i32
        %scan3A_513 = arith.constant 64 : i32
        %scan3A_514 = arith.addi %scan3A_512, %scan3A_513 : i32
        %scan3A_515 = arith.constant 1 : i32
        %scan3A_516 = scf.for %scan3A_518 = %scan3A_512 to %scan3A_514 step %scan3A_515 iter_args(%scan3A_519 = %broadcast_in_dim3A_455) -> (vector<16xi1>)  : i32 {
          %mul3A_520 = arith.constant 16 : i32
          %mul3A_521 = arith.muli %scan3A_518, %mul3A_520 : i32
          %add3A_522 = arith.constant 0 : i32
          %add3A_523 = arith.addi %add3A_522, %mul3A_521 : i32
          %multiple_of3A = tpu.assume_multiple %add3A_523, 16 : i32
          %get3A_524 = arith.index_cast %multiple_of3A : i32 to index
          %get3A_525 = tpu.vector_load %arg6[%get3A_524] {strides = array<i32>} : memref<2048xf32, #tpu.memory_space<vmem>>, vector<16xf32>,
          %mul3A_526 = arith.mulf %get3A_525, %get3A_137 : vector<16xf32>
          %get3A_527 = arith.index_cast %multiple_of3A : i32 to index
          %get3A_528 = tpu.vector_load %arg7[%get3A_527] {strides = array<i32>} : memref<2048xi32, #tpu.memory_space<vmem>>, vector<16xi32>,
          %gather3A = tpu.vector_load_idx %arg9[%get3A_528] : memref<51200xf32, #tpu.memory_space<vmem>>[vector<16xi32>], vector<16xf32>,
          %max3A = arith.maximumf %gather3A, %mul3A_526 : vector<16xf32>
          tpu.vector_store_idx %arg9[%get3A_528], %max3A : memref<51200xf32, #tpu.memory_space<vmem>>[vector<16xi32>], vector<16xf32>,
          %gather3A_529 = tpu.vector_load_idx %arg9[%get3A_528] : memref<51200xf32, #tpu.memory_space<vmem>>[vector<16xi32>], vector<16xf32>,
          %gt3A = arith.cmpf ogt, %max3A, %gather3A_529 : vector<16xf32>
          %or3A = arith.ori %scan3A_519, %gt3A : vector<16xi1>
          scf.yield %or3A : vector<16xi1>
        }
        %scan3A_517 = arith.constant 64 : i32
        scf.yield %scan3A_516 : vector<16xi1>
      }
      %mul3A_462 = arith.constant 2 : i32
      %mul3A_463 = arith.muli %scan3A_417, %mul3A_462 : i32
      %add3A_464 = arith.constant 1 : i32
      %add3A_465 = arith.addi %mul3A_463, %add3A_464 : i32
      %mul3A_466 = arith.constant 1024 : i32
      %mul3A_467 = arith.muli %add3A_465, %mul3A_466 : i32
      %dma_wait3A_468 = arith.constant 1 : i32
      %dma_wait3A_469 = arith.constant 0 : i32
      %dma_wait3A_470 = arith.constant 1024 : i32
      %dma_wait3A_471 = tpu.memref_slice %arg6[%dma_wait3A_470] : memref<2048xf32, #tpu.memory_space<vmem>> -> memref<1024xf32, #tpu.memory_space<vmem>>
      %dma_wait3A_472 = tpu.memref_slice %arg2[%add3A_139, %mul3A_467] : memref<256x51200xf32, #tpu.memory_space<hbm>> -> memref<1x1024xf32, #tpu.memory_space<hbm>>
      %dma_wait3A_473 = tpu.memref_squeeze %dma_wait3A_472 : memref<1x1024xf32, #tpu.memory_space<hbm>> -> memref<1024xf32, #tpu.memory_space<hbm>>
      %dma_wait3A_474 = tpu.memref_slice %arg12[%dma_wait3A_468, %dma_wait3A_469] : memref<2x2x!tpu.dma_semaphore, #tpu.memory_space<semaphore_mem>> -> memref<1x1x!tpu.dma_semaphore, #tpu.memory_space<semaphore_mem>>
      %dma_wait3A_475 = tpu.memref_squeeze %dma_wait3A_474 : memref<1x1x!tpu.dma_semaphore, #tpu.memory_space<semaphore_mem>> -> memref<!tpu.dma_semaphore, #tpu.memory_space<semaphore_mem>>
      %dma_wait3A_476 = arith.constant 1024 : i32
      %dma_wait3A_477 = tpu.memref_slice %arg6[%dma_wait3A_476] : memref<2048xf32, #tpu.memory_space<vmem>> -> memref<1024xf32, #tpu.memory_space<vmem>>
      %dma_wait3A_478 = tpu.memref_slice %arg2[%add3A_139, %mul3A_467] : memref<256x51200xf32, #tpu.memory_space<hbm>> -> memref<1x1024xf32, #tpu.memory_space<hbm>>
      %dma_wait3A_479 = tpu.memref_squeeze %dma_wait3A_478 : memref<1x1024xf32, #tpu.memory_space<hbm>> -> memref<1024xf32, #tpu.memory_space<hbm>>
      tpu.wait_dma2 semaphore(%dma_wait3A_475 : memref<!tpu.dma_semaphore, #tpu.memory_space<semaphore_mem>>) src(%dma_wait3A_479 : memref<1024xf32, #tpu.memory_space<hbm>>) dst(%dma_wait3A_477 : memref<1024xf32, #tpu.memory_space<vmem>>)
      %mul3A_480 = arith.constant 1024 : i32
      %mul3A_481 = arith.muli %add3A_465, %mul3A_480 : i32
      %dma_wait3A_482 = arith.constant 1 : i32
      %dma_wait3A_483 = arith.constant 1 : i32
      %dma_wait3A_484 = arith.constant 1024 : i32
      %dma_wait3A_485 = tpu.memref_slice %arg7[%dma_wait3A_484] : memref<2048xi32, #tpu.memory_space<vmem>> -> memref<1024xi32, #tpu.memory_space<vmem>>
      %dma_wait3A_486 = tpu.memref_slice %arg3[%add3A_139, %mul3A_481] : memref<256x51200xi32, #tpu.memory_space<hbm>> -> memref<1x1024xi32, #tpu.memory_space<hbm>>
      %dma_wait3A_487 = tpu.memref_squeeze %dma_wait3A_486 : memref<1x1024xi32, #tpu.memory_space<hbm>> -> memref<1024xi32, #tpu.memory_space<hbm>>
      %dma_wait3A_488 = tpu.memref_slice %arg12[%dma_wait3A_482, %dma_wait3A_483] : memref<2x2x!tpu.dma_semaphore, #tpu.memory_space<semaphore_mem>> -> memref<1x1x!tpu.dma_semaphore, #tpu.memory_space<semaphore_mem>>
      %dma_wait3A_489 = tpu.memref_squeeze %dma_wait3A_488 : memref<1x1x!tpu.dma_semaphore, #tpu.memory_space<semaphore_mem>> -> memref<!tpu.dma_semaphore, #tpu.memory_space<semaphore_mem>>
      %dma_wait3A_490 = arith.constant 1024 : i32
      %dma_wait3A_491 = tpu.memref_slice %arg7[%dma_wait3A_490] : memref<2048xi32, #tpu.memory_space<vmem>> -> memref<1024xi32, #tpu.memory_space<vmem>>
      %dma_wait3A_492 = tpu.memref_slice %arg3[%add3A_139, %mul3A_481] : memref<256x51200xi32, #tpu.memory_space<hbm>> -> memref<1x1024xi32, #tpu.memory_space<hbm>>
      %dma_wait3A_493 = tpu.memref_squeeze %dma_wait3A_492 : memref<1x1024xi32, #tpu.memory_space<hbm>> -> memref<1024xi32, #tpu.memory_space<hbm>>
      tpu.wait_dma2 semaphore(%dma_wait3A_489 : memref<!tpu.dma_semaphore, #tpu.memory_space<semaphore_mem>>) src(%dma_wait3A_493 : memref<1024xi32, #tpu.memory_space<hbm>>) dst(%dma_wait3A_491 : memref<1024xi32, #tpu.memory_space<vmem>>)
      %add3A_494 = arith.constant 1 : i32
      %add3A_495 = arith.addi %add3A_465, %add3A_494 : i32
      %lt3A_496 = arith.constant 50 : i32
      %lt3A_497 = arith.cmpi slt, %add3A_495, %lt3A_496 : i32
      %convert_element_type3A_498 = arith.extui %lt3A_497 : i1 to i32
      %cond3A_499 = arith.constant 0 : i32
      %cond3A_500 = arith.cmpi ne, %convert_element_type3A_498, %cond3A_499 : i32
      scf.if %cond3A_500 {
        %add3A_511 = arith.constant 1 : i32
        %add3A_512 = arith.addi %add3A_465, %add3A_511 : i32
        %mul3A_513 = arith.constant 1024 : i32
        %mul3A_514 = arith.muli %add3A_512, %mul3A_513 : i32
        %dma_start3A_515 = arith.constant 0 : i32
        %dma_start3A_516 = arith.constant 0 : i32
        %dma_start3A_517 = arith.constant 0 : i32
        %dma_start3A_518 = tpu.memref_slice %arg6[%dma_start3A_517] : memref<2048xf32, #tpu.memory_space<vmem>> -> memref<1024xf32, #tpu.memory_space<vmem>>
        %dma_start3A_519 = tpu.memref_slice %arg2[%add3A_139, %mul3A_514] : memref<256x51200xf32, #tpu.memory_space<hbm>> -> memref<1x1024xf32, #tpu.memory_space<hbm>>
        %dma_start3A_520 = tpu.memref_squeeze %dma_start3A_519 : memref<1x1024xf32, #tpu.memory_space<hbm>> -> memref<1024xf32, #tpu.memory_space<hbm>>
        %dma_start3A_521 = tpu.memref_slice %arg12[%dma_start3A_515, %dma_start3A_516] : memref<2x2x!tpu.dma_semaphore, #tpu.memory_space<semaphore_mem>> -> memref<1x1x!tpu.dma_semaphore, #tpu.memory_space<semaphore_mem>>
        %dma_start3A_522 = tpu.memref_squeeze %dma_start3A_521 : memref<1x1x!tpu.dma_semaphore, #tpu.memory_space<semaphore_mem>> -> memref<!tpu.dma_semaphore, #tpu.memory_space<semaphore_mem>>
        %dma_start3A_523 = arith.constant 0 : i32
        %dma_start3A_524 = tpu.memref_slice %arg6[%dma_start3A_523] : memref<2048xf32, #tpu.memory_space<vmem>> -> memref<1024xf32, #tpu.memory_space<vmem>>
        %dma_start3A_525 = tpu.memref_slice %arg2[%add3A_139, %mul3A_514] : memref<256x51200xf32, #tpu.memory_space<hbm>> -> memref<1x1024xf32, #tpu.memory_space<hbm>>
        %dma_start3A_526 = tpu.memref_squeeze %dma_start3A_525 : memref<1x1024xf32, #tpu.memory_space<hbm>> -> memref<1024xf32, #tpu.memory_space<hbm>>
        tpu.enqueue_dma source(%dma_start3A_526 : memref<1024xf32, #tpu.memory_space<hbm>>) target(%dma_start3A_524 : memref<1024xf32, #tpu.memory_space<vmem>>) target_semaphore(%dma_start3A_522 : memref<!tpu.dma_semaphore, #tpu.memory_space<semaphore_mem>>)
        %mul3A_527 = arith.constant 1024 : i32
        %mul3A_528 = arith.muli %add3A_512, %mul3A_527 : i32
        %dma_start3A_529 = arith.constant 0 : i32
        %dma_start3A_530 = arith.constant 1 : i32
        %dma_start3A_531 = arith.constant 0 : i32
        %dma_start3A_532 = tpu.memref_slice %arg7[%dma_start3A_531] : memref<2048xi32, #tpu.memory_space<vmem>> -> memref<1024xi32, #tpu.memory_space<vmem>>
        %dma_start3A_533 = tpu.memref_slice %arg3[%add3A_139, %mul3A_528] : memref<256x51200xi32, #tpu.memory_space<hbm>> -> memref<1x1024xi32, #tpu.memory_space<hbm>>
        %dma_start3A_534 = tpu.memref_squeeze %dma_start3A_533 : memref<1x1024xi32, #tpu.memory_space<hbm>> -> memref<1024xi32, #tpu.memory_space<hbm>>
        %dma_start3A_535 = tpu.memref_slice %arg12[%dma_start3A_529, %dma_start3A_530] : memref<2x2x!tpu.dma_semaphore, #tpu.memory_space<semaphore_mem>> -> memref<1x1x!tpu.dma_semaphore, #tpu.memory_space<semaphore_mem>>
        %dma_start3A_536 = tpu.memref_squeeze %dma_start3A_535 : memref<1x1x!tpu.dma_semaphore, #tpu.memory_space<semaphore_mem>> -> memref<!tpu.dma_semaphore, #tpu.memory_space<semaphore_mem>>
        %dma_start3A_537 = arith.constant 0 : i32
        %dma_start3A_538 = tpu.memref_slice %arg7[%dma_start3A_537] : memref<2048xi32, #tpu.memory_space<vmem>> -> memref<1024xi32, #tpu.memory_space<vmem>>
        %dma_start3A_539 = tpu.memref_slice %arg3[%add3A_139, %mul3A_528] : memref<256x51200xi32, #tpu.memory_space<hbm>> -> memref<1x1024xi32, #tpu.memory_space<hbm>>
        %dma_start3A_540 = tpu.memref_squeeze %dma_start3A_539 : memref<1x1024xi32, #tpu.memory_space<hbm>> -> memref<1024xi32, #tpu.memory_space<hbm>>
        tpu.enqueue_dma source(%dma_start3A_540 : memref<1024xi32, #tpu.memory_space<hbm>>) target(%dma_start3A_538 : memref<1024xi32, #tpu.memory_space<vmem>>) target_semaphore(%dma_start3A_536 : memref<!tpu.dma_semaphore, #tpu.memory_space<semaphore_mem>>)
      } else {
      }
      %broadcast_in_dim3A_501 = arith.constant false
      %broadcast_in_dim3A_502 = vector.broadcast %broadcast_in_dim3A_501 : i1 to vector<16xi1>
      %scan3A_503 = arith.constant 0 : i32
      %scan3A_504 = arith.constant 64 : i32
      %scan3A_505 = arith.addi %scan3A_503, %scan3A_504 : i32
      %scan3A_506 = arith.constant 1 : i32
      %scan3A_507 = scf.for %scan3A_511 = %scan3A_503 to %scan3A_505 step %scan3A_506 iter_args(%scan3A_512 = %broadcast_in_dim3A_502) -> (vector<16xi1>)  : i32 {
        %mul3A_513 = arith.constant 16 : i32
        %mul3A_514 = arith.muli %scan3A_511, %mul3A_513 : i32
        %add3A_515 = arith.constant 1024 : i32
        %add3A_516 = arith.addi %add3A_515, %mul3A_514 : i32
        %multiple_of3A = tpu.assume_multiple %add3A_516, 16 : i32
        %get3A_517 = arith.index_cast %multiple_of3A : i32 to index
        %get3A_518 = tpu.vector_load %arg6[%get3A_517] {strides = array<i32>} : memref<2048xf32, #tpu.memory_space<vmem>>, vector<16xf32>,
        %mul3A_519 = arith.mulf %get3A_518, %get3A_137 : vector<16xf32>
        %get3A_520 = arith.index_cast %multiple_of3A : i32 to index
        %get3A_521 = tpu.vector_load %arg7[%get3A_520] {strides = array<i32>} : memref<2048xi32, #tpu.memory_space<vmem>>, vector<16xi32>,
        %gather3A = tpu.vector_load_idx %arg9[%get3A_521] : memref<51200xf32, #tpu.memory_space<vmem>>[vector<16xi32>], vector<16xf32>,
        %max3A = arith.maximumf %gather3A, %mul3A_519 : vector<16xf32>
        tpu.vector_store_idx %arg9[%get3A_521], %max3A : memref<51200xf32, #tpu.memory_space<vmem>>[vector<16xi32>], vector<16xf32>,
        %gather3A_522 = tpu.vector_load_idx %arg9[%get3A_521] : memref<51200xf32, #tpu.memory_space<vmem>>[vector<16xi32>], vector<16xf32>,
        %gt3A = arith.cmpf ogt, %max3A, %gather3A_522 : vector<16xf32>
        %or3A = arith.ori %scan3A_512, %gt3A : vector<16xi1>
        scf.yield %or3A : vector<16xi1>
      }
      %scan3A_508 = arith.constant 64 : i32
      %while3A_509 = scf.while (%while3A_511 = %scan3A_507) : (vector<16xi1>) -> vector<16xi1> {
        %reduce_or3A = arith.constant 1.000000e+00 : f32
        %reduce_or3A_512 = arith.constant 0.000000e+00 : f32
        %reduce_or3A_513 = vector.broadcast %reduce_or3A : f32 to vector<16xf32>
        %reduce_or3A_514 = vector.broadcast %reduce_or3A_512 : f32 to vector<16xf32>
        %reduce_or3A_515 = arith.select %while3A_511, %reduce_or3A_513, %reduce_or3A_514 : vector<16xi1>, vector<16xf32>
        %reduce_or3A_516 = arith.constant true
        %reduce_or3A_517 = vector.broadcast %reduce_or3A_516 : i1 to vector<16xi1>
        %reduce_or3A_518 = tpu.scan <max>, %reduce_or3A_515 masked %reduce_or3A_517 : vector<16xf32>, vector<16xi1> -> vector<16xf32>
        %reduce_or3A_519 = vector.extract %reduce_or3A_518[15] : f32 from vector<16xf32>
        %reduce_or3A_520 = arith.constant 0.000000e+00 : f32
        %reduce_or3A_521 = arith.cmpf ogt, %reduce_or3A_519, %reduce_or3A_520 : f32
        scf.condition(%reduce_or3A_521) %while3A_511 : vector<16xi1>
      } do {
      ^bb0(%while3A_511: vector<16xi1>):
        %scan3A_512 = arith.constant 0 : i32
        %scan3A_513 = arith.constant 64 : i32
        %scan3A_514 = arith.addi %scan3A_512, %scan3A_513 : i32
        %scan3A_515 = arith.constant 1 : i32
        %scan3A_516 = scf.for %scan3A_518 = %scan3A_512 to %scan3A_514 step %scan3A_515 iter_args(%scan3A_519 = %broadcast_in_dim3A_502) -> (vector<16xi1>)  : i32 {
          %mul3A_520 = arith.constant 16 : i32
          %mul3A_521 = arith.muli %scan3A_518, %mul3A_520 : i32
          %add3A_522 = arith.constant 1024 : i32
          %add3A_523 = arith.addi %add3A_522, %mul3A_521 : i32
          %multiple_of3A = tpu.assume_multiple %add3A_523, 16 : i32
          %get3A_524 = arith.index_cast %multiple_of3A : i32 to index
          %get3A_525 = tpu.vector_load %arg6[%get3A_524] {strides = array<i32>} : memref<2048xf32, #tpu.memory_space<vmem>>, vector<16xf32>,
          %mul3A_526 = arith.mulf %get3A_525, %get3A_137 : vector<16xf32>
          %get3A_527 = arith.index_cast %multiple_of3A : i32 to index
          %get3A_528 = tpu.vector_load %arg7[%get3A_527] {strides = array<i32>} : memref<2048xi32, #tpu.memory_space<vmem>>, vector<16xi32>,
          %gather3A = tpu.vector_load_idx %arg9[%get3A_528] : memref<51200xf32, #tpu.memory_space<vmem>>[vector<16xi32>], vector<16xf32>,
          %max3A = arith.maximumf %gather3A, %mul3A_526 : vector<16xf32>
          tpu.vector_store_idx %arg9[%get3A_528], %max3A : memref<51200xf32, #tpu.memory_space<vmem>>[vector<16xi32>], vector<16xf32>,
          %gather3A_529 = tpu.vector_load_idx %arg9[%get3A_528] : memref<51200xf32, #tpu.memory_space<vmem>>[vector<16xi32>], vector<16xf32>,
          %gt3A = arith.cmpf ogt, %max3A, %gather3A_529 : vector<16xf32>
          %or3A = arith.ori %scan3A_519, %gt3A : vector<16xi1>
          scf.yield %or3A : vector<16xi1>
        }
        %scan3A_517 = arith.constant 64 : i32
        scf.yield %scan3A_516 : vector<16xi1>
      }
      %scan3A_510 = arith.constant 0 : i32
      scf.yield %scan3A_510 : i32
    }
    %scan3A_146 = arith.constant 25 : i32
    %add3A_147 = arith.constant 96 : i32
    %add3A_148 = arith.addi %add3A_147, %add3A : i32
    %dma_start3A_149 = arith.constant 0 : i32
    %dma_start3A_150 = arith.constant 0 : i32
    %dma_start3A_151 = arith.constant 0 : i32
    %dma_start3A_152 = tpu.memref_slice %arg6[%dma_start3A_151] : memref<2048xf32, #tpu.memory_space<vmem>> -> memref<1024xf32, #tpu.memory_space<vmem>>
    %dma_start3A_153 = arith.constant 0 : i32
    %dma_start3A_154 = tpu.memref_slice %arg2[%add3A_148, %dma_start3A_153] : memref<256x51200xf32, #tpu.memory_space<hbm>> -> memref<1x1024xf32, #tpu.memory_space<hbm>>
    %dma_start3A_155 = tpu.memref_squeeze %dma_start3A_154 : memref<1x1024xf32, #tpu.memory_space<hbm>> -> memref<1024xf32, #tpu.memory_space<hbm>>
    %dma_start3A_156 = tpu.memref_slice %arg12[%dma_start3A_149, %dma_start3A_150] : memref<2x2x!tpu.dma_semaphore, #tpu.memory_space<semaphore_mem>> -> memref<1x1x!tpu.dma_semaphore, #tpu.memory_space<semaphore_mem>>
    %dma_start3A_157 = tpu.memref_squeeze %dma_start3A_156 : memref<1x1x!tpu.dma_semaphore, #tpu.memory_space<semaphore_mem>> -> memref<!tpu.dma_semaphore, #tpu.memory_space<semaphore_mem>>
    %dma_start3A_158 = arith.constant 0 : i32
    %dma_start3A_159 = tpu.memref_slice %arg6[%dma_start3A_158] : memref<2048xf32, #tpu.memory_space<vmem>> -> memref<1024xf32, #tpu.memory_space<vmem>>
    %dma_start3A_160 = arith.constant 0 : i32
    %dma_start3A_161 = tpu.memref_slice %arg2[%add3A_148, %dma_start3A_160] : memref<256x51200xf32, #tpu.memory_space<hbm>> -> memref<1x1024xf32, #tpu.memory_space<hbm>>
    %dma_start3A_162 = tpu.memref_squeeze %dma_start3A_161 : memref<1x1024xf32, #tpu.memory_space<hbm>> -> memref<1024xf32, #tpu.memory_space<hbm>>
    tpu.enqueue_dma source(%dma_start3A_162 : memref<1024xf32, #tpu.memory_space<hbm>>) target(%dma_start3A_159 : memref<1024xf32, #tpu.memory_space<vmem>>) target_semaphore(%dma_start3A_157 : memref<!tpu.dma_semaphore, #tpu.memory_space<semaphore_mem>>)
    %dma_start3A_163 = arith.constant 0 : i32
    %dma_start3A_164 = arith.constant 1 : i32
    %dma_start3A_165 = arith.constant 0 : i32
    %dma_start3A_166 = tpu.memref_slice %arg7[%dma_start3A_165] : memref<2048xi32, #tpu.memory_space<vmem>> -> memref<1024xi32, #tpu.memory_space<vmem>>
    %dma_start3A_167 = arith.constant 0 : i32
    %dma_start3A_168 = tpu.memref_slice %arg3[%add3A_148, %dma_start3A_167] : memref<256x51200xi32, #tpu.memory_space<hbm>> -> memref<1x1024xi32, #tpu.memory_space<hbm>>
    %dma_start3A_169 = tpu.memref_squeeze %dma_start3A_168 : memref<1x1024xi32, #tpu.memory_space<hbm>> -> memref<1024xi32, #tpu.memory_space<hbm>>
    %dma_start3A_170 = tpu.memref_slice %arg12[%dma_start3A_163, %dma_start3A_164] : memref<2x2x!tpu.dma_semaphore, #tpu.memory_space<semaphore_mem>> -> memref<1x1x!tpu.dma_semaphore, #tpu.memory_space<semaphore_mem>>
    %dma_start3A_171 = tpu.memref_squeeze %dma_start3A_170 : memref<1x1x!tpu.dma_semaphore, #tpu.memory_space<semaphore_mem>> -> memref<!tpu.dma_semaphore, #tpu.memory_space<semaphore_mem>>
    %dma_start3A_172 = arith.constant 0 : i32
    %dma_start3A_173 = tpu.memref_slice %arg7[%dma_start3A_172] : memref<2048xi32, #tpu.memory_space<vmem>> -> memref<1024xi32, #tpu.memory_space<vmem>>
    %dma_start3A_174 = arith.constant 0 : i32
    %dma_start3A_175 = tpu.memref_slice %arg3[%add3A_148, %dma_start3A_174] : memref<256x51200xi32, #tpu.memory_space<hbm>> -> memref<1x1024xi32, #tpu.memory_space<hbm>>
    %dma_start3A_176 = tpu.memref_squeeze %dma_start3A_175 : memref<1x1024xi32, #tpu.memory_space<hbm>> -> memref<1024xi32, #tpu.memory_space<hbm>>
    tpu.enqueue_dma source(%dma_start3A_176 : memref<1024xi32, #tpu.memory_space<hbm>>) target(%dma_start3A_173 : memref<1024xi32, #tpu.memory_space<vmem>>) target_semaphore(%dma_start3A_171 : memref<!tpu.dma_semaphore, #tpu.memory_space<semaphore_mem>>)
    %scan3A_177 = arith.constant 0 : i32
    %scan3A_178 = arith.constant 0 : i32
    %scan3A_179 = arith.constant 3200 : i32
    %scan3A_180 = arith.addi %scan3A_178, %scan3A_179 : i32
    %scan3A_181 = arith.constant 1 : i32
    %scan3A_182 = scf.for %scan3A_417 = %scan3A_178 to %scan3A_180 step %scan3A_181 iter_args(%scan3A_418 = %scan3A_177) -> (i32)  : i32 {
      %mul3A_419 = arith.constant 16 : i32
      %mul3A_420 = arith.muli %scan3A_417, %mul3A_419 : i32
      %multiple_of3A = tpu.assume_multiple %mul3A_420, 16 : i32
      %get3A_421 = arith.index_cast %multiple_of3A : i32 to index
      %get3A_422 = tpu.vector_load %arg10[%get3A_421] {strides = array<i32>} : memref<51200xf32, #tpu.memory_space<vmem>>, vector<16xf32>,
      %get3A_423 = arith.index_cast %multiple_of3A : i32 to index
      %get3A_424 = tpu.vector_load %arg9[%get3A_423] {strides = array<i32>} : memref<51200xf32, #tpu.memory_space<vmem>>, vector<16xf32>,
      %add3A_425 = arith.addf %get3A_422, %get3A_424 : vector<16xf32>
      %swap3A = arith.index_cast %multiple_of3A : i32 to index
      %swap3A_426 = tpu.vector_load %arg10[%swap3A] {strides = array<i32>} : memref<51200xf32, #tpu.memory_space<vmem>>, vector<16xf32>,
      tpu.vector_store %arg10[%swap3A], %add3A_425 {strides = array<i32>} : memref<51200xf32, #tpu.memory_space<vmem>>, vector<16xf32>,
      %swap3A_427 = arith.index_cast %multiple_of3A : i32 to index
      %swap3A_428 = tpu.vector_load %arg9[%swap3A_427] {strides = array<i32>} : memref<51200xf32, #tpu.memory_space<vmem>>, vector<16xf32>,
      tpu.vector_store %arg9[%swap3A_427], %broadcast_in_dim3A_1 {strides = array<i32>} : memref<51200xf32, #tpu.memory_space<vmem>>, vector<16xf32>,
      %scan3A_429 = arith.constant 0 : i32
      scf.yield %scan3A_429 : i32
    }
    %scan3A_183 = arith.constant 3200 : i32
    %get3A_184 = arith.constant 3 : i32
    %get3A_185 = arith.index_cast %get3A_184 : i32 to index
    %get3A_186 = arith.constant 0 : index
    %get3A_187 = tpu.vector_load %arg8[%get3A_185, %get3A_186] {strides = array<i32>} : memref<8x16xf32, #tpu.memory_space<vmem>>, vector<16xf32>,
    %add3A_188 = arith.constant 96 : i32
    %add3A_189 = arith.addi %add3A_188, %add3A : i32
    %scan3A_190 = arith.constant 0 : i32
    %scan3A_191 = arith.constant 0 : i32
    %scan3A_192 = arith.constant 25 : i32
    %scan3A_193 = arith.addi %scan3A_191, %scan3A_192 : i32
    %scan3A_194 = arith.constant 1 : i32
    %scan3A_195 = scf.for %scan3A_417 = %scan3A_191 to %scan3A_193 step %scan3A_194 iter_args(%scan3A_418 = %scan3A_190) -> (i32)  : i32 {
      %mul3A_419 = arith.constant 2 : i32
      %mul3A_420 = arith.muli %scan3A_417, %mul3A_419 : i32
      %add3A_421 = arith.constant 0 : i32
      %add3A_422 = arith.addi %mul3A_420, %add3A_421 : i32
      %mul3A_423 = arith.constant 1024 : i32
      %mul3A_424 = arith.muli %add3A_422, %mul3A_423 : i32
      %dma_wait3A = arith.constant 0 : i32
      %dma_wait3A_425 = arith.constant 0 : i32
      %dma_wait3A_426 = arith.constant 0 : i32
      %dma_wait3A_427 = tpu.memref_slice %arg6[%dma_wait3A_426] : memref<2048xf32, #tpu.memory_space<vmem>> -> memref<1024xf32, #tpu.memory_space<vmem>>
      %dma_wait3A_428 = tpu.memref_slice %arg2[%add3A_189, %mul3A_424] : memref<256x51200xf32, #tpu.memory_space<hbm>> -> memref<1x1024xf32, #tpu.memory_space<hbm>>
      %dma_wait3A_429 = tpu.memref_squeeze %dma_wait3A_428 : memref<1x1024xf32, #tpu.memory_space<hbm>> -> memref<1024xf32, #tpu.memory_space<hbm>>
      %dma_wait3A_430 = tpu.memref_slice %arg12[%dma_wait3A, %dma_wait3A_425] : memref<2x2x!tpu.dma_semaphore, #tpu.memory_space<semaphore_mem>> -> memref<1x1x!tpu.dma_semaphore, #tpu.memory_space<semaphore_mem>>
      %dma_wait3A_431 = tpu.memref_squeeze %dma_wait3A_430 : memref<1x1x!tpu.dma_semaphore, #tpu.memory_space<semaphore_mem>> -> memref<!tpu.dma_semaphore, #tpu.memory_space<semaphore_mem>>
      %dma_wait3A_432 = arith.constant 0 : i32
      %dma_wait3A_433 = tpu.memref_slice %arg6[%dma_wait3A_432] : memref<2048xf32, #tpu.memory_space<vmem>> -> memref<1024xf32, #tpu.memory_space<vmem>>
      %dma_wait3A_434 = tpu.memref_slice %arg2[%add3A_189, %mul3A_424] : memref<256x51200xf32, #tpu.memory_space<hbm>> -> memref<1x1024xf32, #tpu.memory_space<hbm>>
      %dma_wait3A_435 = tpu.memref_squeeze %dma_wait3A_434 : memref<1x1024xf32, #tpu.memory_space<hbm>> -> memref<1024xf32, #tpu.memory_space<hbm>>
      tpu.wait_dma2 semaphore(%dma_wait3A_431 : memref<!tpu.dma_semaphore, #tpu.memory_space<semaphore_mem>>) src(%dma_wait3A_435 : memref<1024xf32, #tpu.memory_space<hbm>>) dst(%dma_wait3A_433 : memref<1024xf32, #tpu.memory_space<vmem>>)
      %mul3A_436 = arith.constant 1024 : i32
      %mul3A_437 = arith.muli %add3A_422, %mul3A_436 : i32
      %dma_wait3A_438 = arith.constant 0 : i32
      %dma_wait3A_439 = arith.constant 1 : i32
      %dma_wait3A_440 = arith.constant 0 : i32
      %dma_wait3A_441 = tpu.memref_slice %arg7[%dma_wait3A_440] : memref<2048xi32, #tpu.memory_space<vmem>> -> memref<1024xi32, #tpu.memory_space<vmem>>
      %dma_wait3A_442 = tpu.memref_slice %arg3[%add3A_189, %mul3A_437] : memref<256x51200xi32, #tpu.memory_space<hbm>> -> memref<1x1024xi32, #tpu.memory_space<hbm>>
      %dma_wait3A_443 = tpu.memref_squeeze %dma_wait3A_442 : memref<1x1024xi32, #tpu.memory_space<hbm>> -> memref<1024xi32, #tpu.memory_space<hbm>>
      %dma_wait3A_444 = tpu.memref_slice %arg12[%dma_wait3A_438, %dma_wait3A_439] : memref<2x2x!tpu.dma_semaphore, #tpu.memory_space<semaphore_mem>> -> memref<1x1x!tpu.dma_semaphore, #tpu.memory_space<semaphore_mem>>
      %dma_wait3A_445 = tpu.memref_squeeze %dma_wait3A_444 : memref<1x1x!tpu.dma_semaphore, #tpu.memory_space<semaphore_mem>> -> memref<!tpu.dma_semaphore, #tpu.memory_space<semaphore_mem>>
      %dma_wait3A_446 = arith.constant 0 : i32
      %dma_wait3A_447 = tpu.memref_slice %arg7[%dma_wait3A_446] : memref<2048xi32, #tpu.memory_space<vmem>> -> memref<1024xi32, #tpu.memory_space<vmem>>
      %dma_wait3A_448 = tpu.memref_slice %arg3[%add3A_189, %mul3A_437] : memref<256x51200xi32, #tpu.memory_space<hbm>> -> memref<1x1024xi32, #tpu.memory_space<hbm>>
      %dma_wait3A_449 = tpu.memref_squeeze %dma_wait3A_448 : memref<1x1024xi32, #tpu.memory_space<hbm>> -> memref<1024xi32, #tpu.memory_space<hbm>>
      tpu.wait_dma2 semaphore(%dma_wait3A_445 : memref<!tpu.dma_semaphore, #tpu.memory_space<semaphore_mem>>) src(%dma_wait3A_449 : memref<1024xi32, #tpu.memory_space<hbm>>) dst(%dma_wait3A_447 : memref<1024xi32, #tpu.memory_space<vmem>>)
      %add3A_450 = arith.constant 1 : i32
      %add3A_451 = arith.addi %add3A_422, %add3A_450 : i32
      %lt3A = arith.constant 50 : i32
      %lt3A_452 = arith.cmpi slt, %add3A_451, %lt3A : i32
      %convert_element_type3A = arith.extui %lt3A_452 : i1 to i32
      %cond3A = arith.constant 0 : i32
      %cond3A_453 = arith.cmpi ne, %convert_element_type3A, %cond3A : i32
      scf.if %cond3A_453 {
        %add3A_511 = arith.constant 1 : i32
        %add3A_512 = arith.addi %add3A_422, %add3A_511 : i32
        %mul3A_513 = arith.constant 1024 : i32
        %mul3A_514 = arith.muli %add3A_512, %mul3A_513 : i32
        %dma_start3A_515 = arith.constant 1 : i32
        %dma_start3A_516 = arith.constant 0 : i32
        %dma_start3A_517 = arith.constant 1024 : i32
        %dma_start3A_518 = tpu.memref_slice %arg6[%dma_start3A_517] : memref<2048xf32, #tpu.memory_space<vmem>> -> memref<1024xf32, #tpu.memory_space<vmem>>
        %dma_start3A_519 = tpu.memref_slice %arg2[%add3A_189, %mul3A_514] : memref<256x51200xf32, #tpu.memory_space<hbm>> -> memref<1x1024xf32, #tpu.memory_space<hbm>>
        %dma_start3A_520 = tpu.memref_squeeze %dma_start3A_519 : memref<1x1024xf32, #tpu.memory_space<hbm>> -> memref<1024xf32, #tpu.memory_space<hbm>>
        %dma_start3A_521 = tpu.memref_slice %arg12[%dma_start3A_515, %dma_start3A_516] : memref<2x2x!tpu.dma_semaphore, #tpu.memory_space<semaphore_mem>> -> memref<1x1x!tpu.dma_semaphore, #tpu.memory_space<semaphore_mem>>
        %dma_start3A_522 = tpu.memref_squeeze %dma_start3A_521 : memref<1x1x!tpu.dma_semaphore, #tpu.memory_space<semaphore_mem>> -> memref<!tpu.dma_semaphore, #tpu.memory_space<semaphore_mem>>
        %dma_start3A_523 = arith.constant 1024 : i32
        %dma_start3A_524 = tpu.memref_slice %arg6[%dma_start3A_523] : memref<2048xf32, #tpu.memory_space<vmem>> -> memref<1024xf32, #tpu.memory_space<vmem>>
        %dma_start3A_525 = tpu.memref_slice %arg2[%add3A_189, %mul3A_514] : memref<256x51200xf32, #tpu.memory_space<hbm>> -> memref<1x1024xf32, #tpu.memory_space<hbm>>
        %dma_start3A_526 = tpu.memref_squeeze %dma_start3A_525 : memref<1x1024xf32, #tpu.memory_space<hbm>> -> memref<1024xf32, #tpu.memory_space<hbm>>
        tpu.enqueue_dma source(%dma_start3A_526 : memref<1024xf32, #tpu.memory_space<hbm>>) target(%dma_start3A_524 : memref<1024xf32, #tpu.memory_space<vmem>>) target_semaphore(%dma_start3A_522 : memref<!tpu.dma_semaphore, #tpu.memory_space<semaphore_mem>>)
        %mul3A_527 = arith.constant 1024 : i32
        %mul3A_528 = arith.muli %add3A_512, %mul3A_527 : i32
        %dma_start3A_529 = arith.constant 1 : i32
        %dma_start3A_530 = arith.constant 1 : i32
        %dma_start3A_531 = arith.constant 1024 : i32
        %dma_start3A_532 = tpu.memref_slice %arg7[%dma_start3A_531] : memref<2048xi32, #tpu.memory_space<vmem>> -> memref<1024xi32, #tpu.memory_space<vmem>>
        %dma_start3A_533 = tpu.memref_slice %arg3[%add3A_189, %mul3A_528] : memref<256x51200xi32, #tpu.memory_space<hbm>> -> memref<1x1024xi32, #tpu.memory_space<hbm>>
        %dma_start3A_534 = tpu.memref_squeeze %dma_start3A_533 : memref<1x1024xi32, #tpu.memory_space<hbm>> -> memref<1024xi32, #tpu.memory_space<hbm>>
        %dma_start3A_535 = tpu.memref_slice %arg12[%dma_start3A_529, %dma_start3A_530] : memref<2x2x!tpu.dma_semaphore, #tpu.memory_space<semaphore_mem>> -> memref<1x1x!tpu.dma_semaphore, #tpu.memory_space<semaphore_mem>>
        %dma_start3A_536 = tpu.memref_squeeze %dma_start3A_535 : memref<1x1x!tpu.dma_semaphore, #tpu.memory_space<semaphore_mem>> -> memref<!tpu.dma_semaphore, #tpu.memory_space<semaphore_mem>>
        %dma_start3A_537 = arith.constant 1024 : i32
        %dma_start3A_538 = tpu.memref_slice %arg7[%dma_start3A_537] : memref<2048xi32, #tpu.memory_space<vmem>> -> memref<1024xi32, #tpu.memory_space<vmem>>
        %dma_start3A_539 = tpu.memref_slice %arg3[%add3A_189, %mul3A_528] : memref<256x51200xi32, #tpu.memory_space<hbm>> -> memref<1x1024xi32, #tpu.memory_space<hbm>>
        %dma_start3A_540 = tpu.memref_squeeze %dma_start3A_539 : memref<1x1024xi32, #tpu.memory_space<hbm>> -> memref<1024xi32, #tpu.memory_space<hbm>>
        tpu.enqueue_dma source(%dma_start3A_540 : memref<1024xi32, #tpu.memory_space<hbm>>) target(%dma_start3A_538 : memref<1024xi32, #tpu.memory_space<vmem>>) target_semaphore(%dma_start3A_536 : memref<!tpu.dma_semaphore, #tpu.memory_space<semaphore_mem>>)
      } else {
      }
      %broadcast_in_dim3A_454 = arith.constant false
      %broadcast_in_dim3A_455 = vector.broadcast %broadcast_in_dim3A_454 : i1 to vector<16xi1>
      %scan3A_456 = arith.constant 0 : i32
      %scan3A_457 = arith.constant 64 : i32
      %scan3A_458 = arith.addi %scan3A_456, %scan3A_457 : i32
      %scan3A_459 = arith.constant 1 : i32
      %scan3A_460 = scf.for %scan3A_511 = %scan3A_456 to %scan3A_458 step %scan3A_459 iter_args(%scan3A_512 = %broadcast_in_dim3A_455) -> (vector<16xi1>)  : i32 {
        %mul3A_513 = arith.constant 16 : i32
        %mul3A_514 = arith.muli %scan3A_511, %mul3A_513 : i32
        %add3A_515 = arith.constant 0 : i32
        %add3A_516 = arith.addi %add3A_515, %mul3A_514 : i32
        %multiple_of3A = tpu.assume_multiple %add3A_516, 16 : i32
        %get3A_517 = arith.index_cast %multiple_of3A : i32 to index
        %get3A_518 = tpu.vector_load %arg6[%get3A_517] {strides = array<i32>} : memref<2048xf32, #tpu.memory_space<vmem>>, vector<16xf32>,
        %mul3A_519 = arith.mulf %get3A_518, %get3A_187 : vector<16xf32>
        %get3A_520 = arith.index_cast %multiple_of3A : i32 to index
        %get3A_521 = tpu.vector_load %arg7[%get3A_520] {strides = array<i32>} : memref<2048xi32, #tpu.memory_space<vmem>>, vector<16xi32>,
        %gather3A = tpu.vector_load_idx %arg9[%get3A_521] : memref<51200xf32, #tpu.memory_space<vmem>>[vector<16xi32>], vector<16xf32>,
        %max3A = arith.maximumf %gather3A, %mul3A_519 : vector<16xf32>
        tpu.vector_store_idx %arg9[%get3A_521], %max3A : memref<51200xf32, #tpu.memory_space<vmem>>[vector<16xi32>], vector<16xf32>,
        %gather3A_522 = tpu.vector_load_idx %arg9[%get3A_521] : memref<51200xf32, #tpu.memory_space<vmem>>[vector<16xi32>], vector<16xf32>,
        %gt3A = arith.cmpf ogt, %max3A, %gather3A_522 : vector<16xf32>
        %or3A = arith.ori %scan3A_512, %gt3A : vector<16xi1>
        scf.yield %or3A : vector<16xi1>
      }
      %scan3A_461 = arith.constant 64 : i32
      %while3A = scf.while (%while3A_511 = %scan3A_460) : (vector<16xi1>) -> vector<16xi1> {
        %reduce_or3A = arith.constant 1.000000e+00 : f32
        %reduce_or3A_512 = arith.constant 0.000000e+00 : f32
        %reduce_or3A_513 = vector.broadcast %reduce_or3A : f32 to vector<16xf32>
        %reduce_or3A_514 = vector.broadcast %reduce_or3A_512 : f32 to vector<16xf32>
        %reduce_or3A_515 = arith.select %while3A_511, %reduce_or3A_513, %reduce_or3A_514 : vector<16xi1>, vector<16xf32>
        %reduce_or3A_516 = arith.constant true
        %reduce_or3A_517 = vector.broadcast %reduce_or3A_516 : i1 to vector<16xi1>
        %reduce_or3A_518 = tpu.scan <max>, %reduce_or3A_515 masked %reduce_or3A_517 : vector<16xf32>, vector<16xi1> -> vector<16xf32>
        %reduce_or3A_519 = vector.extract %reduce_or3A_518[15] : f32 from vector<16xf32>
        %reduce_or3A_520 = arith.constant 0.000000e+00 : f32
        %reduce_or3A_521 = arith.cmpf ogt, %reduce_or3A_519, %reduce_or3A_520 : f32
        scf.condition(%reduce_or3A_521) %while3A_511 : vector<16xi1>
      } do {
      ^bb0(%while3A_511: vector<16xi1>):
        %scan3A_512 = arith.constant 0 : i32
        %scan3A_513 = arith.constant 64 : i32
        %scan3A_514 = arith.addi %scan3A_512, %scan3A_513 : i32
        %scan3A_515 = arith.constant 1 : i32
        %scan3A_516 = scf.for %scan3A_518 = %scan3A_512 to %scan3A_514 step %scan3A_515 iter_args(%scan3A_519 = %broadcast_in_dim3A_455) -> (vector<16xi1>)  : i32 {
          %mul3A_520 = arith.constant 16 : i32
          %mul3A_521 = arith.muli %scan3A_518, %mul3A_520 : i32
          %add3A_522 = arith.constant 0 : i32
          %add3A_523 = arith.addi %add3A_522, %mul3A_521 : i32
          %multiple_of3A = tpu.assume_multiple %add3A_523, 16 : i32
          %get3A_524 = arith.index_cast %multiple_of3A : i32 to index
          %get3A_525 = tpu.vector_load %arg6[%get3A_524] {strides = array<i32>} : memref<2048xf32, #tpu.memory_space<vmem>>, vector<16xf32>,
          %mul3A_526 = arith.mulf %get3A_525, %get3A_187 : vector<16xf32>
          %get3A_527 = arith.index_cast %multiple_of3A : i32 to index
          %get3A_528 = tpu.vector_load %arg7[%get3A_527] {strides = array<i32>} : memref<2048xi32, #tpu.memory_space<vmem>>, vector<16xi32>,
          %gather3A = tpu.vector_load_idx %arg9[%get3A_528] : memref<51200xf32, #tpu.memory_space<vmem>>[vector<16xi32>], vector<16xf32>,
          %max3A = arith.maximumf %gather3A, %mul3A_526 : vector<16xf32>
          tpu.vector_store_idx %arg9[%get3A_528], %max3A : memref<51200xf32, #tpu.memory_space<vmem>>[vector<16xi32>], vector<16xf32>,
          %gather3A_529 = tpu.vector_load_idx %arg9[%get3A_528] : memref<51200xf32, #tpu.memory_space<vmem>>[vector<16xi32>], vector<16xf32>,
          %gt3A = arith.cmpf ogt, %max3A, %gather3A_529 : vector<16xf32>
          %or3A = arith.ori %scan3A_519, %gt3A : vector<16xi1>
          scf.yield %or3A : vector<16xi1>
        }
        %scan3A_517 = arith.constant 64 : i32
        scf.yield %scan3A_516 : vector<16xi1>
      }
      %mul3A_462 = arith.constant 2 : i32
      %mul3A_463 = arith.muli %scan3A_417, %mul3A_462 : i32
      %add3A_464 = arith.constant 1 : i32
      %add3A_465 = arith.addi %mul3A_463, %add3A_464 : i32
      %mul3A_466 = arith.constant 1024 : i32
      %mul3A_467 = arith.muli %add3A_465, %mul3A_466 : i32
      %dma_wait3A_468 = arith.constant 1 : i32
      %dma_wait3A_469 = arith.constant 0 : i32
      %dma_wait3A_470 = arith.constant 1024 : i32
      %dma_wait3A_471 = tpu.memref_slice %arg6[%dma_wait3A_470] : memref<2048xf32, #tpu.memory_space<vmem>> -> memref<1024xf32, #tpu.memory_space<vmem>>
      %dma_wait3A_472 = tpu.memref_slice %arg2[%add3A_189, %mul3A_467] : memref<256x51200xf32, #tpu.memory_space<hbm>> -> memref<1x1024xf32, #tpu.memory_space<hbm>>
      %dma_wait3A_473 = tpu.memref_squeeze %dma_wait3A_472 : memref<1x1024xf32, #tpu.memory_space<hbm>> -> memref<1024xf32, #tpu.memory_space<hbm>>
      %dma_wait3A_474 = tpu.memref_slice %arg12[%dma_wait3A_468, %dma_wait3A_469] : memref<2x2x!tpu.dma_semaphore, #tpu.memory_space<semaphore_mem>> -> memref<1x1x!tpu.dma_semaphore, #tpu.memory_space<semaphore_mem>>
      %dma_wait3A_475 = tpu.memref_squeeze %dma_wait3A_474 : memref<1x1x!tpu.dma_semaphore, #tpu.memory_space<semaphore_mem>> -> memref<!tpu.dma_semaphore, #tpu.memory_space<semaphore_mem>>
      %dma_wait3A_476 = arith.constant 1024 : i32
      %dma_wait3A_477 = tpu.memref_slice %arg6[%dma_wait3A_476] : memref<2048xf32, #tpu.memory_space<vmem>> -> memref<1024xf32, #tpu.memory_space<vmem>>
      %dma_wait3A_478 = tpu.memref_slice %arg2[%add3A_189, %mul3A_467] : memref<256x51200xf32, #tpu.memory_space<hbm>> -> memref<1x1024xf32, #tpu.memory_space<hbm>>
      %dma_wait3A_479 = tpu.memref_squeeze %dma_wait3A_478 : memref<1x1024xf32, #tpu.memory_space<hbm>> -> memref<1024xf32, #tpu.memory_space<hbm>>
      tpu.wait_dma2 semaphore(%dma_wait3A_475 : memref<!tpu.dma_semaphore, #tpu.memory_space<semaphore_mem>>) src(%dma_wait3A_479 : memref<1024xf32, #tpu.memory_space<hbm>>) dst(%dma_wait3A_477 : memref<1024xf32, #tpu.memory_space<vmem>>)
      %mul3A_480 = arith.constant 1024 : i32
      %mul3A_481 = arith.muli %add3A_465, %mul3A_480 : i32
      %dma_wait3A_482 = arith.constant 1 : i32
      %dma_wait3A_483 = arith.constant 1 : i32
      %dma_wait3A_484 = arith.constant 1024 : i32
      %dma_wait3A_485 = tpu.memref_slice %arg7[%dma_wait3A_484] : memref<2048xi32, #tpu.memory_space<vmem>> -> memref<1024xi32, #tpu.memory_space<vmem>>
      %dma_wait3A_486 = tpu.memref_slice %arg3[%add3A_189, %mul3A_481] : memref<256x51200xi32, #tpu.memory_space<hbm>> -> memref<1x1024xi32, #tpu.memory_space<hbm>>
      %dma_wait3A_487 = tpu.memref_squeeze %dma_wait3A_486 : memref<1x1024xi32, #tpu.memory_space<hbm>> -> memref<1024xi32, #tpu.memory_space<hbm>>
      %dma_wait3A_488 = tpu.memref_slice %arg12[%dma_wait3A_482, %dma_wait3A_483] : memref<2x2x!tpu.dma_semaphore, #tpu.memory_space<semaphore_mem>> -> memref<1x1x!tpu.dma_semaphore, #tpu.memory_space<semaphore_mem>>
      %dma_wait3A_489 = tpu.memref_squeeze %dma_wait3A_488 : memref<1x1x!tpu.dma_semaphore, #tpu.memory_space<semaphore_mem>> -> memref<!tpu.dma_semaphore, #tpu.memory_space<semaphore_mem>>
      %dma_wait3A_490 = arith.constant 1024 : i32
      %dma_wait3A_491 = tpu.memref_slice %arg7[%dma_wait3A_490] : memref<2048xi32, #tpu.memory_space<vmem>> -> memref<1024xi32, #tpu.memory_space<vmem>>
      %dma_wait3A_492 = tpu.memref_slice %arg3[%add3A_189, %mul3A_481] : memref<256x51200xi32, #tpu.memory_space<hbm>> -> memref<1x1024xi32, #tpu.memory_space<hbm>>
      %dma_wait3A_493 = tpu.memref_squeeze %dma_wait3A_492 : memref<1x1024xi32, #tpu.memory_space<hbm>> -> memref<1024xi32, #tpu.memory_space<hbm>>
      tpu.wait_dma2 semaphore(%dma_wait3A_489 : memref<!tpu.dma_semaphore, #tpu.memory_space<semaphore_mem>>) src(%dma_wait3A_493 : memref<1024xi32, #tpu.memory_space<hbm>>) dst(%dma_wait3A_491 : memref<1024xi32, #tpu.memory_space<vmem>>)
      %add3A_494 = arith.constant 1 : i32
      %add3A_495 = arith.addi %add3A_465, %add3A_494 : i32
      %lt3A_496 = arith.constant 50 : i32
      %lt3A_497 = arith.cmpi slt, %add3A_495, %lt3A_496 : i32
      %convert_element_type3A_498 = arith.extui %lt3A_497 : i1 to i32
      %cond3A_499 = arith.constant 0 : i32
      %cond3A_500 = arith.cmpi ne, %convert_element_type3A_498, %cond3A_499 : i32
      scf.if %cond3A_500 {
        %add3A_511 = arith.constant 1 : i32
        %add3A_512 = arith.addi %add3A_465, %add3A_511 : i32
        %mul3A_513 = arith.constant 1024 : i32
        %mul3A_514 = arith.muli %add3A_512, %mul3A_513 : i32
        %dma_start3A_515 = arith.constant 0 : i32
        %dma_start3A_516 = arith.constant 0 : i32
        %dma_start3A_517 = arith.constant 0 : i32
        %dma_start3A_518 = tpu.memref_slice %arg6[%dma_start3A_517] : memref<2048xf32, #tpu.memory_space<vmem>> -> memref<1024xf32, #tpu.memory_space<vmem>>
        %dma_start3A_519 = tpu.memref_slice %arg2[%add3A_189, %mul3A_514] : memref<256x51200xf32, #tpu.memory_space<hbm>> -> memref<1x1024xf32, #tpu.memory_space<hbm>>
        %dma_start3A_520 = tpu.memref_squeeze %dma_start3A_519 : memref<1x1024xf32, #tpu.memory_space<hbm>> -> memref<1024xf32, #tpu.memory_space<hbm>>
        %dma_start3A_521 = tpu.memref_slice %arg12[%dma_start3A_515, %dma_start3A_516] : memref<2x2x!tpu.dma_semaphore, #tpu.memory_space<semaphore_mem>> -> memref<1x1x!tpu.dma_semaphore, #tpu.memory_space<semaphore_mem>>
        %dma_start3A_522 = tpu.memref_squeeze %dma_start3A_521 : memref<1x1x!tpu.dma_semaphore, #tpu.memory_space<semaphore_mem>> -> memref<!tpu.dma_semaphore, #tpu.memory_space<semaphore_mem>>
        %dma_start3A_523 = arith.constant 0 : i32
        %dma_start3A_524 = tpu.memref_slice %arg6[%dma_start3A_523] : memref<2048xf32, #tpu.memory_space<vmem>> -> memref<1024xf32, #tpu.memory_space<vmem>>
        %dma_start3A_525 = tpu.memref_slice %arg2[%add3A_189, %mul3A_514] : memref<256x51200xf32, #tpu.memory_space<hbm>> -> memref<1x1024xf32, #tpu.memory_space<hbm>>
        %dma_start3A_526 = tpu.memref_squeeze %dma_start3A_525 : memref<1x1024xf32, #tpu.memory_space<hbm>> -> memref<1024xf32, #tpu.memory_space<hbm>>
        tpu.enqueue_dma source(%dma_start3A_526 : memref<1024xf32, #tpu.memory_space<hbm>>) target(%dma_start3A_524 : memref<1024xf32, #tpu.memory_space<vmem>>) target_semaphore(%dma_start3A_522 : memref<!tpu.dma_semaphore, #tpu.memory_space<semaphore_mem>>)
        %mul3A_527 = arith.constant 1024 : i32
        %mul3A_528 = arith.muli %add3A_512, %mul3A_527 : i32
        %dma_start3A_529 = arith.constant 0 : i32
        %dma_start3A_530 = arith.constant 1 : i32
        %dma_start3A_531 = arith.constant 0 : i32
        %dma_start3A_532 = tpu.memref_slice %arg7[%dma_start3A_531] : memref<2048xi32, #tpu.memory_space<vmem>> -> memref<1024xi32, #tpu.memory_space<vmem>>
        %dma_start3A_533 = tpu.memref_slice %arg3[%add3A_189, %mul3A_528] : memref<256x51200xi32, #tpu.memory_space<hbm>> -> memref<1x1024xi32, #tpu.memory_space<hbm>>
        %dma_start3A_534 = tpu.memref_squeeze %dma_start3A_533 : memref<1x1024xi32, #tpu.memory_space<hbm>> -> memref<1024xi32, #tpu.memory_space<hbm>>
        %dma_start3A_535 = tpu.memref_slice %arg12[%dma_start3A_529, %dma_start3A_530] : memref<2x2x!tpu.dma_semaphore, #tpu.memory_space<semaphore_mem>> -> memref<1x1x!tpu.dma_semaphore, #tpu.memory_space<semaphore_mem>>
        %dma_start3A_536 = tpu.memref_squeeze %dma_start3A_535 : memref<1x1x!tpu.dma_semaphore, #tpu.memory_space<semaphore_mem>> -> memref<!tpu.dma_semaphore, #tpu.memory_space<semaphore_mem>>
        %dma_start3A_537 = arith.constant 0 : i32
        %dma_start3A_538 = tpu.memref_slice %arg7[%dma_start3A_537] : memref<2048xi32, #tpu.memory_space<vmem>> -> memref<1024xi32, #tpu.memory_space<vmem>>
        %dma_start3A_539 = tpu.memref_slice %arg3[%add3A_189, %mul3A_528] : memref<256x51200xi32, #tpu.memory_space<hbm>> -> memref<1x1024xi32, #tpu.memory_space<hbm>>
        %dma_start3A_540 = tpu.memref_squeeze %dma_start3A_539 : memref<1x1024xi32, #tpu.memory_space<hbm>> -> memref<1024xi32, #tpu.memory_space<hbm>>
        tpu.enqueue_dma source(%dma_start3A_540 : memref<1024xi32, #tpu.memory_space<hbm>>) target(%dma_start3A_538 : memref<1024xi32, #tpu.memory_space<vmem>>) target_semaphore(%dma_start3A_536 : memref<!tpu.dma_semaphore, #tpu.memory_space<semaphore_mem>>)
      } else {
      }
      %broadcast_in_dim3A_501 = arith.constant false
      %broadcast_in_dim3A_502 = vector.broadcast %broadcast_in_dim3A_501 : i1 to vector<16xi1>
      %scan3A_503 = arith.constant 0 : i32
      %scan3A_504 = arith.constant 64 : i32
      %scan3A_505 = arith.addi %scan3A_503, %scan3A_504 : i32
      %scan3A_506 = arith.constant 1 : i32
      %scan3A_507 = scf.for %scan3A_511 = %scan3A_503 to %scan3A_505 step %scan3A_506 iter_args(%scan3A_512 = %broadcast_in_dim3A_502) -> (vector<16xi1>)  : i32 {
        %mul3A_513 = arith.constant 16 : i32
        %mul3A_514 = arith.muli %scan3A_511, %mul3A_513 : i32
        %add3A_515 = arith.constant 1024 : i32
        %add3A_516 = arith.addi %add3A_515, %mul3A_514 : i32
        %multiple_of3A = tpu.assume_multiple %add3A_516, 16 : i32
        %get3A_517 = arith.index_cast %multiple_of3A : i32 to index
        %get3A_518 = tpu.vector_load %arg6[%get3A_517] {strides = array<i32>} : memref<2048xf32, #tpu.memory_space<vmem>>, vector<16xf32>,
        %mul3A_519 = arith.mulf %get3A_518, %get3A_187 : vector<16xf32>
        %get3A_520 = arith.index_cast %multiple_of3A : i32 to index
        %get3A_521 = tpu.vector_load %arg7[%get3A_520] {strides = array<i32>} : memref<2048xi32, #tpu.memory_space<vmem>>, vector<16xi32>,
        %gather3A = tpu.vector_load_idx %arg9[%get3A_521] : memref<51200xf32, #tpu.memory_space<vmem>>[vector<16xi32>], vector<16xf32>,
        %max3A = arith.maximumf %gather3A, %mul3A_519 : vector<16xf32>
        tpu.vector_store_idx %arg9[%get3A_521], %max3A : memref<51200xf32, #tpu.memory_space<vmem>>[vector<16xi32>], vector<16xf32>,
        %gather3A_522 = tpu.vector_load_idx %arg9[%get3A_521] : memref<51200xf32, #tpu.memory_space<vmem>>[vector<16xi32>], vector<16xf32>,
        %gt3A = arith.cmpf ogt, %max3A, %gather3A_522 : vector<16xf32>
        %or3A = arith.ori %scan3A_512, %gt3A : vector<16xi1>
        scf.yield %or3A : vector<16xi1>
      }
      %scan3A_508 = arith.constant 64 : i32
      %while3A_509 = scf.while (%while3A_511 = %scan3A_507) : (vector<16xi1>) -> vector<16xi1> {
        %reduce_or3A = arith.constant 1.000000e+00 : f32
        %reduce_or3A_512 = arith.constant 0.000000e+00 : f32
        %reduce_or3A_513 = vector.broadcast %reduce_or3A : f32 to vector<16xf32>
        %reduce_or3A_514 = vector.broadcast %reduce_or3A_512 : f32 to vector<16xf32>
        %reduce_or3A_515 = arith.select %while3A_511, %reduce_or3A_513, %reduce_or3A_514 : vector<16xi1>, vector<16xf32>
        %reduce_or3A_516 = arith.constant true
        %reduce_or3A_517 = vector.broadcast %reduce_or3A_516 : i1 to vector<16xi1>
        %reduce_or3A_518 = tpu.scan <max>, %reduce_or3A_515 masked %reduce_or3A_517 : vector<16xf32>, vector<16xi1> -> vector<16xf32>
        %reduce_or3A_519 = vector.extract %reduce_or3A_518[15] : f32 from vector<16xf32>
        %reduce_or3A_520 = arith.constant 0.000000e+00 : f32
        %reduce_or3A_521 = arith.cmpf ogt, %reduce_or3A_519, %reduce_or3A_520 : f32
        scf.condition(%reduce_or3A_521) %while3A_511 : vector<16xi1>
      } do {
      ^bb0(%while3A_511: vector<16xi1>):
        %scan3A_512 = arith.constant 0 : i32
        %scan3A_513 = arith.constant 64 : i32
        %scan3A_514 = arith.addi %scan3A_512, %scan3A_513 : i32
        %scan3A_515 = arith.constant 1 : i32
        %scan3A_516 = scf.for %scan3A_518 = %scan3A_512 to %scan3A_514 step %scan3A_515 iter_args(%scan3A_519 = %broadcast_in_dim3A_502) -> (vector<16xi1>)  : i32 {
          %mul3A_520 = arith.constant 16 : i32
          %mul3A_521 = arith.muli %scan3A_518, %mul3A_520 : i32
          %add3A_522 = arith.constant 1024 : i32
          %add3A_523 = arith.addi %add3A_522, %mul3A_521 : i32
          %multiple_of3A = tpu.assume_multiple %add3A_523, 16 : i32
          %get3A_524 = arith.index_cast %multiple_of3A : i32 to index
          %get3A_525 = tpu.vector_load %arg6[%get3A_524] {strides = array<i32>} : memref<2048xf32, #tpu.memory_space<vmem>>, vector<16xf32>,
          %mul3A_526 = arith.mulf %get3A_525, %get3A_187 : vector<16xf32>
          %get3A_527 = arith.index_cast %multiple_of3A : i32 to index
          %get3A_528 = tpu.vector_load %arg7[%get3A_527] {strides = array<i32>} : memref<2048xi32, #tpu.memory_space<vmem>>, vector<16xi32>,
          %gather3A = tpu.vector_load_idx %arg9[%get3A_528] : memref<51200xf32, #tpu.memory_space<vmem>>[vector<16xi32>], vector<16xf32>,
          %max3A = arith.maximumf %gather3A, %mul3A_526 : vector<16xf32>
          tpu.vector_store_idx %arg9[%get3A_528], %max3A : memref<51200xf32, #tpu.memory_space<vmem>>[vector<16xi32>], vector<16xf32>,
          %gather3A_529 = tpu.vector_load_idx %arg9[%get3A_528] : memref<51200xf32, #tpu.memory_space<vmem>>[vector<16xi32>], vector<16xf32>,
          %gt3A = arith.cmpf ogt, %max3A, %gather3A_529 : vector<16xf32>
          %or3A = arith.ori %scan3A_519, %gt3A : vector<16xi1>
          scf.yield %or3A : vector<16xi1>
        }
        %scan3A_517 = arith.constant 64 : i32
        scf.yield %scan3A_516 : vector<16xi1>
      }
      %scan3A_510 = arith.constant 0 : i32
      scf.yield %scan3A_510 : i32
    }
    %scan3A_196 = arith.constant 25 : i32
    %add3A_197 = arith.constant 128 : i32
    %add3A_198 = arith.addi %add3A_197, %add3A : i32
    %dma_start3A_199 = arith.constant 0 : i32
    %dma_start3A_200 = arith.constant 0 : i32
    %dma_start3A_201 = arith.constant 0 : i32
    %dma_start3A_202 = tpu.memref_slice %arg6[%dma_start3A_201] : memref<2048xf32, #tpu.memory_space<vmem>> -> memref<1024xf32, #tpu.memory_space<vmem>>
    %dma_start3A_203 = arith.constant 0 : i32
    %dma_start3A_204 = tpu.memref_slice %arg2[%add3A_198, %dma_start3A_203] : memref<256x51200xf32, #tpu.memory_space<hbm>> -> memref<1x1024xf32, #tpu.memory_space<hbm>>
    %dma_start3A_205 = tpu.memref_squeeze %dma_start3A_204 : memref<1x1024xf32, #tpu.memory_space<hbm>> -> memref<1024xf32, #tpu.memory_space<hbm>>
    %dma_start3A_206 = tpu.memref_slice %arg12[%dma_start3A_199, %dma_start3A_200] : memref<2x2x!tpu.dma_semaphore, #tpu.memory_space<semaphore_mem>> -> memref<1x1x!tpu.dma_semaphore, #tpu.memory_space<semaphore_mem>>
    %dma_start3A_207 = tpu.memref_squeeze %dma_start3A_206 : memref<1x1x!tpu.dma_semaphore, #tpu.memory_space<semaphore_mem>> -> memref<!tpu.dma_semaphore, #tpu.memory_space<semaphore_mem>>
    %dma_start3A_208 = arith.constant 0 : i32
    %dma_start3A_209 = tpu.memref_slice %arg6[%dma_start3A_208] : memref<2048xf32, #tpu.memory_space<vmem>> -> memref<1024xf32, #tpu.memory_space<vmem>>
    %dma_start3A_210 = arith.constant 0 : i32
    %dma_start3A_211 = tpu.memref_slice %arg2[%add3A_198, %dma_start3A_210] : memref<256x51200xf32, #tpu.memory_space<hbm>> -> memref<1x1024xf32, #tpu.memory_space<hbm>>
    %dma_start3A_212 = tpu.memref_squeeze %dma_start3A_211 : memref<1x1024xf32, #tpu.memory_space<hbm>> -> memref<1024xf32, #tpu.memory_space<hbm>>
    tpu.enqueue_dma source(%dma_start3A_212 : memref<1024xf32, #tpu.memory_space<hbm>>) target(%dma_start3A_209 : memref<1024xf32, #tpu.memory_space<vmem>>) target_semaphore(%dma_start3A_207 : memref<!tpu.dma_semaphore, #tpu.memory_space<semaphore_mem>>)
    %dma_start3A_213 = arith.constant 0 : i32
    %dma_start3A_214 = arith.constant 1 : i32
    %dma_start3A_215 = arith.constant 0 : i32
    %dma_start3A_216 = tpu.memref_slice %arg7[%dma_start3A_215] : memref<2048xi32, #tpu.memory_space<vmem>> -> memref<1024xi32, #tpu.memory_space<vmem>>
    %dma_start3A_217 = arith.constant 0 : i32
    %dma_start3A_218 = tpu.memref_slice %arg3[%add3A_198, %dma_start3A_217] : memref<256x51200xi32, #tpu.memory_space<hbm>> -> memref<1x1024xi32, #tpu.memory_space<hbm>>
    %dma_start3A_219 = tpu.memref_squeeze %dma_start3A_218 : memref<1x1024xi32, #tpu.memory_space<hbm>> -> memref<1024xi32, #tpu.memory_space<hbm>>
    %dma_start3A_220 = tpu.memref_slice %arg12[%dma_start3A_213, %dma_start3A_214] : memref<2x2x!tpu.dma_semaphore, #tpu.memory_space<semaphore_mem>> -> memref<1x1x!tpu.dma_semaphore, #tpu.memory_space<semaphore_mem>>
    %dma_start3A_221 = tpu.memref_squeeze %dma_start3A_220 : memref<1x1x!tpu.dma_semaphore, #tpu.memory_space<semaphore_mem>> -> memref<!tpu.dma_semaphore, #tpu.memory_space<semaphore_mem>>
    %dma_start3A_222 = arith.constant 0 : i32
    %dma_start3A_223 = tpu.memref_slice %arg7[%dma_start3A_222] : memref<2048xi32, #tpu.memory_space<vmem>> -> memref<1024xi32, #tpu.memory_space<vmem>>
    %dma_start3A_224 = arith.constant 0 : i32
    %dma_start3A_225 = tpu.memref_slice %arg3[%add3A_198, %dma_start3A_224] : memref<256x51200xi32, #tpu.memory_space<hbm>> -> memref<1x1024xi32, #tpu.memory_space<hbm>>
    %dma_start3A_226 = tpu.memref_squeeze %dma_start3A_225 : memref<1x1024xi32, #tpu.memory_space<hbm>> -> memref<1024xi32, #tpu.memory_space<hbm>>
    tpu.enqueue_dma source(%dma_start3A_226 : memref<1024xi32, #tpu.memory_space<hbm>>) target(%dma_start3A_223 : memref<1024xi32, #tpu.memory_space<vmem>>) target_semaphore(%dma_start3A_221 : memref<!tpu.dma_semaphore, #tpu.memory_space<semaphore_mem>>)
    %scan3A_227 = arith.constant 0 : i32
    %scan3A_228 = arith.constant 0 : i32
    %scan3A_229 = arith.constant 3200 : i32
    %scan3A_230 = arith.addi %scan3A_228, %scan3A_229 : i32
    %scan3A_231 = arith.constant 1 : i32
    %scan3A_232 = scf.for %scan3A_417 = %scan3A_228 to %scan3A_230 step %scan3A_231 iter_args(%scan3A_418 = %scan3A_227) -> (i32)  : i32 {
      %mul3A_419 = arith.constant 16 : i32
      %mul3A_420 = arith.muli %scan3A_417, %mul3A_419 : i32
      %multiple_of3A = tpu.assume_multiple %mul3A_420, 16 : i32
      %get3A_421 = arith.index_cast %multiple_of3A : i32 to index
      %get3A_422 = tpu.vector_load %arg10[%get3A_421] {strides = array<i32>} : memref<51200xf32, #tpu.memory_space<vmem>>, vector<16xf32>,
      %get3A_423 = arith.index_cast %multiple_of3A : i32 to index
      %get3A_424 = tpu.vector_load %arg9[%get3A_423] {strides = array<i32>} : memref<51200xf32, #tpu.memory_space<vmem>>, vector<16xf32>,
      %add3A_425 = arith.addf %get3A_422, %get3A_424 : vector<16xf32>
      %swap3A = arith.index_cast %multiple_of3A : i32 to index
      %swap3A_426 = tpu.vector_load %arg10[%swap3A] {strides = array<i32>} : memref<51200xf32, #tpu.memory_space<vmem>>, vector<16xf32>,
      tpu.vector_store %arg10[%swap3A], %add3A_425 {strides = array<i32>} : memref<51200xf32, #tpu.memory_space<vmem>>, vector<16xf32>,
      %swap3A_427 = arith.index_cast %multiple_of3A : i32 to index
      %swap3A_428 = tpu.vector_load %arg9[%swap3A_427] {strides = array<i32>} : memref<51200xf32, #tpu.memory_space<vmem>>, vector<16xf32>,
      tpu.vector_store %arg9[%swap3A_427], %broadcast_in_dim3A_1 {strides = array<i32>} : memref<51200xf32, #tpu.memory_space<vmem>>, vector<16xf32>,
      %scan3A_429 = arith.constant 0 : i32
      scf.yield %scan3A_429 : i32
    }
    %scan3A_233 = arith.constant 3200 : i32
    %get3A_234 = arith.constant 4 : i32
    %get3A_235 = arith.index_cast %get3A_234 : i32 to index
    %get3A_236 = arith.constant 0 : index
    %get3A_237 = tpu.vector_load %arg8[%get3A_235, %get3A_236] {strides = array<i32>} : memref<8x16xf32, #tpu.memory_space<vmem>>, vector<16xf32>,
    %add3A_238 = arith.constant 128 : i32
    %add3A_239 = arith.addi %add3A_238, %add3A : i32
    %scan3A_240 = arith.constant 0 : i32
    %scan3A_241 = arith.constant 0 : i32
    %scan3A_242 = arith.constant 25 : i32
    %scan3A_243 = arith.addi %scan3A_241, %scan3A_242 : i32
    %scan3A_244 = arith.constant 1 : i32
    %scan3A_245 = scf.for %scan3A_417 = %scan3A_241 to %scan3A_243 step %scan3A_244 iter_args(%scan3A_418 = %scan3A_240) -> (i32)  : i32 {
      %mul3A_419 = arith.constant 2 : i32
      %mul3A_420 = arith.muli %scan3A_417, %mul3A_419 : i32
      %add3A_421 = arith.constant 0 : i32
      %add3A_422 = arith.addi %mul3A_420, %add3A_421 : i32
      %mul3A_423 = arith.constant 1024 : i32
      %mul3A_424 = arith.muli %add3A_422, %mul3A_423 : i32
      %dma_wait3A = arith.constant 0 : i32
      %dma_wait3A_425 = arith.constant 0 : i32
      %dma_wait3A_426 = arith.constant 0 : i32
      %dma_wait3A_427 = tpu.memref_slice %arg6[%dma_wait3A_426] : memref<2048xf32, #tpu.memory_space<vmem>> -> memref<1024xf32, #tpu.memory_space<vmem>>
      %dma_wait3A_428 = tpu.memref_slice %arg2[%add3A_239, %mul3A_424] : memref<256x51200xf32, #tpu.memory_space<hbm>> -> memref<1x1024xf32, #tpu.memory_space<hbm>>
      %dma_wait3A_429 = tpu.memref_squeeze %dma_wait3A_428 : memref<1x1024xf32, #tpu.memory_space<hbm>> -> memref<1024xf32, #tpu.memory_space<hbm>>
      %dma_wait3A_430 = tpu.memref_slice %arg12[%dma_wait3A, %dma_wait3A_425] : memref<2x2x!tpu.dma_semaphore, #tpu.memory_space<semaphore_mem>> -> memref<1x1x!tpu.dma_semaphore, #tpu.memory_space<semaphore_mem>>
      %dma_wait3A_431 = tpu.memref_squeeze %dma_wait3A_430 : memref<1x1x!tpu.dma_semaphore, #tpu.memory_space<semaphore_mem>> -> memref<!tpu.dma_semaphore, #tpu.memory_space<semaphore_mem>>
      %dma_wait3A_432 = arith.constant 0 : i32
      %dma_wait3A_433 = tpu.memref_slice %arg6[%dma_wait3A_432] : memref<2048xf32, #tpu.memory_space<vmem>> -> memref<1024xf32, #tpu.memory_space<vmem>>
      %dma_wait3A_434 = tpu.memref_slice %arg2[%add3A_239, %mul3A_424] : memref<256x51200xf32, #tpu.memory_space<hbm>> -> memref<1x1024xf32, #tpu.memory_space<hbm>>
      %dma_wait3A_435 = tpu.memref_squeeze %dma_wait3A_434 : memref<1x1024xf32, #tpu.memory_space<hbm>> -> memref<1024xf32, #tpu.memory_space<hbm>>
      tpu.wait_dma2 semaphore(%dma_wait3A_431 : memref<!tpu.dma_semaphore, #tpu.memory_space<semaphore_mem>>) src(%dma_wait3A_435 : memref<1024xf32, #tpu.memory_space<hbm>>) dst(%dma_wait3A_433 : memref<1024xf32, #tpu.memory_space<vmem>>)
      %mul3A_436 = arith.constant 1024 : i32
      %mul3A_437 = arith.muli %add3A_422, %mul3A_436 : i32
      %dma_wait3A_438 = arith.constant 0 : i32
      %dma_wait3A_439 = arith.constant 1 : i32
      %dma_wait3A_440 = arith.constant 0 : i32
      %dma_wait3A_441 = tpu.memref_slice %arg7[%dma_wait3A_440] : memref<2048xi32, #tpu.memory_space<vmem>> -> memref<1024xi32, #tpu.memory_space<vmem>>
      %dma_wait3A_442 = tpu.memref_slice %arg3[%add3A_239, %mul3A_437] : memref<256x51200xi32, #tpu.memory_space<hbm>> -> memref<1x1024xi32, #tpu.memory_space<hbm>>
      %dma_wait3A_443 = tpu.memref_squeeze %dma_wait3A_442 : memref<1x1024xi32, #tpu.memory_space<hbm>> -> memref<1024xi32, #tpu.memory_space<hbm>>
      %dma_wait3A_444 = tpu.memref_slice %arg12[%dma_wait3A_438, %dma_wait3A_439] : memref<2x2x!tpu.dma_semaphore, #tpu.memory_space<semaphore_mem>> -> memref<1x1x!tpu.dma_semaphore, #tpu.memory_space<semaphore_mem>>
      %dma_wait3A_445 = tpu.memref_squeeze %dma_wait3A_444 : memref<1x1x!tpu.dma_semaphore, #tpu.memory_space<semaphore_mem>> -> memref<!tpu.dma_semaphore, #tpu.memory_space<semaphore_mem>>
      %dma_wait3A_446 = arith.constant 0 : i32
      %dma_wait3A_447 = tpu.memref_slice %arg7[%dma_wait3A_446] : memref<2048xi32, #tpu.memory_space<vmem>> -> memref<1024xi32, #tpu.memory_space<vmem>>
      %dma_wait3A_448 = tpu.memref_slice %arg3[%add3A_239, %mul3A_437] : memref<256x51200xi32, #tpu.memory_space<hbm>> -> memref<1x1024xi32, #tpu.memory_space<hbm>>
      %dma_wait3A_449 = tpu.memref_squeeze %dma_wait3A_448 : memref<1x1024xi32, #tpu.memory_space<hbm>> -> memref<1024xi32, #tpu.memory_space<hbm>>
      tpu.wait_dma2 semaphore(%dma_wait3A_445 : memref<!tpu.dma_semaphore, #tpu.memory_space<semaphore_mem>>) src(%dma_wait3A_449 : memref<1024xi32, #tpu.memory_space<hbm>>) dst(%dma_wait3A_447 : memref<1024xi32, #tpu.memory_space<vmem>>)
      %add3A_450 = arith.constant 1 : i32
      %add3A_451 = arith.addi %add3A_422, %add3A_450 : i32
      %lt3A = arith.constant 50 : i32
      %lt3A_452 = arith.cmpi slt, %add3A_451, %lt3A : i32
      %convert_element_type3A = arith.extui %lt3A_452 : i1 to i32
      %cond3A = arith.constant 0 : i32
      %cond3A_453 = arith.cmpi ne, %convert_element_type3A, %cond3A : i32
      scf.if %cond3A_453 {
        %add3A_511 = arith.constant 1 : i32
        %add3A_512 = arith.addi %add3A_422, %add3A_511 : i32
        %mul3A_513 = arith.constant 1024 : i32
        %mul3A_514 = arith.muli %add3A_512, %mul3A_513 : i32
        %dma_start3A_515 = arith.constant 1 : i32
        %dma_start3A_516 = arith.constant 0 : i32
        %dma_start3A_517 = arith.constant 1024 : i32
        %dma_start3A_518 = tpu.memref_slice %arg6[%dma_start3A_517] : memref<2048xf32, #tpu.memory_space<vmem>> -> memref<1024xf32, #tpu.memory_space<vmem>>
        %dma_start3A_519 = tpu.memref_slice %arg2[%add3A_239, %mul3A_514] : memref<256x51200xf32, #tpu.memory_space<hbm>> -> memref<1x1024xf32, #tpu.memory_space<hbm>>
        %dma_start3A_520 = tpu.memref_squeeze %dma_start3A_519 : memref<1x1024xf32, #tpu.memory_space<hbm>> -> memref<1024xf32, #tpu.memory_space<hbm>>
        %dma_start3A_521 = tpu.memref_slice %arg12[%dma_start3A_515, %dma_start3A_516] : memref<2x2x!tpu.dma_semaphore, #tpu.memory_space<semaphore_mem>> -> memref<1x1x!tpu.dma_semaphore, #tpu.memory_space<semaphore_mem>>
        %dma_start3A_522 = tpu.memref_squeeze %dma_start3A_521 : memref<1x1x!tpu.dma_semaphore, #tpu.memory_space<semaphore_mem>> -> memref<!tpu.dma_semaphore, #tpu.memory_space<semaphore_mem>>
        %dma_start3A_523 = arith.constant 1024 : i32
        %dma_start3A_524 = tpu.memref_slice %arg6[%dma_start3A_523] : memref<2048xf32, #tpu.memory_space<vmem>> -> memref<1024xf32, #tpu.memory_space<vmem>>
        %dma_start3A_525 = tpu.memref_slice %arg2[%add3A_239, %mul3A_514] : memref<256x51200xf32, #tpu.memory_space<hbm>> -> memref<1x1024xf32, #tpu.memory_space<hbm>>
        %dma_start3A_526 = tpu.memref_squeeze %dma_start3A_525 : memref<1x1024xf32, #tpu.memory_space<hbm>> -> memref<1024xf32, #tpu.memory_space<hbm>>
        tpu.enqueue_dma source(%dma_start3A_526 : memref<1024xf32, #tpu.memory_space<hbm>>) target(%dma_start3A_524 : memref<1024xf32, #tpu.memory_space<vmem>>) target_semaphore(%dma_start3A_522 : memref<!tpu.dma_semaphore, #tpu.memory_space<semaphore_mem>>)
        %mul3A_527 = arith.constant 1024 : i32
        %mul3A_528 = arith.muli %add3A_512, %mul3A_527 : i32
        %dma_start3A_529 = arith.constant 1 : i32
        %dma_start3A_530 = arith.constant 1 : i32
        %dma_start3A_531 = arith.constant 1024 : i32
        %dma_start3A_532 = tpu.memref_slice %arg7[%dma_start3A_531] : memref<2048xi32, #tpu.memory_space<vmem>> -> memref<1024xi32, #tpu.memory_space<vmem>>
        %dma_start3A_533 = tpu.memref_slice %arg3[%add3A_239, %mul3A_528] : memref<256x51200xi32, #tpu.memory_space<hbm>> -> memref<1x1024xi32, #tpu.memory_space<hbm>>
        %dma_start3A_534 = tpu.memref_squeeze %dma_start3A_533 : memref<1x1024xi32, #tpu.memory_space<hbm>> -> memref<1024xi32, #tpu.memory_space<hbm>>
        %dma_start3A_535 = tpu.memref_slice %arg12[%dma_start3A_529, %dma_start3A_530] : memref<2x2x!tpu.dma_semaphore, #tpu.memory_space<semaphore_mem>> -> memref<1x1x!tpu.dma_semaphore, #tpu.memory_space<semaphore_mem>>
        %dma_start3A_536 = tpu.memref_squeeze %dma_start3A_535 : memref<1x1x!tpu.dma_semaphore, #tpu.memory_space<semaphore_mem>> -> memref<!tpu.dma_semaphore, #tpu.memory_space<semaphore_mem>>
        %dma_start3A_537 = arith.constant 1024 : i32
        %dma_start3A_538 = tpu.memref_slice %arg7[%dma_start3A_537] : memref<2048xi32, #tpu.memory_space<vmem>> -> memref<1024xi32, #tpu.memory_space<vmem>>
        %dma_start3A_539 = tpu.memref_slice %arg3[%add3A_239, %mul3A_528] : memref<256x51200xi32, #tpu.memory_space<hbm>> -> memref<1x1024xi32, #tpu.memory_space<hbm>>
        %dma_start3A_540 = tpu.memref_squeeze %dma_start3A_539 : memref<1x1024xi32, #tpu.memory_space<hbm>> -> memref<1024xi32, #tpu.memory_space<hbm>>
        tpu.enqueue_dma source(%dma_start3A_540 : memref<1024xi32, #tpu.memory_space<hbm>>) target(%dma_start3A_538 : memref<1024xi32, #tpu.memory_space<vmem>>) target_semaphore(%dma_start3A_536 : memref<!tpu.dma_semaphore, #tpu.memory_space<semaphore_mem>>)
      } else {
      }
      %broadcast_in_dim3A_454 = arith.constant false
      %broadcast_in_dim3A_455 = vector.broadcast %broadcast_in_dim3A_454 : i1 to vector<16xi1>
      %scan3A_456 = arith.constant 0 : i32
      %scan3A_457 = arith.constant 64 : i32
      %scan3A_458 = arith.addi %scan3A_456, %scan3A_457 : i32
      %scan3A_459 = arith.constant 1 : i32
      %scan3A_460 = scf.for %scan3A_511 = %scan3A_456 to %scan3A_458 step %scan3A_459 iter_args(%scan3A_512 = %broadcast_in_dim3A_455) -> (vector<16xi1>)  : i32 {
        %mul3A_513 = arith.constant 16 : i32
        %mul3A_514 = arith.muli %scan3A_511, %mul3A_513 : i32
        %add3A_515 = arith.constant 0 : i32
        %add3A_516 = arith.addi %add3A_515, %mul3A_514 : i32
        %multiple_of3A = tpu.assume_multiple %add3A_516, 16 : i32
        %get3A_517 = arith.index_cast %multiple_of3A : i32 to index
        %get3A_518 = tpu.vector_load %arg6[%get3A_517] {strides = array<i32>} : memref<2048xf32, #tpu.memory_space<vmem>>, vector<16xf32>,
        %mul3A_519 = arith.mulf %get3A_518, %get3A_237 : vector<16xf32>
        %get3A_520 = arith.index_cast %multiple_of3A : i32 to index
        %get3A_521 = tpu.vector_load %arg7[%get3A_520] {strides = array<i32>} : memref<2048xi32, #tpu.memory_space<vmem>>, vector<16xi32>,
        %gather3A = tpu.vector_load_idx %arg9[%get3A_521] : memref<51200xf32, #tpu.memory_space<vmem>>[vector<16xi32>], vector<16xf32>,
        %max3A = arith.maximumf %gather3A, %mul3A_519 : vector<16xf32>
        tpu.vector_store_idx %arg9[%get3A_521], %max3A : memref<51200xf32, #tpu.memory_space<vmem>>[vector<16xi32>], vector<16xf32>,
        %gather3A_522 = tpu.vector_load_idx %arg9[%get3A_521] : memref<51200xf32, #tpu.memory_space<vmem>>[vector<16xi32>], vector<16xf32>,
        %gt3A = arith.cmpf ogt, %max3A, %gather3A_522 : vector<16xf32>
        %or3A = arith.ori %scan3A_512, %gt3A : vector<16xi1>
        scf.yield %or3A : vector<16xi1>
      }
      %scan3A_461 = arith.constant 64 : i32
      %while3A = scf.while (%while3A_511 = %scan3A_460) : (vector<16xi1>) -> vector<16xi1> {
        %reduce_or3A = arith.constant 1.000000e+00 : f32
        %reduce_or3A_512 = arith.constant 0.000000e+00 : f32
        %reduce_or3A_513 = vector.broadcast %reduce_or3A : f32 to vector<16xf32>
        %reduce_or3A_514 = vector.broadcast %reduce_or3A_512 : f32 to vector<16xf32>
        %reduce_or3A_515 = arith.select %while3A_511, %reduce_or3A_513, %reduce_or3A_514 : vector<16xi1>, vector<16xf32>
        %reduce_or3A_516 = arith.constant true
        %reduce_or3A_517 = vector.broadcast %reduce_or3A_516 : i1 to vector<16xi1>
        %reduce_or3A_518 = tpu.scan <max>, %reduce_or3A_515 masked %reduce_or3A_517 : vector<16xf32>, vector<16xi1> -> vector<16xf32>
        %reduce_or3A_519 = vector.extract %reduce_or3A_518[15] : f32 from vector<16xf32>
        %reduce_or3A_520 = arith.constant 0.000000e+00 : f32
        %reduce_or3A_521 = arith.cmpf ogt, %reduce_or3A_519, %reduce_or3A_520 : f32
        scf.condition(%reduce_or3A_521) %while3A_511 : vector<16xi1>
      } do {
      ^bb0(%while3A_511: vector<16xi1>):
        %scan3A_512 = arith.constant 0 : i32
        %scan3A_513 = arith.constant 64 : i32
        %scan3A_514 = arith.addi %scan3A_512, %scan3A_513 : i32
        %scan3A_515 = arith.constant 1 : i32
        %scan3A_516 = scf.for %scan3A_518 = %scan3A_512 to %scan3A_514 step %scan3A_515 iter_args(%scan3A_519 = %broadcast_in_dim3A_455) -> (vector<16xi1>)  : i32 {
          %mul3A_520 = arith.constant 16 : i32
          %mul3A_521 = arith.muli %scan3A_518, %mul3A_520 : i32
          %add3A_522 = arith.constant 0 : i32
          %add3A_523 = arith.addi %add3A_522, %mul3A_521 : i32
          %multiple_of3A = tpu.assume_multiple %add3A_523, 16 : i32
          %get3A_524 = arith.index_cast %multiple_of3A : i32 to index
          %get3A_525 = tpu.vector_load %arg6[%get3A_524] {strides = array<i32>} : memref<2048xf32, #tpu.memory_space<vmem>>, vector<16xf32>,
          %mul3A_526 = arith.mulf %get3A_525, %get3A_237 : vector<16xf32>
          %get3A_527 = arith.index_cast %multiple_of3A : i32 to index
          %get3A_528 = tpu.vector_load %arg7[%get3A_527] {strides = array<i32>} : memref<2048xi32, #tpu.memory_space<vmem>>, vector<16xi32>,
          %gather3A = tpu.vector_load_idx %arg9[%get3A_528] : memref<51200xf32, #tpu.memory_space<vmem>>[vector<16xi32>], vector<16xf32>,
          %max3A = arith.maximumf %gather3A, %mul3A_526 : vector<16xf32>
          tpu.vector_store_idx %arg9[%get3A_528], %max3A : memref<51200xf32, #tpu.memory_space<vmem>>[vector<16xi32>], vector<16xf32>,
          %gather3A_529 = tpu.vector_load_idx %arg9[%get3A_528] : memref<51200xf32, #tpu.memory_space<vmem>>[vector<16xi32>], vector<16xf32>,
          %gt3A = arith.cmpf ogt, %max3A, %gather3A_529 : vector<16xf32>
          %or3A = arith.ori %scan3A_519, %gt3A : vector<16xi1>
          scf.yield %or3A : vector<16xi1>
        }
        %scan3A_517 = arith.constant 64 : i32
        scf.yield %scan3A_516 : vector<16xi1>
      }
      %mul3A_462 = arith.constant 2 : i32
      %mul3A_463 = arith.muli %scan3A_417, %mul3A_462 : i32
      %add3A_464 = arith.constant 1 : i32
      %add3A_465 = arith.addi %mul3A_463, %add3A_464 : i32
      %mul3A_466 = arith.constant 1024 : i32
      %mul3A_467 = arith.muli %add3A_465, %mul3A_466 : i32
      %dma_wait3A_468 = arith.constant 1 : i32
      %dma_wait3A_469 = arith.constant 0 : i32
      %dma_wait3A_470 = arith.constant 1024 : i32
      %dma_wait3A_471 = tpu.memref_slice %arg6[%dma_wait3A_470] : memref<2048xf32, #tpu.memory_space<vmem>> -> memref<1024xf32, #tpu.memory_space<vmem>>
      %dma_wait3A_472 = tpu.memref_slice %arg2[%add3A_239, %mul3A_467] : memref<256x51200xf32, #tpu.memory_space<hbm>> -> memref<1x1024xf32, #tpu.memory_space<hbm>>
      %dma_wait3A_473 = tpu.memref_squeeze %dma_wait3A_472 : memref<1x1024xf32, #tpu.memory_space<hbm>> -> memref<1024xf32, #tpu.memory_space<hbm>>
      %dma_wait3A_474 = tpu.memref_slice %arg12[%dma_wait3A_468, %dma_wait3A_469] : memref<2x2x!tpu.dma_semaphore, #tpu.memory_space<semaphore_mem>> -> memref<1x1x!tpu.dma_semaphore, #tpu.memory_space<semaphore_mem>>
      %dma_wait3A_475 = tpu.memref_squeeze %dma_wait3A_474 : memref<1x1x!tpu.dma_semaphore, #tpu.memory_space<semaphore_mem>> -> memref<!tpu.dma_semaphore, #tpu.memory_space<semaphore_mem>>
      %dma_wait3A_476 = arith.constant 1024 : i32
      %dma_wait3A_477 = tpu.memref_slice %arg6[%dma_wait3A_476] : memref<2048xf32, #tpu.memory_space<vmem>> -> memref<1024xf32, #tpu.memory_space<vmem>>
      %dma_wait3A_478 = tpu.memref_slice %arg2[%add3A_239, %mul3A_467] : memref<256x51200xf32, #tpu.memory_space<hbm>> -> memref<1x1024xf32, #tpu.memory_space<hbm>>
      %dma_wait3A_479 = tpu.memref_squeeze %dma_wait3A_478 : memref<1x1024xf32, #tpu.memory_space<hbm>> -> memref<1024xf32, #tpu.memory_space<hbm>>
      tpu.wait_dma2 semaphore(%dma_wait3A_475 : memref<!tpu.dma_semaphore, #tpu.memory_space<semaphore_mem>>) src(%dma_wait3A_479 : memref<1024xf32, #tpu.memory_space<hbm>>) dst(%dma_wait3A_477 : memref<1024xf32, #tpu.memory_space<vmem>>)
      %mul3A_480 = arith.constant 1024 : i32
      %mul3A_481 = arith.muli %add3A_465, %mul3A_480 : i32
      %dma_wait3A_482 = arith.constant 1 : i32
      %dma_wait3A_483 = arith.constant 1 : i32
      %dma_wait3A_484 = arith.constant 1024 : i32
      %dma_wait3A_485 = tpu.memref_slice %arg7[%dma_wait3A_484] : memref<2048xi32, #tpu.memory_space<vmem>> -> memref<1024xi32, #tpu.memory_space<vmem>>
      %dma_wait3A_486 = tpu.memref_slice %arg3[%add3A_239, %mul3A_481] : memref<256x51200xi32, #tpu.memory_space<hbm>> -> memref<1x1024xi32, #tpu.memory_space<hbm>>
      %dma_wait3A_487 = tpu.memref_squeeze %dma_wait3A_486 : memref<1x1024xi32, #tpu.memory_space<hbm>> -> memref<1024xi32, #tpu.memory_space<hbm>>
      %dma_wait3A_488 = tpu.memref_slice %arg12[%dma_wait3A_482, %dma_wait3A_483] : memref<2x2x!tpu.dma_semaphore, #tpu.memory_space<semaphore_mem>> -> memref<1x1x!tpu.dma_semaphore, #tpu.memory_space<semaphore_mem>>
      %dma_wait3A_489 = tpu.memref_squeeze %dma_wait3A_488 : memref<1x1x!tpu.dma_semaphore, #tpu.memory_space<semaphore_mem>> -> memref<!tpu.dma_semaphore, #tpu.memory_space<semaphore_mem>>
      %dma_wait3A_490 = arith.constant 1024 : i32
      %dma_wait3A_491 = tpu.memref_slice %arg7[%dma_wait3A_490] : memref<2048xi32, #tpu.memory_space<vmem>> -> memref<1024xi32, #tpu.memory_space<vmem>>
      %dma_wait3A_492 = tpu.memref_slice %arg3[%add3A_239, %mul3A_481] : memref<256x51200xi32, #tpu.memory_space<hbm>> -> memref<1x1024xi32, #tpu.memory_space<hbm>>
      %dma_wait3A_493 = tpu.memref_squeeze %dma_wait3A_492 : memref<1x1024xi32, #tpu.memory_space<hbm>> -> memref<1024xi32, #tpu.memory_space<hbm>>
      tpu.wait_dma2 semaphore(%dma_wait3A_489 : memref<!tpu.dma_semaphore, #tpu.memory_space<semaphore_mem>>) src(%dma_wait3A_493 : memref<1024xi32, #tpu.memory_space<hbm>>) dst(%dma_wait3A_491 : memref<1024xi32, #tpu.memory_space<vmem>>)
      %add3A_494 = arith.constant 1 : i32
      %add3A_495 = arith.addi %add3A_465, %add3A_494 : i32
      %lt3A_496 = arith.constant 50 : i32
      %lt3A_497 = arith.cmpi slt, %add3A_495, %lt3A_496 : i32
      %convert_element_type3A_498 = arith.extui %lt3A_497 : i1 to i32
      %cond3A_499 = arith.constant 0 : i32
      %cond3A_500 = arith.cmpi ne, %convert_element_type3A_498, %cond3A_499 : i32
      scf.if %cond3A_500 {
        %add3A_511 = arith.constant 1 : i32
        %add3A_512 = arith.addi %add3A_465, %add3A_511 : i32
        %mul3A_513 = arith.constant 1024 : i32
        %mul3A_514 = arith.muli %add3A_512, %mul3A_513 : i32
        %dma_start3A_515 = arith.constant 0 : i32
        %dma_start3A_516 = arith.constant 0 : i32
        %dma_start3A_517 = arith.constant 0 : i32
        %dma_start3A_518 = tpu.memref_slice %arg6[%dma_start3A_517] : memref<2048xf32, #tpu.memory_space<vmem>> -> memref<1024xf32, #tpu.memory_space<vmem>>
        %dma_start3A_519 = tpu.memref_slice %arg2[%add3A_239, %mul3A_514] : memref<256x51200xf32, #tpu.memory_space<hbm>> -> memref<1x1024xf32, #tpu.memory_space<hbm>>
        %dma_start3A_520 = tpu.memref_squeeze %dma_start3A_519 : memref<1x1024xf32, #tpu.memory_space<hbm>> -> memref<1024xf32, #tpu.memory_space<hbm>>
        %dma_start3A_521 = tpu.memref_slice %arg12[%dma_start3A_515, %dma_start3A_516] : memref<2x2x!tpu.dma_semaphore, #tpu.memory_space<semaphore_mem>> -> memref<1x1x!tpu.dma_semaphore, #tpu.memory_space<semaphore_mem>>
        %dma_start3A_522 = tpu.memref_squeeze %dma_start3A_521 : memref<1x1x!tpu.dma_semaphore, #tpu.memory_space<semaphore_mem>> -> memref<!tpu.dma_semaphore, #tpu.memory_space<semaphore_mem>>
        %dma_start3A_523 = arith.constant 0 : i32
        %dma_start3A_524 = tpu.memref_slice %arg6[%dma_start3A_523] : memref<2048xf32, #tpu.memory_space<vmem>> -> memref<1024xf32, #tpu.memory_space<vmem>>
        %dma_start3A_525 = tpu.memref_slice %arg2[%add3A_239, %mul3A_514] : memref<256x51200xf32, #tpu.memory_space<hbm>> -> memref<1x1024xf32, #tpu.memory_space<hbm>>
        %dma_start3A_526 = tpu.memref_squeeze %dma_start3A_525 : memref<1x1024xf32, #tpu.memory_space<hbm>> -> memref<1024xf32, #tpu.memory_space<hbm>>
        tpu.enqueue_dma source(%dma_start3A_526 : memref<1024xf32, #tpu.memory_space<hbm>>) target(%dma_start3A_524 : memref<1024xf32, #tpu.memory_space<vmem>>) target_semaphore(%dma_start3A_522 : memref<!tpu.dma_semaphore, #tpu.memory_space<semaphore_mem>>)
        %mul3A_527 = arith.constant 1024 : i32
        %mul3A_528 = arith.muli %add3A_512, %mul3A_527 : i32
        %dma_start3A_529 = arith.constant 0 : i32
        %dma_start3A_530 = arith.constant 1 : i32
        %dma_start3A_531 = arith.constant 0 : i32
        %dma_start3A_532 = tpu.memref_slice %arg7[%dma_start3A_531] : memref<2048xi32, #tpu.memory_space<vmem>> -> memref<1024xi32, #tpu.memory_space<vmem>>
        %dma_start3A_533 = tpu.memref_slice %arg3[%add3A_239, %mul3A_528] : memref<256x51200xi32, #tpu.memory_space<hbm>> -> memref<1x1024xi32, #tpu.memory_space<hbm>>
        %dma_start3A_534 = tpu.memref_squeeze %dma_start3A_533 : memref<1x1024xi32, #tpu.memory_space<hbm>> -> memref<1024xi32, #tpu.memory_space<hbm>>
        %dma_start3A_535 = tpu.memref_slice %arg12[%dma_start3A_529, %dma_start3A_530] : memref<2x2x!tpu.dma_semaphore, #tpu.memory_space<semaphore_mem>> -> memref<1x1x!tpu.dma_semaphore, #tpu.memory_space<semaphore_mem>>
        %dma_start3A_536 = tpu.memref_squeeze %dma_start3A_535 : memref<1x1x!tpu.dma_semaphore, #tpu.memory_space<semaphore_mem>> -> memref<!tpu.dma_semaphore, #tpu.memory_space<semaphore_mem>>
        %dma_start3A_537 = arith.constant 0 : i32
        %dma_start3A_538 = tpu.memref_slice %arg7[%dma_start3A_537] : memref<2048xi32, #tpu.memory_space<vmem>> -> memref<1024xi32, #tpu.memory_space<vmem>>
        %dma_start3A_539 = tpu.memref_slice %arg3[%add3A_239, %mul3A_528] : memref<256x51200xi32, #tpu.memory_space<hbm>> -> memref<1x1024xi32, #tpu.memory_space<hbm>>
        %dma_start3A_540 = tpu.memref_squeeze %dma_start3A_539 : memref<1x1024xi32, #tpu.memory_space<hbm>> -> memref<1024xi32, #tpu.memory_space<hbm>>
        tpu.enqueue_dma source(%dma_start3A_540 : memref<1024xi32, #tpu.memory_space<hbm>>) target(%dma_start3A_538 : memref<1024xi32, #tpu.memory_space<vmem>>) target_semaphore(%dma_start3A_536 : memref<!tpu.dma_semaphore, #tpu.memory_space<semaphore_mem>>)
      } else {
      }
      %broadcast_in_dim3A_501 = arith.constant false
      %broadcast_in_dim3A_502 = vector.broadcast %broadcast_in_dim3A_501 : i1 to vector<16xi1>
      %scan3A_503 = arith.constant 0 : i32
      %scan3A_504 = arith.constant 64 : i32
      %scan3A_505 = arith.addi %scan3A_503, %scan3A_504 : i32
      %scan3A_506 = arith.constant 1 : i32
      %scan3A_507 = scf.for %scan3A_511 = %scan3A_503 to %scan3A_505 step %scan3A_506 iter_args(%scan3A_512 = %broadcast_in_dim3A_502) -> (vector<16xi1>)  : i32 {
        %mul3A_513 = arith.constant 16 : i32
        %mul3A_514 = arith.muli %scan3A_511, %mul3A_513 : i32
        %add3A_515 = arith.constant 1024 : i32
        %add3A_516 = arith.addi %add3A_515, %mul3A_514 : i32
        %multiple_of3A = tpu.assume_multiple %add3A_516, 16 : i32
        %get3A_517 = arith.index_cast %multiple_of3A : i32 to index
        %get3A_518 = tpu.vector_load %arg6[%get3A_517] {strides = array<i32>} : memref<2048xf32, #tpu.memory_space<vmem>>, vector<16xf32>,
        %mul3A_519 = arith.mulf %get3A_518, %get3A_237 : vector<16xf32>
        %get3A_520 = arith.index_cast %multiple_of3A : i32 to index
        %get3A_521 = tpu.vector_load %arg7[%get3A_520] {strides = array<i32>} : memref<2048xi32, #tpu.memory_space<vmem>>, vector<16xi32>,
        %gather3A = tpu.vector_load_idx %arg9[%get3A_521] : memref<51200xf32, #tpu.memory_space<vmem>>[vector<16xi32>], vector<16xf32>,
        %max3A = arith.maximumf %gather3A, %mul3A_519 : vector<16xf32>
        tpu.vector_store_idx %arg9[%get3A_521], %max3A : memref<51200xf32, #tpu.memory_space<vmem>>[vector<16xi32>], vector<16xf32>,
        %gather3A_522 = tpu.vector_load_idx %arg9[%get3A_521] : memref<51200xf32, #tpu.memory_space<vmem>>[vector<16xi32>], vector<16xf32>,
        %gt3A = arith.cmpf ogt, %max3A, %gather3A_522 : vector<16xf32>
        %or3A = arith.ori %scan3A_512, %gt3A : vector<16xi1>
        scf.yield %or3A : vector<16xi1>
      }
      %scan3A_508 = arith.constant 64 : i32
      %while3A_509 = scf.while (%while3A_511 = %scan3A_507) : (vector<16xi1>) -> vector<16xi1> {
        %reduce_or3A = arith.constant 1.000000e+00 : f32
        %reduce_or3A_512 = arith.constant 0.000000e+00 : f32
        %reduce_or3A_513 = vector.broadcast %reduce_or3A : f32 to vector<16xf32>
        %reduce_or3A_514 = vector.broadcast %reduce_or3A_512 : f32 to vector<16xf32>
        %reduce_or3A_515 = arith.select %while3A_511, %reduce_or3A_513, %reduce_or3A_514 : vector<16xi1>, vector<16xf32>
        %reduce_or3A_516 = arith.constant true
        %reduce_or3A_517 = vector.broadcast %reduce_or3A_516 : i1 to vector<16xi1>
        %reduce_or3A_518 = tpu.scan <max>, %reduce_or3A_515 masked %reduce_or3A_517 : vector<16xf32>, vector<16xi1> -> vector<16xf32>
        %reduce_or3A_519 = vector.extract %reduce_or3A_518[15] : f32 from vector<16xf32>
        %reduce_or3A_520 = arith.constant 0.000000e+00 : f32
        %reduce_or3A_521 = arith.cmpf ogt, %reduce_or3A_519, %reduce_or3A_520 : f32
        scf.condition(%reduce_or3A_521) %while3A_511 : vector<16xi1>
      } do {
      ^bb0(%while3A_511: vector<16xi1>):
        %scan3A_512 = arith.constant 0 : i32
        %scan3A_513 = arith.constant 64 : i32
        %scan3A_514 = arith.addi %scan3A_512, %scan3A_513 : i32
        %scan3A_515 = arith.constant 1 : i32
        %scan3A_516 = scf.for %scan3A_518 = %scan3A_512 to %scan3A_514 step %scan3A_515 iter_args(%scan3A_519 = %broadcast_in_dim3A_502) -> (vector<16xi1>)  : i32 {
          %mul3A_520 = arith.constant 16 : i32
          %mul3A_521 = arith.muli %scan3A_518, %mul3A_520 : i32
          %add3A_522 = arith.constant 1024 : i32
          %add3A_523 = arith.addi %add3A_522, %mul3A_521 : i32
          %multiple_of3A = tpu.assume_multiple %add3A_523, 16 : i32
          %get3A_524 = arith.index_cast %multiple_of3A : i32 to index
          %get3A_525 = tpu.vector_load %arg6[%get3A_524] {strides = array<i32>} : memref<2048xf32, #tpu.memory_space<vmem>>, vector<16xf32>,
          %mul3A_526 = arith.mulf %get3A_525, %get3A_237 : vector<16xf32>
          %get3A_527 = arith.index_cast %multiple_of3A : i32 to index
          %get3A_528 = tpu.vector_load %arg7[%get3A_527] {strides = array<i32>} : memref<2048xi32, #tpu.memory_space<vmem>>, vector<16xi32>,
          %gather3A = tpu.vector_load_idx %arg9[%get3A_528] : memref<51200xf32, #tpu.memory_space<vmem>>[vector<16xi32>], vector<16xf32>,
          %max3A = arith.maximumf %gather3A, %mul3A_526 : vector<16xf32>
          tpu.vector_store_idx %arg9[%get3A_528], %max3A : memref<51200xf32, #tpu.memory_space<vmem>>[vector<16xi32>], vector<16xf32>,
          %gather3A_529 = tpu.vector_load_idx %arg9[%get3A_528] : memref<51200xf32, #tpu.memory_space<vmem>>[vector<16xi32>], vector<16xf32>,
          %gt3A = arith.cmpf ogt, %max3A, %gather3A_529 : vector<16xf32>
          %or3A = arith.ori %scan3A_519, %gt3A : vector<16xi1>
          scf.yield %or3A : vector<16xi1>
        }
        %scan3A_517 = arith.constant 64 : i32
        scf.yield %scan3A_516 : vector<16xi1>
      }
      %scan3A_510 = arith.constant 0 : i32
      scf.yield %scan3A_510 : i32
    }
    %scan3A_246 = arith.constant 25 : i32
    %add3A_247 = arith.constant 160 : i32
    %add3A_248 = arith.addi %add3A_247, %add3A : i32
    %dma_start3A_249 = arith.constant 0 : i32
    %dma_start3A_250 = arith.constant 0 : i32
    %dma_start3A_251 = arith.constant 0 : i32
    %dma_start3A_252 = tpu.memref_slice %arg6[%dma_start3A_251] : memref<2048xf32, #tpu.memory_space<vmem>> -> memref<1024xf32, #tpu.memory_space<vmem>>
    %dma_start3A_253 = arith.constant 0 : i32
    %dma_start3A_254 = tpu.memref_slice %arg2[%add3A_248, %dma_start3A_253] : memref<256x51200xf32, #tpu.memory_space<hbm>> -> memref<1x1024xf32, #tpu.memory_space<hbm>>
    %dma_start3A_255 = tpu.memref_squeeze %dma_start3A_254 : memref<1x1024xf32, #tpu.memory_space<hbm>> -> memref<1024xf32, #tpu.memory_space<hbm>>
    %dma_start3A_256 = tpu.memref_slice %arg12[%dma_start3A_249, %dma_start3A_250] : memref<2x2x!tpu.dma_semaphore, #tpu.memory_space<semaphore_mem>> -> memref<1x1x!tpu.dma_semaphore, #tpu.memory_space<semaphore_mem>>
    %dma_start3A_257 = tpu.memref_squeeze %dma_start3A_256 : memref<1x1x!tpu.dma_semaphore, #tpu.memory_space<semaphore_mem>> -> memref<!tpu.dma_semaphore, #tpu.memory_space<semaphore_mem>>
    %dma_start3A_258 = arith.constant 0 : i32
    %dma_start3A_259 = tpu.memref_slice %arg6[%dma_start3A_258] : memref<2048xf32, #tpu.memory_space<vmem>> -> memref<1024xf32, #tpu.memory_space<vmem>>
    %dma_start3A_260 = arith.constant 0 : i32
    %dma_start3A_261 = tpu.memref_slice %arg2[%add3A_248, %dma_start3A_260] : memref<256x51200xf32, #tpu.memory_space<hbm>> -> memref<1x1024xf32, #tpu.memory_space<hbm>>
    %dma_start3A_262 = tpu.memref_squeeze %dma_start3A_261 : memref<1x1024xf32, #tpu.memory_space<hbm>> -> memref<1024xf32, #tpu.memory_space<hbm>>
    tpu.enqueue_dma source(%dma_start3A_262 : memref<1024xf32, #tpu.memory_space<hbm>>) target(%dma_start3A_259 : memref<1024xf32, #tpu.memory_space<vmem>>) target_semaphore(%dma_start3A_257 : memref<!tpu.dma_semaphore, #tpu.memory_space<semaphore_mem>>)
    %dma_start3A_263 = arith.constant 0 : i32
    %dma_start3A_264 = arith.constant 1 : i32
    %dma_start3A_265 = arith.constant 0 : i32
    %dma_start3A_266 = tpu.memref_slice %arg7[%dma_start3A_265] : memref<2048xi32, #tpu.memory_space<vmem>> -> memref<1024xi32, #tpu.memory_space<vmem>>
    %dma_start3A_267 = arith.constant 0 : i32
    %dma_start3A_268 = tpu.memref_slice %arg3[%add3A_248, %dma_start3A_267] : memref<256x51200xi32, #tpu.memory_space<hbm>> -> memref<1x1024xi32, #tpu.memory_space<hbm>>
    %dma_start3A_269 = tpu.memref_squeeze %dma_start3A_268 : memref<1x1024xi32, #tpu.memory_space<hbm>> -> memref<1024xi32, #tpu.memory_space<hbm>>
    %dma_start3A_270 = tpu.memref_slice %arg12[%dma_start3A_263, %dma_start3A_264] : memref<2x2x!tpu.dma_semaphore, #tpu.memory_space<semaphore_mem>> -> memref<1x1x!tpu.dma_semaphore, #tpu.memory_space<semaphore_mem>>
    %dma_start3A_271 = tpu.memref_squeeze %dma_start3A_270 : memref<1x1x!tpu.dma_semaphore, #tpu.memory_space<semaphore_mem>> -> memref<!tpu.dma_semaphore, #tpu.memory_space<semaphore_mem>>
    %dma_start3A_272 = arith.constant 0 : i32
    %dma_start3A_273 = tpu.memref_slice %arg7[%dma_start3A_272] : memref<2048xi32, #tpu.memory_space<vmem>> -> memref<1024xi32, #tpu.memory_space<vmem>>
    %dma_start3A_274 = arith.constant 0 : i32
    %dma_start3A_275 = tpu.memref_slice %arg3[%add3A_248, %dma_start3A_274] : memref<256x51200xi32, #tpu.memory_space<hbm>> -> memref<1x1024xi32, #tpu.memory_space<hbm>>
    %dma_start3A_276 = tpu.memref_squeeze %dma_start3A_275 : memref<1x1024xi32, #tpu.memory_space<hbm>> -> memref<1024xi32, #tpu.memory_space<hbm>>
    tpu.enqueue_dma source(%dma_start3A_276 : memref<1024xi32, #tpu.memory_space<hbm>>) target(%dma_start3A_273 : memref<1024xi32, #tpu.memory_space<vmem>>) target_semaphore(%dma_start3A_271 : memref<!tpu.dma_semaphore, #tpu.memory_space<semaphore_mem>>)
    %scan3A_277 = arith.constant 0 : i32
    %scan3A_278 = arith.constant 0 : i32
    %scan3A_279 = arith.constant 3200 : i32
    %scan3A_280 = arith.addi %scan3A_278, %scan3A_279 : i32
    %scan3A_281 = arith.constant 1 : i32
    %scan3A_282 = scf.for %scan3A_417 = %scan3A_278 to %scan3A_280 step %scan3A_281 iter_args(%scan3A_418 = %scan3A_277) -> (i32)  : i32 {
      %mul3A_419 = arith.constant 16 : i32
      %mul3A_420 = arith.muli %scan3A_417, %mul3A_419 : i32
      %multiple_of3A = tpu.assume_multiple %mul3A_420, 16 : i32
      %get3A_421 = arith.index_cast %multiple_of3A : i32 to index
      %get3A_422 = tpu.vector_load %arg10[%get3A_421] {strides = array<i32>} : memref<51200xf32, #tpu.memory_space<vmem>>, vector<16xf32>,
      %get3A_423 = arith.index_cast %multiple_of3A : i32 to index
      %get3A_424 = tpu.vector_load %arg9[%get3A_423] {strides = array<i32>} : memref<51200xf32, #tpu.memory_space<vmem>>, vector<16xf32>,
      %add3A_425 = arith.addf %get3A_422, %get3A_424 : vector<16xf32>
      %swap3A = arith.index_cast %multiple_of3A : i32 to index
      %swap3A_426 = tpu.vector_load %arg10[%swap3A] {strides = array<i32>} : memref<51200xf32, #tpu.memory_space<vmem>>, vector<16xf32>,
      tpu.vector_store %arg10[%swap3A], %add3A_425 {strides = array<i32>} : memref<51200xf32, #tpu.memory_space<vmem>>, vector<16xf32>,
      %swap3A_427 = arith.index_cast %multiple_of3A : i32 to index
      %swap3A_428 = tpu.vector_load %arg9[%swap3A_427] {strides = array<i32>} : memref<51200xf32, #tpu.memory_space<vmem>>, vector<16xf32>,
      tpu.vector_store %arg9[%swap3A_427], %broadcast_in_dim3A_1 {strides = array<i32>} : memref<51200xf32, #tpu.memory_space<vmem>>, vector<16xf32>,
      %scan3A_429 = arith.constant 0 : i32
      scf.yield %scan3A_429 : i32
    }
    %scan3A_283 = arith.constant 3200 : i32
    %get3A_284 = arith.constant 5 : i32
    %get3A_285 = arith.index_cast %get3A_284 : i32 to index
    %get3A_286 = arith.constant 0 : index
    %get3A_287 = tpu.vector_load %arg8[%get3A_285, %get3A_286] {strides = array<i32>} : memref<8x16xf32, #tpu.memory_space<vmem>>, vector<16xf32>,
    %add3A_288 = arith.constant 160 : i32
    %add3A_289 = arith.addi %add3A_288, %add3A : i32
    %scan3A_290 = arith.constant 0 : i32
    %scan3A_291 = arith.constant 0 : i32
    %scan3A_292 = arith.constant 25 : i32
    %scan3A_293 = arith.addi %scan3A_291, %scan3A_292 : i32
    %scan3A_294 = arith.constant 1 : i32
    %scan3A_295 = scf.for %scan3A_417 = %scan3A_291 to %scan3A_293 step %scan3A_294 iter_args(%scan3A_418 = %scan3A_290) -> (i32)  : i32 {
      %mul3A_419 = arith.constant 2 : i32
      %mul3A_420 = arith.muli %scan3A_417, %mul3A_419 : i32
      %add3A_421 = arith.constant 0 : i32
      %add3A_422 = arith.addi %mul3A_420, %add3A_421 : i32
      %mul3A_423 = arith.constant 1024 : i32
      %mul3A_424 = arith.muli %add3A_422, %mul3A_423 : i32
      %dma_wait3A = arith.constant 0 : i32
      %dma_wait3A_425 = arith.constant 0 : i32
      %dma_wait3A_426 = arith.constant 0 : i32
      %dma_wait3A_427 = tpu.memref_slice %arg6[%dma_wait3A_426] : memref<2048xf32, #tpu.memory_space<vmem>> -> memref<1024xf32, #tpu.memory_space<vmem>>
      %dma_wait3A_428 = tpu.memref_slice %arg2[%add3A_289, %mul3A_424] : memref<256x51200xf32, #tpu.memory_space<hbm>> -> memref<1x1024xf32, #tpu.memory_space<hbm>>
      %dma_wait3A_429 = tpu.memref_squeeze %dma_wait3A_428 : memref<1x1024xf32, #tpu.memory_space<hbm>> -> memref<1024xf32, #tpu.memory_space<hbm>>
      %dma_wait3A_430 = tpu.memref_slice %arg12[%dma_wait3A, %dma_wait3A_425] : memref<2x2x!tpu.dma_semaphore, #tpu.memory_space<semaphore_mem>> -> memref<1x1x!tpu.dma_semaphore, #tpu.memory_space<semaphore_mem>>
      %dma_wait3A_431 = tpu.memref_squeeze %dma_wait3A_430 : memref<1x1x!tpu.dma_semaphore, #tpu.memory_space<semaphore_mem>> -> memref<!tpu.dma_semaphore, #tpu.memory_space<semaphore_mem>>
      %dma_wait3A_432 = arith.constant 0 : i32
      %dma_wait3A_433 = tpu.memref_slice %arg6[%dma_wait3A_432] : memref<2048xf32, #tpu.memory_space<vmem>> -> memref<1024xf32, #tpu.memory_space<vmem>>
      %dma_wait3A_434 = tpu.memref_slice %arg2[%add3A_289, %mul3A_424] : memref<256x51200xf32, #tpu.memory_space<hbm>> -> memref<1x1024xf32, #tpu.memory_space<hbm>>
      %dma_wait3A_435 = tpu.memref_squeeze %dma_wait3A_434 : memref<1x1024xf32, #tpu.memory_space<hbm>> -> memref<1024xf32, #tpu.memory_space<hbm>>
      tpu.wait_dma2 semaphore(%dma_wait3A_431 : memref<!tpu.dma_semaphore, #tpu.memory_space<semaphore_mem>>) src(%dma_wait3A_435 : memref<1024xf32, #tpu.memory_space<hbm>>) dst(%dma_wait3A_433 : memref<1024xf32, #tpu.memory_space<vmem>>)
      %mul3A_436 = arith.constant 1024 : i32
      %mul3A_437 = arith.muli %add3A_422, %mul3A_436 : i32
      %dma_wait3A_438 = arith.constant 0 : i32
      %dma_wait3A_439 = arith.constant 1 : i32
      %dma_wait3A_440 = arith.constant 0 : i32
      %dma_wait3A_441 = tpu.memref_slice %arg7[%dma_wait3A_440] : memref<2048xi32, #tpu.memory_space<vmem>> -> memref<1024xi32, #tpu.memory_space<vmem>>
      %dma_wait3A_442 = tpu.memref_slice %arg3[%add3A_289, %mul3A_437] : memref<256x51200xi32, #tpu.memory_space<hbm>> -> memref<1x1024xi32, #tpu.memory_space<hbm>>
      %dma_wait3A_443 = tpu.memref_squeeze %dma_wait3A_442 : memref<1x1024xi32, #tpu.memory_space<hbm>> -> memref<1024xi32, #tpu.memory_space<hbm>>
      %dma_wait3A_444 = tpu.memref_slice %arg12[%dma_wait3A_438, %dma_wait3A_439] : memref<2x2x!tpu.dma_semaphore, #tpu.memory_space<semaphore_mem>> -> memref<1x1x!tpu.dma_semaphore, #tpu.memory_space<semaphore_mem>>
      %dma_wait3A_445 = tpu.memref_squeeze %dma_wait3A_444 : memref<1x1x!tpu.dma_semaphore, #tpu.memory_space<semaphore_mem>> -> memref<!tpu.dma_semaphore, #tpu.memory_space<semaphore_mem>>
      %dma_wait3A_446 = arith.constant 0 : i32
      %dma_wait3A_447 = tpu.memref_slice %arg7[%dma_wait3A_446] : memref<2048xi32, #tpu.memory_space<vmem>> -> memref<1024xi32, #tpu.memory_space<vmem>>
      %dma_wait3A_448 = tpu.memref_slice %arg3[%add3A_289, %mul3A_437] : memref<256x51200xi32, #tpu.memory_space<hbm>> -> memref<1x1024xi32, #tpu.memory_space<hbm>>
      %dma_wait3A_449 = tpu.memref_squeeze %dma_wait3A_448 : memref<1x1024xi32, #tpu.memory_space<hbm>> -> memref<1024xi32, #tpu.memory_space<hbm>>
      tpu.wait_dma2 semaphore(%dma_wait3A_445 : memref<!tpu.dma_semaphore, #tpu.memory_space<semaphore_mem>>) src(%dma_wait3A_449 : memref<1024xi32, #tpu.memory_space<hbm>>) dst(%dma_wait3A_447 : memref<1024xi32, #tpu.memory_space<vmem>>)
      %add3A_450 = arith.constant 1 : i32
      %add3A_451 = arith.addi %add3A_422, %add3A_450 : i32
      %lt3A = arith.constant 50 : i32
      %lt3A_452 = arith.cmpi slt, %add3A_451, %lt3A : i32
      %convert_element_type3A = arith.extui %lt3A_452 : i1 to i32
      %cond3A = arith.constant 0 : i32
      %cond3A_453 = arith.cmpi ne, %convert_element_type3A, %cond3A : i32
      scf.if %cond3A_453 {
        %add3A_511 = arith.constant 1 : i32
        %add3A_512 = arith.addi %add3A_422, %add3A_511 : i32
        %mul3A_513 = arith.constant 1024 : i32
        %mul3A_514 = arith.muli %add3A_512, %mul3A_513 : i32
        %dma_start3A_515 = arith.constant 1 : i32
        %dma_start3A_516 = arith.constant 0 : i32
        %dma_start3A_517 = arith.constant 1024 : i32
        %dma_start3A_518 = tpu.memref_slice %arg6[%dma_start3A_517] : memref<2048xf32, #tpu.memory_space<vmem>> -> memref<1024xf32, #tpu.memory_space<vmem>>
        %dma_start3A_519 = tpu.memref_slice %arg2[%add3A_289, %mul3A_514] : memref<256x51200xf32, #tpu.memory_space<hbm>> -> memref<1x1024xf32, #tpu.memory_space<hbm>>
        %dma_start3A_520 = tpu.memref_squeeze %dma_start3A_519 : memref<1x1024xf32, #tpu.memory_space<hbm>> -> memref<1024xf32, #tpu.memory_space<hbm>>
        %dma_start3A_521 = tpu.memref_slice %arg12[%dma_start3A_515, %dma_start3A_516] : memref<2x2x!tpu.dma_semaphore, #tpu.memory_space<semaphore_mem>> -> memref<1x1x!tpu.dma_semaphore, #tpu.memory_space<semaphore_mem>>
        %dma_start3A_522 = tpu.memref_squeeze %dma_start3A_521 : memref<1x1x!tpu.dma_semaphore, #tpu.memory_space<semaphore_mem>> -> memref<!tpu.dma_semaphore, #tpu.memory_space<semaphore_mem>>
        %dma_start3A_523 = arith.constant 1024 : i32
        %dma_start3A_524 = tpu.memref_slice %arg6[%dma_start3A_523] : memref<2048xf32, #tpu.memory_space<vmem>> -> memref<1024xf32, #tpu.memory_space<vmem>>
        %dma_start3A_525 = tpu.memref_slice %arg2[%add3A_289, %mul3A_514] : memref<256x51200xf32, #tpu.memory_space<hbm>> -> memref<1x1024xf32, #tpu.memory_space<hbm>>
        %dma_start3A_526 = tpu.memref_squeeze %dma_start3A_525 : memref<1x1024xf32, #tpu.memory_space<hbm>> -> memref<1024xf32, #tpu.memory_space<hbm>>
        tpu.enqueue_dma source(%dma_start3A_526 : memref<1024xf32, #tpu.memory_space<hbm>>) target(%dma_start3A_524 : memref<1024xf32, #tpu.memory_space<vmem>>) target_semaphore(%dma_start3A_522 : memref<!tpu.dma_semaphore, #tpu.memory_space<semaphore_mem>>)
        %mul3A_527 = arith.constant 1024 : i32
        %mul3A_528 = arith.muli %add3A_512, %mul3A_527 : i32
        %dma_start3A_529 = arith.constant 1 : i32
        %dma_start3A_530 = arith.constant 1 : i32
        %dma_start3A_531 = arith.constant 1024 : i32
        %dma_start3A_532 = tpu.memref_slice %arg7[%dma_start3A_531] : memref<2048xi32, #tpu.memory_space<vmem>> -> memref<1024xi32, #tpu.memory_space<vmem>>
        %dma_start3A_533 = tpu.memref_slice %arg3[%add3A_289, %mul3A_528] : memref<256x51200xi32, #tpu.memory_space<hbm>> -> memref<1x1024xi32, #tpu.memory_space<hbm>>
        %dma_start3A_534 = tpu.memref_squeeze %dma_start3A_533 : memref<1x1024xi32, #tpu.memory_space<hbm>> -> memref<1024xi32, #tpu.memory_space<hbm>>
        %dma_start3A_535 = tpu.memref_slice %arg12[%dma_start3A_529, %dma_start3A_530] : memref<2x2x!tpu.dma_semaphore, #tpu.memory_space<semaphore_mem>> -> memref<1x1x!tpu.dma_semaphore, #tpu.memory_space<semaphore_mem>>
        %dma_start3A_536 = tpu.memref_squeeze %dma_start3A_535 : memref<1x1x!tpu.dma_semaphore, #tpu.memory_space<semaphore_mem>> -> memref<!tpu.dma_semaphore, #tpu.memory_space<semaphore_mem>>
        %dma_start3A_537 = arith.constant 1024 : i32
        %dma_start3A_538 = tpu.memref_slice %arg7[%dma_start3A_537] : memref<2048xi32, #tpu.memory_space<vmem>> -> memref<1024xi32, #tpu.memory_space<vmem>>
        %dma_start3A_539 = tpu.memref_slice %arg3[%add3A_289, %mul3A_528] : memref<256x51200xi32, #tpu.memory_space<hbm>> -> memref<1x1024xi32, #tpu.memory_space<hbm>>
        %dma_start3A_540 = tpu.memref_squeeze %dma_start3A_539 : memref<1x1024xi32, #tpu.memory_space<hbm>> -> memref<1024xi32, #tpu.memory_space<hbm>>
        tpu.enqueue_dma source(%dma_start3A_540 : memref<1024xi32, #tpu.memory_space<hbm>>) target(%dma_start3A_538 : memref<1024xi32, #tpu.memory_space<vmem>>) target_semaphore(%dma_start3A_536 : memref<!tpu.dma_semaphore, #tpu.memory_space<semaphore_mem>>)
      } else {
      }
      %broadcast_in_dim3A_454 = arith.constant false
      %broadcast_in_dim3A_455 = vector.broadcast %broadcast_in_dim3A_454 : i1 to vector<16xi1>
      %scan3A_456 = arith.constant 0 : i32
      %scan3A_457 = arith.constant 64 : i32
      %scan3A_458 = arith.addi %scan3A_456, %scan3A_457 : i32
      %scan3A_459 = arith.constant 1 : i32
      %scan3A_460 = scf.for %scan3A_511 = %scan3A_456 to %scan3A_458 step %scan3A_459 iter_args(%scan3A_512 = %broadcast_in_dim3A_455) -> (vector<16xi1>)  : i32 {
        %mul3A_513 = arith.constant 16 : i32
        %mul3A_514 = arith.muli %scan3A_511, %mul3A_513 : i32
        %add3A_515 = arith.constant 0 : i32
        %add3A_516 = arith.addi %add3A_515, %mul3A_514 : i32
        %multiple_of3A = tpu.assume_multiple %add3A_516, 16 : i32
        %get3A_517 = arith.index_cast %multiple_of3A : i32 to index
        %get3A_518 = tpu.vector_load %arg6[%get3A_517] {strides = array<i32>} : memref<2048xf32, #tpu.memory_space<vmem>>, vector<16xf32>,
        %mul3A_519 = arith.mulf %get3A_518, %get3A_287 : vector<16xf32>
        %get3A_520 = arith.index_cast %multiple_of3A : i32 to index
        %get3A_521 = tpu.vector_load %arg7[%get3A_520] {strides = array<i32>} : memref<2048xi32, #tpu.memory_space<vmem>>, vector<16xi32>,
        %gather3A = tpu.vector_load_idx %arg9[%get3A_521] : memref<51200xf32, #tpu.memory_space<vmem>>[vector<16xi32>], vector<16xf32>,
        %max3A = arith.maximumf %gather3A, %mul3A_519 : vector<16xf32>
        tpu.vector_store_idx %arg9[%get3A_521], %max3A : memref<51200xf32, #tpu.memory_space<vmem>>[vector<16xi32>], vector<16xf32>,
        %gather3A_522 = tpu.vector_load_idx %arg9[%get3A_521] : memref<51200xf32, #tpu.memory_space<vmem>>[vector<16xi32>], vector<16xf32>,
        %gt3A = arith.cmpf ogt, %max3A, %gather3A_522 : vector<16xf32>
        %or3A = arith.ori %scan3A_512, %gt3A : vector<16xi1>
        scf.yield %or3A : vector<16xi1>
      }
      %scan3A_461 = arith.constant 64 : i32
      %while3A = scf.while (%while3A_511 = %scan3A_460) : (vector<16xi1>) -> vector<16xi1> {
        %reduce_or3A = arith.constant 1.000000e+00 : f32
        %reduce_or3A_512 = arith.constant 0.000000e+00 : f32
        %reduce_or3A_513 = vector.broadcast %reduce_or3A : f32 to vector<16xf32>
        %reduce_or3A_514 = vector.broadcast %reduce_or3A_512 : f32 to vector<16xf32>
        %reduce_or3A_515 = arith.select %while3A_511, %reduce_or3A_513, %reduce_or3A_514 : vector<16xi1>, vector<16xf32>
        %reduce_or3A_516 = arith.constant true
        %reduce_or3A_517 = vector.broadcast %reduce_or3A_516 : i1 to vector<16xi1>
        %reduce_or3A_518 = tpu.scan <max>, %reduce_or3A_515 masked %reduce_or3A_517 : vector<16xf32>, vector<16xi1> -> vector<16xf32>
        %reduce_or3A_519 = vector.extract %reduce_or3A_518[15] : f32 from vector<16xf32>
        %reduce_or3A_520 = arith.constant 0.000000e+00 : f32
        %reduce_or3A_521 = arith.cmpf ogt, %reduce_or3A_519, %reduce_or3A_520 : f32
        scf.condition(%reduce_or3A_521) %while3A_511 : vector<16xi1>
      } do {
      ^bb0(%while3A_511: vector<16xi1>):
        %scan3A_512 = arith.constant 0 : i32
        %scan3A_513 = arith.constant 64 : i32
        %scan3A_514 = arith.addi %scan3A_512, %scan3A_513 : i32
        %scan3A_515 = arith.constant 1 : i32
        %scan3A_516 = scf.for %scan3A_518 = %scan3A_512 to %scan3A_514 step %scan3A_515 iter_args(%scan3A_519 = %broadcast_in_dim3A_455) -> (vector<16xi1>)  : i32 {
          %mul3A_520 = arith.constant 16 : i32
          %mul3A_521 = arith.muli %scan3A_518, %mul3A_520 : i32
          %add3A_522 = arith.constant 0 : i32
          %add3A_523 = arith.addi %add3A_522, %mul3A_521 : i32
          %multiple_of3A = tpu.assume_multiple %add3A_523, 16 : i32
          %get3A_524 = arith.index_cast %multiple_of3A : i32 to index
          %get3A_525 = tpu.vector_load %arg6[%get3A_524] {strides = array<i32>} : memref<2048xf32, #tpu.memory_space<vmem>>, vector<16xf32>,
          %mul3A_526 = arith.mulf %get3A_525, %get3A_287 : vector<16xf32>
          %get3A_527 = arith.index_cast %multiple_of3A : i32 to index
          %get3A_528 = tpu.vector_load %arg7[%get3A_527] {strides = array<i32>} : memref<2048xi32, #tpu.memory_space<vmem>>, vector<16xi32>,
          %gather3A = tpu.vector_load_idx %arg9[%get3A_528] : memref<51200xf32, #tpu.memory_space<vmem>>[vector<16xi32>], vector<16xf32>,
          %max3A = arith.maximumf %gather3A, %mul3A_526 : vector<16xf32>
          tpu.vector_store_idx %arg9[%get3A_528], %max3A : memref<51200xf32, #tpu.memory_space<vmem>>[vector<16xi32>], vector<16xf32>,
          %gather3A_529 = tpu.vector_load_idx %arg9[%get3A_528] : memref<51200xf32, #tpu.memory_space<vmem>>[vector<16xi32>], vector<16xf32>,
          %gt3A = arith.cmpf ogt, %max3A, %gather3A_529 : vector<16xf32>
          %or3A = arith.ori %scan3A_519, %gt3A : vector<16xi1>
          scf.yield %or3A : vector<16xi1>
        }
        %scan3A_517 = arith.constant 64 : i32
        scf.yield %scan3A_516 : vector<16xi1>
      }
      %mul3A_462 = arith.constant 2 : i32
      %mul3A_463 = arith.muli %scan3A_417, %mul3A_462 : i32
      %add3A_464 = arith.constant 1 : i32
      %add3A_465 = arith.addi %mul3A_463, %add3A_464 : i32
      %mul3A_466 = arith.constant 1024 : i32
      %mul3A_467 = arith.muli %add3A_465, %mul3A_466 : i32
      %dma_wait3A_468 = arith.constant 1 : i32
      %dma_wait3A_469 = arith.constant 0 : i32
      %dma_wait3A_470 = arith.constant 1024 : i32
      %dma_wait3A_471 = tpu.memref_slice %arg6[%dma_wait3A_470] : memref<2048xf32, #tpu.memory_space<vmem>> -> memref<1024xf32, #tpu.memory_space<vmem>>
      %dma_wait3A_472 = tpu.memref_slice %arg2[%add3A_289, %mul3A_467] : memref<256x51200xf32, #tpu.memory_space<hbm>> -> memref<1x1024xf32, #tpu.memory_space<hbm>>
      %dma_wait3A_473 = tpu.memref_squeeze %dma_wait3A_472 : memref<1x1024xf32, #tpu.memory_space<hbm>> -> memref<1024xf32, #tpu.memory_space<hbm>>
      %dma_wait3A_474 = tpu.memref_slice %arg12[%dma_wait3A_468, %dma_wait3A_469] : memref<2x2x!tpu.dma_semaphore, #tpu.memory_space<semaphore_mem>> -> memref<1x1x!tpu.dma_semaphore, #tpu.memory_space<semaphore_mem>>
      %dma_wait3A_475 = tpu.memref_squeeze %dma_wait3A_474 : memref<1x1x!tpu.dma_semaphore, #tpu.memory_space<semaphore_mem>> -> memref<!tpu.dma_semaphore, #tpu.memory_space<semaphore_mem>>
      %dma_wait3A_476 = arith.constant 1024 : i32
      %dma_wait3A_477 = tpu.memref_slice %arg6[%dma_wait3A_476] : memref<2048xf32, #tpu.memory_space<vmem>> -> memref<1024xf32, #tpu.memory_space<vmem>>
      %dma_wait3A_478 = tpu.memref_slice %arg2[%add3A_289, %mul3A_467] : memref<256x51200xf32, #tpu.memory_space<hbm>> -> memref<1x1024xf32, #tpu.memory_space<hbm>>
      %dma_wait3A_479 = tpu.memref_squeeze %dma_wait3A_478 : memref<1x1024xf32, #tpu.memory_space<hbm>> -> memref<1024xf32, #tpu.memory_space<hbm>>
      tpu.wait_dma2 semaphore(%dma_wait3A_475 : memref<!tpu.dma_semaphore, #tpu.memory_space<semaphore_mem>>) src(%dma_wait3A_479 : memref<1024xf32, #tpu.memory_space<hbm>>) dst(%dma_wait3A_477 : memref<1024xf32, #tpu.memory_space<vmem>>)
      %mul3A_480 = arith.constant 1024 : i32
      %mul3A_481 = arith.muli %add3A_465, %mul3A_480 : i32
      %dma_wait3A_482 = arith.constant 1 : i32
      %dma_wait3A_483 = arith.constant 1 : i32
      %dma_wait3A_484 = arith.constant 1024 : i32
      %dma_wait3A_485 = tpu.memref_slice %arg7[%dma_wait3A_484] : memref<2048xi32, #tpu.memory_space<vmem>> -> memref<1024xi32, #tpu.memory_space<vmem>>
      %dma_wait3A_486 = tpu.memref_slice %arg3[%add3A_289, %mul3A_481] : memref<256x51200xi32, #tpu.memory_space<hbm>> -> memref<1x1024xi32, #tpu.memory_space<hbm>>
      %dma_wait3A_487 = tpu.memref_squeeze %dma_wait3A_486 : memref<1x1024xi32, #tpu.memory_space<hbm>> -> memref<1024xi32, #tpu.memory_space<hbm>>
      %dma_wait3A_488 = tpu.memref_slice %arg12[%dma_wait3A_482, %dma_wait3A_483] : memref<2x2x!tpu.dma_semaphore, #tpu.memory_space<semaphore_mem>> -> memref<1x1x!tpu.dma_semaphore, #tpu.memory_space<semaphore_mem>>
      %dma_wait3A_489 = tpu.memref_squeeze %dma_wait3A_488 : memref<1x1x!tpu.dma_semaphore, #tpu.memory_space<semaphore_mem>> -> memref<!tpu.dma_semaphore, #tpu.memory_space<semaphore_mem>>
      %dma_wait3A_490 = arith.constant 1024 : i32
      %dma_wait3A_491 = tpu.memref_slice %arg7[%dma_wait3A_490] : memref<2048xi32, #tpu.memory_space<vmem>> -> memref<1024xi32, #tpu.memory_space<vmem>>
      %dma_wait3A_492 = tpu.memref_slice %arg3[%add3A_289, %mul3A_481] : memref<256x51200xi32, #tpu.memory_space<hbm>> -> memref<1x1024xi32, #tpu.memory_space<hbm>>
      %dma_wait3A_493 = tpu.memref_squeeze %dma_wait3A_492 : memref<1x1024xi32, #tpu.memory_space<hbm>> -> memref<1024xi32, #tpu.memory_space<hbm>>
      tpu.wait_dma2 semaphore(%dma_wait3A_489 : memref<!tpu.dma_semaphore, #tpu.memory_space<semaphore_mem>>) src(%dma_wait3A_493 : memref<1024xi32, #tpu.memory_space<hbm>>) dst(%dma_wait3A_491 : memref<1024xi32, #tpu.memory_space<vmem>>)
      %add3A_494 = arith.constant 1 : i32
      %add3A_495 = arith.addi %add3A_465, %add3A_494 : i32
      %lt3A_496 = arith.constant 50 : i32
      %lt3A_497 = arith.cmpi slt, %add3A_495, %lt3A_496 : i32
      %convert_element_type3A_498 = arith.extui %lt3A_497 : i1 to i32
      %cond3A_499 = arith.constant 0 : i32
      %cond3A_500 = arith.cmpi ne, %convert_element_type3A_498, %cond3A_499 : i32
      scf.if %cond3A_500 {
        %add3A_511 = arith.constant 1 : i32
        %add3A_512 = arith.addi %add3A_465, %add3A_511 : i32
        %mul3A_513 = arith.constant 1024 : i32
        %mul3A_514 = arith.muli %add3A_512, %mul3A_513 : i32
        %dma_start3A_515 = arith.constant 0 : i32
        %dma_start3A_516 = arith.constant 0 : i32
        %dma_start3A_517 = arith.constant 0 : i32
        %dma_start3A_518 = tpu.memref_slice %arg6[%dma_start3A_517] : memref<2048xf32, #tpu.memory_space<vmem>> -> memref<1024xf32, #tpu.memory_space<vmem>>
        %dma_start3A_519 = tpu.memref_slice %arg2[%add3A_289, %mul3A_514] : memref<256x51200xf32, #tpu.memory_space<hbm>> -> memref<1x1024xf32, #tpu.memory_space<hbm>>
        %dma_start3A_520 = tpu.memref_squeeze %dma_start3A_519 : memref<1x1024xf32, #tpu.memory_space<hbm>> -> memref<1024xf32, #tpu.memory_space<hbm>>
        %dma_start3A_521 = tpu.memref_slice %arg12[%dma_start3A_515, %dma_start3A_516] : memref<2x2x!tpu.dma_semaphore, #tpu.memory_space<semaphore_mem>> -> memref<1x1x!tpu.dma_semaphore, #tpu.memory_space<semaphore_mem>>
        %dma_start3A_522 = tpu.memref_squeeze %dma_start3A_521 : memref<1x1x!tpu.dma_semaphore, #tpu.memory_space<semaphore_mem>> -> memref<!tpu.dma_semaphore, #tpu.memory_space<semaphore_mem>>
        %dma_start3A_523 = arith.constant 0 : i32
        %dma_start3A_524 = tpu.memref_slice %arg6[%dma_start3A_523] : memref<2048xf32, #tpu.memory_space<vmem>> -> memref<1024xf32, #tpu.memory_space<vmem>>
        %dma_start3A_525 = tpu.memref_slice %arg2[%add3A_289, %mul3A_514] : memref<256x51200xf32, #tpu.memory_space<hbm>> -> memref<1x1024xf32, #tpu.memory_space<hbm>>
        %dma_start3A_526 = tpu.memref_squeeze %dma_start3A_525 : memref<1x1024xf32, #tpu.memory_space<hbm>> -> memref<1024xf32, #tpu.memory_space<hbm>>
        tpu.enqueue_dma source(%dma_start3A_526 : memref<1024xf32, #tpu.memory_space<hbm>>) target(%dma_start3A_524 : memref<1024xf32, #tpu.memory_space<vmem>>) target_semaphore(%dma_start3A_522 : memref<!tpu.dma_semaphore, #tpu.memory_space<semaphore_mem>>)
        %mul3A_527 = arith.constant 1024 : i32
        %mul3A_528 = arith.muli %add3A_512, %mul3A_527 : i32
        %dma_start3A_529 = arith.constant 0 : i32
        %dma_start3A_530 = arith.constant 1 : i32
        %dma_start3A_531 = arith.constant 0 : i32
        %dma_start3A_532 = tpu.memref_slice %arg7[%dma_start3A_531] : memref<2048xi32, #tpu.memory_space<vmem>> -> memref<1024xi32, #tpu.memory_space<vmem>>
        %dma_start3A_533 = tpu.memref_slice %arg3[%add3A_289, %mul3A_528] : memref<256x51200xi32, #tpu.memory_space<hbm>> -> memref<1x1024xi32, #tpu.memory_space<hbm>>
        %dma_start3A_534 = tpu.memref_squeeze %dma_start3A_533 : memref<1x1024xi32, #tpu.memory_space<hbm>> -> memref<1024xi32, #tpu.memory_space<hbm>>
        %dma_start3A_535 = tpu.memref_slice %arg12[%dma_start3A_529, %dma_start3A_530] : memref<2x2x!tpu.dma_semaphore, #tpu.memory_space<semaphore_mem>> -> memref<1x1x!tpu.dma_semaphore, #tpu.memory_space<semaphore_mem>>
        %dma_start3A_536 = tpu.memref_squeeze %dma_start3A_535 : memref<1x1x!tpu.dma_semaphore, #tpu.memory_space<semaphore_mem>> -> memref<!tpu.dma_semaphore, #tpu.memory_space<semaphore_mem>>
        %dma_start3A_537 = arith.constant 0 : i32
        %dma_start3A_538 = tpu.memref_slice %arg7[%dma_start3A_537] : memref<2048xi32, #tpu.memory_space<vmem>> -> memref<1024xi32, #tpu.memory_space<vmem>>
        %dma_start3A_539 = tpu.memref_slice %arg3[%add3A_289, %mul3A_528] : memref<256x51200xi32, #tpu.memory_space<hbm>> -> memref<1x1024xi32, #tpu.memory_space<hbm>>
        %dma_start3A_540 = tpu.memref_squeeze %dma_start3A_539 : memref<1x1024xi32, #tpu.memory_space<hbm>> -> memref<1024xi32, #tpu.memory_space<hbm>>
        tpu.enqueue_dma source(%dma_start3A_540 : memref<1024xi32, #tpu.memory_space<hbm>>) target(%dma_start3A_538 : memref<1024xi32, #tpu.memory_space<vmem>>) target_semaphore(%dma_start3A_536 : memref<!tpu.dma_semaphore, #tpu.memory_space<semaphore_mem>>)
      } else {
      }
      %broadcast_in_dim3A_501 = arith.constant false
      %broadcast_in_dim3A_502 = vector.broadcast %broadcast_in_dim3A_501 : i1 to vector<16xi1>
      %scan3A_503 = arith.constant 0 : i32
      %scan3A_504 = arith.constant 64 : i32
      %scan3A_505 = arith.addi %scan3A_503, %scan3A_504 : i32
      %scan3A_506 = arith.constant 1 : i32
      %scan3A_507 = scf.for %scan3A_511 = %scan3A_503 to %scan3A_505 step %scan3A_506 iter_args(%scan3A_512 = %broadcast_in_dim3A_502) -> (vector<16xi1>)  : i32 {
        %mul3A_513 = arith.constant 16 : i32
        %mul3A_514 = arith.muli %scan3A_511, %mul3A_513 : i32
        %add3A_515 = arith.constant 1024 : i32
        %add3A_516 = arith.addi %add3A_515, %mul3A_514 : i32
        %multiple_of3A = tpu.assume_multiple %add3A_516, 16 : i32
        %get3A_517 = arith.index_cast %multiple_of3A : i32 to index
        %get3A_518 = tpu.vector_load %arg6[%get3A_517] {strides = array<i32>} : memref<2048xf32, #tpu.memory_space<vmem>>, vector<16xf32>,
        %mul3A_519 = arith.mulf %get3A_518, %get3A_287 : vector<16xf32>
        %get3A_520 = arith.index_cast %multiple_of3A : i32 to index
        %get3A_521 = tpu.vector_load %arg7[%get3A_520] {strides = array<i32>} : memref<2048xi32, #tpu.memory_space<vmem>>, vector<16xi32>,
        %gather3A = tpu.vector_load_idx %arg9[%get3A_521] : memref<51200xf32, #tpu.memory_space<vmem>>[vector<16xi32>], vector<16xf32>,
        %max3A = arith.maximumf %gather3A, %mul3A_519 : vector<16xf32>
        tpu.vector_store_idx %arg9[%get3A_521], %max3A : memref<51200xf32, #tpu.memory_space<vmem>>[vector<16xi32>], vector<16xf32>,
        %gather3A_522 = tpu.vector_load_idx %arg9[%get3A_521] : memref<51200xf32, #tpu.memory_space<vmem>>[vector<16xi32>], vector<16xf32>,
        %gt3A = arith.cmpf ogt, %max3A, %gather3A_522 : vector<16xf32>
        %or3A = arith.ori %scan3A_512, %gt3A : vector<16xi1>
        scf.yield %or3A : vector<16xi1>
      }
      %scan3A_508 = arith.constant 64 : i32
      %while3A_509 = scf.while (%while3A_511 = %scan3A_507) : (vector<16xi1>) -> vector<16xi1> {
        %reduce_or3A = arith.constant 1.000000e+00 : f32
        %reduce_or3A_512 = arith.constant 0.000000e+00 : f32
        %reduce_or3A_513 = vector.broadcast %reduce_or3A : f32 to vector<16xf32>
        %reduce_or3A_514 = vector.broadcast %reduce_or3A_512 : f32 to vector<16xf32>
        %reduce_or3A_515 = arith.select %while3A_511, %reduce_or3A_513, %reduce_or3A_514 : vector<16xi1>, vector<16xf32>
        %reduce_or3A_516 = arith.constant true
        %reduce_or3A_517 = vector.broadcast %reduce_or3A_516 : i1 to vector<16xi1>
        %reduce_or3A_518 = tpu.scan <max>, %reduce_or3A_515 masked %reduce_or3A_517 : vector<16xf32>, vector<16xi1> -> vector<16xf32>
        %reduce_or3A_519 = vector.extract %reduce_or3A_518[15] : f32 from vector<16xf32>
        %reduce_or3A_520 = arith.constant 0.000000e+00 : f32
        %reduce_or3A_521 = arith.cmpf ogt, %reduce_or3A_519, %reduce_or3A_520 : f32
        scf.condition(%reduce_or3A_521) %while3A_511 : vector<16xi1>
      } do {
      ^bb0(%while3A_511: vector<16xi1>):
        %scan3A_512 = arith.constant 0 : i32
        %scan3A_513 = arith.constant 64 : i32
        %scan3A_514 = arith.addi %scan3A_512, %scan3A_513 : i32
        %scan3A_515 = arith.constant 1 : i32
        %scan3A_516 = scf.for %scan3A_518 = %scan3A_512 to %scan3A_514 step %scan3A_515 iter_args(%scan3A_519 = %broadcast_in_dim3A_502) -> (vector<16xi1>)  : i32 {
          %mul3A_520 = arith.constant 16 : i32
          %mul3A_521 = arith.muli %scan3A_518, %mul3A_520 : i32
          %add3A_522 = arith.constant 1024 : i32
          %add3A_523 = arith.addi %add3A_522, %mul3A_521 : i32
          %multiple_of3A = tpu.assume_multiple %add3A_523, 16 : i32
          %get3A_524 = arith.index_cast %multiple_of3A : i32 to index
          %get3A_525 = tpu.vector_load %arg6[%get3A_524] {strides = array<i32>} : memref<2048xf32, #tpu.memory_space<vmem>>, vector<16xf32>,
          %mul3A_526 = arith.mulf %get3A_525, %get3A_287 : vector<16xf32>
          %get3A_527 = arith.index_cast %multiple_of3A : i32 to index
          %get3A_528 = tpu.vector_load %arg7[%get3A_527] {strides = array<i32>} : memref<2048xi32, #tpu.memory_space<vmem>>, vector<16xi32>,
          %gather3A = tpu.vector_load_idx %arg9[%get3A_528] : memref<51200xf32, #tpu.memory_space<vmem>>[vector<16xi32>], vector<16xf32>,
          %max3A = arith.maximumf %gather3A, %mul3A_526 : vector<16xf32>
          tpu.vector_store_idx %arg9[%get3A_528], %max3A : memref<51200xf32, #tpu.memory_space<vmem>>[vector<16xi32>], vector<16xf32>,
          %gather3A_529 = tpu.vector_load_idx %arg9[%get3A_528] : memref<51200xf32, #tpu.memory_space<vmem>>[vector<16xi32>], vector<16xf32>,
          %gt3A = arith.cmpf ogt, %max3A, %gather3A_529 : vector<16xf32>
          %or3A = arith.ori %scan3A_519, %gt3A : vector<16xi1>
          scf.yield %or3A : vector<16xi1>
        }
        %scan3A_517 = arith.constant 64 : i32
        scf.yield %scan3A_516 : vector<16xi1>
      }
      %scan3A_510 = arith.constant 0 : i32
      scf.yield %scan3A_510 : i32
    }
    %scan3A_296 = arith.constant 25 : i32
    %add3A_297 = arith.constant 192 : i32
    %add3A_298 = arith.addi %add3A_297, %add3A : i32
    %dma_start3A_299 = arith.constant 0 : i32
    %dma_start3A_300 = arith.constant 0 : i32
    %dma_start3A_301 = arith.constant 0 : i32
    %dma_start3A_302 = tpu.memref_slice %arg6[%dma_start3A_301] : memref<2048xf32, #tpu.memory_space<vmem>> -> memref<1024xf32, #tpu.memory_space<vmem>>
    %dma_start3A_303 = arith.constant 0 : i32
    %dma_start3A_304 = tpu.memref_slice %arg2[%add3A_298, %dma_start3A_303] : memref<256x51200xf32, #tpu.memory_space<hbm>> -> memref<1x1024xf32, #tpu.memory_space<hbm>>
    %dma_start3A_305 = tpu.memref_squeeze %dma_start3A_304 : memref<1x1024xf32, #tpu.memory_space<hbm>> -> memref<1024xf32, #tpu.memory_space<hbm>>
    %dma_start3A_306 = tpu.memref_slice %arg12[%dma_start3A_299, %dma_start3A_300] : memref<2x2x!tpu.dma_semaphore, #tpu.memory_space<semaphore_mem>> -> memref<1x1x!tpu.dma_semaphore, #tpu.memory_space<semaphore_mem>>
    %dma_start3A_307 = tpu.memref_squeeze %dma_start3A_306 : memref<1x1x!tpu.dma_semaphore, #tpu.memory_space<semaphore_mem>> -> memref<!tpu.dma_semaphore, #tpu.memory_space<semaphore_mem>>
    %dma_start3A_308 = arith.constant 0 : i32
    %dma_start3A_309 = tpu.memref_slice %arg6[%dma_start3A_308] : memref<2048xf32, #tpu.memory_space<vmem>> -> memref<1024xf32, #tpu.memory_space<vmem>>
    %dma_start3A_310 = arith.constant 0 : i32
    %dma_start3A_311 = tpu.memref_slice %arg2[%add3A_298, %dma_start3A_310] : memref<256x51200xf32, #tpu.memory_space<hbm>> -> memref<1x1024xf32, #tpu.memory_space<hbm>>
    %dma_start3A_312 = tpu.memref_squeeze %dma_start3A_311 : memref<1x1024xf32, #tpu.memory_space<hbm>> -> memref<1024xf32, #tpu.memory_space<hbm>>
    tpu.enqueue_dma source(%dma_start3A_312 : memref<1024xf32, #tpu.memory_space<hbm>>) target(%dma_start3A_309 : memref<1024xf32, #tpu.memory_space<vmem>>) target_semaphore(%dma_start3A_307 : memref<!tpu.dma_semaphore, #tpu.memory_space<semaphore_mem>>)
    %dma_start3A_313 = arith.constant 0 : i32
    %dma_start3A_314 = arith.constant 1 : i32
    %dma_start3A_315 = arith.constant 0 : i32
    %dma_start3A_316 = tpu.memref_slice %arg7[%dma_start3A_315] : memref<2048xi32, #tpu.memory_space<vmem>> -> memref<1024xi32, #tpu.memory_space<vmem>>
    %dma_start3A_317 = arith.constant 0 : i32
    %dma_start3A_318 = tpu.memref_slice %arg3[%add3A_298, %dma_start3A_317] : memref<256x51200xi32, #tpu.memory_space<hbm>> -> memref<1x1024xi32, #tpu.memory_space<hbm>>
    %dma_start3A_319 = tpu.memref_squeeze %dma_start3A_318 : memref<1x1024xi32, #tpu.memory_space<hbm>> -> memref<1024xi32, #tpu.memory_space<hbm>>
    %dma_start3A_320 = tpu.memref_slice %arg12[%dma_start3A_313, %dma_start3A_314] : memref<2x2x!tpu.dma_semaphore, #tpu.memory_space<semaphore_mem>> -> memref<1x1x!tpu.dma_semaphore, #tpu.memory_space<semaphore_mem>>
    %dma_start3A_321 = tpu.memref_squeeze %dma_start3A_320 : memref<1x1x!tpu.dma_semaphore, #tpu.memory_space<semaphore_mem>> -> memref<!tpu.dma_semaphore, #tpu.memory_space<semaphore_mem>>
    %dma_start3A_322 = arith.constant 0 : i32
    %dma_start3A_323 = tpu.memref_slice %arg7[%dma_start3A_322] : memref<2048xi32, #tpu.memory_space<vmem>> -> memref<1024xi32, #tpu.memory_space<vmem>>
    %dma_start3A_324 = arith.constant 0 : i32
    %dma_start3A_325 = tpu.memref_slice %arg3[%add3A_298, %dma_start3A_324] : memref<256x51200xi32, #tpu.memory_space<hbm>> -> memref<1x1024xi32, #tpu.memory_space<hbm>>
    %dma_start3A_326 = tpu.memref_squeeze %dma_start3A_325 : memref<1x1024xi32, #tpu.memory_space<hbm>> -> memref<1024xi32, #tpu.memory_space<hbm>>
    tpu.enqueue_dma source(%dma_start3A_326 : memref<1024xi32, #tpu.memory_space<hbm>>) target(%dma_start3A_323 : memref<1024xi32, #tpu.memory_space<vmem>>) target_semaphore(%dma_start3A_321 : memref<!tpu.dma_semaphore, #tpu.memory_space<semaphore_mem>>)
    %scan3A_327 = arith.constant 0 : i32
    %scan3A_328 = arith.constant 0 : i32
    %scan3A_329 = arith.constant 3200 : i32
    %scan3A_330 = arith.addi %scan3A_328, %scan3A_329 : i32
    %scan3A_331 = arith.constant 1 : i32
    %scan3A_332 = scf.for %scan3A_417 = %scan3A_328 to %scan3A_330 step %scan3A_331 iter_args(%scan3A_418 = %scan3A_327) -> (i32)  : i32 {
      %mul3A_419 = arith.constant 16 : i32
      %mul3A_420 = arith.muli %scan3A_417, %mul3A_419 : i32
      %multiple_of3A = tpu.assume_multiple %mul3A_420, 16 : i32
      %get3A_421 = arith.index_cast %multiple_of3A : i32 to index
      %get3A_422 = tpu.vector_load %arg10[%get3A_421] {strides = array<i32>} : memref<51200xf32, #tpu.memory_space<vmem>>, vector<16xf32>,
      %get3A_423 = arith.index_cast %multiple_of3A : i32 to index
      %get3A_424 = tpu.vector_load %arg9[%get3A_423] {strides = array<i32>} : memref<51200xf32, #tpu.memory_space<vmem>>, vector<16xf32>,
      %add3A_425 = arith.addf %get3A_422, %get3A_424 : vector<16xf32>
      %swap3A = arith.index_cast %multiple_of3A : i32 to index
      %swap3A_426 = tpu.vector_load %arg10[%swap3A] {strides = array<i32>} : memref<51200xf32, #tpu.memory_space<vmem>>, vector<16xf32>,
      tpu.vector_store %arg10[%swap3A], %add3A_425 {strides = array<i32>} : memref<51200xf32, #tpu.memory_space<vmem>>, vector<16xf32>,
      %swap3A_427 = arith.index_cast %multiple_of3A : i32 to index
      %swap3A_428 = tpu.vector_load %arg9[%swap3A_427] {strides = array<i32>} : memref<51200xf32, #tpu.memory_space<vmem>>, vector<16xf32>,
      tpu.vector_store %arg9[%swap3A_427], %broadcast_in_dim3A_1 {strides = array<i32>} : memref<51200xf32, #tpu.memory_space<vmem>>, vector<16xf32>,
      %scan3A_429 = arith.constant 0 : i32
      scf.yield %scan3A_429 : i32
    }
    %scan3A_333 = arith.constant 3200 : i32
    %get3A_334 = arith.constant 6 : i32
    %get3A_335 = arith.index_cast %get3A_334 : i32 to index
    %get3A_336 = arith.constant 0 : index
    %get3A_337 = tpu.vector_load %arg8[%get3A_335, %get3A_336] {strides = array<i32>} : memref<8x16xf32, #tpu.memory_space<vmem>>, vector<16xf32>,
    %add3A_338 = arith.constant 192 : i32
    %add3A_339 = arith.addi %add3A_338, %add3A : i32
    %scan3A_340 = arith.constant 0 : i32
    %scan3A_341 = arith.constant 0 : i32
    %scan3A_342 = arith.constant 25 : i32
    %scan3A_343 = arith.addi %scan3A_341, %scan3A_342 : i32
    %scan3A_344 = arith.constant 1 : i32
    %scan3A_345 = scf.for %scan3A_417 = %scan3A_341 to %scan3A_343 step %scan3A_344 iter_args(%scan3A_418 = %scan3A_340) -> (i32)  : i32 {
      %mul3A_419 = arith.constant 2 : i32
      %mul3A_420 = arith.muli %scan3A_417, %mul3A_419 : i32
      %add3A_421 = arith.constant 0 : i32
      %add3A_422 = arith.addi %mul3A_420, %add3A_421 : i32
      %mul3A_423 = arith.constant 1024 : i32
      %mul3A_424 = arith.muli %add3A_422, %mul3A_423 : i32
      %dma_wait3A = arith.constant 0 : i32
      %dma_wait3A_425 = arith.constant 0 : i32
      %dma_wait3A_426 = arith.constant 0 : i32
      %dma_wait3A_427 = tpu.memref_slice %arg6[%dma_wait3A_426] : memref<2048xf32, #tpu.memory_space<vmem>> -> memref<1024xf32, #tpu.memory_space<vmem>>
      %dma_wait3A_428 = tpu.memref_slice %arg2[%add3A_339, %mul3A_424] : memref<256x51200xf32, #tpu.memory_space<hbm>> -> memref<1x1024xf32, #tpu.memory_space<hbm>>
      %dma_wait3A_429 = tpu.memref_squeeze %dma_wait3A_428 : memref<1x1024xf32, #tpu.memory_space<hbm>> -> memref<1024xf32, #tpu.memory_space<hbm>>
      %dma_wait3A_430 = tpu.memref_slice %arg12[%dma_wait3A, %dma_wait3A_425] : memref<2x2x!tpu.dma_semaphore, #tpu.memory_space<semaphore_mem>> -> memref<1x1x!tpu.dma_semaphore, #tpu.memory_space<semaphore_mem>>
      %dma_wait3A_431 = tpu.memref_squeeze %dma_wait3A_430 : memref<1x1x!tpu.dma_semaphore, #tpu.memory_space<semaphore_mem>> -> memref<!tpu.dma_semaphore, #tpu.memory_space<semaphore_mem>>
      %dma_wait3A_432 = arith.constant 0 : i32
      %dma_wait3A_433 = tpu.memref_slice %arg6[%dma_wait3A_432] : memref<2048xf32, #tpu.memory_space<vmem>> -> memref<1024xf32, #tpu.memory_space<vmem>>
      %dma_wait3A_434 = tpu.memref_slice %arg2[%add3A_339, %mul3A_424] : memref<256x51200xf32, #tpu.memory_space<hbm>> -> memref<1x1024xf32, #tpu.memory_space<hbm>>
      %dma_wait3A_435 = tpu.memref_squeeze %dma_wait3A_434 : memref<1x1024xf32, #tpu.memory_space<hbm>> -> memref<1024xf32, #tpu.memory_space<hbm>>
      tpu.wait_dma2 semaphore(%dma_wait3A_431 : memref<!tpu.dma_semaphore, #tpu.memory_space<semaphore_mem>>) src(%dma_wait3A_435 : memref<1024xf32, #tpu.memory_space<hbm>>) dst(%dma_wait3A_433 : memref<1024xf32, #tpu.memory_space<vmem>>)
      %mul3A_436 = arith.constant 1024 : i32
      %mul3A_437 = arith.muli %add3A_422, %mul3A_436 : i32
      %dma_wait3A_438 = arith.constant 0 : i32
      %dma_wait3A_439 = arith.constant 1 : i32
      %dma_wait3A_440 = arith.constant 0 : i32
      %dma_wait3A_441 = tpu.memref_slice %arg7[%dma_wait3A_440] : memref<2048xi32, #tpu.memory_space<vmem>> -> memref<1024xi32, #tpu.memory_space<vmem>>
      %dma_wait3A_442 = tpu.memref_slice %arg3[%add3A_339, %mul3A_437] : memref<256x51200xi32, #tpu.memory_space<hbm>> -> memref<1x1024xi32, #tpu.memory_space<hbm>>
      %dma_wait3A_443 = tpu.memref_squeeze %dma_wait3A_442 : memref<1x1024xi32, #tpu.memory_space<hbm>> -> memref<1024xi32, #tpu.memory_space<hbm>>
      %dma_wait3A_444 = tpu.memref_slice %arg12[%dma_wait3A_438, %dma_wait3A_439] : memref<2x2x!tpu.dma_semaphore, #tpu.memory_space<semaphore_mem>> -> memref<1x1x!tpu.dma_semaphore, #tpu.memory_space<semaphore_mem>>
      %dma_wait3A_445 = tpu.memref_squeeze %dma_wait3A_444 : memref<1x1x!tpu.dma_semaphore, #tpu.memory_space<semaphore_mem>> -> memref<!tpu.dma_semaphore, #tpu.memory_space<semaphore_mem>>
      %dma_wait3A_446 = arith.constant 0 : i32
      %dma_wait3A_447 = tpu.memref_slice %arg7[%dma_wait3A_446] : memref<2048xi32, #tpu.memory_space<vmem>> -> memref<1024xi32, #tpu.memory_space<vmem>>
      %dma_wait3A_448 = tpu.memref_slice %arg3[%add3A_339, %mul3A_437] : memref<256x51200xi32, #tpu.memory_space<hbm>> -> memref<1x1024xi32, #tpu.memory_space<hbm>>
      %dma_wait3A_449 = tpu.memref_squeeze %dma_wait3A_448 : memref<1x1024xi32, #tpu.memory_space<hbm>> -> memref<1024xi32, #tpu.memory_space<hbm>>
      tpu.wait_dma2 semaphore(%dma_wait3A_445 : memref<!tpu.dma_semaphore, #tpu.memory_space<semaphore_mem>>) src(%dma_wait3A_449 : memref<1024xi32, #tpu.memory_space<hbm>>) dst(%dma_wait3A_447 : memref<1024xi32, #tpu.memory_space<vmem>>)
      %add3A_450 = arith.constant 1 : i32
      %add3A_451 = arith.addi %add3A_422, %add3A_450 : i32
      %lt3A = arith.constant 50 : i32
      %lt3A_452 = arith.cmpi slt, %add3A_451, %lt3A : i32
      %convert_element_type3A = arith.extui %lt3A_452 : i1 to i32
      %cond3A = arith.constant 0 : i32
      %cond3A_453 = arith.cmpi ne, %convert_element_type3A, %cond3A : i32
      scf.if %cond3A_453 {
        %add3A_511 = arith.constant 1 : i32
        %add3A_512 = arith.addi %add3A_422, %add3A_511 : i32
        %mul3A_513 = arith.constant 1024 : i32
        %mul3A_514 = arith.muli %add3A_512, %mul3A_513 : i32
        %dma_start3A_515 = arith.constant 1 : i32
        %dma_start3A_516 = arith.constant 0 : i32
        %dma_start3A_517 = arith.constant 1024 : i32
        %dma_start3A_518 = tpu.memref_slice %arg6[%dma_start3A_517] : memref<2048xf32, #tpu.memory_space<vmem>> -> memref<1024xf32, #tpu.memory_space<vmem>>
        %dma_start3A_519 = tpu.memref_slice %arg2[%add3A_339, %mul3A_514] : memref<256x51200xf32, #tpu.memory_space<hbm>> -> memref<1x1024xf32, #tpu.memory_space<hbm>>
        %dma_start3A_520 = tpu.memref_squeeze %dma_start3A_519 : memref<1x1024xf32, #tpu.memory_space<hbm>> -> memref<1024xf32, #tpu.memory_space<hbm>>
        %dma_start3A_521 = tpu.memref_slice %arg12[%dma_start3A_515, %dma_start3A_516] : memref<2x2x!tpu.dma_semaphore, #tpu.memory_space<semaphore_mem>> -> memref<1x1x!tpu.dma_semaphore, #tpu.memory_space<semaphore_mem>>
        %dma_start3A_522 = tpu.memref_squeeze %dma_start3A_521 : memref<1x1x!tpu.dma_semaphore, #tpu.memory_space<semaphore_mem>> -> memref<!tpu.dma_semaphore, #tpu.memory_space<semaphore_mem>>
        %dma_start3A_523 = arith.constant 1024 : i32
        %dma_start3A_524 = tpu.memref_slice %arg6[%dma_start3A_523] : memref<2048xf32, #tpu.memory_space<vmem>> -> memref<1024xf32, #tpu.memory_space<vmem>>
        %dma_start3A_525 = tpu.memref_slice %arg2[%add3A_339, %mul3A_514] : memref<256x51200xf32, #tpu.memory_space<hbm>> -> memref<1x1024xf32, #tpu.memory_space<hbm>>
        %dma_start3A_526 = tpu.memref_squeeze %dma_start3A_525 : memref<1x1024xf32, #tpu.memory_space<hbm>> -> memref<1024xf32, #tpu.memory_space<hbm>>
        tpu.enqueue_dma source(%dma_start3A_526 : memref<1024xf32, #tpu.memory_space<hbm>>) target(%dma_start3A_524 : memref<1024xf32, #tpu.memory_space<vmem>>) target_semaphore(%dma_start3A_522 : memref<!tpu.dma_semaphore, #tpu.memory_space<semaphore_mem>>)
        %mul3A_527 = arith.constant 1024 : i32
        %mul3A_528 = arith.muli %add3A_512, %mul3A_527 : i32
        %dma_start3A_529 = arith.constant 1 : i32
        %dma_start3A_530 = arith.constant 1 : i32
        %dma_start3A_531 = arith.constant 1024 : i32
        %dma_start3A_532 = tpu.memref_slice %arg7[%dma_start3A_531] : memref<2048xi32, #tpu.memory_space<vmem>> -> memref<1024xi32, #tpu.memory_space<vmem>>
        %dma_start3A_533 = tpu.memref_slice %arg3[%add3A_339, %mul3A_528] : memref<256x51200xi32, #tpu.memory_space<hbm>> -> memref<1x1024xi32, #tpu.memory_space<hbm>>
        %dma_start3A_534 = tpu.memref_squeeze %dma_start3A_533 : memref<1x1024xi32, #tpu.memory_space<hbm>> -> memref<1024xi32, #tpu.memory_space<hbm>>
        %dma_start3A_535 = tpu.memref_slice %arg12[%dma_start3A_529, %dma_start3A_530] : memref<2x2x!tpu.dma_semaphore, #tpu.memory_space<semaphore_mem>> -> memref<1x1x!tpu.dma_semaphore, #tpu.memory_space<semaphore_mem>>
        %dma_start3A_536 = tpu.memref_squeeze %dma_start3A_535 : memref<1x1x!tpu.dma_semaphore, #tpu.memory_space<semaphore_mem>> -> memref<!tpu.dma_semaphore, #tpu.memory_space<semaphore_mem>>
        %dma_start3A_537 = arith.constant 1024 : i32
        %dma_start3A_538 = tpu.memref_slice %arg7[%dma_start3A_537] : memref<2048xi32, #tpu.memory_space<vmem>> -> memref<1024xi32, #tpu.memory_space<vmem>>
        %dma_start3A_539 = tpu.memref_slice %arg3[%add3A_339, %mul3A_528] : memref<256x51200xi32, #tpu.memory_space<hbm>> -> memref<1x1024xi32, #tpu.memory_space<hbm>>
        %dma_start3A_540 = tpu.memref_squeeze %dma_start3A_539 : memref<1x1024xi32, #tpu.memory_space<hbm>> -> memref<1024xi32, #tpu.memory_space<hbm>>
        tpu.enqueue_dma source(%dma_start3A_540 : memref<1024xi32, #tpu.memory_space<hbm>>) target(%dma_start3A_538 : memref<1024xi32, #tpu.memory_space<vmem>>) target_semaphore(%dma_start3A_536 : memref<!tpu.dma_semaphore, #tpu.memory_space<semaphore_mem>>)
      } else {
      }
      %broadcast_in_dim3A_454 = arith.constant false
      %broadcast_in_dim3A_455 = vector.broadcast %broadcast_in_dim3A_454 : i1 to vector<16xi1>
      %scan3A_456 = arith.constant 0 : i32
      %scan3A_457 = arith.constant 64 : i32
      %scan3A_458 = arith.addi %scan3A_456, %scan3A_457 : i32
      %scan3A_459 = arith.constant 1 : i32
      %scan3A_460 = scf.for %scan3A_511 = %scan3A_456 to %scan3A_458 step %scan3A_459 iter_args(%scan3A_512 = %broadcast_in_dim3A_455) -> (vector<16xi1>)  : i32 {
        %mul3A_513 = arith.constant 16 : i32
        %mul3A_514 = arith.muli %scan3A_511, %mul3A_513 : i32
        %add3A_515 = arith.constant 0 : i32
        %add3A_516 = arith.addi %add3A_515, %mul3A_514 : i32
        %multiple_of3A = tpu.assume_multiple %add3A_516, 16 : i32
        %get3A_517 = arith.index_cast %multiple_of3A : i32 to index
        %get3A_518 = tpu.vector_load %arg6[%get3A_517] {strides = array<i32>} : memref<2048xf32, #tpu.memory_space<vmem>>, vector<16xf32>,
        %mul3A_519 = arith.mulf %get3A_518, %get3A_337 : vector<16xf32>
        %get3A_520 = arith.index_cast %multiple_of3A : i32 to index
        %get3A_521 = tpu.vector_load %arg7[%get3A_520] {strides = array<i32>} : memref<2048xi32, #tpu.memory_space<vmem>>, vector<16xi32>,
        %gather3A = tpu.vector_load_idx %arg9[%get3A_521] : memref<51200xf32, #tpu.memory_space<vmem>>[vector<16xi32>], vector<16xf32>,
        %max3A = arith.maximumf %gather3A, %mul3A_519 : vector<16xf32>
        tpu.vector_store_idx %arg9[%get3A_521], %max3A : memref<51200xf32, #tpu.memory_space<vmem>>[vector<16xi32>], vector<16xf32>,
        %gather3A_522 = tpu.vector_load_idx %arg9[%get3A_521] : memref<51200xf32, #tpu.memory_space<vmem>>[vector<16xi32>], vector<16xf32>,
        %gt3A = arith.cmpf ogt, %max3A, %gather3A_522 : vector<16xf32>
        %or3A = arith.ori %scan3A_512, %gt3A : vector<16xi1>
        scf.yield %or3A : vector<16xi1>
      }
      %scan3A_461 = arith.constant 64 : i32
      %while3A = scf.while (%while3A_511 = %scan3A_460) : (vector<16xi1>) -> vector<16xi1> {
        %reduce_or3A = arith.constant 1.000000e+00 : f32
        %reduce_or3A_512 = arith.constant 0.000000e+00 : f32
        %reduce_or3A_513 = vector.broadcast %reduce_or3A : f32 to vector<16xf32>
        %reduce_or3A_514 = vector.broadcast %reduce_or3A_512 : f32 to vector<16xf32>
        %reduce_or3A_515 = arith.select %while3A_511, %reduce_or3A_513, %reduce_or3A_514 : vector<16xi1>, vector<16xf32>
        %reduce_or3A_516 = arith.constant true
        %reduce_or3A_517 = vector.broadcast %reduce_or3A_516 : i1 to vector<16xi1>
        %reduce_or3A_518 = tpu.scan <max>, %reduce_or3A_515 masked %reduce_or3A_517 : vector<16xf32>, vector<16xi1> -> vector<16xf32>
        %reduce_or3A_519 = vector.extract %reduce_or3A_518[15] : f32 from vector<16xf32>
        %reduce_or3A_520 = arith.constant 0.000000e+00 : f32
        %reduce_or3A_521 = arith.cmpf ogt, %reduce_or3A_519, %reduce_or3A_520 : f32
        scf.condition(%reduce_or3A_521) %while3A_511 : vector<16xi1>
      } do {
      ^bb0(%while3A_511: vector<16xi1>):
        %scan3A_512 = arith.constant 0 : i32
        %scan3A_513 = arith.constant 64 : i32
        %scan3A_514 = arith.addi %scan3A_512, %scan3A_513 : i32
        %scan3A_515 = arith.constant 1 : i32
        %scan3A_516 = scf.for %scan3A_518 = %scan3A_512 to %scan3A_514 step %scan3A_515 iter_args(%scan3A_519 = %broadcast_in_dim3A_455) -> (vector<16xi1>)  : i32 {
          %mul3A_520 = arith.constant 16 : i32
          %mul3A_521 = arith.muli %scan3A_518, %mul3A_520 : i32
          %add3A_522 = arith.constant 0 : i32
          %add3A_523 = arith.addi %add3A_522, %mul3A_521 : i32
          %multiple_of3A = tpu.assume_multiple %add3A_523, 16 : i32
          %get3A_524 = arith.index_cast %multiple_of3A : i32 to index
          %get3A_525 = tpu.vector_load %arg6[%get3A_524] {strides = array<i32>} : memref<2048xf32, #tpu.memory_space<vmem>>, vector<16xf32>,
          %mul3A_526 = arith.mulf %get3A_525, %get3A_337 : vector<16xf32>
          %get3A_527 = arith.index_cast %multiple_of3A : i32 to index
          %get3A_528 = tpu.vector_load %arg7[%get3A_527] {strides = array<i32>} : memref<2048xi32, #tpu.memory_space<vmem>>, vector<16xi32>,
          %gather3A = tpu.vector_load_idx %arg9[%get3A_528] : memref<51200xf32, #tpu.memory_space<vmem>>[vector<16xi32>], vector<16xf32>,
          %max3A = arith.maximumf %gather3A, %mul3A_526 : vector<16xf32>
          tpu.vector_store_idx %arg9[%get3A_528], %max3A : memref<51200xf32, #tpu.memory_space<vmem>>[vector<16xi32>], vector<16xf32>,
          %gather3A_529 = tpu.vector_load_idx %arg9[%get3A_528] : memref<51200xf32, #tpu.memory_space<vmem>>[vector<16xi32>], vector<16xf32>,
          %gt3A = arith.cmpf ogt, %max3A, %gather3A_529 : vector<16xf32>
          %or3A = arith.ori %scan3A_519, %gt3A : vector<16xi1>
          scf.yield %or3A : vector<16xi1>
        }
        %scan3A_517 = arith.constant 64 : i32
        scf.yield %scan3A_516 : vector<16xi1>
      }
      %mul3A_462 = arith.constant 2 : i32
      %mul3A_463 = arith.muli %scan3A_417, %mul3A_462 : i32
      %add3A_464 = arith.constant 1 : i32
      %add3A_465 = arith.addi %mul3A_463, %add3A_464 : i32
      %mul3A_466 = arith.constant 1024 : i32
      %mul3A_467 = arith.muli %add3A_465, %mul3A_466 : i32
      %dma_wait3A_468 = arith.constant 1 : i32
      %dma_wait3A_469 = arith.constant 0 : i32
      %dma_wait3A_470 = arith.constant 1024 : i32
      %dma_wait3A_471 = tpu.memref_slice %arg6[%dma_wait3A_470] : memref<2048xf32, #tpu.memory_space<vmem>> -> memref<1024xf32, #tpu.memory_space<vmem>>
      %dma_wait3A_472 = tpu.memref_slice %arg2[%add3A_339, %mul3A_467] : memref<256x51200xf32, #tpu.memory_space<hbm>> -> memref<1x1024xf32, #tpu.memory_space<hbm>>
      %dma_wait3A_473 = tpu.memref_squeeze %dma_wait3A_472 : memref<1x1024xf32, #tpu.memory_space<hbm>> -> memref<1024xf32, #tpu.memory_space<hbm>>
      %dma_wait3A_474 = tpu.memref_slice %arg12[%dma_wait3A_468, %dma_wait3A_469] : memref<2x2x!tpu.dma_semaphore, #tpu.memory_space<semaphore_mem>> -> memref<1x1x!tpu.dma_semaphore, #tpu.memory_space<semaphore_mem>>
      %dma_wait3A_475 = tpu.memref_squeeze %dma_wait3A_474 : memref<1x1x!tpu.dma_semaphore, #tpu.memory_space<semaphore_mem>> -> memref<!tpu.dma_semaphore, #tpu.memory_space<semaphore_mem>>
      %dma_wait3A_476 = arith.constant 1024 : i32
      %dma_wait3A_477 = tpu.memref_slice %arg6[%dma_wait3A_476] : memref<2048xf32, #tpu.memory_space<vmem>> -> memref<1024xf32, #tpu.memory_space<vmem>>
      %dma_wait3A_478 = tpu.memref_slice %arg2[%add3A_339, %mul3A_467] : memref<256x51200xf32, #tpu.memory_space<hbm>> -> memref<1x1024xf32, #tpu.memory_space<hbm>>
      %dma_wait3A_479 = tpu.memref_squeeze %dma_wait3A_478 : memref<1x1024xf32, #tpu.memory_space<hbm>> -> memref<1024xf32, #tpu.memory_space<hbm>>
      tpu.wait_dma2 semaphore(%dma_wait3A_475 : memref<!tpu.dma_semaphore, #tpu.memory_space<semaphore_mem>>) src(%dma_wait3A_479 : memref<1024xf32, #tpu.memory_space<hbm>>) dst(%dma_wait3A_477 : memref<1024xf32, #tpu.memory_space<vmem>>)
      %mul3A_480 = arith.constant 1024 : i32
      %mul3A_481 = arith.muli %add3A_465, %mul3A_480 : i32
      %dma_wait3A_482 = arith.constant 1 : i32
      %dma_wait3A_483 = arith.constant 1 : i32
      %dma_wait3A_484 = arith.constant 1024 : i32
      %dma_wait3A_485 = tpu.memref_slice %arg7[%dma_wait3A_484] : memref<2048xi32, #tpu.memory_space<vmem>> -> memref<1024xi32, #tpu.memory_space<vmem>>
      %dma_wait3A_486 = tpu.memref_slice %arg3[%add3A_339, %mul3A_481] : memref<256x51200xi32, #tpu.memory_space<hbm>> -> memref<1x1024xi32, #tpu.memory_space<hbm>>
      %dma_wait3A_487 = tpu.memref_squeeze %dma_wait3A_486 : memref<1x1024xi32, #tpu.memory_space<hbm>> -> memref<1024xi32, #tpu.memory_space<hbm>>
      %dma_wait3A_488 = tpu.memref_slice %arg12[%dma_wait3A_482, %dma_wait3A_483] : memref<2x2x!tpu.dma_semaphore, #tpu.memory_space<semaphore_mem>> -> memref<1x1x!tpu.dma_semaphore, #tpu.memory_space<semaphore_mem>>
      %dma_wait3A_489 = tpu.memref_squeeze %dma_wait3A_488 : memref<1x1x!tpu.dma_semaphore, #tpu.memory_space<semaphore_mem>> -> memref<!tpu.dma_semaphore, #tpu.memory_space<semaphore_mem>>
      %dma_wait3A_490 = arith.constant 1024 : i32
      %dma_wait3A_491 = tpu.memref_slice %arg7[%dma_wait3A_490] : memref<2048xi32, #tpu.memory_space<vmem>> -> memref<1024xi32, #tpu.memory_space<vmem>>
      %dma_wait3A_492 = tpu.memref_slice %arg3[%add3A_339, %mul3A_481] : memref<256x51200xi32, #tpu.memory_space<hbm>> -> memref<1x1024xi32, #tpu.memory_space<hbm>>
      %dma_wait3A_493 = tpu.memref_squeeze %dma_wait3A_492 : memref<1x1024xi32, #tpu.memory_space<hbm>> -> memref<1024xi32, #tpu.memory_space<hbm>>
      tpu.wait_dma2 semaphore(%dma_wait3A_489 : memref<!tpu.dma_semaphore, #tpu.memory_space<semaphore_mem>>) src(%dma_wait3A_493 : memref<1024xi32, #tpu.memory_space<hbm>>) dst(%dma_wait3A_491 : memref<1024xi32, #tpu.memory_space<vmem>>)
      %add3A_494 = arith.constant 1 : i32
      %add3A_495 = arith.addi %add3A_465, %add3A_494 : i32
      %lt3A_496 = arith.constant 50 : i32
      %lt3A_497 = arith.cmpi slt, %add3A_495, %lt3A_496 : i32
      %convert_element_type3A_498 = arith.extui %lt3A_497 : i1 to i32
      %cond3A_499 = arith.constant 0 : i32
      %cond3A_500 = arith.cmpi ne, %convert_element_type3A_498, %cond3A_499 : i32
      scf.if %cond3A_500 {
        %add3A_511 = arith.constant 1 : i32
        %add3A_512 = arith.addi %add3A_465, %add3A_511 : i32
        %mul3A_513 = arith.constant 1024 : i32
        %mul3A_514 = arith.muli %add3A_512, %mul3A_513 : i32
        %dma_start3A_515 = arith.constant 0 : i32
        %dma_start3A_516 = arith.constant 0 : i32
        %dma_start3A_517 = arith.constant 0 : i32
        %dma_start3A_518 = tpu.memref_slice %arg6[%dma_start3A_517] : memref<2048xf32, #tpu.memory_space<vmem>> -> memref<1024xf32, #tpu.memory_space<vmem>>
        %dma_start3A_519 = tpu.memref_slice %arg2[%add3A_339, %mul3A_514] : memref<256x51200xf32, #tpu.memory_space<hbm>> -> memref<1x1024xf32, #tpu.memory_space<hbm>>
        %dma_start3A_520 = tpu.memref_squeeze %dma_start3A_519 : memref<1x1024xf32, #tpu.memory_space<hbm>> -> memref<1024xf32, #tpu.memory_space<hbm>>
        %dma_start3A_521 = tpu.memref_slice %arg12[%dma_start3A_515, %dma_start3A_516] : memref<2x2x!tpu.dma_semaphore, #tpu.memory_space<semaphore_mem>> -> memref<1x1x!tpu.dma_semaphore, #tpu.memory_space<semaphore_mem>>
        %dma_start3A_522 = tpu.memref_squeeze %dma_start3A_521 : memref<1x1x!tpu.dma_semaphore, #tpu.memory_space<semaphore_mem>> -> memref<!tpu.dma_semaphore, #tpu.memory_space<semaphore_mem>>
        %dma_start3A_523 = arith.constant 0 : i32
        %dma_start3A_524 = tpu.memref_slice %arg6[%dma_start3A_523] : memref<2048xf32, #tpu.memory_space<vmem>> -> memref<1024xf32, #tpu.memory_space<vmem>>
        %dma_start3A_525 = tpu.memref_slice %arg2[%add3A_339, %mul3A_514] : memref<256x51200xf32, #tpu.memory_space<hbm>> -> memref<1x1024xf32, #tpu.memory_space<hbm>>
        %dma_start3A_526 = tpu.memref_squeeze %dma_start3A_525 : memref<1x1024xf32, #tpu.memory_space<hbm>> -> memref<1024xf32, #tpu.memory_space<hbm>>
        tpu.enqueue_dma source(%dma_start3A_526 : memref<1024xf32, #tpu.memory_space<hbm>>) target(%dma_start3A_524 : memref<1024xf32, #tpu.memory_space<vmem>>) target_semaphore(%dma_start3A_522 : memref<!tpu.dma_semaphore, #tpu.memory_space<semaphore_mem>>)
        %mul3A_527 = arith.constant 1024 : i32
        %mul3A_528 = arith.muli %add3A_512, %mul3A_527 : i32
        %dma_start3A_529 = arith.constant 0 : i32
        %dma_start3A_530 = arith.constant 1 : i32
        %dma_start3A_531 = arith.constant 0 : i32
        %dma_start3A_532 = tpu.memref_slice %arg7[%dma_start3A_531] : memref<2048xi32, #tpu.memory_space<vmem>> -> memref<1024xi32, #tpu.memory_space<vmem>>
        %dma_start3A_533 = tpu.memref_slice %arg3[%add3A_339, %mul3A_528] : memref<256x51200xi32, #tpu.memory_space<hbm>> -> memref<1x1024xi32, #tpu.memory_space<hbm>>
        %dma_start3A_534 = tpu.memref_squeeze %dma_start3A_533 : memref<1x1024xi32, #tpu.memory_space<hbm>> -> memref<1024xi32, #tpu.memory_space<hbm>>
        %dma_start3A_535 = tpu.memref_slice %arg12[%dma_start3A_529, %dma_start3A_530] : memref<2x2x!tpu.dma_semaphore, #tpu.memory_space<semaphore_mem>> -> memref<1x1x!tpu.dma_semaphore, #tpu.memory_space<semaphore_mem>>
        %dma_start3A_536 = tpu.memref_squeeze %dma_start3A_535 : memref<1x1x!tpu.dma_semaphore, #tpu.memory_space<semaphore_mem>> -> memref<!tpu.dma_semaphore, #tpu.memory_space<semaphore_mem>>
        %dma_start3A_537 = arith.constant 0 : i32
        %dma_start3A_538 = tpu.memref_slice %arg7[%dma_start3A_537] : memref<2048xi32, #tpu.memory_space<vmem>> -> memref<1024xi32, #tpu.memory_space<vmem>>
        %dma_start3A_539 = tpu.memref_slice %arg3[%add3A_339, %mul3A_528] : memref<256x51200xi32, #tpu.memory_space<hbm>> -> memref<1x1024xi32, #tpu.memory_space<hbm>>
        %dma_start3A_540 = tpu.memref_squeeze %dma_start3A_539 : memref<1x1024xi32, #tpu.memory_space<hbm>> -> memref<1024xi32, #tpu.memory_space<hbm>>
        tpu.enqueue_dma source(%dma_start3A_540 : memref<1024xi32, #tpu.memory_space<hbm>>) target(%dma_start3A_538 : memref<1024xi32, #tpu.memory_space<vmem>>) target_semaphore(%dma_start3A_536 : memref<!tpu.dma_semaphore, #tpu.memory_space<semaphore_mem>>)
      } else {
      }
      %broadcast_in_dim3A_501 = arith.constant false
      %broadcast_in_dim3A_502 = vector.broadcast %broadcast_in_dim3A_501 : i1 to vector<16xi1>
      %scan3A_503 = arith.constant 0 : i32
      %scan3A_504 = arith.constant 64 : i32
      %scan3A_505 = arith.addi %scan3A_503, %scan3A_504 : i32
      %scan3A_506 = arith.constant 1 : i32
      %scan3A_507 = scf.for %scan3A_511 = %scan3A_503 to %scan3A_505 step %scan3A_506 iter_args(%scan3A_512 = %broadcast_in_dim3A_502) -> (vector<16xi1>)  : i32 {
        %mul3A_513 = arith.constant 16 : i32
        %mul3A_514 = arith.muli %scan3A_511, %mul3A_513 : i32
        %add3A_515 = arith.constant 1024 : i32
        %add3A_516 = arith.addi %add3A_515, %mul3A_514 : i32
        %multiple_of3A = tpu.assume_multiple %add3A_516, 16 : i32
        %get3A_517 = arith.index_cast %multiple_of3A : i32 to index
        %get3A_518 = tpu.vector_load %arg6[%get3A_517] {strides = array<i32>} : memref<2048xf32, #tpu.memory_space<vmem>>, vector<16xf32>,
        %mul3A_519 = arith.mulf %get3A_518, %get3A_337 : vector<16xf32>
        %get3A_520 = arith.index_cast %multiple_of3A : i32 to index
        %get3A_521 = tpu.vector_load %arg7[%get3A_520] {strides = array<i32>} : memref<2048xi32, #tpu.memory_space<vmem>>, vector<16xi32>,
        %gather3A = tpu.vector_load_idx %arg9[%get3A_521] : memref<51200xf32, #tpu.memory_space<vmem>>[vector<16xi32>], vector<16xf32>,
        %max3A = arith.maximumf %gather3A, %mul3A_519 : vector<16xf32>
        tpu.vector_store_idx %arg9[%get3A_521], %max3A : memref<51200xf32, #tpu.memory_space<vmem>>[vector<16xi32>], vector<16xf32>,
        %gather3A_522 = tpu.vector_load_idx %arg9[%get3A_521] : memref<51200xf32, #tpu.memory_space<vmem>>[vector<16xi32>], vector<16xf32>,
        %gt3A = arith.cmpf ogt, %max3A, %gather3A_522 : vector<16xf32>
        %or3A = arith.ori %scan3A_512, %gt3A : vector<16xi1>
        scf.yield %or3A : vector<16xi1>
      }
      %scan3A_508 = arith.constant 64 : i32
      %while3A_509 = scf.while (%while3A_511 = %scan3A_507) : (vector<16xi1>) -> vector<16xi1> {
        %reduce_or3A = arith.constant 1.000000e+00 : f32
        %reduce_or3A_512 = arith.constant 0.000000e+00 : f32
        %reduce_or3A_513 = vector.broadcast %reduce_or3A : f32 to vector<16xf32>
        %reduce_or3A_514 = vector.broadcast %reduce_or3A_512 : f32 to vector<16xf32>
        %reduce_or3A_515 = arith.select %while3A_511, %reduce_or3A_513, %reduce_or3A_514 : vector<16xi1>, vector<16xf32>
        %reduce_or3A_516 = arith.constant true
        %reduce_or3A_517 = vector.broadcast %reduce_or3A_516 : i1 to vector<16xi1>
        %reduce_or3A_518 = tpu.scan <max>, %reduce_or3A_515 masked %reduce_or3A_517 : vector<16xf32>, vector<16xi1> -> vector<16xf32>
        %reduce_or3A_519 = vector.extract %reduce_or3A_518[15] : f32 from vector<16xf32>
        %reduce_or3A_520 = arith.constant 0.000000e+00 : f32
        %reduce_or3A_521 = arith.cmpf ogt, %reduce_or3A_519, %reduce_or3A_520 : f32
        scf.condition(%reduce_or3A_521) %while3A_511 : vector<16xi1>
      } do {
      ^bb0(%while3A_511: vector<16xi1>):
        %scan3A_512 = arith.constant 0 : i32
        %scan3A_513 = arith.constant 64 : i32
        %scan3A_514 = arith.addi %scan3A_512, %scan3A_513 : i32
        %scan3A_515 = arith.constant 1 : i32
        %scan3A_516 = scf.for %scan3A_518 = %scan3A_512 to %scan3A_514 step %scan3A_515 iter_args(%scan3A_519 = %broadcast_in_dim3A_502) -> (vector<16xi1>)  : i32 {
          %mul3A_520 = arith.constant 16 : i32
          %mul3A_521 = arith.muli %scan3A_518, %mul3A_520 : i32
          %add3A_522 = arith.constant 1024 : i32
          %add3A_523 = arith.addi %add3A_522, %mul3A_521 : i32
          %multiple_of3A = tpu.assume_multiple %add3A_523, 16 : i32
          %get3A_524 = arith.index_cast %multiple_of3A : i32 to index
          %get3A_525 = tpu.vector_load %arg6[%get3A_524] {strides = array<i32>} : memref<2048xf32, #tpu.memory_space<vmem>>, vector<16xf32>,
          %mul3A_526 = arith.mulf %get3A_525, %get3A_337 : vector<16xf32>
          %get3A_527 = arith.index_cast %multiple_of3A : i32 to index
          %get3A_528 = tpu.vector_load %arg7[%get3A_527] {strides = array<i32>} : memref<2048xi32, #tpu.memory_space<vmem>>, vector<16xi32>,
          %gather3A = tpu.vector_load_idx %arg9[%get3A_528] : memref<51200xf32, #tpu.memory_space<vmem>>[vector<16xi32>], vector<16xf32>,
          %max3A = arith.maximumf %gather3A, %mul3A_526 : vector<16xf32>
          tpu.vector_store_idx %arg9[%get3A_528], %max3A : memref<51200xf32, #tpu.memory_space<vmem>>[vector<16xi32>], vector<16xf32>,
          %gather3A_529 = tpu.vector_load_idx %arg9[%get3A_528] : memref<51200xf32, #tpu.memory_space<vmem>>[vector<16xi32>], vector<16xf32>,
          %gt3A = arith.cmpf ogt, %max3A, %gather3A_529 : vector<16xf32>
          %or3A = arith.ori %scan3A_519, %gt3A : vector<16xi1>
          scf.yield %or3A : vector<16xi1>
        }
        %scan3A_517 = arith.constant 64 : i32
        scf.yield %scan3A_516 : vector<16xi1>
      }
      %scan3A_510 = arith.constant 0 : i32
      scf.yield %scan3A_510 : i32
    }
    %scan3A_346 = arith.constant 25 : i32
    %add3A_347 = arith.constant 224 : i32
    %add3A_348 = arith.addi %add3A_347, %add3A : i32
    %dma_start3A_349 = arith.constant 0 : i32
    %dma_start3A_350 = arith.constant 0 : i32
    %dma_start3A_351 = arith.constant 0 : i32
    %dma_start3A_352 = tpu.memref_slice %arg6[%dma_start3A_351] : memref<2048xf32, #tpu.memory_space<vmem>> -> memref<1024xf32, #tpu.memory_space<vmem>>
    %dma_start3A_353 = arith.constant 0 : i32
    %dma_start3A_354 = tpu.memref_slice %arg2[%add3A_348, %dma_start3A_353] : memref<256x51200xf32, #tpu.memory_space<hbm>> -> memref<1x1024xf32, #tpu.memory_space<hbm>>
    %dma_start3A_355 = tpu.memref_squeeze %dma_start3A_354 : memref<1x1024xf32, #tpu.memory_space<hbm>> -> memref<1024xf32, #tpu.memory_space<hbm>>
    %dma_start3A_356 = tpu.memref_slice %arg12[%dma_start3A_349, %dma_start3A_350] : memref<2x2x!tpu.dma_semaphore, #tpu.memory_space<semaphore_mem>> -> memref<1x1x!tpu.dma_semaphore, #tpu.memory_space<semaphore_mem>>
    %dma_start3A_357 = tpu.memref_squeeze %dma_start3A_356 : memref<1x1x!tpu.dma_semaphore, #tpu.memory_space<semaphore_mem>> -> memref<!tpu.dma_semaphore, #tpu.memory_space<semaphore_mem>>
    %dma_start3A_358 = arith.constant 0 : i32
    %dma_start3A_359 = tpu.memref_slice %arg6[%dma_start3A_358] : memref<2048xf32, #tpu.memory_space<vmem>> -> memref<1024xf32, #tpu.memory_space<vmem>>
    %dma_start3A_360 = arith.constant 0 : i32
    %dma_start3A_361 = tpu.memref_slice %arg2[%add3A_348, %dma_start3A_360] : memref<256x51200xf32, #tpu.memory_space<hbm>> -> memref<1x1024xf32, #tpu.memory_space<hbm>>
    %dma_start3A_362 = tpu.memref_squeeze %dma_start3A_361 : memref<1x1024xf32, #tpu.memory_space<hbm>> -> memref<1024xf32, #tpu.memory_space<hbm>>
    tpu.enqueue_dma source(%dma_start3A_362 : memref<1024xf32, #tpu.memory_space<hbm>>) target(%dma_start3A_359 : memref<1024xf32, #tpu.memory_space<vmem>>) target_semaphore(%dma_start3A_357 : memref<!tpu.dma_semaphore, #tpu.memory_space<semaphore_mem>>)
    %dma_start3A_363 = arith.constant 0 : i32
    %dma_start3A_364 = arith.constant 1 : i32
    %dma_start3A_365 = arith.constant 0 : i32
    %dma_start3A_366 = tpu.memref_slice %arg7[%dma_start3A_365] : memref<2048xi32, #tpu.memory_space<vmem>> -> memref<1024xi32, #tpu.memory_space<vmem>>
    %dma_start3A_367 = arith.constant 0 : i32
    %dma_start3A_368 = tpu.memref_slice %arg3[%add3A_348, %dma_start3A_367] : memref<256x51200xi32, #tpu.memory_space<hbm>> -> memref<1x1024xi32, #tpu.memory_space<hbm>>
    %dma_start3A_369 = tpu.memref_squeeze %dma_start3A_368 : memref<1x1024xi32, #tpu.memory_space<hbm>> -> memref<1024xi32, #tpu.memory_space<hbm>>
    %dma_start3A_370 = tpu.memref_slice %arg12[%dma_start3A_363, %dma_start3A_364] : memref<2x2x!tpu.dma_semaphore, #tpu.memory_space<semaphore_mem>> -> memref<1x1x!tpu.dma_semaphore, #tpu.memory_space<semaphore_mem>>
    %dma_start3A_371 = tpu.memref_squeeze %dma_start3A_370 : memref<1x1x!tpu.dma_semaphore, #tpu.memory_space<semaphore_mem>> -> memref<!tpu.dma_semaphore, #tpu.memory_space<semaphore_mem>>
    %dma_start3A_372 = arith.constant 0 : i32
    %dma_start3A_373 = tpu.memref_slice %arg7[%dma_start3A_372] : memref<2048xi32, #tpu.memory_space<vmem>> -> memref<1024xi32, #tpu.memory_space<vmem>>
    %dma_start3A_374 = arith.constant 0 : i32
    %dma_start3A_375 = tpu.memref_slice %arg3[%add3A_348, %dma_start3A_374] : memref<256x51200xi32, #tpu.memory_space<hbm>> -> memref<1x1024xi32, #tpu.memory_space<hbm>>
    %dma_start3A_376 = tpu.memref_squeeze %dma_start3A_375 : memref<1x1024xi32, #tpu.memory_space<hbm>> -> memref<1024xi32, #tpu.memory_space<hbm>>
    tpu.enqueue_dma source(%dma_start3A_376 : memref<1024xi32, #tpu.memory_space<hbm>>) target(%dma_start3A_373 : memref<1024xi32, #tpu.memory_space<vmem>>) target_semaphore(%dma_start3A_371 : memref<!tpu.dma_semaphore, #tpu.memory_space<semaphore_mem>>)
    %scan3A_377 = arith.constant 0 : i32
    %scan3A_378 = arith.constant 0 : i32
    %scan3A_379 = arith.constant 3200 : i32
    %scan3A_380 = arith.addi %scan3A_378, %scan3A_379 : i32
    %scan3A_381 = arith.constant 1 : i32
    %scan3A_382 = scf.for %scan3A_417 = %scan3A_378 to %scan3A_380 step %scan3A_381 iter_args(%scan3A_418 = %scan3A_377) -> (i32)  : i32 {
      %mul3A_419 = arith.constant 16 : i32
      %mul3A_420 = arith.muli %scan3A_417, %mul3A_419 : i32
      %multiple_of3A = tpu.assume_multiple %mul3A_420, 16 : i32
      %get3A_421 = arith.index_cast %multiple_of3A : i32 to index
      %get3A_422 = tpu.vector_load %arg10[%get3A_421] {strides = array<i32>} : memref<51200xf32, #tpu.memory_space<vmem>>, vector<16xf32>,
      %get3A_423 = arith.index_cast %multiple_of3A : i32 to index
      %get3A_424 = tpu.vector_load %arg9[%get3A_423] {strides = array<i32>} : memref<51200xf32, #tpu.memory_space<vmem>>, vector<16xf32>,
      %add3A_425 = arith.addf %get3A_422, %get3A_424 : vector<16xf32>
      %swap3A = arith.index_cast %multiple_of3A : i32 to index
      %swap3A_426 = tpu.vector_load %arg10[%swap3A] {strides = array<i32>} : memref<51200xf32, #tpu.memory_space<vmem>>, vector<16xf32>,
      tpu.vector_store %arg10[%swap3A], %add3A_425 {strides = array<i32>} : memref<51200xf32, #tpu.memory_space<vmem>>, vector<16xf32>,
      %swap3A_427 = arith.index_cast %multiple_of3A : i32 to index
      %swap3A_428 = tpu.vector_load %arg9[%swap3A_427] {strides = array<i32>} : memref<51200xf32, #tpu.memory_space<vmem>>, vector<16xf32>,
      tpu.vector_store %arg9[%swap3A_427], %broadcast_in_dim3A_1 {strides = array<i32>} : memref<51200xf32, #tpu.memory_space<vmem>>, vector<16xf32>,
      %scan3A_429 = arith.constant 0 : i32
      scf.yield %scan3A_429 : i32
    }
    %scan3A_383 = arith.constant 3200 : i32
    %get3A_384 = arith.constant 7 : i32
    %get3A_385 = arith.index_cast %get3A_384 : i32 to index
    %get3A_386 = arith.constant 0 : index
    %get3A_387 = tpu.vector_load %arg8[%get3A_385, %get3A_386] {strides = array<i32>} : memref<8x16xf32, #tpu.memory_space<vmem>>, vector<16xf32>,
    %add3A_388 = arith.constant 224 : i32
    %add3A_389 = arith.addi %add3A_388, %add3A : i32
    %scan3A_390 = arith.constant 0 : i32
    %scan3A_391 = arith.constant 0 : i32
    %scan3A_392 = arith.constant 25 : i32
    %scan3A_393 = arith.addi %scan3A_391, %scan3A_392 : i32
    %scan3A_394 = arith.constant 1 : i32
    %scan3A_395 = scf.for %scan3A_417 = %scan3A_391 to %scan3A_393 step %scan3A_394 iter_args(%scan3A_418 = %scan3A_390) -> (i32)  : i32 {
      %mul3A_419 = arith.constant 2 : i32
      %mul3A_420 = arith.muli %scan3A_417, %mul3A_419 : i32
      %add3A_421 = arith.constant 0 : i32
      %add3A_422 = arith.addi %mul3A_420, %add3A_421 : i32
      %mul3A_423 = arith.constant 1024 : i32
      %mul3A_424 = arith.muli %add3A_422, %mul3A_423 : i32
      %dma_wait3A = arith.constant 0 : i32
      %dma_wait3A_425 = arith.constant 0 : i32
      %dma_wait3A_426 = arith.constant 0 : i32
      %dma_wait3A_427 = tpu.memref_slice %arg6[%dma_wait3A_426] : memref<2048xf32, #tpu.memory_space<vmem>> -> memref<1024xf32, #tpu.memory_space<vmem>>
      %dma_wait3A_428 = tpu.memref_slice %arg2[%add3A_389, %mul3A_424] : memref<256x51200xf32, #tpu.memory_space<hbm>> -> memref<1x1024xf32, #tpu.memory_space<hbm>>
      %dma_wait3A_429 = tpu.memref_squeeze %dma_wait3A_428 : memref<1x1024xf32, #tpu.memory_space<hbm>> -> memref<1024xf32, #tpu.memory_space<hbm>>
      %dma_wait3A_430 = tpu.memref_slice %arg12[%dma_wait3A, %dma_wait3A_425] : memref<2x2x!tpu.dma_semaphore, #tpu.memory_space<semaphore_mem>> -> memref<1x1x!tpu.dma_semaphore, #tpu.memory_space<semaphore_mem>>
      %dma_wait3A_431 = tpu.memref_squeeze %dma_wait3A_430 : memref<1x1x!tpu.dma_semaphore, #tpu.memory_space<semaphore_mem>> -> memref<!tpu.dma_semaphore, #tpu.memory_space<semaphore_mem>>
      %dma_wait3A_432 = arith.constant 0 : i32
      %dma_wait3A_433 = tpu.memref_slice %arg6[%dma_wait3A_432] : memref<2048xf32, #tpu.memory_space<vmem>> -> memref<1024xf32, #tpu.memory_space<vmem>>
      %dma_wait3A_434 = tpu.memref_slice %arg2[%add3A_389, %mul3A_424] : memref<256x51200xf32, #tpu.memory_space<hbm>> -> memref<1x1024xf32, #tpu.memory_space<hbm>>
      %dma_wait3A_435 = tpu.memref_squeeze %dma_wait3A_434 : memref<1x1024xf32, #tpu.memory_space<hbm>> -> memref<1024xf32, #tpu.memory_space<hbm>>
      tpu.wait_dma2 semaphore(%dma_wait3A_431 : memref<!tpu.dma_semaphore, #tpu.memory_space<semaphore_mem>>) src(%dma_wait3A_435 : memref<1024xf32, #tpu.memory_space<hbm>>) dst(%dma_wait3A_433 : memref<1024xf32, #tpu.memory_space<vmem>>)
      %mul3A_436 = arith.constant 1024 : i32
      %mul3A_437 = arith.muli %add3A_422, %mul3A_436 : i32
      %dma_wait3A_438 = arith.constant 0 : i32
      %dma_wait3A_439 = arith.constant 1 : i32
      %dma_wait3A_440 = arith.constant 0 : i32
      %dma_wait3A_441 = tpu.memref_slice %arg7[%dma_wait3A_440] : memref<2048xi32, #tpu.memory_space<vmem>> -> memref<1024xi32, #tpu.memory_space<vmem>>
      %dma_wait3A_442 = tpu.memref_slice %arg3[%add3A_389, %mul3A_437] : memref<256x51200xi32, #tpu.memory_space<hbm>> -> memref<1x1024xi32, #tpu.memory_space<hbm>>
      %dma_wait3A_443 = tpu.memref_squeeze %dma_wait3A_442 : memref<1x1024xi32, #tpu.memory_space<hbm>> -> memref<1024xi32, #tpu.memory_space<hbm>>
      %dma_wait3A_444 = tpu.memref_slice %arg12[%dma_wait3A_438, %dma_wait3A_439] : memref<2x2x!tpu.dma_semaphore, #tpu.memory_space<semaphore_mem>> -> memref<1x1x!tpu.dma_semaphore, #tpu.memory_space<semaphore_mem>>
      %dma_wait3A_445 = tpu.memref_squeeze %dma_wait3A_444 : memref<1x1x!tpu.dma_semaphore, #tpu.memory_space<semaphore_mem>> -> memref<!tpu.dma_semaphore, #tpu.memory_space<semaphore_mem>>
      %dma_wait3A_446 = arith.constant 0 : i32
      %dma_wait3A_447 = tpu.memref_slice %arg7[%dma_wait3A_446] : memref<2048xi32, #tpu.memory_space<vmem>> -> memref<1024xi32, #tpu.memory_space<vmem>>
      %dma_wait3A_448 = tpu.memref_slice %arg3[%add3A_389, %mul3A_437] : memref<256x51200xi32, #tpu.memory_space<hbm>> -> memref<1x1024xi32, #tpu.memory_space<hbm>>
      %dma_wait3A_449 = tpu.memref_squeeze %dma_wait3A_448 : memref<1x1024xi32, #tpu.memory_space<hbm>> -> memref<1024xi32, #tpu.memory_space<hbm>>
      tpu.wait_dma2 semaphore(%dma_wait3A_445 : memref<!tpu.dma_semaphore, #tpu.memory_space<semaphore_mem>>) src(%dma_wait3A_449 : memref<1024xi32, #tpu.memory_space<hbm>>) dst(%dma_wait3A_447 : memref<1024xi32, #tpu.memory_space<vmem>>)
      %add3A_450 = arith.constant 1 : i32
      %add3A_451 = arith.addi %add3A_422, %add3A_450 : i32
      %lt3A = arith.constant 50 : i32
      %lt3A_452 = arith.cmpi slt, %add3A_451, %lt3A : i32
      %convert_element_type3A = arith.extui %lt3A_452 : i1 to i32
      %cond3A = arith.constant 0 : i32
      %cond3A_453 = arith.cmpi ne, %convert_element_type3A, %cond3A : i32
      scf.if %cond3A_453 {
        %add3A_511 = arith.constant 1 : i32
        %add3A_512 = arith.addi %add3A_422, %add3A_511 : i32
        %mul3A_513 = arith.constant 1024 : i32
        %mul3A_514 = arith.muli %add3A_512, %mul3A_513 : i32
        %dma_start3A_515 = arith.constant 1 : i32
        %dma_start3A_516 = arith.constant 0 : i32
        %dma_start3A_517 = arith.constant 1024 : i32
        %dma_start3A_518 = tpu.memref_slice %arg6[%dma_start3A_517] : memref<2048xf32, #tpu.memory_space<vmem>> -> memref<1024xf32, #tpu.memory_space<vmem>>
        %dma_start3A_519 = tpu.memref_slice %arg2[%add3A_389, %mul3A_514] : memref<256x51200xf32, #tpu.memory_space<hbm>> -> memref<1x1024xf32, #tpu.memory_space<hbm>>
        %dma_start3A_520 = tpu.memref_squeeze %dma_start3A_519 : memref<1x1024xf32, #tpu.memory_space<hbm>> -> memref<1024xf32, #tpu.memory_space<hbm>>
        %dma_start3A_521 = tpu.memref_slice %arg12[%dma_start3A_515, %dma_start3A_516] : memref<2x2x!tpu.dma_semaphore, #tpu.memory_space<semaphore_mem>> -> memref<1x1x!tpu.dma_semaphore, #tpu.memory_space<semaphore_mem>>
        %dma_start3A_522 = tpu.memref_squeeze %dma_start3A_521 : memref<1x1x!tpu.dma_semaphore, #tpu.memory_space<semaphore_mem>> -> memref<!tpu.dma_semaphore, #tpu.memory_space<semaphore_mem>>
        %dma_start3A_523 = arith.constant 1024 : i32
        %dma_start3A_524 = tpu.memref_slice %arg6[%dma_start3A_523] : memref<2048xf32, #tpu.memory_space<vmem>> -> memref<1024xf32, #tpu.memory_space<vmem>>
        %dma_start3A_525 = tpu.memref_slice %arg2[%add3A_389, %mul3A_514] : memref<256x51200xf32, #tpu.memory_space<hbm>> -> memref<1x1024xf32, #tpu.memory_space<hbm>>
        %dma_start3A_526 = tpu.memref_squeeze %dma_start3A_525 : memref<1x1024xf32, #tpu.memory_space<hbm>> -> memref<1024xf32, #tpu.memory_space<hbm>>
        tpu.enqueue_dma source(%dma_start3A_526 : memref<1024xf32, #tpu.memory_space<hbm>>) target(%dma_start3A_524 : memref<1024xf32, #tpu.memory_space<vmem>>) target_semaphore(%dma_start3A_522 : memref<!tpu.dma_semaphore, #tpu.memory_space<semaphore_mem>>)
        %mul3A_527 = arith.constant 1024 : i32
        %mul3A_528 = arith.muli %add3A_512, %mul3A_527 : i32
        %dma_start3A_529 = arith.constant 1 : i32
        %dma_start3A_530 = arith.constant 1 : i32
        %dma_start3A_531 = arith.constant 1024 : i32
        %dma_start3A_532 = tpu.memref_slice %arg7[%dma_start3A_531] : memref<2048xi32, #tpu.memory_space<vmem>> -> memref<1024xi32, #tpu.memory_space<vmem>>
        %dma_start3A_533 = tpu.memref_slice %arg3[%add3A_389, %mul3A_528] : memref<256x51200xi32, #tpu.memory_space<hbm>> -> memref<1x1024xi32, #tpu.memory_space<hbm>>
        %dma_start3A_534 = tpu.memref_squeeze %dma_start3A_533 : memref<1x1024xi32, #tpu.memory_space<hbm>> -> memref<1024xi32, #tpu.memory_space<hbm>>
        %dma_start3A_535 = tpu.memref_slice %arg12[%dma_start3A_529, %dma_start3A_530] : memref<2x2x!tpu.dma_semaphore, #tpu.memory_space<semaphore_mem>> -> memref<1x1x!tpu.dma_semaphore, #tpu.memory_space<semaphore_mem>>
        %dma_start3A_536 = tpu.memref_squeeze %dma_start3A_535 : memref<1x1x!tpu.dma_semaphore, #tpu.memory_space<semaphore_mem>> -> memref<!tpu.dma_semaphore, #tpu.memory_space<semaphore_mem>>
        %dma_start3A_537 = arith.constant 1024 : i32
        %dma_start3A_538 = tpu.memref_slice %arg7[%dma_start3A_537] : memref<2048xi32, #tpu.memory_space<vmem>> -> memref<1024xi32, #tpu.memory_space<vmem>>
        %dma_start3A_539 = tpu.memref_slice %arg3[%add3A_389, %mul3A_528] : memref<256x51200xi32, #tpu.memory_space<hbm>> -> memref<1x1024xi32, #tpu.memory_space<hbm>>
        %dma_start3A_540 = tpu.memref_squeeze %dma_start3A_539 : memref<1x1024xi32, #tpu.memory_space<hbm>> -> memref<1024xi32, #tpu.memory_space<hbm>>
        tpu.enqueue_dma source(%dma_start3A_540 : memref<1024xi32, #tpu.memory_space<hbm>>) target(%dma_start3A_538 : memref<1024xi32, #tpu.memory_space<vmem>>) target_semaphore(%dma_start3A_536 : memref<!tpu.dma_semaphore, #tpu.memory_space<semaphore_mem>>)
      } else {
      }
      %broadcast_in_dim3A_454 = arith.constant false
      %broadcast_in_dim3A_455 = vector.broadcast %broadcast_in_dim3A_454 : i1 to vector<16xi1>
      %scan3A_456 = arith.constant 0 : i32
      %scan3A_457 = arith.constant 64 : i32
      %scan3A_458 = arith.addi %scan3A_456, %scan3A_457 : i32
      %scan3A_459 = arith.constant 1 : i32
      %scan3A_460 = scf.for %scan3A_511 = %scan3A_456 to %scan3A_458 step %scan3A_459 iter_args(%scan3A_512 = %broadcast_in_dim3A_455) -> (vector<16xi1>)  : i32 {
        %mul3A_513 = arith.constant 16 : i32
        %mul3A_514 = arith.muli %scan3A_511, %mul3A_513 : i32
        %add3A_515 = arith.constant 0 : i32
        %add3A_516 = arith.addi %add3A_515, %mul3A_514 : i32
        %multiple_of3A = tpu.assume_multiple %add3A_516, 16 : i32
        %get3A_517 = arith.index_cast %multiple_of3A : i32 to index
        %get3A_518 = tpu.vector_load %arg6[%get3A_517] {strides = array<i32>} : memref<2048xf32, #tpu.memory_space<vmem>>, vector<16xf32>,
        %mul3A_519 = arith.mulf %get3A_518, %get3A_387 : vector<16xf32>
        %get3A_520 = arith.index_cast %multiple_of3A : i32 to index
        %get3A_521 = tpu.vector_load %arg7[%get3A_520] {strides = array<i32>} : memref<2048xi32, #tpu.memory_space<vmem>>, vector<16xi32>,
        %gather3A = tpu.vector_load_idx %arg9[%get3A_521] : memref<51200xf32, #tpu.memory_space<vmem>>[vector<16xi32>], vector<16xf32>,
        %max3A = arith.maximumf %gather3A, %mul3A_519 : vector<16xf32>
        tpu.vector_store_idx %arg9[%get3A_521], %max3A : memref<51200xf32, #tpu.memory_space<vmem>>[vector<16xi32>], vector<16xf32>,
        %gather3A_522 = tpu.vector_load_idx %arg9[%get3A_521] : memref<51200xf32, #tpu.memory_space<vmem>>[vector<16xi32>], vector<16xf32>,
        %gt3A = arith.cmpf ogt, %max3A, %gather3A_522 : vector<16xf32>
        %or3A = arith.ori %scan3A_512, %gt3A : vector<16xi1>
        scf.yield %or3A : vector<16xi1>
      }
      %scan3A_461 = arith.constant 64 : i32
      %while3A = scf.while (%while3A_511 = %scan3A_460) : (vector<16xi1>) -> vector<16xi1> {
        %reduce_or3A = arith.constant 1.000000e+00 : f32
        %reduce_or3A_512 = arith.constant 0.000000e+00 : f32
        %reduce_or3A_513 = vector.broadcast %reduce_or3A : f32 to vector<16xf32>
        %reduce_or3A_514 = vector.broadcast %reduce_or3A_512 : f32 to vector<16xf32>
        %reduce_or3A_515 = arith.select %while3A_511, %reduce_or3A_513, %reduce_or3A_514 : vector<16xi1>, vector<16xf32>
        %reduce_or3A_516 = arith.constant true
        %reduce_or3A_517 = vector.broadcast %reduce_or3A_516 : i1 to vector<16xi1>
        %reduce_or3A_518 = tpu.scan <max>, %reduce_or3A_515 masked %reduce_or3A_517 : vector<16xf32>, vector<16xi1> -> vector<16xf32>
        %reduce_or3A_519 = vector.extract %reduce_or3A_518[15] : f32 from vector<16xf32>
        %reduce_or3A_520 = arith.constant 0.000000e+00 : f32
        %reduce_or3A_521 = arith.cmpf ogt, %reduce_or3A_519, %reduce_or3A_520 : f32
        scf.condition(%reduce_or3A_521) %while3A_511 : vector<16xi1>
      } do {
      ^bb0(%while3A_511: vector<16xi1>):
        %scan3A_512 = arith.constant 0 : i32
        %scan3A_513 = arith.constant 64 : i32
        %scan3A_514 = arith.addi %scan3A_512, %scan3A_513 : i32
        %scan3A_515 = arith.constant 1 : i32
        %scan3A_516 = scf.for %scan3A_518 = %scan3A_512 to %scan3A_514 step %scan3A_515 iter_args(%scan3A_519 = %broadcast_in_dim3A_455) -> (vector<16xi1>)  : i32 {
          %mul3A_520 = arith.constant 16 : i32
          %mul3A_521 = arith.muli %scan3A_518, %mul3A_520 : i32
          %add3A_522 = arith.constant 0 : i32
          %add3A_523 = arith.addi %add3A_522, %mul3A_521 : i32
          %multiple_of3A = tpu.assume_multiple %add3A_523, 16 : i32
          %get3A_524 = arith.index_cast %multiple_of3A : i32 to index
          %get3A_525 = tpu.vector_load %arg6[%get3A_524] {strides = array<i32>} : memref<2048xf32, #tpu.memory_space<vmem>>, vector<16xf32>,
          %mul3A_526 = arith.mulf %get3A_525, %get3A_387 : vector<16xf32>
          %get3A_527 = arith.index_cast %multiple_of3A : i32 to index
          %get3A_528 = tpu.vector_load %arg7[%get3A_527] {strides = array<i32>} : memref<2048xi32, #tpu.memory_space<vmem>>, vector<16xi32>,
          %gather3A = tpu.vector_load_idx %arg9[%get3A_528] : memref<51200xf32, #tpu.memory_space<vmem>>[vector<16xi32>], vector<16xf32>,
          %max3A = arith.maximumf %gather3A, %mul3A_526 : vector<16xf32>
          tpu.vector_store_idx %arg9[%get3A_528], %max3A : memref<51200xf32, #tpu.memory_space<vmem>>[vector<16xi32>], vector<16xf32>,
          %gather3A_529 = tpu.vector_load_idx %arg9[%get3A_528] : memref<51200xf32, #tpu.memory_space<vmem>>[vector<16xi32>], vector<16xf32>,
          %gt3A = arith.cmpf ogt, %max3A, %gather3A_529 : vector<16xf32>
          %or3A = arith.ori %scan3A_519, %gt3A : vector<16xi1>
          scf.yield %or3A : vector<16xi1>
        }
        %scan3A_517 = arith.constant 64 : i32
        scf.yield %scan3A_516 : vector<16xi1>
      }
      %mul3A_462 = arith.constant 2 : i32
      %mul3A_463 = arith.muli %scan3A_417, %mul3A_462 : i32
      %add3A_464 = arith.constant 1 : i32
      %add3A_465 = arith.addi %mul3A_463, %add3A_464 : i32
      %mul3A_466 = arith.constant 1024 : i32
      %mul3A_467 = arith.muli %add3A_465, %mul3A_466 : i32
      %dma_wait3A_468 = arith.constant 1 : i32
      %dma_wait3A_469 = arith.constant 0 : i32
      %dma_wait3A_470 = arith.constant 1024 : i32
      %dma_wait3A_471 = tpu.memref_slice %arg6[%dma_wait3A_470] : memref<2048xf32, #tpu.memory_space<vmem>> -> memref<1024xf32, #tpu.memory_space<vmem>>
      %dma_wait3A_472 = tpu.memref_slice %arg2[%add3A_389, %mul3A_467] : memref<256x51200xf32, #tpu.memory_space<hbm>> -> memref<1x1024xf32, #tpu.memory_space<hbm>>
      %dma_wait3A_473 = tpu.memref_squeeze %dma_wait3A_472 : memref<1x1024xf32, #tpu.memory_space<hbm>> -> memref<1024xf32, #tpu.memory_space<hbm>>
      %dma_wait3A_474 = tpu.memref_slice %arg12[%dma_wait3A_468, %dma_wait3A_469] : memref<2x2x!tpu.dma_semaphore, #tpu.memory_space<semaphore_mem>> -> memref<1x1x!tpu.dma_semaphore, #tpu.memory_space<semaphore_mem>>
      %dma_wait3A_475 = tpu.memref_squeeze %dma_wait3A_474 : memref<1x1x!tpu.dma_semaphore, #tpu.memory_space<semaphore_mem>> -> memref<!tpu.dma_semaphore, #tpu.memory_space<semaphore_mem>>
      %dma_wait3A_476 = arith.constant 1024 : i32
      %dma_wait3A_477 = tpu.memref_slice %arg6[%dma_wait3A_476] : memref<2048xf32, #tpu.memory_space<vmem>> -> memref<1024xf32, #tpu.memory_space<vmem>>
      %dma_wait3A_478 = tpu.memref_slice %arg2[%add3A_389, %mul3A_467] : memref<256x51200xf32, #tpu.memory_space<hbm>> -> memref<1x1024xf32, #tpu.memory_space<hbm>>
      %dma_wait3A_479 = tpu.memref_squeeze %dma_wait3A_478 : memref<1x1024xf32, #tpu.memory_space<hbm>> -> memref<1024xf32, #tpu.memory_space<hbm>>
      tpu.wait_dma2 semaphore(%dma_wait3A_475 : memref<!tpu.dma_semaphore, #tpu.memory_space<semaphore_mem>>) src(%dma_wait3A_479 : memref<1024xf32, #tpu.memory_space<hbm>>) dst(%dma_wait3A_477 : memref<1024xf32, #tpu.memory_space<vmem>>)
      %mul3A_480 = arith.constant 1024 : i32
      %mul3A_481 = arith.muli %add3A_465, %mul3A_480 : i32
      %dma_wait3A_482 = arith.constant 1 : i32
      %dma_wait3A_483 = arith.constant 1 : i32
      %dma_wait3A_484 = arith.constant 1024 : i32
      %dma_wait3A_485 = tpu.memref_slice %arg7[%dma_wait3A_484] : memref<2048xi32, #tpu.memory_space<vmem>> -> memref<1024xi32, #tpu.memory_space<vmem>>
      %dma_wait3A_486 = tpu.memref_slice %arg3[%add3A_389, %mul3A_481] : memref<256x51200xi32, #tpu.memory_space<hbm>> -> memref<1x1024xi32, #tpu.memory_space<hbm>>
      %dma_wait3A_487 = tpu.memref_squeeze %dma_wait3A_486 : memref<1x1024xi32, #tpu.memory_space<hbm>> -> memref<1024xi32, #tpu.memory_space<hbm>>
      %dma_wait3A_488 = tpu.memref_slice %arg12[%dma_wait3A_482, %dma_wait3A_483] : memref<2x2x!tpu.dma_semaphore, #tpu.memory_space<semaphore_mem>> -> memref<1x1x!tpu.dma_semaphore, #tpu.memory_space<semaphore_mem>>
      %dma_wait3A_489 = tpu.memref_squeeze %dma_wait3A_488 : memref<1x1x!tpu.dma_semaphore, #tpu.memory_space<semaphore_mem>> -> memref<!tpu.dma_semaphore, #tpu.memory_space<semaphore_mem>>
      %dma_wait3A_490 = arith.constant 1024 : i32
      %dma_wait3A_491 = tpu.memref_slice %arg7[%dma_wait3A_490] : memref<2048xi32, #tpu.memory_space<vmem>> -> memref<1024xi32, #tpu.memory_space<vmem>>
      %dma_wait3A_492 = tpu.memref_slice %arg3[%add3A_389, %mul3A_481] : memref<256x51200xi32, #tpu.memory_space<hbm>> -> memref<1x1024xi32, #tpu.memory_space<hbm>>
      %dma_wait3A_493 = tpu.memref_squeeze %dma_wait3A_492 : memref<1x1024xi32, #tpu.memory_space<hbm>> -> memref<1024xi32, #tpu.memory_space<hbm>>
      tpu.wait_dma2 semaphore(%dma_wait3A_489 : memref<!tpu.dma_semaphore, #tpu.memory_space<semaphore_mem>>) src(%dma_wait3A_493 : memref<1024xi32, #tpu.memory_space<hbm>>) dst(%dma_wait3A_491 : memref<1024xi32, #tpu.memory_space<vmem>>)
      %add3A_494 = arith.constant 1 : i32
      %add3A_495 = arith.addi %add3A_465, %add3A_494 : i32
      %lt3A_496 = arith.constant 50 : i32
      %lt3A_497 = arith.cmpi slt, %add3A_495, %lt3A_496 : i32
      %convert_element_type3A_498 = arith.extui %lt3A_497 : i1 to i32
      %cond3A_499 = arith.constant 0 : i32
      %cond3A_500 = arith.cmpi ne, %convert_element_type3A_498, %cond3A_499 : i32
      scf.if %cond3A_500 {
        %add3A_511 = arith.constant 1 : i32
        %add3A_512 = arith.addi %add3A_465, %add3A_511 : i32
        %mul3A_513 = arith.constant 1024 : i32
        %mul3A_514 = arith.muli %add3A_512, %mul3A_513 : i32
        %dma_start3A_515 = arith.constant 0 : i32
        %dma_start3A_516 = arith.constant 0 : i32
        %dma_start3A_517 = arith.constant 0 : i32
        %dma_start3A_518 = tpu.memref_slice %arg6[%dma_start3A_517] : memref<2048xf32, #tpu.memory_space<vmem>> -> memref<1024xf32, #tpu.memory_space<vmem>>
        %dma_start3A_519 = tpu.memref_slice %arg2[%add3A_389, %mul3A_514] : memref<256x51200xf32, #tpu.memory_space<hbm>> -> memref<1x1024xf32, #tpu.memory_space<hbm>>
        %dma_start3A_520 = tpu.memref_squeeze %dma_start3A_519 : memref<1x1024xf32, #tpu.memory_space<hbm>> -> memref<1024xf32, #tpu.memory_space<hbm>>
        %dma_start3A_521 = tpu.memref_slice %arg12[%dma_start3A_515, %dma_start3A_516] : memref<2x2x!tpu.dma_semaphore, #tpu.memory_space<semaphore_mem>> -> memref<1x1x!tpu.dma_semaphore, #tpu.memory_space<semaphore_mem>>
        %dma_start3A_522 = tpu.memref_squeeze %dma_start3A_521 : memref<1x1x!tpu.dma_semaphore, #tpu.memory_space<semaphore_mem>> -> memref<!tpu.dma_semaphore, #tpu.memory_space<semaphore_mem>>
        %dma_start3A_523 = arith.constant 0 : i32
        %dma_start3A_524 = tpu.memref_slice %arg6[%dma_start3A_523] : memref<2048xf32, #tpu.memory_space<vmem>> -> memref<1024xf32, #tpu.memory_space<vmem>>
        %dma_start3A_525 = tpu.memref_slice %arg2[%add3A_389, %mul3A_514] : memref<256x51200xf32, #tpu.memory_space<hbm>> -> memref<1x1024xf32, #tpu.memory_space<hbm>>
        %dma_start3A_526 = tpu.memref_squeeze %dma_start3A_525 : memref<1x1024xf32, #tpu.memory_space<hbm>> -> memref<1024xf32, #tpu.memory_space<hbm>>
        tpu.enqueue_dma source(%dma_start3A_526 : memref<1024xf32, #tpu.memory_space<hbm>>) target(%dma_start3A_524 : memref<1024xf32, #tpu.memory_space<vmem>>) target_semaphore(%dma_start3A_522 : memref<!tpu.dma_semaphore, #tpu.memory_space<semaphore_mem>>)
        %mul3A_527 = arith.constant 1024 : i32
        %mul3A_528 = arith.muli %add3A_512, %mul3A_527 : i32
        %dma_start3A_529 = arith.constant 0 : i32
        %dma_start3A_530 = arith.constant 1 : i32
        %dma_start3A_531 = arith.constant 0 : i32
        %dma_start3A_532 = tpu.memref_slice %arg7[%dma_start3A_531] : memref<2048xi32, #tpu.memory_space<vmem>> -> memref<1024xi32, #tpu.memory_space<vmem>>
        %dma_start3A_533 = tpu.memref_slice %arg3[%add3A_389, %mul3A_528] : memref<256x51200xi32, #tpu.memory_space<hbm>> -> memref<1x1024xi32, #tpu.memory_space<hbm>>
        %dma_start3A_534 = tpu.memref_squeeze %dma_start3A_533 : memref<1x1024xi32, #tpu.memory_space<hbm>> -> memref<1024xi32, #tpu.memory_space<hbm>>
        %dma_start3A_535 = tpu.memref_slice %arg12[%dma_start3A_529, %dma_start3A_530] : memref<2x2x!tpu.dma_semaphore, #tpu.memory_space<semaphore_mem>> -> memref<1x1x!tpu.dma_semaphore, #tpu.memory_space<semaphore_mem>>
        %dma_start3A_536 = tpu.memref_squeeze %dma_start3A_535 : memref<1x1x!tpu.dma_semaphore, #tpu.memory_space<semaphore_mem>> -> memref<!tpu.dma_semaphore, #tpu.memory_space<semaphore_mem>>
        %dma_start3A_537 = arith.constant 0 : i32
        %dma_start3A_538 = tpu.memref_slice %arg7[%dma_start3A_537] : memref<2048xi32, #tpu.memory_space<vmem>> -> memref<1024xi32, #tpu.memory_space<vmem>>
        %dma_start3A_539 = tpu.memref_slice %arg3[%add3A_389, %mul3A_528] : memref<256x51200xi32, #tpu.memory_space<hbm>> -> memref<1x1024xi32, #tpu.memory_space<hbm>>
        %dma_start3A_540 = tpu.memref_squeeze %dma_start3A_539 : memref<1x1024xi32, #tpu.memory_space<hbm>> -> memref<1024xi32, #tpu.memory_space<hbm>>
        tpu.enqueue_dma source(%dma_start3A_540 : memref<1024xi32, #tpu.memory_space<hbm>>) target(%dma_start3A_538 : memref<1024xi32, #tpu.memory_space<vmem>>) target_semaphore(%dma_start3A_536 : memref<!tpu.dma_semaphore, #tpu.memory_space<semaphore_mem>>)
      } else {
      }
      %broadcast_in_dim3A_501 = arith.constant false
      %broadcast_in_dim3A_502 = vector.broadcast %broadcast_in_dim3A_501 : i1 to vector<16xi1>
      %scan3A_503 = arith.constant 0 : i32
      %scan3A_504 = arith.constant 64 : i32
      %scan3A_505 = arith.addi %scan3A_503, %scan3A_504 : i32
      %scan3A_506 = arith.constant 1 : i32
      %scan3A_507 = scf.for %scan3A_511 = %scan3A_503 to %scan3A_505 step %scan3A_506 iter_args(%scan3A_512 = %broadcast_in_dim3A_502) -> (vector<16xi1>)  : i32 {
        %mul3A_513 = arith.constant 16 : i32
        %mul3A_514 = arith.muli %scan3A_511, %mul3A_513 : i32
        %add3A_515 = arith.constant 1024 : i32
        %add3A_516 = arith.addi %add3A_515, %mul3A_514 : i32
        %multiple_of3A = tpu.assume_multiple %add3A_516, 16 : i32
        %get3A_517 = arith.index_cast %multiple_of3A : i32 to index
        %get3A_518 = tpu.vector_load %arg6[%get3A_517] {strides = array<i32>} : memref<2048xf32, #tpu.memory_space<vmem>>, vector<16xf32>,
        %mul3A_519 = arith.mulf %get3A_518, %get3A_387 : vector<16xf32>
        %get3A_520 = arith.index_cast %multiple_of3A : i32 to index
        %get3A_521 = tpu.vector_load %arg7[%get3A_520] {strides = array<i32>} : memref<2048xi32, #tpu.memory_space<vmem>>, vector<16xi32>,
        %gather3A = tpu.vector_load_idx %arg9[%get3A_521] : memref<51200xf32, #tpu.memory_space<vmem>>[vector<16xi32>], vector<16xf32>,
        %max3A = arith.maximumf %gather3A, %mul3A_519 : vector<16xf32>
        tpu.vector_store_idx %arg9[%get3A_521], %max3A : memref<51200xf32, #tpu.memory_space<vmem>>[vector<16xi32>], vector<16xf32>,
        %gather3A_522 = tpu.vector_load_idx %arg9[%get3A_521] : memref<51200xf32, #tpu.memory_space<vmem>>[vector<16xi32>], vector<16xf32>,
        %gt3A = arith.cmpf ogt, %max3A, %gather3A_522 : vector<16xf32>
        %or3A = arith.ori %scan3A_512, %gt3A : vector<16xi1>
        scf.yield %or3A : vector<16xi1>
      }
      %scan3A_508 = arith.constant 64 : i32
      %while3A_509 = scf.while (%while3A_511 = %scan3A_507) : (vector<16xi1>) -> vector<16xi1> {
        %reduce_or3A = arith.constant 1.000000e+00 : f32
        %reduce_or3A_512 = arith.constant 0.000000e+00 : f32
        %reduce_or3A_513 = vector.broadcast %reduce_or3A : f32 to vector<16xf32>
        %reduce_or3A_514 = vector.broadcast %reduce_or3A_512 : f32 to vector<16xf32>
        %reduce_or3A_515 = arith.select %while3A_511, %reduce_or3A_513, %reduce_or3A_514 : vector<16xi1>, vector<16xf32>
        %reduce_or3A_516 = arith.constant true
        %reduce_or3A_517 = vector.broadcast %reduce_or3A_516 : i1 to vector<16xi1>
        %reduce_or3A_518 = tpu.scan <max>, %reduce_or3A_515 masked %reduce_or3A_517 : vector<16xf32>, vector<16xi1> -> vector<16xf32>
        %reduce_or3A_519 = vector.extract %reduce_or3A_518[15] : f32 from vector<16xf32>
        %reduce_or3A_520 = arith.constant 0.000000e+00 : f32
        %reduce_or3A_521 = arith.cmpf ogt, %reduce_or3A_519, %reduce_or3A_520 : f32
        scf.condition(%reduce_or3A_521) %while3A_511 : vector<16xi1>
      } do {
      ^bb0(%while3A_511: vector<16xi1>):
        %scan3A_512 = arith.constant 0 : i32
        %scan3A_513 = arith.constant 64 : i32
        %scan3A_514 = arith.addi %scan3A_512, %scan3A_513 : i32
        %scan3A_515 = arith.constant 1 : i32
        %scan3A_516 = scf.for %scan3A_518 = %scan3A_512 to %scan3A_514 step %scan3A_515 iter_args(%scan3A_519 = %broadcast_in_dim3A_502) -> (vector<16xi1>)  : i32 {
          %mul3A_520 = arith.constant 16 : i32
          %mul3A_521 = arith.muli %scan3A_518, %mul3A_520 : i32
          %add3A_522 = arith.constant 1024 : i32
          %add3A_523 = arith.addi %add3A_522, %mul3A_521 : i32
          %multiple_of3A = tpu.assume_multiple %add3A_523, 16 : i32
          %get3A_524 = arith.index_cast %multiple_of3A : i32 to index
          %get3A_525 = tpu.vector_load %arg6[%get3A_524] {strides = array<i32>} : memref<2048xf32, #tpu.memory_space<vmem>>, vector<16xf32>,
          %mul3A_526 = arith.mulf %get3A_525, %get3A_387 : vector<16xf32>
          %get3A_527 = arith.index_cast %multiple_of3A : i32 to index
          %get3A_528 = tpu.vector_load %arg7[%get3A_527] {strides = array<i32>} : memref<2048xi32, #tpu.memory_space<vmem>>, vector<16xi32>,
          %gather3A = tpu.vector_load_idx %arg9[%get3A_528] : memref<51200xf32, #tpu.memory_space<vmem>>[vector<16xi32>], vector<16xf32>,
          %max3A = arith.maximumf %gather3A, %mul3A_526 : vector<16xf32>
          tpu.vector_store_idx %arg9[%get3A_528], %max3A : memref<51200xf32, #tpu.memory_space<vmem>>[vector<16xi32>], vector<16xf32>,
          %gather3A_529 = tpu.vector_load_idx %arg9[%get3A_528] : memref<51200xf32, #tpu.memory_space<vmem>>[vector<16xi32>], vector<16xf32>,
          %gt3A = arith.cmpf ogt, %max3A, %gather3A_529 : vector<16xf32>
          %or3A = arith.ori %scan3A_519, %gt3A : vector<16xi1>
          scf.yield %or3A : vector<16xi1>
        }
        %scan3A_517 = arith.constant 64 : i32
        scf.yield %scan3A_516 : vector<16xi1>
      }
      %scan3A_510 = arith.constant 0 : i32
      scf.yield %scan3A_510 : i32
    }
    %scan3A_396 = arith.constant 25 : i32
    %scan3A_397 = arith.constant 0 : i32
    %scan3A_398 = arith.constant 0 : i32
    %scan3A_399 = arith.constant 3200 : i32
    %scan3A_400 = arith.addi %scan3A_398, %scan3A_399 : i32
    %scan3A_401 = arith.constant 1 : i32
    %scan3A_402 = scf.for %scan3A_417 = %scan3A_398 to %scan3A_400 step %scan3A_401 iter_args(%scan3A_418 = %scan3A_397) -> (i32)  : i32 {
      %mul3A_419 = arith.constant 16 : i32
      %mul3A_420 = arith.muli %scan3A_417, %mul3A_419 : i32
      %multiple_of3A = tpu.assume_multiple %mul3A_420, 16 : i32
      %get3A_421 = arith.index_cast %multiple_of3A : i32 to index
      %get3A_422 = tpu.vector_load %arg10[%get3A_421] {strides = array<i32>} : memref<51200xf32, #tpu.memory_space<vmem>>, vector<16xf32>,
      %get3A_423 = arith.index_cast %multiple_of3A : i32 to index
      %get3A_424 = tpu.vector_load %arg9[%get3A_423] {strides = array<i32>} : memref<51200xf32, #tpu.memory_space<vmem>>, vector<16xf32>,
      %add3A_425 = arith.addf %get3A_422, %get3A_424 : vector<16xf32>
      %swap3A = arith.index_cast %multiple_of3A : i32 to index
      %swap3A_426 = tpu.vector_load %arg10[%swap3A] {strides = array<i32>} : memref<51200xf32, #tpu.memory_space<vmem>>, vector<16xf32>,
      tpu.vector_store %arg10[%swap3A], %add3A_425 {strides = array<i32>} : memref<51200xf32, #tpu.memory_space<vmem>>, vector<16xf32>,
      %swap3A_427 = arith.index_cast %multiple_of3A : i32 to index
      %swap3A_428 = tpu.vector_load %arg9[%swap3A_427] {strides = array<i32>} : memref<51200xf32, #tpu.memory_space<vmem>>, vector<16xf32>,
      tpu.vector_store %arg9[%swap3A_427], %broadcast_in_dim3A_1 {strides = array<i32>} : memref<51200xf32, #tpu.memory_space<vmem>>, vector<16xf32>,
      %scan3A_429 = arith.constant 0 : i32
      scf.yield %scan3A_429 : i32
    }
    %scan3A_403 = arith.constant 3200 : i32
    %mul3A_404 = arith.constant 2 : i32
    %mul3A_405 = vector.broadcast %mul3A_404 : i32 to vector<16xi32>
    %mul3A_406 = arith.muli %iota3A, %mul3A_405 : vector<16xi32>
    %add3A_407 = arith.constant 1 : i32
    %add3A_408 = vector.broadcast %add3A_407 : i32 to vector<16xi32>
    %add3A_409 = arith.addi %mul3A_406, %add3A_408 : vector<16xi32>
    %scan3A_410 = arith.constant 0 : i32
    %scan3A_411 = arith.constant 0 : i32
    %scan3A_412 = arith.constant 25 : i32
    %scan3A_413 = arith.addi %scan3A_411, %scan3A_412 : i32
    %scan3A_414 = arith.constant 1 : i32
    %scan3A_415 = scf.for %scan3A_417 = %scan3A_411 to %scan3A_413 step %scan3A_414 iter_args(%scan3A_418 = %scan3A_410) -> (i32)  : i32 {
      %scan3A_419 = arith.constant 0 : i32
      %scan3A_420 = arith.constant 0 : i32
      %scan3A_421 = arith.constant 128 : i32
      %scan3A_422 = arith.addi %scan3A_420, %scan3A_421 : i32
      %scan3A_423 = arith.constant 1 : i32
      %scan3A_424 = scf.for %scan3A_431 = %scan3A_420 to %scan3A_422 step %scan3A_423 iter_args(%scan3A_432 = %scan3A_419) -> (i32)  : i32 {
        %mul3A_433 = arith.constant 2048 : i32
        %mul3A_434 = arith.muli %scan3A_417, %mul3A_433 : i32
        %mul3A_435 = arith.constant 16 : i32
        %mul3A_436 = arith.muli %scan3A_431, %mul3A_435 : i32
        %add3A_437 = arith.addi %mul3A_434, %mul3A_436 : i32
        %multiple_of3A = tpu.assume_multiple %add3A_437, 16 : i32
        %get3A_438 = arith.index_cast %multiple_of3A : i32 to index
        %get3A_439 = tpu.vector_load %arg10[%get3A_438] {strides = array<i32>} : memref<51200xf32, #tpu.memory_space<vmem>>, vector<16xf32>,
        %add3A_440 = vector.broadcast %add3A_437 : i32 to vector<16xi32>
        %add3A_441 = arith.addi %add3A_440, %iota3A : vector<16xi32>
        %eq3A = arith.constant 50257 : i32
        %eq3A_442 = vector.broadcast %eq3A : i32 to vector<16xi32>
        %eq3A_443 = arith.cmpi eq, %add3A_441, %eq3A_442 : vector<16xi32>
        %convert_element_type3A = arith.sitofp %add3A_441 : vector<16xi32> to vector<16xf32>
        %jit3A = arith.constant -1.000000e+00 : f32
        %broadcast_in_dim3A_444 = vector.broadcast %jit3A : f32 to vector<16xf32>
        %select_n3A = arith.select %eq3A_443, %broadcast_in_dim3A_444, %convert_element_type3A : vector<16xi1>, vector<16xf32>
        %mul3A_445 = arith.constant 16 : i32
        %mul3A_446 = arith.muli %scan3A_431, %mul3A_445 : i32
        %mul3A_447 = arith.constant 2 : i32
        %mul3A_448 = arith.muli %mul3A_446, %mul3A_447 : i32
        %multiple_of3A_449 = tpu.assume_multiple %mul3A_448, 32 : i32
        %add3A_450 = vector.broadcast %multiple_of3A_449 : i32 to vector<16xi32>
        %add3A_451 = arith.addi %add3A_450, %mul3A_406 : vector<16xi32>
        tpu.vector_store_idx %arg11[%add3A_451], %get3A_439 : memref<4096xf32, #tpu.memory_space<vmem>>[vector<16xi32>], vector<16xf32>,
        %add3A_452 = vector.broadcast %multiple_of3A_449 : i32 to vector<16xi32>
        %add3A_453 = arith.addi %add3A_452, %add3A_409 : vector<16xi32>
        tpu.vector_store_idx %arg11[%add3A_453], %select_n3A : memref<4096xf32, #tpu.memory_space<vmem>>[vector<16xi32>], vector<16xf32>,
        %scan3A_454 = arith.constant 0 : i32
        scf.yield %scan3A_454 : i32
      }
      %scan3A_425 = arith.constant 128 : i32
      %mul3A_426 = arith.constant 2 : i32
      %mul3A_427 = arith.muli %scan3A_417, %mul3A_426 : i32
      %mul3A_428 = arith.constant 2048 : i32
      %mul3A_429 = arith.muli %mul3A_427, %mul3A_428 : i32
      "tpu.region"() ({
        %run_scoped3A = tpu.sem_alloc : memref<!tpu.dma_semaphore, #tpu.memory_space<semaphore_mem>>
        %dma_start3A_431 = tpu.memref_slice %arg5[%add3A, %mul3A_429] : memref<32x102400xf32, #tpu.memory_space<hbm>> -> memref<1x4096xf32, #tpu.memory_space<hbm>>
        %dma_start3A_432 = tpu.memref_squeeze %dma_start3A_431 : memref<1x4096xf32, #tpu.memory_space<hbm>> -> memref<4096xf32, #tpu.memory_space<hbm>>
        %dma_start3A_433 = tpu.memref_slice %arg5[%add3A, %mul3A_429] : memref<32x102400xf32, #tpu.memory_space<hbm>> -> memref<1x4096xf32, #tpu.memory_space<hbm>>
        %dma_start3A_434 = tpu.memref_squeeze %dma_start3A_433 : memref<1x4096xf32, #tpu.memory_space<hbm>> -> memref<4096xf32, #tpu.memory_space<hbm>>
        tpu.enqueue_dma source(%arg11 : memref<4096xf32, #tpu.memory_space<vmem>>) target(%dma_start3A_434 : memref<4096xf32, #tpu.memory_space<hbm>>) target_semaphore(%run_scoped3A : memref<!tpu.dma_semaphore, #tpu.memory_space<semaphore_mem>>)
        %dma_wait3A = tpu.memref_slice %arg5[%add3A, %mul3A_429] : memref<32x102400xf32, #tpu.memory_space<hbm>> -> memref<1x4096xf32, #tpu.memory_space<hbm>>
        %dma_wait3A_435 = tpu.memref_squeeze %dma_wait3A : memref<1x4096xf32, #tpu.memory_space<hbm>> -> memref<4096xf32, #tpu.memory_space<hbm>>
        %dma_wait3A_436 = tpu.memref_slice %arg5[%add3A, %mul3A_429] : memref<32x102400xf32, #tpu.memory_space<hbm>> -> memref<1x4096xf32, #tpu.memory_space<hbm>>
        %dma_wait3A_437 = tpu.memref_squeeze %dma_wait3A_436 : memref<1x4096xf32, #tpu.memory_space<hbm>> -> memref<4096xf32, #tpu.memory_space<hbm>>
        tpu.wait_dma2 semaphore(%run_scoped3A : memref<!tpu.dma_semaphore, #tpu.memory_space<semaphore_mem>>) src(%arg11 : memref<4096xf32, #tpu.memory_space<vmem>>) dst(%dma_wait3A_437 : memref<4096xf32, #tpu.memory_space<hbm>>)
        tpu.yield
      }) : () -> ()
      %scan3A_430 = arith.constant 0 : i32
      scf.yield %scan3A_430 : i32
    }
    %scan3A_416 = arith.constant 25 : i32
    return
  }
}

</mosaic_0001>

<sc_bundles>
// kernel: _mix.3.cloned.1.call-start
scs
__scs_entry_jumppad:
0x0: {  	(pc) =	sbr.rel $0x88, $3  }
0x1: {  	(tag) =	ssettag $0x0;
	lr =	simm.s32 $0x1  }
0x2: {  	[smem:$0x3F9E] =	sst lr;
	_ =	strace $0xD0000000  }
0x3: {  	_ = 	snop  }
0x4: {  	_ = 	snop  }
0x5: {  	_ = 	snop  }
0x6: {  	_ = 	snop  }
0x7: {  	_ = 	snop  }
__scs_overlays_trampoline_lowered:
0x8: {  	[smem:$0x3FAD] =	sst s0  }
0x9: {  	[smem:$0x3FAE] =	sst s1  }
0xa: {  	[smem:$0x3FAF] =	sst s2  }
0xb: {  	[smem:$0x3FB0] =	sst s3  }
0xc: {  	[smem:$0x3FB1] =	sst s4  }
0xd: {  	[smem:$0x3FB2] =	sst s5  }
0xe: {  	[smem:$0x3FB3] =	sst s6  }
0xf: {  	[smem:$0x3FB4] =	sst s7  }
0x10: {  	[smem:$0x3FB5] =	sst s8  }
0x11: {  	[smem:$0x3FB6] =	sst s9;
	s0 =	simm.s32 @!p0 $0x0  }
0x12: {  	s1 =	sld [smem:$0x3F9C];
	s0 =	simm.s32 @p0 $0x1  }
0x13: {  	[smem:$0x3FB7] =	sst s0;
	s0 =	simm.s32 @!p1 $0x0  }
0x14: {  	s2 =	sld [smem:$0x3F9B];
	s0 =	simm.s32 @p1 $0x1  }
0x15: {  	[smem:$0x3FB8] =	sst s0;
	s0 =	simm.s32 @!p2 $0x0  }
0x16: {  	s3 =	sld [smem:$0x3FDB];
	s0 =	simm.s32 @p2 $0x1  }
0x17: {  	s4 =	simm.s32 $0x1BF5;
	[smem:$0x3FBA] =	sst s0  }
0x18: {  	s0 =	sld [smem:$0x3F9D];
	_ =	swait.ge [sflag:s4], $0x0  }
0x19: {  	s7 =	sld [smem:$0x3F9E]  }
0x1a: {  	s8 =	sadd.s32 $0xFFFFE003, lr  }
0x1b: {  	s9 =	sadd.s32 $0xFFFFFEF7, lr;
	s5 =	simm.s32 $0xFFFFFFFF;
	p2 =	slt.u32 s8, $0xFFFFF086  }
0x1c: {  	p1 =	slt.u32 s9, $0xF7A;
	s5 =	simm.s32 @!p2 $0x0  }
0x1d: {  	s5 =	simm.s32 @p1 $0x1;
	p0 =	seq.s32 s7, s2  }
0x1e: {  	s7 =	smul.u32 @!p0 $0xF7A, s2;
	p2 =	seq.s32 @!p0 s5, $0x0  }
0x1f: {  	s9 =	smul.u32 $0xF7A, s1;
	s8 =	simm.s32 @!p0 $0x1BF5;
	p2 =	por !p2, p0  }
0x20: {  	[sflag:s8] =	ssyncset.s32 @!p0 $0xFFFFF086;
	s6 =	sadd.s32 @!p0 s3, s7;
	s7 =	simm.s32 @!p0 $0x108  }
0x21: {  	s3 =	sadd.s32 s3, s9;
	s6 =	sadd.s32 @!p0 $0x88, s6;
	s7 =	simm.s32 @p2 $0x1082  }
0x22: {  	[simem:s7], [sflag:s8] =	dma.local @!p0 [hbm:s6], $0xF7A  }
0x23: {  	s9 =	sor.u32 $0xD0000000, s2;
	s6 =	simm.s32 $0x108;
	_ =	swait.ge @!p0 [sflag:s8], $0x0  }
0x24: {  	s3 =	sadd.s32 $0x88, s3;
	s6 =	simm.s32 @!p1 $0x1082;
	[sflag:s4] =	ssyncset.s32 $0xFFFFF086  }
0x25: {  	[simem:s6], [sflag:s4] =	dma.local [hbm:s3], $0xF7A  }
0x26: {  	[smem:$0x3F9E] =	sst s1;
	(tag) =	ssettag s2;
	_ =	strace s9  }
0x27: {  	s1 =	sld [smem:$0x3FAE]  }
0x28: {  	s2 =	sld [smem:$0x3FAF]  }
0x29: {  	s4 =	sld [smem:$0x3FB1]  }
0x2a: {  	p0 =	seq.s32 s5, $0x0;
	s5 =	sld [smem:$0x3FB2]  }
0x2b: {  	s6 =	sld [smem:$0x3FB3]  }
0x2c: {  	s7 =	sld [smem:$0x3FB4]  }
0x2d: {  	s3 =	simm.s32 $0x108;
	s8 =	sld [smem:$0x3FB5]  }
0x2e: {  	s3 =	simm.s32 @!p0 $0x1082;
	s9 =	sld [smem:$0x3FB6]  }
0x2f: {  	lr =	sadd.s32 s0, s3;
	s0 =	sld [smem:$0x3FAD]  }
0x30: {  	s3 =	sld [smem:$0x3FB0]  }
0x31: {  	[smem:$0x3FB9] =	sst s10  }
0x32: {  	s10 =	sld [smem:$0x3FB7];
	_ =	sdelay $0x3  }
0x33: {  	p0 =	seq.s32 s10, $0x1;
	s10 =	sld [smem:$0x3FB9];
	_ =	sdelay $0x3  }
0x34: {  	[smem:$0x3FB9] =	sst s10  }
0x35: {  	s10 =	sld [smem:$0x3FB8];
	_ =	sdelay $0x3  }
0x36: {  	p1 =	seq.s32 s10, $0x1;
	s10 =	sld [smem:$0x3FB9];
	_ =	sdelay $0x3  }
0x37: {  	[smem:$0x3FB9] =	sst s10  }
0x38: {  	s10 =	sld [smem:$0x3FBA]  }
0x39: {  	_ = 	snop;
	(pc) =	sbr.ind lr, $3  }
0x3a: {  	_ = 	snop  }
0x3b: {  	_ = 	snop  }
0x3c: {  	p2 =	seq.s32 s10, $0x1;
	s10 =	sld [smem:$0x3FB9]  }
0x3d: {  	_ =	shalt  }
0x3e: {  	_ =	shalt  }
0x3f: {  	_ =	shalt  }
0x40: {  	_ =	shalt  }
0x41: {  	_ =	shalt  }
0x42: {  	_ =	shalt  }
0x43: {  	_ =	shalt  }
0x44: {  	_ =	shalt  }
0x45: {  	_ =	shalt  }
0x46: {  	_ =	shalt  }
0x47: {  	_ =	shalt  }
0x48: {  	_ =	shalt  }
0x49: {  	_ =	shalt  }
0x4a: {  	_ =	shalt  }
0x4b: {  	_ =	shalt  }
0x4c: {  	_ =	shalt  }
0x4d: {  	_ =	shalt  }
0x4e: {  	_ =	shalt  }
0x4f: {  	_ =	shalt  }
0x50: {  	_ =	shalt  }
0x51: {  	_ =	shalt  }
0x52: {  	_ =	shalt  }
0x53: {  	_ =	shalt  }
0x54: {  	_ =	shalt  }
0x55: {  	_ =	shalt  }
0x56: {  	_ =	shalt  }
0x57: {  	_ =	shalt  }
0x58: {  	_ =	shalt  }
0x59: {  	_ =	shalt  }
0x5a: {  	_ =	shalt  }
0x5b: {  	_ =	shalt  }
0x5c: {  	_ =	shalt  }
0x5d: {  	_ =	shalt  }
0x5e: {  	_ =	shalt  }
0x5f: {  	_ =	shalt  }
0x60: {  	_ =	shalt  }
0x61: {  	_ =	shalt  }
0x62: {  	_ =	shalt  }
0x63: {  	_ =	shalt  }
0x64: {  	_ =	shalt  }
0x65: {  	_ =	shalt  }
0x66: {  	_ =	shalt  }
0x67: {  	_ =	shalt  }
0x68: {  	_ =	shalt  }
0x69: {  	_ =	shalt  }
0x6a: {  	_ =	shalt  }
0x6b: {  	_ =	shalt  }
0x6c: {  	_ =	shalt  }
0x6d: {  	_ =	shalt  }
0x6e: {  	_ =	shalt  }
0x6f: {  	_ =	shalt  }
0x70: {  	_ =	shalt  }
0x71: {  	_ =	shalt  }
0x72: {  	_ =	shalt  }
0x73: {  	_ =	shalt  }
0x74: {  	_ =	shalt  }
0x75: {  	_ =	shalt  }
0x76: {  	_ =	shalt  }
0x77: {  	_ =	shalt  }
0x78: {  	_ =	shalt  }
0x79: {  	_ =	shalt  }
0x7a: {  	_ =	shalt  }
0x7b: {  	_ =	shalt  }
0x7c: {  	_ =	shalt  }
0x7d: {  	_ =	shalt  }
0x7e: {  	_ =	shalt  }
0x7f: {  	_ =	shalt  }
0x80: {  	_ =	shalt  }
0x81: {  	_ =	shalt  }
0x82: {  	_ =	shalt  }
0x83: {  	_ =	shalt  }
0x84: {  	_ =	shalt  }
0x85: {  	_ =	shalt  }
0x86: {  	_ =	shalt  }
0x87: {  	_ =	shalt  }
.Lfunc_end0:
.L_simem_size_0:
called_computation_lowered:
.L_overlay_start_0:
0x88: {  	s2 =	sld [smem:$0x3FD9]  }
0x89: {  	s3 =	sld [smem:$0x3FFE];
	_ =	sdelay $0x1  }
0x8a: {  	s1 =	srdreg.scid  }
0x8b: {  	s0 =	sand.u32 $0x1, s1  }
0x8c: {  	s17 =	sshll.u32 s0, $0xA;
	s2 =	sadd.s32 s3, s2  }
0x8d: {  	s2 =	sadd.s32 s2, s17  }
0x8e: {  	[smem:$0x3FC5] =	sst s2  }
0x8f: {  	_ = 	snop  }
0x90: {  	s2 =	sld [smem:$0x3FC9]  }
0x91: {  	s18 =	sld [smem:$0x3FC8]  }
0x92: {  	s4 =	sld [smem:$0x3FD0];
	(tm) =	ssettm $0x1  }
0x93: {  	s5 =	sld [smem:$0x3FFB];
	_ =	sdelay $0x3  }
0x94: {  	_ =	strace s5  }
0x95: {  	s5 =	sld [smem:$0x3FFC];
	_ =	sdelay $0x3  }
0x96: {  	_ =	strace s5  }
0x97: {  	s5 =	sld [smem:$0x3FFD];
	_ =	sdelay $0x3  }
0x98: {  	_ =	strace s5  }
0x99: {  	_ =	strace $0x8FFFFFFF  }
0x9a: {  	s19 =	sld [smem:$0x3FDB];
	_ =	sdelay $0x1  }
0x9b: {  	s6 =	simm.s32 $_scs_section_size  }
0x9c: {  	s7 =	simm.s32 $_size__tile_overlayer_lowered;
	s8 =	simm.s32 $_tile_overlayer_lowered  }
0x9d: {  	s22 =	simm.s32 $0x1BFF;
	s21 =	sshll.u32 s8, $0x1;
	s5 =	sadd.s32 s6, s19  }
0x9e: {  	s9 =	simm.s32 $0x0;
	s20 =	sshll.u32 s7, $0x1;
	s7 =	sadd.s32 s21, s5  }
0x9f: {  	[timem:s9], [sflag:s22] =	dma.local [hbm:s7], s20  }
0xa0: {  	_ =	swait.ge [sflag:s22], s20  }
0xa1: {  	s6 =	ssub.s32 $0x0, s20;
	[sflag:s22] =	ssyncset.done $0x0  }
0xa2: {  	[sflag:s22] =	ssyncadd.s32 s6;
	_ =	sdelay $0x1  }
0xa3: {  	s23 =	simm.s32 $0x1B8B  }
0xa4: {  	_ =	swait.ge [sflag:s23], $0x1  }
0xa5: {  	[sflag:s23] =	ssyncset.done $0x0  }
0xa6: {  	s25 =	simm.s32 $0x1B8E;
	s24 =	sld [smem:$0x3FFE];
	[sflag:s23] =	ssyncadd.s32 $0xFFFFFFFF  }
0xa7: {  	s26 =	simm.s32 $execute0_lowered;
	[smem:$0x3FD2] =	sst s25  }
0xa8: {  	s7 =	sshll.u32 s26, $0x1;
	_ =	strace $0x80000046;
	[dreg:$0x1] =	wrdreg $0xFFFFFFFF  }
0xa9: {  	s28 =	simm.s32 $_size_execute0_lowered;
	s5 =	sadd.s32 s5, s7;
	[dreg:$0x0] =	wrdreg $0x0  }
0xaa: {  	s7 =	sshll.u32 s28, $0x1;
	[dreg:$0x2] =	wrdreg s5  }
0xab: {  	[dreg:$0x3] =	wrdreg s7  }
0xac: {  	[dreg:$0x4] =	wrdreg $0xC0  }
0xad: {  	_ =	task [dreg:s9], $0x5FFFF  }
0xae: {  	[dreg:$0x1] =	wrdreg $0xFFFFFFFF  }
0xaf: {  	[dreg:$0x0] =	wrdreg $0x60  }
0xb0: {  	[dreg:$0x2] =	wrdreg s2  }
0xb1: {  	[dreg:$0x3] =	wrdreg s18  }
0xb2: {  	[dreg:$0x4] =	wrdreg s24  }
0xb3: {  	[dreg:$0x5] =	wrdreg s4  }
0xb4: {  	[dreg:$0x6] =	wrdreg $0x9  }
0xb5: {  	_ =	task.clear_ibuf [dreg:s9], $0x7FFFF;
	_ =	strace $0x90000046  }
0xb6: {  	s29 =	simm.s32 $0x9;
	_ =	strace $0x80000048  }
0xb7: {  	_ =	swait.ge [sflag:s29], $0x1  }
0xb8: {  	[sflag:s29] =	ssyncadd.s32 $0xFFFFFFFF  }
0xb9: {  	_ =	strace $0x90000048  }
0xba: {  	_ =	sfence  }
0xbb: {  	s30 =	sld [smem:$0x0];
	_ =	sdelay $0x2  }
0xbc: {  	s31 =	sshll.u32 s1, $0xD;
	s1 =	sshrl.u32 s1, $0x2  }
0xbd: {  	s3 =	sand.u32 $0x4000, s31;
	s1 =	sadd.s32 s1, s30  }
0xbe: {  	s0 =	sor.u32 s3, s0;
	s1 =	sshll.u32 s1, $0x11  }
0xbf: {  	s0 =	sor.u32 s1, s0  }
0xc0: {  	s0 =	sadd.s32 $0x8F2B, s0  }
0xc1: {  	[sflag:s0] =	ssyncadd.remote.s32 $0x1  }
0xc2: {  	_ =	sfence.sel $0xFFFF  }
0xc3: {  	[dreg:$0x0] =	wrdreg $0xFFFFFFFF;
	(pc) =	sbr.abs _section_cstart, $3  }
0xc4: {  	[dreg:$0x1] =	wrdreg $0xFFFFFFFF  }
0xc5: {  	_ =	task.clear_ibuf [dreg:s9], $0x2FFFF;
	_ =	strace $0x9FFFFFFF  }
0xc6: {  	(tm) =	ssettm $0x7FFFFFFF  }
0xc7: {  	_ =	shalt  }
tec
execute0_lowered:
.L_overlay_start_1:
0x0: {  	(tag) =	ssettag $0x1  }
0x1: {  	s1 =	rddreg [dreg:$0x0]  }
0x2: {  	s2 =	rddreg [dreg:$0x1]  }
0x3: {  	s0 =	rddreg [dreg:$0x2]  }
0x4: {  	s3 =	srdreg.scid;
	s6 =	stileid.u32;
	s7 =	simm.s32 $0x0  }
0x5: {  	s3 =	sand.u32 $0x1, s3;
	s4 =	sshll.u32 s6, $0x8;
	s6 =	sshrl.u32 s6, $0x2  }
0x6: {  	[smem:$0x7FF] =	sst s7;
	s5 =	sshll.u32 s3, $0x7;
	s21 =	smul.u32 $0x64000, s6  }
0x7: {  	s3 =	ssub.s32 $0x2, s3;
	_ =	strace $0x80000047;
	s5 =	sor.u32 s5, s4  }
0x8: {  	s20 =	smul.u32 $0xC8000, s6;
	s7 =	sand.u32 $0x380, s5;
	s0 =	sadd.s32 s5, s0  }
0x9: {  	s8 =	sshrl.u32 s3, $0x1;
	s4 =	sor.u32 s21, s7;
	s0 =	sadd.s32 $0x400, s0  }
0xa: {  	s12 =	ssub.s32 s3, s8;
	s22 =	sshrl.u32 s4, $0x3;
	[dreg:$0x5] =	wrdreg s0  }
0xb: {  	s24 =	sadd.s32 $0x190000, s4;
	s25 =	sadd.s32 $0x320000, s4;
	s8 =	sadd.s32 $0x4B0000, s4  }
0xc: {  	s13 =	sadd.s32 $0x640000, s4;
	s15 =	sadd.s32 $0x7D0000, s4;
	s18 =	sadd.s32 $0x960000, s4  }
0xd: {  	s19 =	sadd.s32 $0xAF0000, s4;
	s28 =	sor.u32 $0x2000, s4;
	s29 =	sadd.s32 $0x4000, s4  }
0xe: {  	s30 =	sadd.s32 $0x192000, s4;
	s31 =	sadd.s32 $0x194000, s4;
	s5 =	sadd.s32 $0x4B2000, s4  }
0xf: {  	s6 =	sadd.s32 $0x4B4000, s4;
	s23 =	sadd.s32 s1, s22;
	s3 =	sadd.s32 s2, s22  }
0x10: {  	s0 =	sshrl.u32 s24, $0x3;
	s10 =	sshrl.u32 s8, $0x3;
	[dreg:$0x6] =	wrdreg s23  }
0x11: {  	s14 =	sshrl.u32 s13, $0x3;
	s13 =	sadd.s32 $0x964000, s4;
	[dreg:$0x7] =	wrdreg s3  }
0x12: {  	s17 =	sshrl.u32 s15, $0x3;
	s26 =	sadd.s32 s1, s0;
	[dreg:$0x18] =	wrdreg s13  }
0x13: {  	s22 =	sshrl.u32 s19, $0x3;
	s0 =	sadd.s32 s2, s0;
	[dreg:$0x8] =	wrdreg s26  }
0x14: {  	s8 =	sadd.s32 $0x644000, s4;
	s11 =	sadd.s32 s1, s10;
	[dreg:$0x9] =	wrdreg s0  }
0x15: {  	s15 =	simm.s32 $0x400;
	s16 =	sadd.s32 s1, s14;
	[dreg:$0xc] =	wrdreg s11  }
0x16: {  	v0 =	vimm.s32 $0xC45E;
	vm0 =	vcmask $0x300;
	s19 =	simm.s32 $0xC00;
	s23 =	sor.u32 s7, s20;
	[dreg:$0xe] =	wrdreg s16  }
0x17: {  	v0 =	vsel vm0, $0xC451, v0;
	vm0 =	vcmask $0x704;
	s3 =	sshrl.u32 s25, $0x3;
	s24 =	sadd.s32 s1, s22;
	[dreg:$0x14] =	wrdreg s23  }
0x18: {  	v0 =	vsel vm0, $0xC450, v0;
	vm0 =	vcmask $0xB08;
	s7 =	sadd.s32 $0x642000, s4;
	s25 =	sadd.s32 $0xAF2000, s4;
	[dreg:$0x15] =	wrdreg s24  }
0x19: {  	v0 =	vsel vm0, $0xC453, v0;
	vm0 =	vcmask $0xF0C;
	s13 =	simm.s32 $0x5;
	s9 =	sadd.s32 s1, s3;
	[dreg:$0x19] =	wrdreg s25  }
0x1a: {  	v0 =	vsel vm0, $0xC452, v0;
	vm0 =	vcmask $0x1310;
	s20 =	simm.s32 $0x1400;
	s3 =	sadd.s32 s2, s3;
	[dreg:$0xa] =	wrdreg s9  }
0x1b: {  	v0 =	vsel vm0, $0xC455, v0;
	vm0 =	vcmask $0x1714;
	s0 =	sadd.s32 s2, s10;
	s10 =	sadd.s32 $0x7D4000, s4;
	[dreg:$0xb] =	wrdreg s3  }
0x1c: {  	v0 =	vsel vm0, $0xC454, v0;
	vm0 =	vcmask $0x1B18;
	s11 =	sadd.s32 $0x962000, s4;
	s26 =	smax.u32 s12, $0x1;
	[dreg:$0xd] =	wrdreg s0  }
0x1d: {  	v0 =	vsel vm0, $0xC457, v0;
	vm0 =	vcmask $0x1F1C;
	s23 =	simm.s32 $0x4;
	s12 =	simm.s32 $0x1A400;
	[dreg:$0x1b] =	wrdreg s26  }
0x1e: {  	v0 =	vsel vm0, $0xC456, v0;
	vm0 =	vcmask $0x2320;
	s16 =	simm.s32 $0x0;
	s0 =	sadd.s32 s2, s14;
	[dreg:$0x17] =	wrdreg s11  }
0x1f: {  	v0 =	vsel vm0, $0xC459, v0;
	vm0 =	vcmask $0x2724;
	s3 =	sadd.s32 s1, s17;
	[dreg:$0xf] =	wrdreg s0;
	s0 =	sadd.s32 s2, s17  }
0x20: {  	s9 =	sadd.s32 $0x7D2000, s4;
	v0 =	vsel vm0, $0xC458, v0;
	vm0 =	vcmask $0x2B28;
	[dreg:$0x11] =	wrdreg s0;
	s0 =	sshrl.u32 s18, $0x3  }
0x21: {  	s14 =	simm.s32 $0x80;
	[dreg:$0x10] =	wrdreg s3;
	v0 =	vsel vm0, $0xC45B, v0;
	vm0 =	vcmask $0x2F2C;
	s21 =	sadd.s32 s1, s0  }
0x22: {  	s3 =	sadd.s32 $0x324000, s4;
	v0 =	vsel vm0, $0xC45A, v0;
	vm0 =	vcmask $0x3330;
	s0 =	sadd.s32 s2, s0;
	[dreg:$0x12] =	wrdreg s21  }
0x23: {  	s17 =	simm.s32 $0x1;
	v1 =	vsel vm0, $0xC45D, v0;
	vm0 =	vcmask $0x3734;
	[dreg:$0x13] =	wrdreg s0;
	s0 =	sadd.s32 s2, s22  }
0x24: {  	vm1 =	vcmask $0x3B38;
	v0 =	vimm.f32 $0.0e+00;
	v2 =	vsel vm0, $0xC45C, v1;
	[dreg:$0x16] =	wrdreg s0;
	s0 =	sadd.s32 $0x322000, s4;
	s4 =	sadd.s32 $0xAF4000, s4  }
0x25: {  	s18 =	simm.s32 $0x2;
	s22 =	simm.s32 $0x3;
	vm0 =	vmxor vm0, vm0;
	v1 =	vlaneseq.u32;
	v2 =	vsel vm1, $0xC45F, v2;
	[dreg:$0x1a] =	wrdreg s4  }
.LBB2_1:
0x26: {  	[dreg:$0x1c] =	wrdreg s16  }
0x27: {  	s4 =	simm.s32 $0x0;
	s26 =	rddreg [dreg:$0x5];
	s21 =	simm.s32 $0x1000  }
0x28: {  	[tilespmem:s21], [sflag:$0x5] =	stream.linear.gather [hbm4b:s26+s4], $0x400, $0x38;
	[tilespmem:$0x1B400] =	vst v63  }
0x29: {  	_ =	swait.ge [sflag:s13], $0x400  }
0x2a: {  	[sflag:s13] =	ssyncset.done $0x0  }
0x2b: {  	s16 =	simm.s32 $0x0;
	s24 =	rddreg [dreg:$0x6];
	[sflag:s13] =	ssyncadd.s32 $0xFFFFFC00  }
0x2c: {  	[tilespmem:s4], [sflag:$0x1] =	stream.strided.gather [hbm4b:s24+s14], $0x400, s15, s14, $0x38;
	[tilespmem:$0x1B400] =	vst v63  }
0x2d: {  	s26 =	simm.s32 $0x800;
	s25 =	rddreg [dreg:$0x7];
	s4 =	simm.s32 $0x40  }
0x2e: {  	[tilespmem:s26], [sflag:$0x2] =	stream.strided.gather [hbm4b:s25+s14], $0x400, s15, s14, $0x38;
	[tilespmem:$0x1B400] =	vst v63  }
.LBB2_2:
0x2f: {  	p0 =	sne.s32 s4, $0x31FC0;
	[tilespmem:s16+$0x1400] =	vst v0;
	s21 =	smov.u32 s4;
	s4 =	sadd.s32 $0x40, s4  }
.Ltmp0:
0x30: {  	[tilespmem:s16+$0xDC00] =	vst v0;
	(pc) =	sbr.rel @p0 .LBB2_2-.Ltmp0, $2  }
0x31: {  	_ =	sdelay $0x2  }
0x32: {  	s16 =	sshra.s32 s21, $0x2  }
.Ltmp1:
0x33: {  	(pc) =	sbr.rel .LBB2_4-.Ltmp1, $4  }
0x34: {  	_ = 	snop  }
0x35: {  	[tilespmem:s16+$0x1400] =	vst v0  }
0x36: {  	[tilespmem:s16+$0xDC00] =	vst v0  }
0x37: {  	s16 =	simm.s32 $0x0;
	v3 =	vld [tilespmem:$0x1000]  }
.LBB2_12:
0x38: {  	s16 =	sadd.s32 $0x1, s16  }
0x39: {  	p0 =	sne.s32 s16, $0x19  }
.Ltmp2:
0x3a: {  	_ = 	snop;
	(pc) =	sbr.rel @!p0 .LBB2_13-.Ltmp2, $1  }
0x3b: {  	_ =	sdelay $0x3  }
.LBB2_4:
0x3c: {  	_ =	swait.ge [sflag:s17], $0x400  }
0x3d: {  	[sflag:s17] =	ssyncset.done $0x0  }
0x3e: {  	s4 =	sshll.u32 s16, $0xE;
	[sflag:s17] =	ssyncadd.s32 $0xFFFFFC00  }
0x3f: {  	s21 =	sadd.s32 s4, s28;
	_ =	swait.ge [sflag:s18], $0x400  }
0x40: {  	s21 =	sshrl.u32 s21, $0x3;
	[sflag:s18] =	ssyncset.done $0x0  }
0x41: {  	s24 =	sadd.s32 s1, s21;
	[sflag:s18] =	ssyncadd.s32 $0xFFFFFC00  }
0x42: {  	[tilespmem:s15], [sflag:$0x3] =	stream.strided.gather [hbm4b:s24+s14], $0x400, s15, s14, $0x38;
	[tilespmem:$0x1B400] =	vst v63  }
0x43: {  	s26 =	simm.s32 $0x0;
	s21 =	sadd.s32 s2, s21  }
0x44: {  	[tilespmem:s19], [sflag:$0x4] =	stream.strided.gather [hbm4b:s21+s14], $0x400, s15, s14, $0x38;
	[tilespmem:$0x1B400] =	vst v63  }
0x45: {  	v4 =	vld [tilespmem:s26+$0x800];
	_ =	sdelay $0x5  }
0x46: {  	v5 =	vld [tilespmem:s26+$0x0];
	_ =	sdelay $0x1  }
0x47: {  	v6 =	vld.idx.msk [tilespmem:v4+s20+$0x0], $0xffff;
	_ =	sdelay $0x2  }
0x48: {  	v5 =	vmul.f32 v5, v3;
	_ =	sdelay $0x1  }
0x49: {  	v5 =	vmax.f32 v6, v5  }
0x4a: {  	vm1 =	vmmov vm0;
	s24 =	simm.s32 $0x10;
	s21 =	simm.s32 $0x80;
	[tilespmem:v4+s20+$0x0] =	vst.idx.msk $0xffff, v5  }
.LBB2_5:
0x4b: {  	p0 =	seq.s32 s21, $0xFC0;
	v6 =	vld [tilespmem:s24+$0x800]  }
0x4c: {  	v7 =	vld.idx.msk [tilespmem:v4+s20+$0x0], $0xffff;
	_ =	sdelay $0x3  }
0x4d: {  	v4 =	vmov v6;
	_ =	sdelay $0x1  }
0x4e: {  	vm2 =	vgt.f32 v5, v7;
	v8 =	vld [tilespmem:s24+$0x0]  }
0x4f: {  	vm1 =	vmor vm1, vm2;
	v5 =	vld.idx.msk [tilespmem:v6+s20+$0x0], $0xffff;
	_ =	sdelay $0x2  }
.Ltmp3:
0x50: {  	(pc) =	sbr.rel @!p0 .LBB2_5-.Ltmp3, $3  }
0x51: {  	v6 =	vmul.f32 v8, v3;
	_ =	sdelay $0x1  }
0x52: {  	v5 =	vmax.f32 v5, v6  }
0x53: {  	s24 =	sshra.s32 s21, $0x2;
	s21 =	sadd.s32 $0x40, s21;
	[tilespmem:v4+s20+$0x0] =	vst.idx.msk $0xffff, v5  }
0x54: {  	v6 =	vld [tilespmem:s24+$0x800];
	_ =	sdelay $0x5  }
0x55: {  	v7 =	vld [tilespmem:s24+$0x0];
	_ =	sdelay $0x1  }
0x56: {  	v8 =	vld.idx.msk [tilespmem:v6+s20+$0x0], $0xffff;
	_ =	sdelay $0x2  }
0x57: {  	v7 =	vmul.f32 v7, v3;
	_ =	sdelay $0x1  }
0x58: {  	v7 =	vmax.f32 v8, v7  }
0x59: {  	v4 =	vld.idx.msk [tilespmem:v4+s20+$0x0], $0xffff;
	[tilespmem:v6+s20+$0x0] =	vst.idx.msk $0xffff, v7  }
0x5a: {  	v6 =	vld.idx.msk [tilespmem:v6+s20+$0x0], $0xffff;
	_ =	sdelay $0x3  }
0x5b: {  	vm2 =	vgt.f32 v5, v4  }
0x5c: {  	vm1 =	vmor vm1, vm2;
	vm2 =	vgt.f32 v7, v6  }
0x5d: {  	vm1 =	vmor vm1, vm2  }
0x5e: {  	v4 =	vsel vm1, $0x3F800000, v0  }
0x5f: {  	(xrf0) =	vmax.scan.msk.f32 $0xffff, v4;
	_ =	sdelay $0x5  }
0x60: {  	v4, _, _ =	vpop (xrf0)  }
0x61: {  	(v2sf) =	vpush v4, $0xF;
	_ =	sdelay $0xe  }
0x62: {  	s21 =	spop (v2sf)  }
0x63: {  	p0 =	sgt.f32 s21, $0.0e+00  }
.Ltmp4:
0x64: {  	_ = 	snop;
	(pc) =	sbr.rel @!p0 .LBB2_8-.Ltmp4, $2  }
0x65: {  	_ =	sdelay $0x2  }
0x66: {  	vm1 =	vmmov vm0;
	s21 =	simm.s32 $0x0  }
.LBB2_7:
0x67: {  	s24 =	sshll.u32 s21, $0x4  }
0x68: {  	v4 =	vld [tilespmem:s24+$0x800];
	_ =	sdelay $0x5  }
0x69: {  	v5 =	vld [tilespmem:s24+$0x0];
	_ =	sdelay $0x1  }
0x6a: {  	v6 =	vld.idx.msk [tilespmem:v4+s20+$0x0], $0xffff;
	_ =	sdelay $0x2  }
0x6b: {  	v5 =	vmul.f32 v5, v3;
	_ =	sdelay $0x1  }
0x6c: {  	v5 =	vmax.f32 v6, v5  }
0x6d: {  	[tilespmem:v4+s20+$0x0] =	vst.idx.msk $0xffff, v5  }
0x6e: {  	v4 =	vld.idx.msk [tilespmem:v4+s20+$0x0], $0xffff;
	_ =	sdelay $0x3  }
0x6f: {  	s21 =	sadd.s32 $0x1, s21  }
0x70: {  	p0 =	seq.s32 s21, $0x40;
	vm2 =	vgt.f32 v5, v4  }
0x71: {  	v4 =	vimm.f32 @p0 $0.0e+00;
	vm1 =	vmor vm1, vm2  }
0x72: {  	v4 =	vsel @p0 vm1, $0x3F800000, v4  }
0x73: {  	(xrf0) =	vmax.scan.msk.f32 @p0 $0xffff, v4;
	_ =	sdelay $0x5  }
0x74: {  	v4, _, _ =	vpop @p0 (xrf0)  }
0x75: {  	(v2sf) =	vpush @p0 v4, $0xF;
	_ =	sdelay $0xe  }
0x76: {  	s24 =	spop @p0 (v2sf)  }
0x77: {  	p1 =	sgt.f32 @p0 s24, $0.0e+00;
	_ =	sdelay $0x1  }
0x78: {  	p1 =	por !p0, p1  }
.Ltmp5:
0x79: {  	_ = 	snop;
	(pc) =	sbr.rel @p1 .LBB2_7-.Ltmp5, $3  }
0x7a: {  	_ =	sdelay $0x1  }
0x7b: {  	vm2 =	vmxor @p0 vm2, vm2  }
0x7c: {  	s21 =	simm.s32 @p0 $0x0;
	vm1 =	vmmov @p0 vm2  }
.LBB2_8:
0x7d: {  	_ =	swait.ge [sflag:s22], $0x400  }
0x7e: {  	[sflag:s22] =	ssyncset.done $0x0  }
0x7f: {  	p0 =	sne.s32 s16, $0x18;
	[sflag:s22] =	ssyncadd.s32 $0xFFFFFC00  }
0x80: {  	s4 =	sadd.s32 @p0 s4, s29;
	s24 =	simm.s32 @p0 $0x80;
	_ =	swait.ge [sflag:s23], $0x400  }
0x81: {  	s25 =	simm.s32 @p0 $0x400;
	s4 =	sshrl.u32 @p0 s4, $0x3;
	[sflag:s23] =	ssyncset.done $0x0  }
0x82: {  	s26 =	simm.s32 @p0 $0x0;
	s21 =	sadd.s32 @p0 s1, s4;
	[sflag:s23] =	ssyncadd.s32 $0xFFFFFC00  }
0x83: {  	[tilespmem:s26], [sflag:$0x1] =	stream.strided.gather @p0 [hbm4b:s21+s24], $0x400, s25, s24, $0x38;
	[tilespmem:$0x1B400] =	vst v63  }
0x84: {  	s4 =	sadd.s32 @p0 s2, s4;
	s21 =	simm.s32 @p0 $0x800;
	s26 =	simm.s32 $0x0  }
0x85: {  	[tilespmem:s21], [sflag:$0x2] =	stream.strided.gather @p0 [hbm4b:s4+s24], $0x400, s25, s24, $0x38;
	[tilespmem:$0x1B400] =	vst v63  }
0x86: {  	v4 =	vld [tilespmem:s26+$0xC00];
	_ =	sdelay $0x5  }
0x87: {  	v5 =	vld [tilespmem:s26+$0x400];
	_ =	sdelay $0x1  }
0x88: {  	v6 =	vld.idx.msk [tilespmem:v4+s20+$0x0], $0xffff;
	_ =	sdelay $0x2  }
0x89: {  	v5 =	vmul.f32 v5, v3;
	_ =	sdelay $0x1  }
0x8a: {  	v5 =	vmax.f32 v6, v5  }
0x8b: {  	vm1 =	vmmov vm0;
	s21 =	simm.s32 $0x10;
	s4 =	simm.s32 $0x80;
	[tilespmem:v4+s20+$0x0] =	vst.idx.msk $0xffff, v5  }
.LBB2_9:
0x8c: {  	p0 =	seq.s32 s4, $0xFC0;
	v6 =	vld [tilespmem:s21+$0xC00]  }
0x8d: {  	v7 =	vld.idx.msk [tilespmem:v4+s20+$0x0], $0xffff;
	_ =	sdelay $0x3  }
0x8e: {  	v4 =	vmov v6;
	_ =	sdelay $0x1  }
0x8f: {  	vm2 =	vgt.f32 v5, v7;
	v8 =	vld [tilespmem:s21+$0x400]  }
0x90: {  	vm1 =	vmor vm1, vm2;
	v5 =	vld.idx.msk [tilespmem:v6+s20+$0x0], $0xffff;
	_ =	sdelay $0x2  }
.Ltmp6:
0x91: {  	(pc) =	sbr.rel @!p0 .LBB2_9-.Ltmp6, $3  }
0x92: {  	v6 =	vmul.f32 v8, v3;
	_ =	sdelay $0x1  }
0x93: {  	v5 =	vmax.f32 v5, v6  }
0x94: {  	s21 =	sshra.s32 s4, $0x2;
	s4 =	sadd.s32 $0x40, s4;
	[tilespmem:v4+s20+$0x0] =	vst.idx.msk $0xffff, v5  }
0x95: {  	v6 =	vld [tilespmem:s21+$0xC00];
	_ =	sdelay $0x5  }
0x96: {  	v7 =	vld [tilespmem:s21+$0x400];
	_ =	sdelay $0x1  }
0x97: {  	v8 =	vld.idx.msk [tilespmem:v6+s20+$0x0], $0xffff;
	_ =	sdelay $0x2  }
0x98: {  	v7 =	vmul.f32 v7, v3;
	_ =	sdelay $0x1  }
0x99: {  	v7 =	vmax.f32 v8, v7  }
0x9a: {  	v4 =	vld.idx.msk [tilespmem:v4+s20+$0x0], $0xffff;
	[tilespmem:v6+s20+$0x0] =	vst.idx.msk $0xffff, v7  }
0x9b: {  	v6 =	vld.idx.msk [tilespmem:v6+s20+$0x0], $0xffff;
	_ =	sdelay $0x3  }
0x9c: {  	vm2 =	vgt.f32 v5, v4  }
0x9d: {  	vm1 =	vmor vm1, vm2;
	vm2 =	vgt.f32 v7, v6  }
0x9e: {  	vm1 =	vmor vm1, vm2  }
0x9f: {  	v4 =	vsel vm1, $0x3F800000, v0  }
0xa0: {  	(xrf0) =	vmax.scan.msk.f32 $0xffff, v4;
	_ =	sdelay $0x5  }
0xa1: {  	v4, _, _ =	vpop (xrf0)  }
0xa2: {  	(v2sf) =	vpush v4, $0xF;
	_ =	sdelay $0xe  }
0xa3: {  	s4 =	spop (v2sf)  }
0xa4: {  	p0 =	sgt.f32 s4, $0.0e+00  }
.Ltmp7:
0xa5: {  	_ = 	snop;
	(pc) =	sbr.rel @!p0 .LBB2_12-.Ltmp7, $2  }
0xa6: {  	_ =	sdelay $0x2  }
0xa7: {  	vm1 =	vmmov vm0;
	s4 =	simm.s32 $0x0  }
.LBB2_11:
0xa8: {  	s21 =	sshll.u32 s4, $0x4  }
0xa9: {  	v4 =	vld [tilespmem:s21+$0xC00];
	_ =	sdelay $0x5  }
0xaa: {  	v5 =	vld [tilespmem:s21+$0x400];
	_ =	sdelay $0x1  }
0xab: {  	v6 =	vld.idx.msk [tilespmem:v4+s20+$0x0], $0xffff;
	_ =	sdelay $0x2  }
0xac: {  	v5 =	vmul.f32 v5, v3;
	_ =	sdelay $0x1  }
0xad: {  	v5 =	vmax.f32 v6, v5  }
0xae: {  	[tilespmem:v4+s20+$0x0] =	vst.idx.msk $0xffff, v5  }
0xaf: {  	v4 =	vld.idx.msk [tilespmem:v4+s20+$0x0], $0xffff;
	_ =	sdelay $0x3  }
0xb0: {  	s4 =	sadd.s32 $0x1, s4  }
0xb1: {  	p0 =	seq.s32 s4, $0x40;
	vm2 =	vgt.f32 v5, v4  }
0xb2: {  	v4 =	vimm.f32 @p0 $0.0e+00;
	vm1 =	vmor vm1, vm2  }
0xb3: {  	v4 =	vsel @p0 vm1, $0x3F800000, v4  }
0xb4: {  	(xrf0) =	vmax.scan.msk.f32 @p0 $0xffff, v4;
	_ =	sdelay $0x5  }
0xb5: {  	v4, _, _ =	vpop @p0 (xrf0)  }
0xb6: {  	(v2sf) =	vpush @p0 v4, $0xF;
	_ =	sdelay $0xe  }
0xb7: {  	s21 =	spop @p0 (v2sf)  }
0xb8: {  	p1 =	sgt.f32 @p0 s21, $0.0e+00;
	_ =	sdelay $0x1  }
0xb9: {  	p1 =	por !p0, p1  }
.Ltmp8:
0xba: {  	_ = 	snop;
	(pc) =	sbr.rel @p1 .LBB2_11-.Ltmp8, $3  }
0xbb: {  	_ =	sdelay $0x1  }
0xbc: {  	vm2 =	vmxor @p0 vm2, vm2  }
0xbd: {  	s4 =	simm.s32 @p0 $0x0;
	vm1 =	vmmov @p0 vm2  }
.Ltmp9:
0xbe: {  	_ = 	snop;
	(pc) =	sbr.rel .LBB2_12-.Ltmp9, $1  }
0xbf: {  	_ =	sdelay $0x3  }
.LBB2_13:
0xc0: {  	s4 =	simm.s32 $0x0;
	s16 =	rddreg [dreg:$0x8]  }
0xc1: {  	[tilespmem:s4], [sflag:$0x1] =	stream.strided.gather [hbm4b:s16+s14], $0x400, s15, s14, $0x38;
	[tilespmem:$0x1B400] =	vst v63  }
0xc2: {  	s25 =	rddreg [dreg:$0x9];
	s26 =	simm.s32 $0x800;
	s4 =	simm.s32 $0x0  }
0xc3: {  	[tilespmem:s26], [sflag:$0x2] =	stream.strided.gather [hbm4b:s25+s14], $0x400, s15, s14, $0x38;
	[tilespmem:$0x1B400] =	vst v63  }
0xc4: {  	s16 =	simm.s32 $0x40;
	v3 =	vld [tilespmem:s4+$0x1400]  }
.LBB2_14:
0xc5: {  	p0 =	sne.s32 s16, $0x31FC0;
	v4 =	vld [tilespmem:s4+$0xDC00];
	[tilespmem:s4+$0x1400] =	vst v0;
	_ =	sdelay $0x2  }
.Ltmp10:
0xc6: {  	(pc) =	sbr.rel @p0 .LBB2_14-.Ltmp10, $4  }
0xc7: {  	_ = 	snop  }
0xc8: {  	v4 =	vadd.f32 v3, v4  }
0xc9: {  	s21 =	sshra.s32 s16, $0x2  }
0xca: {  	s16 =	sadd.s32 $0x40, s16;
	v3 =	vld [tilespmem:s21+$0x1400];
	[tilespmem:s4+$0xDC00] =	vst v4;
	s4 =	smov.u32 s21  }
0xcb: {  	v4 =	vld [tilespmem:s4+$0xDC00];
	_ =	sdelay $0x3  }
.Ltmp11:
0xcc: {  	_ = 	snop;
	(pc) =	sbr.rel .LBB2_16-.Ltmp11, $4  }
0xcd: {  	v3 =	vadd.f32 v3, v4  }
0xce: {  	[tilespmem:s4+$0x1400] =	vst v0  }
0xcf: {  	[tilespmem:s4+$0xDC00] =	vst v3  }
0xd0: {  	s16 =	simm.s32 $0x0;
	v3 =	vld [tilespmem:$0x1080]  }
.LBB2_24:
0xd1: {  	s16 =	sadd.s32 $0x1, s16  }
0xd2: {  	p0 =	sne.s32 s16, $0x19  }
.Ltmp12:
0xd3: {  	_ = 	snop;
	(pc) =	sbr.rel @!p0 .LBB2_25-.Ltmp12, $1  }
0xd4: {  	_ =	sdelay $0x3  }
.LBB2_16:
0xd5: {  	_ =	swait.ge [sflag:s17], $0x400  }
0xd6: {  	[sflag:s17] =	ssyncset.done $0x0  }
0xd7: {  	s4 =	sshll.u32 s16, $0xE;
	[sflag:s17] =	ssyncadd.s32 $0xFFFFFC00  }
0xd8: {  	s21 =	sadd.s32 s4, s30;
	_ =	swait.ge [sflag:s18], $0x400  }
0xd9: {  	s21 =	sshrl.u32 s21, $0x3;
	[sflag:s18] =	ssyncset.done $0x0  }
0xda: {  	s24 =	sadd.s32 s1, s21;
	[sflag:s18] =	ssyncadd.s32 $0xFFFFFC00  }
0xdb: {  	[tilespmem:s15], [sflag:$0x3] =	stream.strided.gather [hbm4b:s24+s14], $0x400, s15, s14, $0x38;
	[tilespmem:$0x1B400] =	vst v63  }
0xdc: {  	s26 =	simm.s32 $0x0;
	s21 =	sadd.s32 s2, s21  }
0xdd: {  	[tilespmem:s19], [sflag:$0x4] =	stream.strided.gather [hbm4b:s21+s14], $0x400, s15, s14, $0x38;
	[tilespmem:$0x1B400] =	vst v63  }
0xde: {  	v4 =	vld [tilespmem:s26+$0x800];
	_ =	sdelay $0x5  }
0xdf: {  	v5 =	vld [tilespmem:s26+$0x0];
	_ =	sdelay $0x1  }
0xe0: {  	v6 =	vld.idx.msk [tilespmem:v4+s20+$0x0], $0xffff;
	_ =	sdelay $0x2  }
0xe1: {  	v5 =	vmul.f32 v5, v3;
	_ =	sdelay $0x1  }
0xe2: {  	v5 =	vmax.f32 v6, v5  }
0xe3: {  	vm1 =	vmmov vm0;
	s24 =	simm.s32 $0x10;
	s21 =	simm.s32 $0x80;
	[tilespmem:v4+s20+$0x0] =	vst.idx.msk $0xffff, v5  }
.LBB2_17:
0xe4: {  	p0 =	seq.s32 s21, $0xFC0;
	v6 =	vld [tilespmem:s24+$0x800]  }
0xe5: {  	v7 =	vld.idx.msk [tilespmem:v4+s20+$0x0], $0xffff;
	_ =	sdelay $0x3  }
0xe6: {  	v4 =	vmov v6;
	_ =	sdelay $0x1  }
0xe7: {  	vm2 =	vgt.f32 v5, v7;
	v8 =	vld [tilespmem:s24+$0x0]  }
0xe8: {  	vm1 =	vmor vm1, vm2;
	v5 =	vld.idx.msk [tilespmem:v6+s20+$0x0], $0xffff;
	_ =	sdelay $0x2  }
.Ltmp13:
0xe9: {  	(pc) =	sbr.rel @!p0 .LBB2_17-.Ltmp13, $3  }
0xea: {  	v6 =	vmul.f32 v8, v3;
	_ =	sdelay $0x1  }
0xeb: {  	v5 =	vmax.f32 v5, v6  }
0xec: {  	s24 =	sshra.s32 s21, $0x2;
	s21 =	sadd.s32 $0x40, s21;
	[tilespmem:v4+s20+$0x0] =	vst.idx.msk $0xffff, v5  }
0xed: {  	v6 =	vld [tilespmem:s24+$0x800];
	_ =	sdelay $0x5  }
0xee: {  	v7 =	vld [tilespmem:s24+$0x0];
	_ =	sdelay $0x1  }
0xef: {  	v8 =	vld.idx.msk [tilespmem:v6+s20+$0x0], $0xffff;
	_ =	sdelay $0x2  }
0xf0: {  	v7 =	vmul.f32 v7, v3;
	_ =	sdelay $0x1  }
0xf1: {  	v7 =	vmax.f32 v8, v7  }
0xf2: {  	v4 =	vld.idx.msk [tilespmem:v4+s20+$0x0], $0xffff;
	[tilespmem:v6+s20+$0x0] =	vst.idx.msk $0xffff, v7  }
0xf3: {  	v6 =	vld.idx.msk [tilespmem:v6+s20+$0x0], $0xffff;
	_ =	sdelay $0x3  }
0xf4: {  	vm2 =	vgt.f32 v5, v4  }
0xf5: {  	vm1 =	vmor vm1, vm2;
	vm2 =	vgt.f32 v7, v6  }
0xf6: {  	vm1 =	vmor vm1, vm2  }
0xf7: {  	v4 =	vsel vm1, $0x3F800000, v0  }
0xf8: {  	(xrf0) =	vmax.scan.msk.f32 $0xffff, v4;
	_ =	sdelay $0x5  }
0xf9: {  	v4, _, _ =	vpop (xrf0)  }
0xfa: {  	(v2sf) =	vpush v4, $0xF;
	_ =	sdelay $0xe  }
0xfb: {  	s21 =	spop (v2sf)  }
0xfc: {  	p0 =	sgt.f32 s21, $0.0e+00  }
.Ltmp14:
0xfd: {  	_ = 	snop;
	(pc) =	sbr.rel @!p0 .LBB2_20-.Ltmp14, $2  }
0xfe: {  	_ =	sdelay $0x2  }
0xff: {  	vm1 =	vmmov vm0;
	s21 =	simm.s32 $0x0  }
.LBB2_19:
0x100: {  	s24 =	sshll.u32 s21, $0x4  }
0x101: {  	v4 =	vld [tilespmem:s24+$0x800];
	_ =	sdelay $0x5  }
0x102: {  	v5 =	vld [tilespmem:s24+$0x0];
	_ =	sdelay $0x1  }
0x103: {  	v6 =	vld.idx.msk [tilespmem:v4+s20+$0x0], $0xffff;
	_ =	sdelay $0x2  }
0x104: {  	v5 =	vmul.f32 v5, v3;
	_ =	sdelay $0x1  }
0x105: {  	v5 =	vmax.f32 v6, v5  }
0x106: {  	[tilespmem:v4+s20+$0x0] =	vst.idx.msk $0xffff, v5  }
0x107: {  	v4 =	vld.idx.msk [tilespmem:v4+s20+$0x0], $0xffff;
	_ =	sdelay $0x3  }
0x108: {  	s21 =	sadd.s32 $0x1, s21  }
0x109: {  	p0 =	seq.s32 s21, $0x40;
	vm2 =	vgt.f32 v5, v4  }
0x10a: {  	v4 =	vimm.f32 @p0 $0.0e+00;
	vm1 =	vmor vm1, vm2  }
0x10b: {  	v4 =	vsel @p0 vm1, $0x3F800000, v4  }
0x10c: {  	(xrf0) =	vmax.scan.msk.f32 @p0 $0xffff, v4;
	_ =	sdelay $0x5  }
0x10d: {  	v4, _, _ =	vpop @p0 (xrf0)  }
0x10e: {  	(v2sf) =	vpush @p0 v4, $0xF;
	_ =	sdelay $0xe  }
0x10f: {  	s24 =	spop @p0 (v2sf)  }
0x110: {  	p1 =	sgt.f32 @p0 s24, $0.0e+00;
	_ =	sdelay $0x1  }
0x111: {  	p1 =	por !p0, p1  }
.Ltmp15:
0x112: {  	_ = 	snop;
	(pc) =	sbr.rel @p1 .LBB2_19-.Ltmp15, $3  }
0x113: {  	_ =	sdelay $0x1  }
0x114: {  	vm2 =	vmxor @p0 vm2, vm2  }
0x115: {  	s21 =	simm.s32 @p0 $0x0;
	vm1 =	vmmov @p0 vm2  }
.LBB2_20:
0x116: {  	_ =	swait.ge [sflag:s22], $0x400  }
0x117: {  	[sflag:s22] =	ssyncset.done $0x0  }
0x118: {  	p0 =	sne.s32 s16, $0x18;
	[sflag:s22] =	ssyncadd.s32 $0xFFFFFC00  }
0x119: {  	s4 =	sadd.s32 @p0 s4, s31;
	s24 =	simm.s32 @p0 $0x80;
	_ =	swait.ge [sflag:s23], $0x400  }
0x11a: {  	s25 =	simm.s32 @p0 $0x400;
	s4 =	sshrl.u32 @p0 s4, $0x3;
	[sflag:s23] =	ssyncset.done $0x0  }
0x11b: {  	s26 =	simm.s32 @p0 $0x0;
	s21 =	sadd.s32 @p0 s1, s4;
	[sflag:s23] =	ssyncadd.s32 $0xFFFFFC00  }
0x11c: {  	[tilespmem:s26], [sflag:$0x1] =	stream.strided.gather @p0 [hbm4b:s21+s24], $0x400, s25, s24, $0x38;
	[tilespmem:$0x1B400] =	vst v63  }
0x11d: {  	s4 =	sadd.s32 @p0 s2, s4;
	s21 =	simm.s32 @p0 $0x800;
	s26 =	simm.s32 $0x0  }
0x11e: {  	[tilespmem:s21], [sflag:$0x2] =	stream.strided.gather @p0 [hbm4b:s4+s24], $0x400, s25, s24, $0x38;
	[tilespmem:$0x1B400] =	vst v63  }
0x11f: {  	v4 =	vld [tilespmem:s26+$0xC00];
	_ =	sdelay $0x5  }
0x120: {  	v5 =	vld [tilespmem:s26+$0x400];
	_ =	sdelay $0x1  }
0x121: {  	v6 =	vld.idx.msk [tilespmem:v4+s20+$0x0], $0xffff;
	_ =	sdelay $0x2  }
0x122: {  	v5 =	vmul.f32 v5, v3;
	_ =	sdelay $0x1  }
0x123: {  	v5 =	vmax.f32 v6, v5  }
0x124: {  	vm1 =	vmmov vm0;
	s21 =	simm.s32 $0x10;
	s4 =	simm.s32 $0x80;
	[tilespmem:v4+s20+$0x0] =	vst.idx.msk $0xffff, v5  }
.LBB2_21:
0x125: {  	p0 =	seq.s32 s4, $0xFC0;
	v6 =	vld [tilespmem:s21+$0xC00]  }
0x126: {  	v7 =	vld.idx.msk [tilespmem:v4+s20+$0x0], $0xffff;
	_ =	sdelay $0x3  }
0x127: {  	v4 =	vmov v6;
	_ =	sdelay $0x1  }
0x128: {  	vm2 =	vgt.f32 v5, v7;
	v8 =	vld [tilespmem:s21+$0x400]  }
0x129: {  	vm1 =	vmor vm1, vm2;
	v5 =	vld.idx.msk [tilespmem:v6+s20+$0x0], $0xffff;
	_ =	sdelay $0x2  }
.Ltmp16:
0x12a: {  	(pc) =	sbr.rel @!p0 .LBB2_21-.Ltmp16, $3  }
0x12b: {  	v6 =	vmul.f32 v8, v3;
	_ =	sdelay $0x1  }
0x12c: {  	v5 =	vmax.f32 v5, v6  }
0x12d: {  	s21 =	sshra.s32 s4, $0x2;
	s4 =	sadd.s32 $0x40, s4;
	[tilespmem:v4+s20+$0x0] =	vst.idx.msk $0xffff, v5  }
0x12e: {  	v6 =	vld [tilespmem:s21+$0xC00];
	_ =	sdelay $0x5  }
0x12f: {  	v7 =	vld [tilespmem:s21+$0x400];
	_ =	sdelay $0x1  }
0x130: {  	v8 =	vld.idx.msk [tilespmem:v6+s20+$0x0], $0xffff;
	_ =	sdelay $0x2  }
0x131: {  	v7 =	vmul.f32 v7, v3;
	_ =	sdelay $0x1  }
0x132: {  	v7 =	vmax.f32 v8, v7  }
0x133: {  	v4 =	vld.idx.msk [tilespmem:v4+s20+$0x0], $0xffff;
	[tilespmem:v6+s20+$0x0] =	vst.idx.msk $0xffff, v7  }
0x134: {  	v6 =	vld.idx.msk [tilespmem:v6+s20+$0x0], $0xffff;
	_ =	sdelay $0x3  }
0x135: {  	vm2 =	vgt.f32 v5, v4  }
0x136: {  	vm1 =	vmor vm1, vm2;
	vm2 =	vgt.f32 v7, v6  }
0x137: {  	vm1 =	vmor vm1, vm2  }
0x138: {  	v4 =	vsel vm1, $0x3F800000, v0  }
0x139: {  	(xrf0) =	vmax.scan.msk.f32 $0xffff, v4;
	_ =	sdelay $0x5  }
0x13a: {  	v4, _, _ =	vpop (xrf0)  }
0x13b: {  	(v2sf) =	vpush v4, $0xF;
	_ =	sdelay $0xe  }
0x13c: {  	s4 =	spop (v2sf)  }
0x13d: {  	p0 =	sgt.f32 s4, $0.0e+00  }
.Ltmp17:
0x13e: {  	_ = 	snop;
	(pc) =	sbr.rel @!p0 .LBB2_24-.Ltmp17, $2  }
0x13f: {  	_ =	sdelay $0x2  }
0x140: {  	vm1 =	vmmov vm0;
	s4 =	simm.s32 $0x0  }
.LBB2_23:
0x141: {  	s21 =	sshll.u32 s4, $0x4  }
0x142: {  	v4 =	vld [tilespmem:s21+$0xC00];
	_ =	sdelay $0x5  }
0x143: {  	v5 =	vld [tilespmem:s21+$0x400];
	_ =	sdelay $0x1  }
0x144: {  	v6 =	vld.idx.msk [tilespmem:v4+s20+$0x0], $0xffff;
	_ =	sdelay $0x2  }
0x145: {  	v5 =	vmul.f32 v5, v3;
	_ =	sdelay $0x1  }
0x146: {  	v5 =	vmax.f32 v6, v5  }
0x147: {  	[tilespmem:v4+s20+$0x0] =	vst.idx.msk $0xffff, v5  }
0x148: {  	v4 =	vld.idx.msk [tilespmem:v4+s20+$0x0], $0xffff;
	_ =	sdelay $0x3  }
0x149: {  	s4 =	sadd.s32 $0x1, s4  }
0x14a: {  	p0 =	seq.s32 s4, $0x40;
	vm2 =	vgt.f32 v5, v4  }
0x14b: {  	v4 =	vimm.f32 @p0 $0.0e+00;
	vm1 =	vmor vm1, vm2  }
0x14c: {  	v4 =	vsel @p0 vm1, $0x3F800000, v4  }
0x14d: {  	(xrf0) =	vmax.scan.msk.f32 @p0 $0xffff, v4;
	_ =	sdelay $0x5  }
0x14e: {  	v4, _, _ =	vpop @p0 (xrf0)  }
0x14f: {  	(v2sf) =	vpush @p0 v4, $0xF;
	_ =	sdelay $0xe  }
0x150: {  	s21 =	spop @p0 (v2sf)  }
0x151: {  	p1 =	sgt.f32 @p0 s21, $0.0e+00;
	_ =	sdelay $0x1  }
0x152: {  	p1 =	por !p0, p1  }
.Ltmp18:
0x153: {  	_ = 	snop;
	(pc) =	sbr.rel @p1 .LBB2_23-.Ltmp18, $3  }
0x154: {  	_ =	sdelay $0x1  }
0x155: {  	vm2 =	vmxor @p0 vm2, vm2  }
0x156: {  	s4 =	simm.s32 @p0 $0x0;
	vm1 =	vmmov @p0 vm2  }
.Ltmp19:
0x157: {  	_ = 	snop;
	(pc) =	sbr.rel .LBB2_24-.Ltmp19, $1  }
0x158: {  	_ =	sdelay $0x3  }
.LBB2_25:
0x159: {  	s4 =	simm.s32 $0x0;
	s16 =	rddreg [dreg:$0xa]  }
0x15a: {  	[tilespmem:s4], [sflag:$0x1] =	stream.strided.gather [hbm4b:s16+s14], $0x400, s15, s14, $0x38;
	[tilespmem:$0x1B400] =	vst v63  }
0x15b: {  	s25 =	rddreg [dreg:$0xb];
	s26 =	simm.s32 $0x800;
	s4 =	simm.s32 $0x0  }
0x15c: {  	[tilespmem:s26], [sflag:$0x2] =	stream.strided.gather [hbm4b:s25+s14], $0x400, s15, s14, $0x38;
	[tilespmem:$0x1B400] =	vst v63  }
0x15d: {  	s16 =	simm.s32 $0x40;
	v3 =	vld [tilespmem:s4+$0x1400]  }
.LBB2_26:
0x15e: {  	p0 =	sne.s32 s16, $0x31FC0;
	v4 =	vld [tilespmem:s4+$0xDC00];
	[tilespmem:s4+$0x1400] =	vst v0;
	_ =	sdelay $0x2  }
.Ltmp20:
0x15f: {  	(pc) =	sbr.rel @p0 .LBB2_26-.Ltmp20, $4  }
0x160: {  	_ = 	snop  }
0x161: {  	v4 =	vadd.f32 v3, v4  }
0x162: {  	s21 =	sshra.s32 s16, $0x2  }
0x163: {  	s16 =	sadd.s32 $0x40, s16;
	v3 =	vld [tilespmem:s21+$0x1400];
	[tilespmem:s4+$0xDC00] =	vst v4;
	s4 =	smov.u32 s21  }
0x164: {  	v4 =	vld [tilespmem:s4+$0xDC00];
	_ =	sdelay $0x3  }
.Ltmp21:
0x165: {  	_ = 	snop;
	(pc) =	sbr.rel .LBB2_28-.Ltmp21, $4  }
0x166: {  	v3 =	vadd.f32 v3, v4  }
0x167: {  	[tilespmem:s4+$0x1400] =	vst v0  }
0x168: {  	[tilespmem:s4+$0xDC00] =	vst v3  }
0x169: {  	s16 =	simm.s32 $0x0;
	v3 =	vld [tilespmem:$0x1100]  }
.LBB2_36:
0x16a: {  	s16 =	sadd.s32 $0x1, s16  }
0x16b: {  	p0 =	sne.s32 s16, $0x19  }
.Ltmp22:
0x16c: {  	_ = 	snop;
	(pc) =	sbr.rel @!p0 .LBB2_37-.Ltmp22, $1  }
0x16d: {  	_ =	sdelay $0x3  }
.LBB2_28:
0x16e: {  	_ =	swait.ge [sflag:s17], $0x400  }
0x16f: {  	[sflag:s17] =	ssyncset.done $0x0  }
0x170: {  	s4 =	sshll.u32 s16, $0xE;
	[sflag:s17] =	ssyncadd.s32 $0xFFFFFC00  }
0x171: {  	s21 =	sadd.s32 s4, s0;
	_ =	swait.ge [sflag:s18], $0x400  }
0x172: {  	s21 =	sshrl.u32 s21, $0x3;
	[sflag:s18] =	ssyncset.done $0x0  }
0x173: {  	s24 =	sadd.s32 s1, s21;
	[sflag:s18] =	ssyncadd.s32 $0xFFFFFC00  }
0x174: {  	[tilespmem:s15], [sflag:$0x3] =	stream.strided.gather [hbm4b:s24+s14], $0x400, s15, s14, $0x38;
	[tilespmem:$0x1B400] =	vst v63  }
0x175: {  	s26 =	simm.s32 $0x0;
	s21 =	sadd.s32 s2, s21  }
0x176: {  	[tilespmem:s19], [sflag:$0x4] =	stream.strided.gather [hbm4b:s21+s14], $0x400, s15, s14, $0x38;
	[tilespmem:$0x1B400] =	vst v63  }
0x177: {  	v4 =	vld [tilespmem:s26+$0x800];
	_ =	sdelay $0x5  }
0x178: {  	v5 =	vld [tilespmem:s26+$0x0];
	_ =	sdelay $0x1  }
0x179: {  	v6 =	vld.idx.msk [tilespmem:v4+s20+$0x0], $0xffff;
	_ =	sdelay $0x2  }
0x17a: {  	v5 =	vmul.f32 v5, v3;
	_ =	sdelay $0x1  }
0x17b: {  	v5 =	vmax.f32 v6, v5  }
0x17c: {  	vm1 =	vmmov vm0;
	s24 =	simm.s32 $0x10;
	s21 =	simm.s32 $0x80;
	[tilespmem:v4+s20+$0x0] =	vst.idx.msk $0xffff, v5  }
.LBB2_29:
0x17d: {  	p0 =	seq.s32 s21, $0xFC0;
	v6 =	vld [tilespmem:s24+$0x800]  }
0x17e: {  	v7 =	vld.idx.msk [tilespmem:v4+s20+$0x0], $0xffff;
	_ =	sdelay $0x3  }
0x17f: {  	v4 =	vmov v6;
	_ =	sdelay $0x1  }
0x180: {  	vm2 =	vgt.f32 v5, v7;
	v8 =	vld [tilespmem:s24+$0x0]  }
0x181: {  	vm1 =	vmor vm1, vm2;
	v5 =	vld.idx.msk [tilespmem:v6+s20+$0x0], $0xffff;
	_ =	sdelay $0x2  }
.Ltmp23:
0x182: {  	(pc) =	sbr.rel @!p0 .LBB2_29-.Ltmp23, $3  }
0x183: {  	v6 =	vmul.f32 v8, v3;
	_ =	sdelay $0x1  }
0x184: {  	v5 =	vmax.f32 v5, v6  }
0x185: {  	s24 =	sshra.s32 s21, $0x2;
	s21 =	sadd.s32 $0x40, s21;
	[tilespmem:v4+s20+$0x0] =	vst.idx.msk $0xffff, v5  }
0x186: {  	v6 =	vld [tilespmem:s24+$0x800];
	_ =	sdelay $0x5  }
0x187: {  	v7 =	vld [tilespmem:s24+$0x0];
	_ =	sdelay $0x1  }
0x188: {  	v8 =	vld.idx.msk [tilespmem:v6+s20+$0x0], $0xffff;
	_ =	sdelay $0x2  }
0x189: {  	v7 =	vmul.f32 v7, v3;
	_ =	sdelay $0x1  }
0x18a: {  	v7 =	vmax.f32 v8, v7  }
0x18b: {  	v4 =	vld.idx.msk [tilespmem:v4+s20+$0x0], $0xffff;
	[tilespmem:v6+s20+$0x0] =	vst.idx.msk $0xffff, v7  }
0x18c: {  	v6 =	vld.idx.msk [tilespmem:v6+s20+$0x0], $0xffff;
	_ =	sdelay $0x3  }
0x18d: {  	vm2 =	vgt.f32 v5, v4  }
0x18e: {  	vm1 =	vmor vm1, vm2;
	vm2 =	vgt.f32 v7, v6  }
0x18f: {  	vm1 =	vmor vm1, vm2  }
0x190: {  	v4 =	vsel vm1, $0x3F800000, v0  }
0x191: {  	(xrf0) =	vmax.scan.msk.f32 $0xffff, v4;
	_ =	sdelay $0x5  }
0x192: {  	v4, _, _ =	vpop (xrf0)  }
0x193: {  	(v2sf) =	vpush v4, $0xF;
	_ =	sdelay $0xe  }
0x194: {  	s21 =	spop (v2sf)  }
0x195: {  	p0 =	sgt.f32 s21, $0.0e+00  }
.Ltmp24:
0x196: {  	_ = 	snop;
	(pc) =	sbr.rel @!p0 .LBB2_32-.Ltmp24, $2  }
0x197: {  	_ =	sdelay $0x2  }
0x198: {  	vm1 =	vmmov vm0;
	s21 =	simm.s32 $0x0  }
.LBB2_31:
0x199: {  	s24 =	sshll.u32 s21, $0x4  }
0x19a: {  	v4 =	vld [tilespmem:s24+$0x800];
	_ =	sdelay $0x5  }
0x19b: {  	v5 =	vld [tilespmem:s24+$0x0];
	_ =	sdelay $0x1  }
0x19c: {  	v6 =	vld.idx.msk [tilespmem:v4+s20+$0x0], $0xffff;
	_ =	sdelay $0x2  }
0x19d: {  	v5 =	vmul.f32 v5, v3;
	_ =	sdelay $0x1  }
0x19e: {  	v5 =	vmax.f32 v6, v5  }
0x19f: {  	[tilespmem:v4+s20+$0x0] =	vst.idx.msk $0xffff, v5  }
0x1a0: {  	v4 =	vld.idx.msk [tilespmem:v4+s20+$0x0], $0xffff;
	_ =	sdelay $0x3  }
0x1a1: {  	s21 =	sadd.s32 $0x1, s21  }
0x1a2: {  	p0 =	seq.s32 s21, $0x40;
	vm2 =	vgt.f32 v5, v4  }
0x1a3: {  	v4 =	vimm.f32 @p0 $0.0e+00;
	vm1 =	vmor vm1, vm2  }
0x1a4: {  	v4 =	vsel @p0 vm1, $0x3F800000, v4  }
0x1a5: {  	(xrf0) =	vmax.scan.msk.f32 @p0 $0xffff, v4;
	_ =	sdelay $0x5  }
0x1a6: {  	v4, _, _ =	vpop @p0 (xrf0)  }
0x1a7: {  	(v2sf) =	vpush @p0 v4, $0xF;
	_ =	sdelay $0xe  }
0x1a8: {  	s24 =	spop @p0 (v2sf)  }
0x1a9: {  	p1 =	sgt.f32 @p0 s24, $0.0e+00;
	_ =	sdelay $0x1  }
0x1aa: {  	p1 =	por !p0, p1  }
.Ltmp25:
0x1ab: {  	_ = 	snop;
	(pc) =	sbr.rel @p1 .LBB2_31-.Ltmp25, $3  }
0x1ac: {  	_ =	sdelay $0x1  }
0x1ad: {  	vm2 =	vmxor @p0 vm2, vm2  }
0x1ae: {  	s21 =	simm.s32 @p0 $0x0;
	vm1 =	vmmov @p0 vm2  }
.LBB2_32:
0x1af: {  	_ =	swait.ge [sflag:s22], $0x400  }
0x1b0: {  	[sflag:s22] =	ssyncset.done $0x0  }
0x1b1: {  	p0 =	sne.s32 s16, $0x18;
	[sflag:s22] =	ssyncadd.s32 $0xFFFFFC00  }
0x1b2: {  	s4 =	sadd.s32 @p0 s4, s3;
	s24 =	simm.s32 @p0 $0x80;
	_ =	swait.ge [sflag:s23], $0x400  }
0x1b3: {  	s25 =	simm.s32 @p0 $0x400;
	s4 =	sshrl.u32 @p0 s4, $0x3;
	[sflag:s23] =	ssyncset.done $0x0  }
0x1b4: {  	s26 =	simm.s32 @p0 $0x0;
	s21 =	sadd.s32 @p0 s1, s4;
	[sflag:s23] =	ssyncadd.s32 $0xFFFFFC00  }
0x1b5: {  	[tilespmem:s26], [sflag:$0x1] =	stream.strided.gather @p0 [hbm4b:s21+s24], $0x400, s25, s24, $0x38;
	[tilespmem:$0x1B400] =	vst v63  }
0x1b6: {  	s4 =	sadd.s32 @p0 s2, s4;
	s21 =	simm.s32 @p0 $0x800;
	s26 =	simm.s32 $0x0  }
0x1b7: {  	[tilespmem:s21], [sflag:$0x2] =	stream.strided.gather @p0 [hbm4b:s4+s24], $0x400, s25, s24, $0x38;
	[tilespmem:$0x1B400] =	vst v63  }
0x1b8: {  	v4 =	vld [tilespmem:s26+$0xC00];
	_ =	sdelay $0x5  }
0x1b9: {  	v5 =	vld [tilespmem:s26+$0x400];
	_ =	sdelay $0x1  }
0x1ba: {  	v6 =	vld.idx.msk [tilespmem:v4+s20+$0x0], $0xffff;
	_ =	sdelay $0x2  }
0x1bb: {  	v5 =	vmul.f32 v5, v3;
	_ =	sdelay $0x1  }
0x1bc: {  	v5 =	vmax.f32 v6, v5  }
0x1bd: {  	vm1 =	vmmov vm0;
	s21 =	simm.s32 $0x10;
	s4 =	simm.s32 $0x80;
	[tilespmem:v4+s20+$0x0] =	vst.idx.msk $0xffff, v5  }
.LBB2_33:
0x1be: {  	p0 =	seq.s32 s4, $0xFC0;
	v6 =	vld [tilespmem:s21+$0xC00]  }
0x1bf: {  	v7 =	vld.idx.msk [tilespmem:v4+s20+$0x0], $0xffff;
	_ =	sdelay $0x3  }
0x1c0: {  	v4 =	vmov v6;
	_ =	sdelay $0x1  }
0x1c1: {  	vm2 =	vgt.f32 v5, v7;
	v8 =	vld [tilespmem:s21+$0x400]  }
0x1c2: {  	vm1 =	vmor vm1, vm2;
	v5 =	vld.idx.msk [tilespmem:v6+s20+$0x0], $0xffff;
	_ =	sdelay $0x2  }
.Ltmp26:
0x1c3: {  	(pc) =	sbr.rel @!p0 .LBB2_33-.Ltmp26, $3  }
0x1c4: {  	v6 =	vmul.f32 v8, v3;
	_ =	sdelay $0x1  }
0x1c5: {  	v5 =	vmax.f32 v5, v6  }
0x1c6: {  	s21 =	sshra.s32 s4, $0x2;
	s4 =	sadd.s32 $0x40, s4;
	[tilespmem:v4+s20+$0x0] =	vst.idx.msk $0xffff, v5  }
0x1c7: {  	v6 =	vld [tilespmem:s21+$0xC00];
	_ =	sdelay $0x5  }
0x1c8: {  	v7 =	vld [tilespmem:s21+$0x400];
	_ =	sdelay $0x1  }
0x1c9: {  	v8 =	vld.idx.msk [tilespmem:v6+s20+$0x0], $0xffff;
	_ =	sdelay $0x2  }
0x1ca: {  	v7 =	vmul.f32 v7, v3;
	_ =	sdelay $0x1  }
0x1cb: {  	v7 =	vmax.f32 v8, v7  }
0x1cc: {  	v4 =	vld.idx.msk [tilespmem:v4+s20+$0x0], $0xffff;
	[tilespmem:v6+s20+$0x0] =	vst.idx.msk $0xffff, v7  }
0x1cd: {  	v6 =	vld.idx.msk [tilespmem:v6+s20+$0x0], $0xffff;
	_ =	sdelay $0x3  }
0x1ce: {  	vm2 =	vgt.f32 v5, v4  }
0x1cf: {  	vm1 =	vmor vm1, vm2;
	vm2 =	vgt.f32 v7, v6  }
0x1d0: {  	vm1 =	vmor vm1, vm2  }
0x1d1: {  	v4 =	vsel vm1, $0x3F800000, v0  }
0x1d2: {  	(xrf0) =	vmax.scan.msk.f32 $0xffff, v4;
	_ =	sdelay $0x5  }
0x1d3: {  	v4, _, _ =	vpop (xrf0)  }
0x1d4: {  	(v2sf) =	vpush v4, $0xF;
	_ =	sdelay $0xe  }
0x1d5: {  	s4 =	spop (v2sf)  }
0x1d6: {  	p0 =	sgt.f32 s4, $0.0e+00  }
.Ltmp27:
0x1d7: {  	_ = 	snop;
	(pc) =	sbr.rel @!p0 .LBB2_36-.Ltmp27, $2  }
0x1d8: {  	_ =	sdelay $0x2  }
0x1d9: {  	vm1 =	vmmov vm0;
	s4 =	simm.s32 $0x0  }
.LBB2_35:
0x1da: {  	s21 =	sshll.u32 s4, $0x4  }
0x1db: {  	v4 =	vld [tilespmem:s21+$0xC00];
	_ =	sdelay $0x5  }
0x1dc: {  	v5 =	vld [tilespmem:s21+$0x400];
	_ =	sdelay $0x1  }
0x1dd: {  	v6 =	vld.idx.msk [tilespmem:v4+s20+$0x0], $0xffff;
	_ =	sdelay $0x2  }
0x1de: {  	v5 =	vmul.f32 v5, v3;
	_ =	sdelay $0x1  }
0x1df: {  	v5 =	vmax.f32 v6, v5  }
0x1e0: {  	[tilespmem:v4+s20+$0x0] =	vst.idx.msk $0xffff, v5  }
0x1e1: {  	v4 =	vld.idx.msk [tilespmem:v4+s20+$0x0], $0xffff;
	_ =	sdelay $0x3  }
0x1e2: {  	s4 =	sadd.s32 $0x1, s4  }
0x1e3: {  	p0 =	seq.s32 s4, $0x40;
	vm2 =	vgt.f32 v5, v4  }
0x1e4: {  	v4 =	vimm.f32 @p0 $0.0e+00;
	vm1 =	vmor vm1, vm2  }
0x1e5: {  	v4 =	vsel @p0 vm1, $0x3F800000, v4  }
0x1e6: {  	(xrf0) =	vmax.scan.msk.f32 @p0 $0xffff, v4;
	_ =	sdelay $0x5  }
0x1e7: {  	v4, _, _ =	vpop @p0 (xrf0)  }
0x1e8: {  	(v2sf) =	vpush @p0 v4, $0xF;
	_ =	sdelay $0xe  }
0x1e9: {  	s21 =	spop @p0 (v2sf)  }
0x1ea: {  	p1 =	sgt.f32 @p0 s21, $0.0e+00;
	_ =	sdelay $0x1  }
0x1eb: {  	p1 =	por !p0, p1  }
.Ltmp28:
0x1ec: {  	_ = 	snop;
	(pc) =	sbr.rel @p1 .LBB2_35-.Ltmp28, $3  }
0x1ed: {  	_ =	sdelay $0x1  }
0x1ee: {  	vm2 =	vmxor @p0 vm2, vm2  }
0x1ef: {  	s4 =	simm.s32 @p0 $0x0;
	vm1 =	vmmov @p0 vm2  }
.Ltmp29:
0x1f0: {  	_ = 	snop;
	(pc) =	sbr.rel .LBB2_36-.Ltmp29, $1  }
0x1f1: {  	_ =	sdelay $0x3  }
.LBB2_37:
0x1f2: {  	s4 =	simm.s32 $0x0;
	s16 =	rddreg [dreg:$0xc]  }
0x1f3: {  	[tilespmem:s4], [sflag:$0x1] =	stream.strided.gather [hbm4b:s16+s14], $0x400, s15, s14, $0x38;
	[tilespmem:$0x1B400] =	vst v63  }
0x1f4: {  	s25 =	rddreg [dreg:$0xd];
	s26 =	simm.s32 $0x800;
	s4 =	simm.s32 $0x0  }
0x1f5: {  	[tilespmem:s26], [sflag:$0x2] =	stream.strided.gather [hbm4b:s25+s14], $0x400, s15, s14, $0x38;
	[tilespmem:$0x1B400] =	vst v63  }
0x1f6: {  	s16 =	simm.s32 $0x40;
	v3 =	vld [tilespmem:s4+$0x1400]  }
.LBB2_38:
0x1f7: {  	p0 =	sne.s32 s16, $0x31FC0;
	v4 =	vld [tilespmem:s4+$0xDC00];
	[tilespmem:s4+$0x1400] =	vst v0;
	_ =	sdelay $0x2  }
.Ltmp30:
0x1f8: {  	(pc) =	sbr.rel @p0 .LBB2_38-.Ltmp30, $4  }
0x1f9: {  	_ = 	snop  }
0x1fa: {  	v4 =	vadd.f32 v3, v4  }
0x1fb: {  	s21 =	sshra.s32 s16, $0x2  }
0x1fc: {  	s16 =	sadd.s32 $0x40, s16;
	v3 =	vld [tilespmem:s21+$0x1400];
	[tilespmem:s4+$0xDC00] =	vst v4;
	s4 =	smov.u32 s21  }
0x1fd: {  	v4 =	vld [tilespmem:s4+$0xDC00];
	_ =	sdelay $0x3  }
.Ltmp31:
0x1fe: {  	_ = 	snop;
	(pc) =	sbr.rel .LBB2_40-.Ltmp31, $4  }
0x1ff: {  	v3 =	vadd.f32 v3, v4  }
0x200: {  	[tilespmem:s4+$0x1400] =	vst v0  }
0x201: {  	[tilespmem:s4+$0xDC00] =	vst v3  }
0x202: {  	s16 =	simm.s32 $0x0;
	v3 =	vld [tilespmem:$0x1180]  }
.LBB2_48:
0x203: {  	s16 =	sadd.s32 $0x1, s16  }
0x204: {  	p0 =	sne.s32 s16, $0x19  }
.Ltmp32:
0x205: {  	_ = 	snop;
	(pc) =	sbr.rel @!p0 .LBB2_49-.Ltmp32, $1  }
0x206: {  	_ =	sdelay $0x3  }
.LBB2_40:
0x207: {  	_ =	swait.ge [sflag:s17], $0x400  }
0x208: {  	[sflag:s17] =	ssyncset.done $0x0  }
0x209: {  	s4 =	sshll.u32 s16, $0xE;
	[sflag:s17] =	ssyncadd.s32 $0xFFFFFC00  }
0x20a: {  	s21 =	sadd.s32 s4, s5;
	_ =	swait.ge [sflag:s18], $0x400  }
0x20b: {  	s21 =	sshrl.u32 s21, $0x3;
	[sflag:s18] =	ssyncset.done $0x0  }
0x20c: {  	s24 =	sadd.s32 s1, s21;
	[sflag:s18] =	ssyncadd.s32 $0xFFFFFC00  }
0x20d: {  	[tilespmem:s15], [sflag:$0x3] =	stream.strided.gather [hbm4b:s24+s14], $0x400, s15, s14, $0x38;
	[tilespmem:$0x1B400] =	vst v63  }
0x20e: {  	s26 =	simm.s32 $0x0;
	s21 =	sadd.s32 s2, s21  }
0x20f: {  	[tilespmem:s19], [sflag:$0x4] =	stream.strided.gather [hbm4b:s21+s14], $0x400, s15, s14, $0x38;
	[tilespmem:$0x1B400] =	vst v63  }
0x210: {  	v4 =	vld [tilespmem:s26+$0x800];
	_ =	sdelay $0x5  }
0x211: {  	v5 =	vld [tilespmem:s26+$0x0];
	_ =	sdelay $0x1  }
0x212: {  	v6 =	vld.idx.msk [tilespmem:v4+s20+$0x0], $0xffff;
	_ =	sdelay $0x2  }
0x213: {  	v5 =	vmul.f32 v5, v3;
	_ =	sdelay $0x1  }
0x214: {  	v5 =	vmax.f32 v6, v5  }
0x215: {  	vm1 =	vmmov vm0;
	s24 =	simm.s32 $0x10;
	s21 =	simm.s32 $0x80;
	[tilespmem:v4+s20+$0x0] =	vst.idx.msk $0xffff, v5  }
.LBB2_41:
0x216: {  	p0 =	seq.s32 s21, $0xFC0;
	v6 =	vld [tilespmem:s24+$0x800]  }
0x217: {  	v7 =	vld.idx.msk [tilespmem:v4+s20+$0x0], $0xffff;
	_ =	sdelay $0x3  }
0x218: {  	v4 =	vmov v6;
	_ =	sdelay $0x1  }
0x219: {  	vm2 =	vgt.f32 v5, v7;
	v8 =	vld [tilespmem:s24+$0x0]  }
0x21a: {  	vm1 =	vmor vm1, vm2;
	v5 =	vld.idx.msk [tilespmem:v6+s20+$0x0], $0xffff;
	_ =	sdelay $0x2  }
.Ltmp33:
0x21b: {  	(pc) =	sbr.rel @!p0 .LBB2_41-.Ltmp33, $3  }
0x21c: {  	v6 =	vmul.f32 v8, v3;
	_ =	sdelay $0x1  }
0x21d: {  	v5 =	vmax.f32 v5, v6  }
0x21e: {  	s24 =	sshra.s32 s21, $0x2;
	s21 =	sadd.s32 $0x40, s21;
	[tilespmem:v4+s20+$0x0] =	vst.idx.msk $0xffff, v5  }
0x21f: {  	v6 =	vld [tilespmem:s24+$0x800];
	_ =	sdelay $0x5  }
0x220: {  	v7 =	vld [tilespmem:s24+$0x0];
	_ =	sdelay $0x1  }
0x221: {  	v8 =	vld.idx.msk [tilespmem:v6+s20+$0x0], $0xffff;
	_ =	sdelay $0x2  }
0x222: {  	v7 =	vmul.f32 v7, v3;
	_ =	sdelay $0x1  }
0x223: {  	v7 =	vmax.f32 v8, v7  }
0x224: {  	v4 =	vld.idx.msk [tilespmem:v4+s20+$0x0], $0xffff;
	[tilespmem:v6+s20+$0x0] =	vst.idx.msk $0xffff, v7  }
0x225: {  	v6 =	vld.idx.msk [tilespmem:v6+s20+$0x0], $0xffff;
	_ =	sdelay $0x3  }
0x226: {  	vm2 =	vgt.f32 v5, v4  }
0x227: {  	vm1 =	vmor vm1, vm2;
	vm2 =	vgt.f32 v7, v6  }
0x228: {  	vm1 =	vmor vm1, vm2  }
0x229: {  	v4 =	vsel vm1, $0x3F800000, v0  }
0x22a: {  	(xrf0) =	vmax.scan.msk.f32 $0xffff, v4;
	_ =	sdelay $0x5  }
0x22b: {  	v4, _, _ =	vpop (xrf0)  }
0x22c: {  	(v2sf) =	vpush v4, $0xF;
	_ =	sdelay $0xe  }
0x22d: {  	s21 =	spop (v2sf)  }
0x22e: {  	p0 =	sgt.f32 s21, $0.0e+00  }
.Ltmp34:
0x22f: {  	_ = 	snop;
	(pc) =	sbr.rel @!p0 .LBB2_44-.Ltmp34, $2  }
0x230: {  	_ =	sdelay $0x2  }
0x231: {  	vm1 =	vmmov vm0;
	s21 =	simm.s32 $0x0  }
.LBB2_43:
0x232: {  	s24 =	sshll.u32 s21, $0x4  }
0x233: {  	v4 =	vld [tilespmem:s24+$0x800];
	_ =	sdelay $0x5  }
0x234: {  	v5 =	vld [tilespmem:s24+$0x0];
	_ =	sdelay $0x1  }
0x235: {  	v6 =	vld.idx.msk [tilespmem:v4+s20+$0x0], $0xffff;
	_ =	sdelay $0x2  }
0x236: {  	v5 =	vmul.f32 v5, v3;
	_ =	sdelay $0x1  }
0x237: {  	v5 =	vmax.f32 v6, v5  }
0x238: {  	[tilespmem:v4+s20+$0x0] =	vst.idx.msk $0xffff, v5  }
0x239: {  	v4 =	vld.idx.msk [tilespmem:v4+s20+$0x0], $0xffff;
	_ =	sdelay $0x3  }
0x23a: {  	s21 =	sadd.s32 $0x1, s21  }
0x23b: {  	p0 =	seq.s32 s21, $0x40;
	vm2 =	vgt.f32 v5, v4  }
0x23c: {  	v4 =	vimm.f32 @p0 $0.0e+00;
	vm1 =	vmor vm1, vm2  }
0x23d: {  	v4 =	vsel @p0 vm1, $0x3F800000, v4  }
0x23e: {  	(xrf0) =	vmax.scan.msk.f32 @p0 $0xffff, v4;
	_ =	sdelay $0x5  }
0x23f: {  	v4, _, _ =	vpop @p0 (xrf0)  }
0x240: {  	(v2sf) =	vpush @p0 v4, $0xF;
	_ =	sdelay $0xe  }
0x241: {  	s24 =	spop @p0 (v2sf)  }
0x242: {  	p1 =	sgt.f32 @p0 s24, $0.0e+00;
	_ =	sdelay $0x1  }
0x243: {  	p1 =	por !p0, p1  }
.Ltmp35:
0x244: {  	_ = 	snop;
	(pc) =	sbr.rel @p1 .LBB2_43-.Ltmp35, $3  }
0x245: {  	_ =	sdelay $0x1  }
0x246: {  	vm2 =	vmxor @p0 vm2, vm2  }
0x247: {  	s21 =	simm.s32 @p0 $0x0;
	vm1 =	vmmov @p0 vm2  }
.LBB2_44:
0x248: {  	_ =	swait.ge [sflag:s22], $0x400  }
0x249: {  	[sflag:s22] =	ssyncset.done $0x0  }
0x24a: {  	p0 =	sne.s32 s16, $0x18;
	[sflag:s22] =	ssyncadd.s32 $0xFFFFFC00  }
0x24b: {  	s4 =	sadd.s32 @p0 s4, s6;
	s24 =	simm.s32 @p0 $0x80;
	_ =	swait.ge [sflag:s23], $0x400  }
0x24c: {  	s25 =	simm.s32 @p0 $0x400;
	s4 =	sshrl.u32 @p0 s4, $0x3;
	[sflag:s23] =	ssyncset.done $0x0  }
0x24d: {  	s26 =	simm.s32 @p0 $0x0;
	s21 =	sadd.s32 @p0 s1, s4;
	[sflag:s23] =	ssyncadd.s32 $0xFFFFFC00  }
0x24e: {  	[tilespmem:s26], [sflag:$0x1] =	stream.strided.gather @p0 [hbm4b:s21+s24], $0x400, s25, s24, $0x38;
	[tilespmem:$0x1B400] =	vst v63  }
0x24f: {  	s4 =	sadd.s32 @p0 s2, s4;
	s21 =	simm.s32 @p0 $0x800;
	s26 =	simm.s32 $0x0  }
0x250: {  	[tilespmem:s21], [sflag:$0x2] =	stream.strided.gather @p0 [hbm4b:s4+s24], $0x400, s25, s24, $0x38;
	[tilespmem:$0x1B400] =	vst v63  }
0x251: {  	v4 =	vld [tilespmem:s26+$0xC00];
	_ =	sdelay $0x5  }
0x252: {  	v5 =	vld [tilespmem:s26+$0x400];
	_ =	sdelay $0x1  }
0x253: {  	v6 =	vld.idx.msk [tilespmem:v4+s20+$0x0], $0xffff;
	_ =	sdelay $0x2  }
0x254: {  	v5 =	vmul.f32 v5, v3;
	_ =	sdelay $0x1  }
0x255: {  	v5 =	vmax.f32 v6, v5  }
0x256: {  	vm1 =	vmmov vm0;
	s21 =	simm.s32 $0x10;
	s4 =	simm.s32 $0x80;
	[tilespmem:v4+s20+$0x0] =	vst.idx.msk $0xffff, v5  }
.LBB2_45:
0x257: {  	p0 =	seq.s32 s4, $0xFC0;
	v6 =	vld [tilespmem:s21+$0xC00]  }
0x258: {  	v7 =	vld.idx.msk [tilespmem:v4+s20+$0x0], $0xffff;
	_ =	sdelay $0x3  }
0x259: {  	v4 =	vmov v6;
	_ =	sdelay $0x1  }
0x25a: {  	vm2 =	vgt.f32 v5, v7;
	v8 =	vld [tilespmem:s21+$0x400]  }
0x25b: {  	vm1 =	vmor vm1, vm2;
	v5 =	vld.idx.msk [tilespmem:v6+s20+$0x0], $0xffff;
	_ =	sdelay $0x2  }
.Ltmp36:
0x25c: {  	(pc) =	sbr.rel @!p0 .LBB2_45-.Ltmp36, $3  }
0x25d: {  	v6 =	vmul.f32 v8, v3;
	_ =	sdelay $0x1  }
0x25e: {  	v5 =	vmax.f32 v5, v6  }
0x25f: {  	s21 =	sshra.s32 s4, $0x2;
	s4 =	sadd.s32 $0x40, s4;
	[tilespmem:v4+s20+$0x0] =	vst.idx.msk $0xffff, v5  }
0x260: {  	v6 =	vld [tilespmem:s21+$0xC00];
	_ =	sdelay $0x5  }
0x261: {  	v7 =	vld [tilespmem:s21+$0x400];
	_ =	sdelay $0x1  }
0x262: {  	v8 =	vld.idx.msk [tilespmem:v6+s20+$0x0], $0xffff;
	_ =	sdelay $0x2  }
0x263: {  	v7 =	vmul.f32 v7, v3;
	_ =	sdelay $0x1  }
0x264: {  	v7 =	vmax.f32 v8, v7  }
0x265: {  	v4 =	vld.idx.msk [tilespmem:v4+s20+$0x0], $0xffff;
	[tilespmem:v6+s20+$0x0] =	vst.idx.msk $0xffff, v7  }
0x266: {  	v6 =	vld.idx.msk [tilespmem:v6+s20+$0x0], $0xffff;
	_ =	sdelay $0x3  }
0x267: {  	vm2 =	vgt.f32 v5, v4  }
0x268: {  	vm1 =	vmor vm1, vm2;
	vm2 =	vgt.f32 v7, v6  }
0x269: {  	vm1 =	vmor vm1, vm2  }
0x26a: {  	v4 =	vsel vm1, $0x3F800000, v0  }
0x26b: {  	(xrf0) =	vmax.scan.msk.f32 $0xffff, v4;
	_ =	sdelay $0x5  }
0x26c: {  	v4, _, _ =	vpop (xrf0)  }
0x26d: {  	(v2sf) =	vpush v4, $0xF;
	_ =	sdelay $0xe  }
0x26e: {  	s4 =	spop (v2sf)  }
0x26f: {  	p0 =	sgt.f32 s4, $0.0e+00  }
.Ltmp37:
0x270: {  	_ = 	snop;
	(pc) =	sbr.rel @!p0 .LBB2_48-.Ltmp37, $2  }
0x271: {  	_ =	sdelay $0x2  }
0x272: {  	vm1 =	vmmov vm0;
	s4 =	simm.s32 $0x0  }
.LBB2_47:
0x273: {  	s21 =	sshll.u32 s4, $0x4  }
0x274: {  	v4 =	vld [tilespmem:s21+$0xC00];
	_ =	sdelay $0x5  }
0x275: {  	v5 =	vld [tilespmem:s21+$0x400];
	_ =	sdelay $0x1  }
0x276: {  	v6 =	vld.idx.msk [tilespmem:v4+s20+$0x0], $0xffff;
	_ =	sdelay $0x2  }
0x277: {  	v5 =	vmul.f32 v5, v3;
	_ =	sdelay $0x1  }
0x278: {  	v5 =	vmax.f32 v6, v5  }
0x279: {  	[tilespmem:v4+s20+$0x0] =	vst.idx.msk $0xffff, v5  }
0x27a: {  	v4 =	vld.idx.msk [tilespmem:v4+s20+$0x0], $0xffff;
	_ =	sdelay $0x3  }
0x27b: {  	s4 =	sadd.s32 $0x1, s4  }
0x27c: {  	p0 =	seq.s32 s4, $0x40;
	vm2 =	vgt.f32 v5, v4  }
0x27d: {  	v4 =	vimm.f32 @p0 $0.0e+00;
	vm1 =	vmor vm1, vm2  }
0x27e: {  	v4 =	vsel @p0 vm1, $0x3F800000, v4  }
0x27f: {  	(xrf0) =	vmax.scan.msk.f32 @p0 $0xffff, v4;
	_ =	sdelay $0x5  }
0x280: {  	v4, _, _ =	vpop @p0 (xrf0)  }
0x281: {  	(v2sf) =	vpush @p0 v4, $0xF;
	_ =	sdelay $0xe  }
0x282: {  	s21 =	spop @p0 (v2sf)  }
0x283: {  	p1 =	sgt.f32 @p0 s21, $0.0e+00;
	_ =	sdelay $0x1  }
0x284: {  	p1 =	por !p0, p1  }
.Ltmp38:
0x285: {  	_ = 	snop;
	(pc) =	sbr.rel @p1 .LBB2_47-.Ltmp38, $3  }
0x286: {  	_ =	sdelay $0x1  }
0x287: {  	vm2 =	vmxor @p0 vm2, vm2  }
0x288: {  	s4 =	simm.s32 @p0 $0x0;
	vm1 =	vmmov @p0 vm2  }
.Ltmp39:
0x289: {  	_ = 	snop;
	(pc) =	sbr.rel .LBB2_48-.Ltmp39, $1  }
0x28a: {  	_ =	sdelay $0x3  }
.LBB2_49:
0x28b: {  	s4 =	simm.s32 $0x0;
	s16 =	rddreg [dreg:$0xe]  }
0x28c: {  	[tilespmem:s4], [sflag:$0x1] =	stream.strided.gather [hbm4b:s16+s14], $0x400, s15, s14, $0x38;
	[tilespmem:$0x1B400] =	vst v63  }
0x28d: {  	s25 =	rddreg [dreg:$0xf];
	s26 =	simm.s32 $0x800;
	s4 =	simm.s32 $0x0  }
0x28e: {  	[tilespmem:s26], [sflag:$0x2] =	stream.strided.gather [hbm4b:s25+s14], $0x400, s15, s14, $0x38;
	[tilespmem:$0x1B400] =	vst v63  }
0x28f: {  	s16 =	simm.s32 $0x40;
	v3 =	vld [tilespmem:s4+$0x1400]  }
.LBB2_50:
0x290: {  	p0 =	sne.s32 s16, $0x31FC0;
	v4 =	vld [tilespmem:s4+$0xDC00];
	[tilespmem:s4+$0x1400] =	vst v0;
	_ =	sdelay $0x2  }
.Ltmp40:
0x291: {  	(pc) =	sbr.rel @p0 .LBB2_50-.Ltmp40, $4  }
0x292: {  	_ = 	snop  }
0x293: {  	v4 =	vadd.f32 v3, v4  }
0x294: {  	s21 =	sshra.s32 s16, $0x2  }
0x295: {  	s16 =	sadd.s32 $0x40, s16;
	v3 =	vld [tilespmem:s21+$0x1400];
	[tilespmem:s4+$0xDC00] =	vst v4;
	s4 =	smov.u32 s21  }
0x296: {  	v4 =	vld [tilespmem:s4+$0xDC00];
	_ =	sdelay $0x3  }
.Ltmp41:
0x297: {  	_ = 	snop;
	(pc) =	sbr.rel .LBB2_52-.Ltmp41, $4  }
0x298: {  	v3 =	vadd.f32 v3, v4  }
0x299: {  	[tilespmem:s4+$0x1400] =	vst v0  }
0x29a: {  	[tilespmem:s4+$0xDC00] =	vst v3  }
0x29b: {  	s16 =	simm.s32 $0x0;
	v3 =	vld [tilespmem:$0x1200]  }
.LBB2_60:
0x29c: {  	s16 =	sadd.s32 $0x1, s16  }
0x29d: {  	p0 =	sne.s32 s16, $0x19  }
.Ltmp42:
0x29e: {  	_ = 	snop;
	(pc) =	sbr.rel @!p0 .LBB2_61-.Ltmp42, $1  }
0x29f: {  	_ =	sdelay $0x3  }
.LBB2_52:
0x2a0: {  	_ =	swait.ge [sflag:s17], $0x400  }
0x2a1: {  	[sflag:s17] =	ssyncset.done $0x0  }
0x2a2: {  	s4 =	sshll.u32 s16, $0xE;
	[sflag:s17] =	ssyncadd.s32 $0xFFFFFC00  }
0x2a3: {  	s21 =	sadd.s32 s4, s7;
	_ =	swait.ge [sflag:s18], $0x400  }
0x2a4: {  	s21 =	sshrl.u32 s21, $0x3;
	[sflag:s18] =	ssyncset.done $0x0  }
0x2a5: {  	s24 =	sadd.s32 s1, s21;
	[sflag:s18] =	ssyncadd.s32 $0xFFFFFC00  }
0x2a6: {  	[tilespmem:s15], [sflag:$0x3] =	stream.strided.gather [hbm4b:s24+s14], $0x400, s15, s14, $0x38;
	[tilespmem:$0x1B400] =	vst v63  }
0x2a7: {  	s26 =	simm.s32 $0x0;
	s21 =	sadd.s32 s2, s21  }
0x2a8: {  	[tilespmem:s19], [sflag:$0x4] =	stream.strided.gather [hbm4b:s21+s14], $0x400, s15, s14, $0x38;
	[tilespmem:$0x1B400] =	vst v63  }
0x2a9: {  	v4 =	vld [tilespmem:s26+$0x800];
	_ =	sdelay $0x5  }
0x2aa: {  	v5 =	vld [tilespmem:s26+$0x0];
	_ =	sdelay $0x1  }
0x2ab: {  	v6 =	vld.idx.msk [tilespmem:v4+s20+$0x0], $0xffff;
	_ =	sdelay $0x2  }
0x2ac: {  	v5 =	vmul.f32 v5, v3;
	_ =	sdelay $0x1  }
0x2ad: {  	v5 =	vmax.f32 v6, v5  }
0x2ae: {  	vm1 =	vmmov vm0;
	s24 =	simm.s32 $0x10;
	s21 =	simm.s32 $0x80;
	[tilespmem:v4+s20+$0x0] =	vst.idx.msk $0xffff, v5  }
.LBB2_53:
0x2af: {  	p0 =	seq.s32 s21, $0xFC0;
	v6 =	vld [tilespmem:s24+$0x800]  }
0x2b0: {  	v7 =	vld.idx.msk [tilespmem:v4+s20+$0x0], $0xffff;
	_ =	sdelay $0x3  }
0x2b1: {  	v4 =	vmov v6;
	_ =	sdelay $0x1  }
0x2b2: {  	vm2 =	vgt.f32 v5, v7;
	v8 =	vld [tilespmem:s24+$0x0]  }
0x2b3: {  	vm1 =	vmor vm1, vm2;
	v5 =	vld.idx.msk [tilespmem:v6+s20+$0x0], $0xffff;
	_ =	sdelay $0x2  }
.Ltmp43:
0x2b4: {  	(pc) =	sbr.rel @!p0 .LBB2_53-.Ltmp43, $3  }
0x2b5: {  	v6 =	vmul.f32 v8, v3;
	_ =	sdelay $0x1  }
0x2b6: {  	v5 =	vmax.f32 v5, v6  }
0x2b7: {  	s24 =	sshra.s32 s21, $0x2;
	s21 =	sadd.s32 $0x40, s21;
	[tilespmem:v4+s20+$0x0] =	vst.idx.msk $0xffff, v5  }
0x2b8: {  	v6 =	vld [tilespmem:s24+$0x800];
	_ =	sdelay $0x5  }
0x2b9: {  	v7 =	vld [tilespmem:s24+$0x0];
	_ =	sdelay $0x1  }
0x2ba: {  	v8 =	vld.idx.msk [tilespmem:v6+s20+$0x0], $0xffff;
	_ =	sdelay $0x2  }
0x2bb: {  	v7 =	vmul.f32 v7, v3;
	_ =	sdelay $0x1  }
0x2bc: {  	v7 =	vmax.f32 v8, v7  }
0x2bd: {  	v4 =	vld.idx.msk [tilespmem:v4+s20+$0x0], $0xffff;
	[tilespmem:v6+s20+$0x0] =	vst.idx.msk $0xffff, v7  }
0x2be: {  	v6 =	vld.idx.msk [tilespmem:v6+s20+$0x0], $0xffff;
	_ =	sdelay $0x3  }
0x2bf: {  	vm2 =	vgt.f32 v5, v4  }
0x2c0: {  	vm1 =	vmor vm1, vm2;
	vm2 =	vgt.f32 v7, v6  }
0x2c1: {  	vm1 =	vmor vm1, vm2  }
0x2c2: {  	v4 =	vsel vm1, $0x3F800000, v0  }
0x2c3: {  	(xrf0) =	vmax.scan.msk.f32 $0xffff, v4;
	_ =	sdelay $0x5  }
0x2c4: {  	v4, _, _ =	vpop (xrf0)  }
0x2c5: {  	(v2sf) =	vpush v4, $0xF;
	_ =	sdelay $0xe  }
0x2c6: {  	s21 =	spop (v2sf)  }
0x2c7: {  	p0 =	sgt.f32 s21, $0.0e+00  }
.Ltmp44:
0x2c8: {  	_ = 	snop;
	(pc) =	sbr.rel @!p0 .LBB2_56-.Ltmp44, $2  }
0x2c9: {  	_ =	sdelay $0x2  }
0x2ca: {  	vm1 =	vmmov vm0;
	s21 =	simm.s32 $0x0  }
.LBB2_55:
0x2cb: {  	s24 =	sshll.u32 s21, $0x4  }
0x2cc: {  	v4 =	vld [tilespmem:s24+$0x800];
	_ =	sdelay $0x5  }
0x2cd: {  	v5 =	vld [tilespmem:s24+$0x0];
	_ =	sdelay $0x1  }
0x2ce: {  	v6 =	vld.idx.msk [tilespmem:v4+s20+$0x0], $0xffff;
	_ =	sdelay $0x2  }
0x2cf: {  	v5 =	vmul.f32 v5, v3;
	_ =	sdelay $0x1  }
0x2d0: {  	v5 =	vmax.f32 v6, v5  }
0x2d1: {  	[tilespmem:v4+s20+$0x0] =	vst.idx.msk $0xffff, v5  }
0x2d2: {  	v4 =	vld.idx.msk [tilespmem:v4+s20+$0x0], $0xffff;
	_ =	sdelay $0x3  }
0x2d3: {  	s21 =	sadd.s32 $0x1, s21  }
0x2d4: {  	p0 =	seq.s32 s21, $0x40;
	vm2 =	vgt.f32 v5, v4  }
0x2d5: {  	v4 =	vimm.f32 @p0 $0.0e+00;
	vm1 =	vmor vm1, vm2  }
0x2d6: {  	v4 =	vsel @p0 vm1, $0x3F800000, v4  }
0x2d7: {  	(xrf0) =	vmax.scan.msk.f32 @p0 $0xffff, v4;
	_ =	sdelay $0x5  }
0x2d8: {  	v4, _, _ =	vpop @p0 (xrf0)  }
0x2d9: {  	(v2sf) =	vpush @p0 v4, $0xF;
	_ =	sdelay $0xe  }
0x2da: {  	s24 =	spop @p0 (v2sf)  }
0x2db: {  	p1 =	sgt.f32 @p0 s24, $0.0e+00;
	_ =	sdelay $0x1  }
0x2dc: {  	p1 =	por !p0, p1  }
.Ltmp45:
0x2dd: {  	_ = 	snop;
	(pc) =	sbr.rel @p1 .LBB2_55-.Ltmp45, $3  }
0x2de: {  	_ =	sdelay $0x1  }
0x2df: {  	vm2 =	vmxor @p0 vm2, vm2  }
0x2e0: {  	s21 =	simm.s32 @p0 $0x0;
	vm1 =	vmmov @p0 vm2  }
.LBB2_56:
0x2e1: {  	_ =	swait.ge [sflag:s22], $0x400  }
0x2e2: {  	[sflag:s22] =	ssyncset.done $0x0  }
0x2e3: {  	p0 =	sne.s32 s16, $0x18;
	[sflag:s22] =	ssyncadd.s32 $0xFFFFFC00  }
0x2e4: {  	s4 =	sadd.s32 @p0 s4, s8;
	s24 =	simm.s32 @p0 $0x80;
	_ =	swait.ge [sflag:s23], $0x400  }
0x2e5: {  	s25 =	simm.s32 @p0 $0x400;
	s4 =	sshrl.u32 @p0 s4, $0x3;
	[sflag:s23] =	ssyncset.done $0x0  }
0x2e6: {  	s26 =	simm.s32 @p0 $0x0;
	s21 =	sadd.s32 @p0 s1, s4;
	[sflag:s23] =	ssyncadd.s32 $0xFFFFFC00  }
0x2e7: {  	[tilespmem:s26], [sflag:$0x1] =	stream.strided.gather @p0 [hbm4b:s21+s24], $0x400, s25, s24, $0x38;
	[tilespmem:$0x1B400] =	vst v63  }
0x2e8: {  	s4 =	sadd.s32 @p0 s2, s4;
	s21 =	simm.s32 @p0 $0x800;
	s26 =	simm.s32 $0x0  }
0x2e9: {  	[tilespmem:s21], [sflag:$0x2] =	stream.strided.gather @p0 [hbm4b:s4+s24], $0x400, s25, s24, $0x38;
	[tilespmem:$0x1B400] =	vst v63  }
0x2ea: {  	v4 =	vld [tilespmem:s26+$0xC00];
	_ =	sdelay $0x5  }
0x2eb: {  	v5 =	vld [tilespmem:s26+$0x400];
	_ =	sdelay $0x1  }
0x2ec: {  	v6 =	vld.idx.msk [tilespmem:v4+s20+$0x0], $0xffff;
	_ =	sdelay $0x2  }
0x2ed: {  	v5 =	vmul.f32 v5, v3;
	_ =	sdelay $0x1  }
0x2ee: {  	v5 =	vmax.f32 v6, v5  }
0x2ef: {  	vm1 =	vmmov vm0;
	s21 =	simm.s32 $0x10;
	s4 =	simm.s32 $0x80;
	[tilespmem:v4+s20+$0x0] =	vst.idx.msk $0xffff, v5  }
.LBB2_57:
0x2f0: {  	p0 =	seq.s32 s4, $0xFC0;
	v6 =	vld [tilespmem:s21+$0xC00]  }
0x2f1: {  	v7 =	vld.idx.msk [tilespmem:v4+s20+$0x0], $0xffff;
	_ =	sdelay $0x3  }
0x2f2: {  	v4 =	vmov v6;
	_ =	sdelay $0x1  }
0x2f3: {  	vm2 =	vgt.f32 v5, v7;
	v8 =	vld [tilespmem:s21+$0x400]  }
0x2f4: {  	vm1 =	vmor vm1, vm2;
	v5 =	vld.idx.msk [tilespmem:v6+s20+$0x0], $0xffff;
	_ =	sdelay $0x2  }
.Ltmp46:
0x2f5: {  	(pc) =	sbr.rel @!p0 .LBB2_57-.Ltmp46, $3  }
0x2f6: {  	v6 =	vmul.f32 v8, v3;
	_ =	sdelay $0x1  }
0x2f7: {  	v5 =	vmax.f32 v5, v6  }
0x2f8: {  	s21 =	sshra.s32 s4, $0x2;
	s4 =	sadd.s32 $0x40, s4;
	[tilespmem:v4+s20+$0x0] =	vst.idx.msk $0xffff, v5  }
0x2f9: {  	v6 =	vld [tilespmem:s21+$0xC00];
	_ =	sdelay $0x5  }
0x2fa: {  	v7 =	vld [tilespmem:s21+$0x400];
	_ =	sdelay $0x1  }
0x2fb: {  	v8 =	vld.idx.msk [tilespmem:v6+s20+$0x0], $0xffff;
	_ =	sdelay $0x2  }
0x2fc: {  	v7 =	vmul.f32 v7, v3;
	_ =	sdelay $0x1  }
0x2fd: {  	v7 =	vmax.f32 v8, v7  }
0x2fe: {  	v4 =	vld.idx.msk [tilespmem:v4+s20+$0x0], $0xffff;
	[tilespmem:v6+s20+$0x0] =	vst.idx.msk $0xffff, v7  }
0x2ff: {  	v6 =	vld.idx.msk [tilespmem:v6+s20+$0x0], $0xffff;
	_ =	sdelay $0x3  }
0x300: {  	vm2 =	vgt.f32 v5, v4  }
0x301: {  	vm1 =	vmor vm1, vm2;
	vm2 =	vgt.f32 v7, v6  }
0x302: {  	vm1 =	vmor vm1, vm2  }
0x303: {  	v4 =	vsel vm1, $0x3F800000, v0  }
0x304: {  	(xrf0) =	vmax.scan.msk.f32 $0xffff, v4;
	_ =	sdelay $0x5  }
0x305: {  	v4, _, _ =	vpop (xrf0)  }
0x306: {  	(v2sf) =	vpush v4, $0xF;
	_ =	sdelay $0xe  }
0x307: {  	s4 =	spop (v2sf)  }
0x308: {  	p0 =	sgt.f32 s4, $0.0e+00  }
.Ltmp47:
0x309: {  	_ = 	snop;
	(pc) =	sbr.rel @!p0 .LBB2_60-.Ltmp47, $2  }
0x30a: {  	_ =	sdelay $0x2  }
0x30b: {  	vm1 =	vmmov vm0;
	s4 =	simm.s32 $0x0  }
.LBB2_59:
0x30c: {  	s21 =	sshll.u32 s4, $0x4  }
0x30d: {  	v4 =	vld [tilespmem:s21+$0xC00];
	_ =	sdelay $0x5  }
0x30e: {  	v5 =	vld [tilespmem:s21+$0x400];
	_ =	sdelay $0x1  }
0x30f: {  	v6 =	vld.idx.msk [tilespmem:v4+s20+$0x0], $0xffff;
	_ =	sdelay $0x2  }
0x310: {  	v5 =	vmul.f32 v5, v3;
	_ =	sdelay $0x1  }
0x311: {  	v5 =	vmax.f32 v6, v5  }
0x312: {  	[tilespmem:v4+s20+$0x0] =	vst.idx.msk $0xffff, v5  }
0x313: {  	v4 =	vld.idx.msk [tilespmem:v4+s20+$0x0], $0xffff;
	_ =	sdelay $0x3  }
0x314: {  	s4 =	sadd.s32 $0x1, s4  }
0x315: {  	p0 =	seq.s32 s4, $0x40;
	vm2 =	vgt.f32 v5, v4  }
0x316: {  	v4 =	vimm.f32 @p0 $0.0e+00;
	vm1 =	vmor vm1, vm2  }
0x317: {  	v4 =	vsel @p0 vm1, $0x3F800000, v4  }
0x318: {  	(xrf0) =	vmax.scan.msk.f32 @p0 $0xffff, v4;
	_ =	sdelay $0x5  }
0x319: {  	v4, _, _ =	vpop @p0 (xrf0)  }
0x31a: {  	(v2sf) =	vpush @p0 v4, $0xF;
	_ =	sdelay $0xe  }
0x31b: {  	s21 =	spop @p0 (v2sf)  }
0x31c: {  	p1 =	sgt.f32 @p0 s21, $0.0e+00;
	_ =	sdelay $0x1  }
0x31d: {  	p1 =	por !p0, p1  }
.Ltmp48:
0x31e: {  	_ = 	snop;
	(pc) =	sbr.rel @p1 .LBB2_59-.Ltmp48, $3  }
0x31f: {  	_ =	sdelay $0x1  }
0x320: {  	vm2 =	vmxor @p0 vm2, vm2  }
0x321: {  	s4 =	simm.s32 @p0 $0x0;
	vm1 =	vmmov @p0 vm2  }
.Ltmp49:
0x322: {  	_ = 	snop;
	(pc) =	sbr.rel .LBB2_60-.Ltmp49, $1  }
0x323: {  	_ =	sdelay $0x3  }
.LBB2_61:
0x324: {  	s4 =	simm.s32 $0x0;
	s16 =	rddreg [dreg:$0x10]  }
0x325: {  	[tilespmem:s4], [sflag:$0x1] =	stream.strided.gather [hbm4b:s16+s14], $0x400, s15, s14, $0x38;
	[tilespmem:$0x1B400] =	vst v63  }
0x326: {  	s25 =	rddreg [dreg:$0x11];
	s26 =	simm.s32 $0x800;
	s4 =	simm.s32 $0x0  }
0x327: {  	[tilespmem:s26], [sflag:$0x2] =	stream.strided.gather [hbm4b:s25+s14], $0x400, s15, s14, $0x38;
	[tilespmem:$0x1B400] =	vst v63  }
0x328: {  	s16 =	simm.s32 $0x40;
	v3 =	vld [tilespmem:s4+$0x1400]  }
.LBB2_62:
0x329: {  	p0 =	sne.s32 s16, $0x31FC0;
	v4 =	vld [tilespmem:s4+$0xDC00];
	[tilespmem:s4+$0x1400] =	vst v0;
	_ =	sdelay $0x2  }
.Ltmp50:
0x32a: {  	(pc) =	sbr.rel @p0 .LBB2_62-.Ltmp50, $4  }
0x32b: {  	_ = 	snop  }
0x32c: {  	v4 =	vadd.f32 v3, v4  }
0x32d: {  	s21 =	sshra.s32 s16, $0x2  }
0x32e: {  	s16 =	sadd.s32 $0x40, s16;
	v3 =	vld [tilespmem:s21+$0x1400];
	[tilespmem:s4+$0xDC00] =	vst v4;
	s4 =	smov.u32 s21  }
0x32f: {  	v4 =	vld [tilespmem:s4+$0xDC00];
	_ =	sdelay $0x3  }
.Ltmp51:
0x330: {  	_ = 	snop;
	(pc) =	sbr.rel .LBB2_64-.Ltmp51, $4  }
0x331: {  	v3 =	vadd.f32 v3, v4  }
0x332: {  	[tilespmem:s4+$0x1400] =	vst v0  }
0x333: {  	[tilespmem:s4+$0xDC00] =	vst v3  }
0x334: {  	s16 =	simm.s32 $0x0;
	v3 =	vld [tilespmem:$0x1280]  }
.LBB2_72:
0x335: {  	s16 =	sadd.s32 $0x1, s16  }
0x336: {  	p0 =	sne.s32 s16, $0x19  }
.Ltmp52:
0x337: {  	_ = 	snop;
	(pc) =	sbr.rel @!p0 .LBB2_73-.Ltmp52, $1  }
0x338: {  	_ =	sdelay $0x3  }
.LBB2_64:
0x339: {  	_ =	swait.ge [sflag:s17], $0x400  }
0x33a: {  	[sflag:s17] =	ssyncset.done $0x0  }
0x33b: {  	s4 =	sshll.u32 s16, $0xE;
	[sflag:s17] =	ssyncadd.s32 $0xFFFFFC00  }
0x33c: {  	s21 =	sadd.s32 s4, s9;
	_ =	swait.ge [sflag:s18], $0x400  }
0x33d: {  	s21 =	sshrl.u32 s21, $0x3;
	[sflag:s18] =	ssyncset.done $0x0  }
0x33e: {  	s24 =	sadd.s32 s1, s21;
	[sflag:s18] =	ssyncadd.s32 $0xFFFFFC00  }
0x33f: {  	[tilespmem:s15], [sflag:$0x3] =	stream.strided.gather [hbm4b:s24+s14], $0x400, s15, s14, $0x38;
	[tilespmem:$0x1B400] =	vst v63  }
0x340: {  	s26 =	simm.s32 $0x0;
	s21 =	sadd.s32 s2, s21  }
0x341: {  	[tilespmem:s19], [sflag:$0x4] =	stream.strided.gather [hbm4b:s21+s14], $0x400, s15, s14, $0x38;
	[tilespmem:$0x1B400] =	vst v63  }
0x342: {  	v4 =	vld [tilespmem:s26+$0x800];
	_ =	sdelay $0x5  }
0x343: {  	v5 =	vld [tilespmem:s26+$0x0];
	_ =	sdelay $0x1  }
0x344: {  	v6 =	vld.idx.msk [tilespmem:v4+s20+$0x0], $0xffff;
	_ =	sdelay $0x2  }
0x345: {  	v5 =	vmul.f32 v5, v3;
	_ =	sdelay $0x1  }
0x346: {  	v5 =	vmax.f32 v6, v5  }
0x347: {  	vm1 =	vmmov vm0;
	s24 =	simm.s32 $0x10;
	s21 =	simm.s32 $0x80;
	[tilespmem:v4+s20+$0x0] =	vst.idx.msk $0xffff, v5  }
.LBB2_65:
0x348: {  	p0 =	seq.s32 s21, $0xFC0;
	v6 =	vld [tilespmem:s24+$0x800]  }
0x349: {  	v7 =	vld.idx.msk [tilespmem:v4+s20+$0x0], $0xffff;
	_ =	sdelay $0x3  }
0x34a: {  	v4 =	vmov v6;
	_ =	sdelay $0x1  }
0x34b: {  	vm2 =	vgt.f32 v5, v7;
	v8 =	vld [tilespmem:s24+$0x0]  }
0x34c: {  	vm1 =	vmor vm1, vm2;
	v5 =	vld.idx.msk [tilespmem:v6+s20+$0x0], $0xffff;
	_ =	sdelay $0x2  }
.Ltmp53:
0x34d: {  	(pc) =	sbr.rel @!p0 .LBB2_65-.Ltmp53, $3  }
0x34e: {  	v6 =	vmul.f32 v8, v3;
	_ =	sdelay $0x1  }
0x34f: {  	v5 =	vmax.f32 v5, v6  }
0x350: {  	s24 =	sshra.s32 s21, $0x2;
	s21 =	sadd.s32 $0x40, s21;
	[tilespmem:v4+s20+$0x0] =	vst.idx.msk $0xffff, v5  }
0x351: {  	v6 =	vld [tilespmem:s24+$0x800];
	_ =	sdelay $0x5  }
0x352: {  	v7 =	vld [tilespmem:s24+$0x0];
	_ =	sdelay $0x1  }
0x353: {  	v8 =	vld.idx.msk [tilespmem:v6+s20+$0x0], $0xffff;
	_ =	sdelay $0x2  }
0x354: {  	v7 =	vmul.f32 v7, v3;
	_ =	sdelay $0x1  }
0x355: {  	v7 =	vmax.f32 v8, v7  }
0x356: {  	v4 =	vld.idx.msk [tilespmem:v4+s20+$0x0], $0xffff;
	[tilespmem:v6+s20+$0x0] =	vst.idx.msk $0xffff, v7  }
0x357: {  	v6 =	vld.idx.msk [tilespmem:v6+s20+$0x0], $0xffff;
	_ =	sdelay $0x3  }
0x358: {  	vm2 =	vgt.f32 v5, v4  }
0x359: {  	vm1 =	vmor vm1, vm2;
	vm2 =	vgt.f32 v7, v6  }
0x35a: {  	vm1 =	vmor vm1, vm2  }
0x35b: {  	v4 =	vsel vm1, $0x3F800000, v0  }
0x35c: {  	(xrf0) =	vmax.scan.msk.f32 $0xffff, v4;
	_ =	sdelay $0x5  }
0x35d: {  	v4, _, _ =	vpop (xrf0)  }
0x35e: {  	(v2sf) =	vpush v4, $0xF;
	_ =	sdelay $0xe  }
0x35f: {  	s21 =	spop (v2sf)  }
0x360: {  	p0 =	sgt.f32 s21, $0.0e+00  }
.Ltmp54:
0x361: {  	_ = 	snop;
	(pc) =	sbr.rel @!p0 .LBB2_68-.Ltmp54, $2  }
0x362: {  	_ =	sdelay $0x2  }
0x363: {  	vm1 =	vmmov vm0;
	s21 =	simm.s32 $0x0  }
.LBB2_67:
0x364: {  	s24 =	sshll.u32 s21, $0x4  }
0x365: {  	v4 =	vld [tilespmem:s24+$0x800];
	_ =	sdelay $0x5  }
0x366: {  	v5 =	vld [tilespmem:s24+$0x0];
	_ =	sdelay $0x1  }
0x367: {  	v6 =	vld.idx.msk [tilespmem:v4+s20+$0x0], $0xffff;
	_ =	sdelay $0x2  }
0x368: {  	v5 =	vmul.f32 v5, v3;
	_ =	sdelay $0x1  }
0x369: {  	v5 =	vmax.f32 v6, v5  }
0x36a: {  	[tilespmem:v4+s20+$0x0] =	vst.idx.msk $0xffff, v5  }
0x36b: {  	v4 =	vld.idx.msk [tilespmem:v4+s20+$0x0], $0xffff;
	_ =	sdelay $0x3  }
0x36c: {  	s21 =	sadd.s32 $0x1, s21  }
0x36d: {  	p0 =	seq.s32 s21, $0x40;
	vm2 =	vgt.f32 v5, v4  }
0x36e: {  	v4 =	vimm.f32 @p0 $0.0e+00;
	vm1 =	vmor vm1, vm2  }
0x36f: {  	v4 =	vsel @p0 vm1, $0x3F800000, v4  }
0x370: {  	(xrf0) =	vmax.scan.msk.f32 @p0 $0xffff, v4;
	_ =	sdelay $0x5  }
0x371: {  	v4, _, _ =	vpop @p0 (xrf0)  }
0x372: {  	(v2sf) =	vpush @p0 v4, $0xF;
	_ =	sdelay $0xe  }
0x373: {  	s24 =	spop @p0 (v2sf)  }
0x374: {  	p1 =	sgt.f32 @p0 s24, $0.0e+00;
	_ =	sdelay $0x1  }
0x375: {  	p1 =	por !p0, p1  }
.Ltmp55:
0x376: {  	_ = 	snop;
	(pc) =	sbr.rel @p1 .LBB2_67-.Ltmp55, $3  }
0x377: {  	_ =	sdelay $0x1  }
0x378: {  	vm2 =	vmxor @p0 vm2, vm2  }
0x379: {  	s21 =	simm.s32 @p0 $0x0;
	vm1 =	vmmov @p0 vm2  }
.LBB2_68:
0x37a: {  	_ =	swait.ge [sflag:s22], $0x400  }
0x37b: {  	[sflag:s22] =	ssyncset.done $0x0  }
0x37c: {  	p0 =	sne.s32 s16, $0x18;
	[sflag:s22] =	ssyncadd.s32 $0xFFFFFC00  }
0x37d: {  	s4 =	sadd.s32 @p0 s4, s10;
	s24 =	simm.s32 @p0 $0x80;
	_ =	swait.ge [sflag:s23], $0x400  }
0x37e: {  	s25 =	simm.s32 @p0 $0x400;
	s4 =	sshrl.u32 @p0 s4, $0x3;
	[sflag:s23] =	ssyncset.done $0x0  }
0x37f: {  	s26 =	simm.s32 @p0 $0x0;
	s21 =	sadd.s32 @p0 s1, s4;
	[sflag:s23] =	ssyncadd.s32 $0xFFFFFC00  }
0x380: {  	[tilespmem:s26], [sflag:$0x1] =	stream.strided.gather @p0 [hbm4b:s21+s24], $0x400, s25, s24, $0x38;
	[tilespmem:$0x1B400] =	vst v63  }
0x381: {  	s4 =	sadd.s32 @p0 s2, s4;
	s21 =	simm.s32 @p0 $0x800;
	s26 =	simm.s32 $0x0  }
0x382: {  	[tilespmem:s21], [sflag:$0x2] =	stream.strided.gather @p0 [hbm4b:s4+s24], $0x400, s25, s24, $0x38;
	[tilespmem:$0x1B400] =	vst v63  }
0x383: {  	v4 =	vld [tilespmem:s26+$0xC00];
	_ =	sdelay $0x5  }
0x384: {  	v5 =	vld [tilespmem:s26+$0x400];
	_ =	sdelay $0x1  }
0x385: {  	v6 =	vld.idx.msk [tilespmem:v4+s20+$0x0], $0xffff;
	_ =	sdelay $0x2  }
0x386: {  	v5 =	vmul.f32 v5, v3;
	_ =	sdelay $0x1  }
0x387: {  	v5 =	vmax.f32 v6, v5  }
0x388: {  	vm1 =	vmmov vm0;
	s21 =	simm.s32 $0x10;
	s4 =	simm.s32 $0x80;
	[tilespmem:v4+s20+$0x0] =	vst.idx.msk $0xffff, v5  }
.LBB2_69:
0x389: {  	p0 =	seq.s32 s4, $0xFC0;
	v6 =	vld [tilespmem:s21+$0xC00]  }
0x38a: {  	v7 =	vld.idx.msk [tilespmem:v4+s20+$0x0], $0xffff;
	_ =	sdelay $0x3  }
0x38b: {  	v4 =	vmov v6;
	_ =	sdelay $0x1  }
0x38c: {  	vm2 =	vgt.f32 v5, v7;
	v8 =	vld [tilespmem:s21+$0x400]  }
0x38d: {  	vm1 =	vmor vm1, vm2;
	v5 =	vld.idx.msk [tilespmem:v6+s20+$0x0], $0xffff;
	_ =	sdelay $0x2  }
.Ltmp56:
0x38e: {  	(pc) =	sbr.rel @!p0 .LBB2_69-.Ltmp56, $3  }
0x38f: {  	v6 =	vmul.f32 v8, v3;
	_ =	sdelay $0x1  }
0x390: {  	v5 =	vmax.f32 v5, v6  }
0x391: {  	s21 =	sshra.s32 s4, $0x2;
	s4 =	sadd.s32 $0x40, s4;
	[tilespmem:v4+s20+$0x0] =	vst.idx.msk $0xffff, v5  }
0x392: {  	v6 =	vld [tilespmem:s21+$0xC00];
	_ =	sdelay $0x5  }
0x393: {  	v7 =	vld [tilespmem:s21+$0x400];
	_ =	sdelay $0x1  }
0x394: {  	v8 =	vld.idx.msk [tilespmem:v6+s20+$0x0], $0xffff;
	_ =	sdelay $0x2  }
0x395: {  	v7 =	vmul.f32 v7, v3;
	_ =	sdelay $0x1  }
0x396: {  	v7 =	vmax.f32 v8, v7  }
0x397: {  	v4 =	vld.idx.msk [tilespmem:v4+s20+$0x0], $0xffff;
	[tilespmem:v6+s20+$0x0] =	vst.idx.msk $0xffff, v7  }
0x398: {  	v6 =	vld.idx.msk [tilespmem:v6+s20+$0x0], $0xffff;
	_ =	sdelay $0x3  }
0x399: {  	vm2 =	vgt.f32 v5, v4  }
0x39a: {  	vm1 =	vmor vm1, vm2;
	vm2 =	vgt.f32 v7, v6  }
0x39b: {  	vm1 =	vmor vm1, vm2  }
0x39c: {  	v4 =	vsel vm1, $0x3F800000, v0  }
0x39d: {  	(xrf0) =	vmax.scan.msk.f32 $0xffff, v4;
	_ =	sdelay $0x5  }
0x39e: {  	v4, _, _ =	vpop (xrf0)  }
0x39f: {  	(v2sf) =	vpush v4, $0xF;
	_ =	sdelay $0xe  }
0x3a0: {  	s4 =	spop (v2sf)  }
0x3a1: {  	p0 =	sgt.f32 s4, $0.0e+00  }
.Ltmp57:
0x3a2: {  	_ = 	snop;
	(pc) =	sbr.rel @!p0 .LBB2_72-.Ltmp57, $2  }
0x3a3: {  	_ =	sdelay $0x2  }
0x3a4: {  	vm1 =	vmmov vm0;
	s4 =	simm.s32 $0x0  }
.LBB2_71:
0x3a5: {  	s21 =	sshll.u32 s4, $0x4  }
0x3a6: {  	v4 =	vld [tilespmem:s21+$0xC00];
	_ =	sdelay $0x5  }
0x3a7: {  	v5 =	vld [tilespmem:s21+$0x400];
	_ =	sdelay $0x1  }
0x3a8: {  	v6 =	vld.idx.msk [tilespmem:v4+s20+$0x0], $0xffff;
	_ =	sdelay $0x2  }
0x3a9: {  	v5 =	vmul.f32 v5, v3;
	_ =	sdelay $0x1  }
0x3aa: {  	v5 =	vmax.f32 v6, v5  }
0x3ab: {  	[tilespmem:v4+s20+$0x0] =	vst.idx.msk $0xffff, v5  }
0x3ac: {  	v4 =	vld.idx.msk [tilespmem:v4+s20+$0x0], $0xffff;
	_ =	sdelay $0x3  }
0x3ad: {  	s4 =	sadd.s32 $0x1, s4  }
0x3ae: {  	p0 =	seq.s32 s4, $0x40;
	vm2 =	vgt.f32 v5, v4  }
0x3af: {  	v4 =	vimm.f32 @p0 $0.0e+00;
	vm1 =	vmor vm1, vm2  }
0x3b0: {  	v4 =	vsel @p0 vm1, $0x3F800000, v4  }
0x3b1: {  	(xrf0) =	vmax.scan.msk.f32 @p0 $0xffff, v4;
	_ =	sdelay $0x5  }
0x3b2: {  	v4, _, _ =	vpop @p0 (xrf0)  }
0x3b3: {  	(v2sf) =	vpush @p0 v4, $0xF;
	_ =	sdelay $0xe  }
0x3b4: {  	s21 =	spop @p0 (v2sf)  }
0x3b5: {  	p1 =	sgt.f32 @p0 s21, $0.0e+00;
	_ =	sdelay $0x1  }
0x3b6: {  	p1 =	por !p0, p1  }
.Ltmp58:
0x3b7: {  	_ = 	snop;
	(pc) =	sbr.rel @p1 .LBB2_71-.Ltmp58, $3  }
0x3b8: {  	_ =	sdelay $0x1  }
0x3b9: {  	vm2 =	vmxor @p0 vm2, vm2  }
0x3ba: {  	s4 =	simm.s32 @p0 $0x0;
	vm1 =	vmmov @p0 vm2  }
.Ltmp59:
0x3bb: {  	_ = 	snop;
	(pc) =	sbr.rel .LBB2_72-.Ltmp59, $1  }
0x3bc: {  	_ =	sdelay $0x3  }
.LBB2_73:
0x3bd: {  	s4 =	simm.s32 $0x0;
	s16 =	rddreg [dreg:$0x12]  }
0x3be: {  	[tilespmem:s4], [sflag:$0x1] =	stream.strided.gather [hbm4b:s16+s14], $0x400, s15, s14, $0x38;
	[tilespmem:$0x1B400] =	vst v63  }
0x3bf: {  	s25 =	rddreg [dreg:$0x13];
	s26 =	simm.s32 $0x800;
	s4 =	simm.s32 $0x0  }
0x3c0: {  	[tilespmem:s26], [sflag:$0x2] =	stream.strided.gather [hbm4b:s25+s14], $0x400, s15, s14, $0x38;
	[tilespmem:$0x1B400] =	vst v63  }
0x3c1: {  	s16 =	simm.s32 $0x40;
	v3 =	vld [tilespmem:s4+$0x1400]  }
.LBB2_74:
0x3c2: {  	p0 =	sne.s32 s16, $0x31FC0;
	v4 =	vld [tilespmem:s4+$0xDC00];
	[tilespmem:s4+$0x1400] =	vst v0;
	_ =	sdelay $0x2  }
.Ltmp60:
0x3c3: {  	(pc) =	sbr.rel @p0 .LBB2_74-.Ltmp60, $4  }
0x3c4: {  	_ = 	snop  }
0x3c5: {  	v4 =	vadd.f32 v3, v4  }
0x3c6: {  	s21 =	sshra.s32 s16, $0x2  }
0x3c7: {  	s16 =	sadd.s32 $0x40, s16;
	v3 =	vld [tilespmem:s21+$0x1400];
	[tilespmem:s4+$0xDC00] =	vst v4;
	s4 =	smov.u32 s21  }
0x3c8: {  	v4 =	vld [tilespmem:s4+$0xDC00];
	_ =	sdelay $0x3  }
.Ltmp61:
0x3c9: {  	_ = 	snop;
	(pc) =	sbr.rel .LBB2_76-.Ltmp61, $4  }
0x3ca: {  	v3 =	vadd.f32 v3, v4  }
0x3cb: {  	[tilespmem:s4+$0x1400] =	vst v0  }
0x3cc: {  	[tilespmem:s4+$0xDC00] =	vst v3  }
0x3cd: {  	s16 =	simm.s32 $0x0;
	v3 =	vld [tilespmem:$0x1300]  }
.LBB2_84:
0x3ce: {  	s16 =	sadd.s32 $0x1, s16  }
0x3cf: {  	p0 =	sne.s32 s16, $0x19  }
.Ltmp62:
0x3d0: {  	_ = 	snop;
	(pc) =	sbr.rel @!p0 .LBB2_85-.Ltmp62, $1  }
0x3d1: {  	_ =	sdelay $0x3  }
.LBB2_76:
0x3d2: {  	_ =	swait.ge [sflag:s17], $0x400  }
0x3d3: {  	[sflag:s17] =	ssyncset.done $0x0  }
0x3d4: {  	s4 =	sshll.u32 s16, $0xE;
	[sflag:s17] =	ssyncadd.s32 $0xFFFFFC00  }
0x3d5: {  	s21 =	sadd.s32 s4, s11;
	_ =	swait.ge [sflag:s18], $0x400  }
0x3d6: {  	s21 =	sshrl.u32 s21, $0x3;
	[sflag:s18] =	ssyncset.done $0x0  }
0x3d7: {  	s24 =	sadd.s32 s1, s21;
	[sflag:s18] =	ssyncadd.s32 $0xFFFFFC00  }
0x3d8: {  	[tilespmem:s15], [sflag:$0x3] =	stream.strided.gather [hbm4b:s24+s14], $0x400, s15, s14, $0x38;
	[tilespmem:$0x1B400] =	vst v63  }
0x3d9: {  	s26 =	simm.s32 $0x0;
	s21 =	sadd.s32 s2, s21  }
0x3da: {  	[tilespmem:s19], [sflag:$0x4] =	stream.strided.gather [hbm4b:s21+s14], $0x400, s15, s14, $0x38;
	[tilespmem:$0x1B400] =	vst v63  }
0x3db: {  	v4 =	vld [tilespmem:s26+$0x800];
	_ =	sdelay $0x5  }
0x3dc: {  	v5 =	vld [tilespmem:s26+$0x0];
	_ =	sdelay $0x1  }
0x3dd: {  	v6 =	vld.idx.msk [tilespmem:v4+s20+$0x0], $0xffff;
	_ =	sdelay $0x2  }
0x3de: {  	v5 =	vmul.f32 v5, v3;
	_ =	sdelay $0x1  }
0x3df: {  	v5 =	vmax.f32 v6, v5  }
0x3e0: {  	vm1 =	vmmov vm0;
	s24 =	simm.s32 $0x10;
	s21 =	simm.s32 $0x80;
	[tilespmem:v4+s20+$0x0] =	vst.idx.msk $0xffff, v5  }
.LBB2_77:
0x3e1: {  	p0 =	seq.s32 s21, $0xFC0;
	v6 =	vld [tilespmem:s24+$0x800]  }
0x3e2: {  	v7 =	vld.idx.msk [tilespmem:v4+s20+$0x0], $0xffff;
	_ =	sdelay $0x3  }
0x3e3: {  	v4 =	vmov v6;
	_ =	sdelay $0x1  }
0x3e4: {  	vm2 =	vgt.f32 v5, v7;
	v8 =	vld [tilespmem:s24+$0x0]  }
0x3e5: {  	vm1 =	vmor vm1, vm2;
	v5 =	vld.idx.msk [tilespmem:v6+s20+$0x0], $0xffff;
	_ =	sdelay $0x2  }
.Ltmp63:
0x3e6: {  	(pc) =	sbr.rel @!p0 .LBB2_77-.Ltmp63, $3  }
0x3e7: {  	v6 =	vmul.f32 v8, v3;
	_ =	sdelay $0x1  }
0x3e8: {  	v5 =	vmax.f32 v5, v6  }
0x3e9: {  	s24 =	sshra.s32 s21, $0x2;
	s21 =	sadd.s32 $0x40, s21;
	[tilespmem:v4+s20+$0x0] =	vst.idx.msk $0xffff, v5  }
0x3ea: {  	v6 =	vld [tilespmem:s24+$0x800];
	_ =	sdelay $0x5  }
0x3eb: {  	v7 =	vld [tilespmem:s24+$0x0];
	_ =	sdelay $0x1  }
0x3ec: {  	v8 =	vld.idx.msk [tilespmem:v6+s20+$0x0], $0xffff;
	_ =	sdelay $0x2  }
0x3ed: {  	v7 =	vmul.f32 v7, v3;
	_ =	sdelay $0x1  }
0x3ee: {  	v7 =	vmax.f32 v8, v7  }
0x3ef: {  	v4 =	vld.idx.msk [tilespmem:v4+s20+$0x0], $0xffff;
	[tilespmem:v6+s20+$0x0] =	vst.idx.msk $0xffff, v7  }
0x3f0: {  	v6 =	vld.idx.msk [tilespmem:v6+s20+$0x0], $0xffff;
	_ =	sdelay $0x3  }
0x3f1: {  	vm2 =	vgt.f32 v5, v4  }
0x3f2: {  	vm1 =	vmor vm1, vm2;
	vm2 =	vgt.f32 v7, v6  }
0x3f3: {  	vm1 =	vmor vm1, vm2  }
0x3f4: {  	v4 =	vsel vm1, $0x3F800000, v0  }
0x3f5: {  	(xrf0) =	vmax.scan.msk.f32 $0xffff, v4;
	_ =	sdelay $0x5  }
0x3f6: {  	v4, _, _ =	vpop (xrf0)  }
0x3f7: {  	(v2sf) =	vpush v4, $0xF;
	_ =	sdelay $0xe  }
0x3f8: {  	s21 =	spop (v2sf)  }
0x3f9: {  	p0 =	sgt.f32 s21, $0.0e+00  }
.Ltmp64:
0x3fa: {  	_ = 	snop;
	(pc) =	sbr.rel @!p0 .LBB2_80-.Ltmp64, $2  }
0x3fb: {  	_ =	sdelay $0x2  }
0x3fc: {  	vm1 =	vmmov vm0;
	s21 =	simm.s32 $0x0  }
.LBB2_79:
0x3fd: {  	s24 =	sshll.u32 s21, $0x4  }
0x3fe: {  	v4 =	vld [tilespmem:s24+$0x800];
	_ =	sdelay $0x5  }
0x3ff: {  	v5 =	vld [tilespmem:s24+$0x0];
	_ =	sdelay $0x1  }
0x400: {  	v6 =	vld.idx.msk [tilespmem:v4+s20+$0x0], $0xffff;
	_ =	sdelay $0x2  }
0x401: {  	v5 =	vmul.f32 v5, v3;
	_ =	sdelay $0x1  }
0x402: {  	v5 =	vmax.f32 v6, v5  }
0x403: {  	[tilespmem:v4+s20+$0x0] =	vst.idx.msk $0xffff, v5  }
0x404: {  	v4 =	vld.idx.msk [tilespmem:v4+s20+$0x0], $0xffff;
	_ =	sdelay $0x3  }
0x405: {  	s21 =	sadd.s32 $0x1, s21  }
0x406: {  	p0 =	seq.s32 s21, $0x40;
	vm2 =	vgt.f32 v5, v4  }
0x407: {  	v4 =	vimm.f32 @p0 $0.0e+00;
	vm1 =	vmor vm1, vm2  }
0x408: {  	v4 =	vsel @p0 vm1, $0x3F800000, v4  }
0x409: {  	(xrf0) =	vmax.scan.msk.f32 @p0 $0xffff, v4;
	_ =	sdelay $0x5  }
0x40a: {  	v4, _, _ =	vpop @p0 (xrf0)  }
0x40b: {  	(v2sf) =	vpush @p0 v4, $0xF;
	_ =	sdelay $0xe  }
0x40c: {  	s24 =	spop @p0 (v2sf)  }
0x40d: {  	p1 =	sgt.f32 @p0 s24, $0.0e+00;
	_ =	sdelay $0x1  }
0x40e: {  	p1 =	por !p0, p1  }
.Ltmp65:
0x40f: {  	_ = 	snop;
	(pc) =	sbr.rel @p1 .LBB2_79-.Ltmp65, $3  }
0x410: {  	_ =	sdelay $0x1  }
0x411: {  	vm2 =	vmxor @p0 vm2, vm2  }
0x412: {  	s21 =	simm.s32 @p0 $0x0;
	vm1 =	vmmov @p0 vm2  }
.LBB2_80:
0x413: {  	_ =	swait.ge [sflag:s22], $0x400  }
0x414: {  	[sflag:s22] =	ssyncset.done $0x0  }
0x415: {  	[sflag:s22] =	ssyncadd.s32 $0xFFFFFC00  }
0x416: {  	_ =	swait.ge [sflag:s23], $0x400  }
0x417: {  	p0 =	sne.s32 s16, $0x18;
	s21 =	rddreg [dreg:$0x18]  }
0x418: {  	s24 =	simm.s32 @p0 $0x80;
	s4 =	sadd.s32 @p0 s4, s21  }
0x419: {  	s25 =	simm.s32 @p0 $0x400;
	[sflag:s23] =	ssyncset.done $0x0;
	s4 =	sshrl.u32 @p0 s4, $0x3  }
0x41a: {  	s26 =	simm.s32 @p0 $0x0;
	[sflag:s23] =	ssyncadd.s32 $0xFFFFFC00;
	s21 =	sadd.s32 @p0 s1, s4  }
0x41b: {  	[tilespmem:s26], [sflag:$0x1] =	stream.strided.gather @p0 [hbm4b:s21+s24], $0x400, s25, s24, $0x38;
	[tilespmem:$0x1B400] =	vst v63  }
0x41c: {  	s4 =	sadd.s32 @p0 s2, s4;
	s21 =	simm.s32 @p0 $0x800;
	s26 =	simm.s32 $0x0  }
0x41d: {  	[tilespmem:s21], [sflag:$0x2] =	stream.strided.gather @p0 [hbm4b:s4+s24], $0x400, s25, s24, $0x38;
	[tilespmem:$0x1B400] =	vst v63  }
0x41e: {  	v4 =	vld [tilespmem:s26+$0xC00];
	_ =	sdelay $0x5  }
0x41f: {  	v5 =	vld [tilespmem:s26+$0x400];
	_ =	sdelay $0x1  }
0x420: {  	v6 =	vld.idx.msk [tilespmem:v4+s20+$0x0], $0xffff;
	_ =	sdelay $0x2  }
0x421: {  	v5 =	vmul.f32 v5, v3;
	_ =	sdelay $0x1  }
0x422: {  	v5 =	vmax.f32 v6, v5  }
0x423: {  	vm1 =	vmmov vm0;
	s21 =	simm.s32 $0x10;
	s4 =	simm.s32 $0x80;
	[tilespmem:v4+s20+$0x0] =	vst.idx.msk $0xffff, v5  }
.LBB2_81:
0x424: {  	p0 =	seq.s32 s4, $0xFC0;
	v6 =	vld [tilespmem:s21+$0xC00]  }
0x425: {  	v7 =	vld.idx.msk [tilespmem:v4+s20+$0x0], $0xffff;
	_ =	sdelay $0x3  }
0x426: {  	v4 =	vmov v6;
	_ =	sdelay $0x1  }
0x427: {  	vm2 =	vgt.f32 v5, v7;
	v8 =	vld [tilespmem:s21+$0x400]  }
0x428: {  	vm1 =	vmor vm1, vm2;
	v5 =	vld.idx.msk [tilespmem:v6+s20+$0x0], $0xffff;
	_ =	sdelay $0x2  }
.Ltmp66:
0x429: {  	(pc) =	sbr.rel @!p0 .LBB2_81-.Ltmp66, $3  }
0x42a: {  	v6 =	vmul.f32 v8, v3;
	_ =	sdelay $0x1  }
0x42b: {  	v5 =	vmax.f32 v5, v6  }
0x42c: {  	s21 =	sshra.s32 s4, $0x2;
	s4 =	sadd.s32 $0x40, s4;
	[tilespmem:v4+s20+$0x0] =	vst.idx.msk $0xffff, v5  }
0x42d: {  	v6 =	vld [tilespmem:s21+$0xC00];
	_ =	sdelay $0x5  }
0x42e: {  	v7 =	vld [tilespmem:s21+$0x400];
	_ =	sdelay $0x1  }
0x42f: {  	v8 =	vld.idx.msk [tilespmem:v6+s20+$0x0], $0xffff;
	_ =	sdelay $0x2  }
0x430: {  	v7 =	vmul.f32 v7, v3;
	_ =	sdelay $0x1  }
0x431: {  	v7 =	vmax.f32 v8, v7  }
0x432: {  	v4 =	vld.idx.msk [tilespmem:v4+s20+$0x0], $0xffff;
	[tilespmem:v6+s20+$0x0] =	vst.idx.msk $0xffff, v7  }
0x433: {  	v6 =	vld.idx.msk [tilespmem:v6+s20+$0x0], $0xffff;
	_ =	sdelay $0x3  }
0x434: {  	vm2 =	vgt.f32 v5, v4  }
0x435: {  	vm1 =	vmor vm1, vm2;
	vm2 =	vgt.f32 v7, v6  }
0x436: {  	vm1 =	vmor vm1, vm2  }
0x437: {  	v4 =	vsel vm1, $0x3F800000, v0  }
0x438: {  	(xrf0) =	vmax.scan.msk.f32 $0xffff, v4;
	_ =	sdelay $0x5  }
0x439: {  	v4, _, _ =	vpop (xrf0)  }
0x43a: {  	(v2sf) =	vpush v4, $0xF;
	_ =	sdelay $0xe  }
0x43b: {  	s4 =	spop (v2sf)  }
0x43c: {  	p0 =	sgt.f32 s4, $0.0e+00  }
.Ltmp67:
0x43d: {  	_ = 	snop;
	(pc) =	sbr.rel @!p0 .LBB2_84-.Ltmp67, $2  }
0x43e: {  	_ =	sdelay $0x2  }
0x43f: {  	vm1 =	vmmov vm0;
	s4 =	simm.s32 $0x0  }
.LBB2_83:
0x440: {  	s21 =	sshll.u32 s4, $0x4  }
0x441: {  	v4 =	vld [tilespmem:s21+$0xC00];
	_ =	sdelay $0x5  }
0x442: {  	v5 =	vld [tilespmem:s21+$0x400];
	_ =	sdelay $0x1  }
0x443: {  	v6 =	vld.idx.msk [tilespmem:v4+s20+$0x0], $0xffff;
	_ =	sdelay $0x2  }
0x444: {  	v5 =	vmul.f32 v5, v3;
	_ =	sdelay $0x1  }
0x445: {  	v5 =	vmax.f32 v6, v5  }
0x446: {  	[tilespmem:v4+s20+$0x0] =	vst.idx.msk $0xffff, v5  }
0x447: {  	v4 =	vld.idx.msk [tilespmem:v4+s20+$0x0], $0xffff;
	_ =	sdelay $0x3  }
0x448: {  	s4 =	sadd.s32 $0x1, s4  }
0x449: {  	p0 =	seq.s32 s4, $0x40;
	vm2 =	vgt.f32 v5, v4  }
0x44a: {  	v4 =	vimm.f32 @p0 $0.0e+00;
	vm1 =	vmor vm1, vm2  }
0x44b: {  	v4 =	vsel @p0 vm1, $0x3F800000, v4  }
0x44c: {  	(xrf0) =	vmax.scan.msk.f32 @p0 $0xffff, v4;
	_ =	sdelay $0x5  }
0x44d: {  	v4, _, _ =	vpop @p0 (xrf0)  }
0x44e: {  	(v2sf) =	vpush @p0 v4, $0xF;
	_ =	sdelay $0xe  }
0x44f: {  	s21 =	spop @p0 (v2sf)  }
0x450: {  	p1 =	sgt.f32 @p0 s21, $0.0e+00;
	_ =	sdelay $0x1  }
0x451: {  	p1 =	por !p0, p1  }
.Ltmp68:
0x452: {  	_ = 	snop;
	(pc) =	sbr.rel @p1 .LBB2_83-.Ltmp68, $3  }
0x453: {  	_ =	sdelay $0x1  }
0x454: {  	vm2 =	vmxor @p0 vm2, vm2  }
0x455: {  	s4 =	simm.s32 @p0 $0x0;
	vm1 =	vmmov @p0 vm2  }
.Ltmp69:
0x456: {  	_ = 	snop;
	(pc) =	sbr.rel .LBB2_84-.Ltmp69, $1  }
0x457: {  	_ =	sdelay $0x3  }
.LBB2_85:
0x458: {  	s4 =	simm.s32 $0x0;
	s16 =	rddreg [dreg:$0x15]  }
0x459: {  	[tilespmem:s4], [sflag:$0x1] =	stream.strided.gather [hbm4b:s16+s14], $0x400, s15, s14, $0x38;
	[tilespmem:$0x1B400] =	vst v63  }
0x45a: {  	s25 =	rddreg [dreg:$0x16];
	s26 =	simm.s32 $0x800;
	s4 =	simm.s32 $0x0  }
0x45b: {  	[tilespmem:s26], [sflag:$0x2] =	stream.strided.gather [hbm4b:s25+s14], $0x400, s15, s14, $0x38;
	[tilespmem:$0x1B400] =	vst v63  }
0x45c: {  	s16 =	simm.s32 $0x40;
	v3 =	vld [tilespmem:s4+$0x1400]  }
.LBB2_86:
0x45d: {  	p0 =	sne.s32 s16, $0x31FC0;
	v4 =	vld [tilespmem:s4+$0xDC00];
	[tilespmem:s4+$0x1400] =	vst v0;
	_ =	sdelay $0x2  }
.Ltmp70:
0x45e: {  	(pc) =	sbr.rel @p0 .LBB2_86-.Ltmp70, $4  }
0x45f: {  	_ = 	snop  }
0x460: {  	v4 =	vadd.f32 v3, v4  }
0x461: {  	s21 =	sshra.s32 s16, $0x2  }
0x462: {  	s16 =	sadd.s32 $0x40, s16;
	v3 =	vld [tilespmem:s21+$0x1400];
	[tilespmem:s4+$0xDC00] =	vst v4;
	s4 =	smov.u32 s21  }
0x463: {  	v4 =	vld [tilespmem:s4+$0xDC00];
	_ =	sdelay $0x3  }
.Ltmp71:
0x464: {  	_ = 	snop;
	(pc) =	sbr.rel .LBB2_88-.Ltmp71, $4  }
0x465: {  	v3 =	vadd.f32 v3, v4  }
0x466: {  	[tilespmem:s4+$0x1400] =	vst v0  }
0x467: {  	[tilespmem:s4+$0xDC00] =	vst v3  }
0x468: {  	s16 =	simm.s32 $0x0;
	v3 =	vld [tilespmem:$0x1380]  }
.LBB2_96:
0x469: {  	s16 =	sadd.s32 $0x1, s16  }
0x46a: {  	p0 =	sne.s32 s16, $0x19  }
.Ltmp72:
0x46b: {  	_ = 	snop;
	(pc) =	sbr.rel @!p0 .LBB2_97-.Ltmp72, $2  }
0x46c: {  	_ =	sdelay $0x2  }
0x46d: {  	s4 =	simm.s32 $0x0  }
.LBB2_88:
0x46e: {  	_ =	swait.ge [sflag:s17], $0x400  }
0x46f: {  	[sflag:s17] =	ssyncset.done $0x0  }
0x470: {  	[sflag:s17] =	ssyncadd.s32 $0xFFFFFC00  }
0x471: {  	_ =	swait.ge [sflag:s18], $0x400  }
0x472: {  	s4 =	sshll.u32 s16, $0xE;
	s21 =	rddreg [dreg:$0x19]  }
0x473: {  	s21 =	sadd.s32 s4, s21  }
0x474: {  	[sflag:s18] =	ssyncset.done $0x0;
	s21 =	sshrl.u32 s21, $0x3  }
0x475: {  	[sflag:s18] =	ssyncadd.s32 $0xFFFFFC00;
	s24 =	sadd.s32 s1, s21  }
0x476: {  	[tilespmem:s15], [sflag:$0x3] =	stream.strided.gather [hbm4b:s24+s14], $0x400, s15, s14, $0x38;
	[tilespmem:$0x1B400] =	vst v63  }
0x477: {  	s26 =	simm.s32 $0x0;
	s21 =	sadd.s32 s2, s21  }
0x478: {  	[tilespmem:s19], [sflag:$0x4] =	stream.strided.gather [hbm4b:s21+s14], $0x400, s15, s14, $0x38;
	[tilespmem:$0x1B400] =	vst v63  }
0x479: {  	v4 =	vld [tilespmem:s26+$0x800];
	_ =	sdelay $0x5  }
0x47a: {  	v5 =	vld [tilespmem:s26+$0x0];
	_ =	sdelay $0x1  }
0x47b: {  	v6 =	vld.idx.msk [tilespmem:v4+s20+$0x0], $0xffff;
	_ =	sdelay $0x2  }
0x47c: {  	v5 =	vmul.f32 v5, v3;
	_ =	sdelay $0x1  }
0x47d: {  	v5 =	vmax.f32 v6, v5  }
0x47e: {  	vm1 =	vmmov vm0;
	s24 =	simm.s32 $0x10;
	s21 =	simm.s32 $0x80;
	[tilespmem:v4+s20+$0x0] =	vst.idx.msk $0xffff, v5  }
.LBB2_89:
0x47f: {  	p0 =	seq.s32 s21, $0xFC0;
	v6 =	vld [tilespmem:s24+$0x800]  }
0x480: {  	v7 =	vld.idx.msk [tilespmem:v4+s20+$0x0], $0xffff;
	_ =	sdelay $0x3  }
0x481: {  	v4 =	vmov v6;
	_ =	sdelay $0x1  }
0x482: {  	vm2 =	vgt.f32 v5, v7;
	v8 =	vld [tilespmem:s24+$0x0]  }
0x483: {  	vm1 =	vmor vm1, vm2;
	v5 =	vld.idx.msk [tilespmem:v6+s20+$0x0], $0xffff;
	_ =	sdelay $0x2  }
.Ltmp73:
0x484: {  	(pc) =	sbr.rel @!p0 .LBB2_89-.Ltmp73, $3  }
0x485: {  	v6 =	vmul.f32 v8, v3;
	_ =	sdelay $0x1  }
0x486: {  	v5 =	vmax.f32 v5, v6  }
0x487: {  	s24 =	sshra.s32 s21, $0x2;
	s21 =	sadd.s32 $0x40, s21;
	[tilespmem:v4+s20+$0x0] =	vst.idx.msk $0xffff, v5  }
0x488: {  	v6 =	vld [tilespmem:s24+$0x800];
	_ =	sdelay $0x5  }
0x489: {  	v7 =	vld [tilespmem:s24+$0x0];
	_ =	sdelay $0x1  }
0x48a: {  	v8 =	vld.idx.msk [tilespmem:v6+s20+$0x0], $0xffff;
	_ =	sdelay $0x2  }
0x48b: {  	v7 =	vmul.f32 v7, v3;
	_ =	sdelay $0x1  }
0x48c: {  	v7 =	vmax.f32 v8, v7  }
0x48d: {  	v4 =	vld.idx.msk [tilespmem:v4+s20+$0x0], $0xffff;
	[tilespmem:v6+s20+$0x0] =	vst.idx.msk $0xffff, v7  }
0x48e: {  	v6 =	vld.idx.msk [tilespmem:v6+s20+$0x0], $0xffff;
	_ =	sdelay $0x3  }
0x48f: {  	vm2 =	vgt.f32 v5, v4  }
0x490: {  	vm1 =	vmor vm1, vm2;
	vm2 =	vgt.f32 v7, v6  }
0x491: {  	vm1 =	vmor vm1, vm2  }
0x492: {  	v4 =	vsel vm1, $0x3F800000, v0  }
0x493: {  	(xrf0) =	vmax.scan.msk.f32 $0xffff, v4;
	_ =	sdelay $0x5  }
0x494: {  	v4, _, _ =	vpop (xrf0)  }
0x495: {  	(v2sf) =	vpush v4, $0xF;
	_ =	sdelay $0xe  }
0x496: {  	s21 =	spop (v2sf)  }
0x497: {  	p0 =	sgt.f32 s21, $0.0e+00  }
.Ltmp74:
0x498: {  	_ = 	snop;
	(pc) =	sbr.rel @!p0 .LBB2_92-.Ltmp74, $2  }
0x499: {  	_ =	sdelay $0x2  }
0x49a: {  	vm1 =	vmmov vm0;
	s21 =	simm.s32 $0x0  }
.LBB2_91:
0x49b: {  	s24 =	sshll.u32 s21, $0x4  }
0x49c: {  	v4 =	vld [tilespmem:s24+$0x800];
	_ =	sdelay $0x5  }
0x49d: {  	v5 =	vld [tilespmem:s24+$0x0];
	_ =	sdelay $0x1  }
0x49e: {  	v6 =	vld.idx.msk [tilespmem:v4+s20+$0x0], $0xffff;
	_ =	sdelay $0x2  }
0x49f: {  	v5 =	vmul.f32 v5, v3;
	_ =	sdelay $0x1  }
0x4a0: {  	v5 =	vmax.f32 v6, v5  }
0x4a1: {  	[tilespmem:v4+s20+$0x0] =	vst.idx.msk $0xffff, v5  }
0x4a2: {  	v4 =	vld.idx.msk [tilespmem:v4+s20+$0x0], $0xffff;
	_ =	sdelay $0x3  }
0x4a3: {  	s21 =	sadd.s32 $0x1, s21  }
0x4a4: {  	p0 =	seq.s32 s21, $0x40;
	vm2 =	vgt.f32 v5, v4  }
0x4a5: {  	v4 =	vimm.f32 @p0 $0.0e+00;
	vm1 =	vmor vm1, vm2  }
0x4a6: {  	v4 =	vsel @p0 vm1, $0x3F800000, v4  }
0x4a7: {  	(xrf0) =	vmax.scan.msk.f32 @p0 $0xffff, v4;
	_ =	sdelay $0x5  }
0x4a8: {  	v4, _, _ =	vpop @p0 (xrf0)  }
0x4a9: {  	(v2sf) =	vpush @p0 v4, $0xF;
	_ =	sdelay $0xe  }
0x4aa: {  	s24 =	spop @p0 (v2sf)  }
0x4ab: {  	p1 =	sgt.f32 @p0 s24, $0.0e+00;
	_ =	sdelay $0x1  }
0x4ac: {  	p1 =	por !p0, p1  }
.Ltmp75:
0x4ad: {  	_ = 	snop;
	(pc) =	sbr.rel @p1 .LBB2_91-.Ltmp75, $3  }
0x4ae: {  	_ =	sdelay $0x1  }
0x4af: {  	vm2 =	vmxor @p0 vm2, vm2  }
0x4b0: {  	s21 =	simm.s32 @p0 $0x0;
	vm1 =	vmmov @p0 vm2  }
.LBB2_92:
0x4b1: {  	_ =	swait.ge [sflag:s22], $0x400  }
0x4b2: {  	[sflag:s22] =	ssyncset.done $0x0  }
0x4b3: {  	[sflag:s22] =	ssyncadd.s32 $0xFFFFFC00  }
0x4b4: {  	_ =	swait.ge [sflag:s23], $0x400  }
0x4b5: {  	p0 =	sne.s32 s16, $0x18;
	s21 =	rddreg [dreg:$0x1a]  }
0x4b6: {  	s24 =	simm.s32 @p0 $0x80;
	s4 =	sadd.s32 @p0 s4, s21  }
0x4b7: {  	s25 =	simm.s32 @p0 $0x400;
	[sflag:s23] =	ssyncset.done $0x0;
	s4 =	sshrl.u32 @p0 s4, $0x3  }
0x4b8: {  	s26 =	simm.s32 @p0 $0x0;
	[sflag:s23] =	ssyncadd.s32 $0xFFFFFC00;
	s21 =	sadd.s32 @p0 s1, s4  }
0x4b9: {  	[tilespmem:s26], [sflag:$0x1] =	stream.strided.gather @p0 [hbm4b:s21+s24], $0x400, s25, s24, $0x38;
	[tilespmem:$0x1B400] =	vst v63  }
0x4ba: {  	s4 =	sadd.s32 @p0 s2, s4;
	s21 =	simm.s32 @p0 $0x800;
	s26 =	simm.s32 $0x0  }
0x4bb: {  	[tilespmem:s21], [sflag:$0x2] =	stream.strided.gather @p0 [hbm4b:s4+s24], $0x400, s25, s24, $0x38;
	[tilespmem:$0x1B400] =	vst v63  }
0x4bc: {  	v4 =	vld [tilespmem:s26+$0xC00];
	_ =	sdelay $0x5  }
0x4bd: {  	v5 =	vld [tilespmem:s26+$0x400];
	_ =	sdelay $0x1  }
0x4be: {  	v6 =	vld.idx.msk [tilespmem:v4+s20+$0x0], $0xffff;
	_ =	sdelay $0x2  }
0x4bf: {  	v5 =	vmul.f32 v5, v3;
	_ =	sdelay $0x1  }
0x4c0: {  	v5 =	vmax.f32 v6, v5  }
0x4c1: {  	vm1 =	vmmov vm0;
	s21 =	simm.s32 $0x10;
	s4 =	simm.s32 $0x80;
	[tilespmem:v4+s20+$0x0] =	vst.idx.msk $0xffff, v5  }
.LBB2_93:
0x4c2: {  	p0 =	seq.s32 s4, $0xFC0;
	v6 =	vld [tilespmem:s21+$0xC00]  }
0x4c3: {  	v7 =	vld.idx.msk [tilespmem:v4+s20+$0x0], $0xffff;
	_ =	sdelay $0x3  }
0x4c4: {  	v4 =	vmov v6;
	_ =	sdelay $0x1  }
0x4c5: {  	vm2 =	vgt.f32 v5, v7;
	v8 =	vld [tilespmem:s21+$0x400]  }
0x4c6: {  	vm1 =	vmor vm1, vm2;
	v5 =	vld.idx.msk [tilespmem:v6+s20+$0x0], $0xffff;
	_ =	sdelay $0x2  }
.Ltmp76:
0x4c7: {  	(pc) =	sbr.rel @!p0 .LBB2_93-.Ltmp76, $3  }
0x4c8: {  	v6 =	vmul.f32 v8, v3;
	_ =	sdelay $0x1  }
0x4c9: {  	v5 =	vmax.f32 v5, v6  }
0x4ca: {  	s21 =	sshra.s32 s4, $0x2;
	s4 =	sadd.s32 $0x40, s4;
	[tilespmem:v4+s20+$0x0] =	vst.idx.msk $0xffff, v5  }
0x4cb: {  	v6 =	vld [tilespmem:s21+$0xC00];
	_ =	sdelay $0x5  }
0x4cc: {  	v7 =	vld [tilespmem:s21+$0x400];
	_ =	sdelay $0x1  }
0x4cd: {  	v8 =	vld.idx.msk [tilespmem:v6+s20+$0x0], $0xffff;
	_ =	sdelay $0x2  }
0x4ce: {  	v7 =	vmul.f32 v7, v3;
	_ =	sdelay $0x1  }
0x4cf: {  	v7 =	vmax.f32 v8, v7  }
0x4d0: {  	v4 =	vld.idx.msk [tilespmem:v4+s20+$0x0], $0xffff;
	[tilespmem:v6+s20+$0x0] =	vst.idx.msk $0xffff, v7  }
0x4d1: {  	v6 =	vld.idx.msk [tilespmem:v6+s20+$0x0], $0xffff;
	_ =	sdelay $0x3  }
0x4d2: {  	vm2 =	vgt.f32 v5, v4  }
0x4d3: {  	vm1 =	vmor vm1, vm2;
	vm2 =	vgt.f32 v7, v6  }
0x4d4: {  	vm1 =	vmor vm1, vm2  }
0x4d5: {  	v4 =	vsel vm1, $0x3F800000, v0  }
0x4d6: {  	(xrf0) =	vmax.scan.msk.f32 $0xffff, v4;
	_ =	sdelay $0x5  }
0x4d7: {  	v4, _, _ =	vpop (xrf0)  }
0x4d8: {  	(v2sf) =	vpush v4, $0xF;
	_ =	sdelay $0xe  }
0x4d9: {  	s4 =	spop (v2sf)  }
0x4da: {  	p0 =	sgt.f32 s4, $0.0e+00  }
.Ltmp77:
0x4db: {  	_ = 	snop;
	(pc) =	sbr.rel @!p0 .LBB2_96-.Ltmp77, $2  }
0x4dc: {  	_ =	sdelay $0x2  }
0x4dd: {  	vm1 =	vmmov vm0;
	s4 =	simm.s32 $0x0  }
.LBB2_95:
0x4de: {  	s21 =	sshll.u32 s4, $0x4  }
0x4df: {  	v4 =	vld [tilespmem:s21+$0xC00];
	_ =	sdelay $0x5  }
0x4e0: {  	v5 =	vld [tilespmem:s21+$0x400];
	_ =	sdelay $0x1  }
0x4e1: {  	v6 =	vld.idx.msk [tilespmem:v4+s20+$0x0], $0xffff;
	_ =	sdelay $0x2  }
0x4e2: {  	v5 =	vmul.f32 v5, v3;
	_ =	sdelay $0x1  }
0x4e3: {  	v5 =	vmax.f32 v6, v5  }
0x4e4: {  	[tilespmem:v4+s20+$0x0] =	vst.idx.msk $0xffff, v5  }
0x4e5: {  	v4 =	vld.idx.msk [tilespmem:v4+s20+$0x0], $0xffff;
	_ =	sdelay $0x3  }
0x4e6: {  	s4 =	sadd.s32 $0x1, s4  }
0x4e7: {  	p0 =	seq.s32 s4, $0x40;
	vm2 =	vgt.f32 v5, v4  }
0x4e8: {  	v4 =	vimm.f32 @p0 $0.0e+00;
	vm1 =	vmor vm1, vm2  }
0x4e9: {  	v4 =	vsel @p0 vm1, $0x3F800000, v4  }
0x4ea: {  	(xrf0) =	vmax.scan.msk.f32 @p0 $0xffff, v4;
	_ =	sdelay $0x5  }
0x4eb: {  	v4, _, _ =	vpop @p0 (xrf0)  }
0x4ec: {  	(v2sf) =	vpush @p0 v4, $0xF;
	_ =	sdelay $0xe  }
0x4ed: {  	s21 =	spop @p0 (v2sf)  }
0x4ee: {  	p1 =	sgt.f32 @p0 s21, $0.0e+00;
	_ =	sdelay $0x1  }
0x4ef: {  	p1 =	por !p0, p1  }
.Ltmp78:
0x4f0: {  	_ = 	snop;
	(pc) =	sbr.rel @p1 .LBB2_95-.Ltmp78, $3  }
0x4f1: {  	_ =	sdelay $0x1  }
0x4f2: {  	vm2 =	vmxor @p0 vm2, vm2  }
0x4f3: {  	s4 =	simm.s32 @p0 $0x0;
	vm1 =	vmmov @p0 vm2  }
.Ltmp79:
0x4f4: {  	_ = 	snop;
	(pc) =	sbr.rel .LBB2_96-.Ltmp79, $1  }
0x4f5: {  	_ =	sdelay $0x3  }
.LBB2_97:
0x4f6: {  	s11 =	smov.u32 s10;
	s10 =	smov.u32 s9  }
0x4f7: {  	s9 =	smov.u32 s8;
	s8 =	smov.u32 s7;
	s7 =	smov.u32 s6  }
0x4f8: {  	s6 =	smov.u32 s5;
	s5 =	smov.u32 s3;
	s3 =	smov.u32 s0  }
0x4f9: {  	s0 =	smov.u32 s31;
	s31 =	smov.u32 s30;
	s16 =	simm.s32 $0x0  }
0x4fa: {  	s30 =	smov.u32 s29;
	s29 =	smov.u32 s28;
	s21 =	simm.s32 $0x40;
	v3 =	vld [tilespmem:s16+$0x1400]  }
.LBB2_98:
0x4fb: {  	p0 =	sne.s32 s21, $0x31FC0;
	v4 =	vld [tilespmem:s16+$0xDC00];
	[tilespmem:s16+$0x1400] =	vst v0;
	_ =	sdelay $0x2  }
.Ltmp80:
0x4fc: {  	(pc) =	sbr.rel @p0 .LBB2_98-.Ltmp80, $4  }
0x4fd: {  	_ = 	snop  }
0x4fe: {  	v4 =	vadd.f32 v3, v4  }
0x4ff: {  	s24 =	sshra.s32 s21, $0x2  }
0x500: {  	s21 =	sadd.s32 $0x40, s21;
	v3 =	vld [tilespmem:s24+$0x1400];
	[tilespmem:s16+$0xDC00] =	vst v4;
	s16 =	smov.u32 s24  }
0x501: {  	v4 =	vld [tilespmem:s16+$0xDC00];
	_ =	sdelay $0x4  }
0x502: {  	v3 =	vadd.f32 v3, v4  }
0x503: {  	[tilespmem:s16+$0x1400] =	vst v0  }
0x504: {  	[tilespmem:s16+$0xDC00] =	vst v3;
	s16 =	simm.s32 $0x0  }
.LBB2_100:
0x505: {  	s21 =	simm.s32 $0x0;
	s24 =	sadd.s32 $0x0, s4  }
0x506: {  	v3 =	vmul.u32 $0x2, v1;
	s25 =	sand.u32 $0xFF80, s24;
	s26 =	sand.u32 $0x70, s21  }
0x507: {  	v4 =	vor.u32 s24, v1;
	v5 =	vmov s24;
	s25 =	sor.u32 s26, s25  }
0x508: {  	v8 =	vor.u32 s21, v3;
	v6 =	vcvt.s32.f32 v4;
	v4 =	vor.u32 $0x1, v3;
	v7 =	vld [tilespmem:s25+$0xDC00]  }
0x509: {  	vm1 =	veq.s32 v5, v2;
	v5 =	vor.u32 s21, v4;
	_ =	sdelay $0x2  }
0x50a: {  	s24 =	sadd.s32 $0x10, s4;
	s25 =	simm.s32 $0x10  }
0x50b: {  	s26 =	sand.u32 $0xFF80, s24;
	s28 =	sand.u32 $0x70, s25;
	s25 =	simm.s32 $0x20;
	v6 =	vsel vm1, $0xBF800000, v6;
	[tilespmem:v8+s12+$0x0] =	vst.idx.msk $0xffff, v7  }
.LBB2_101:
0x50c: {  	p0 =	sne.s32 s25, $0x7F0;
	s26 =	sor.u32 s28, s26;
	[tilespmem:v5+s12+$0x0] =	vst.idx.msk $0xffff, v6;
	s21 =	sadd.s32 $0x20, s21  }
0x50d: {  	v5 =	vor.u32 $0x1, v3;
	v7 =	vld [tilespmem:s26+$0xDC00];
	v8 =	vor.u32 s21, v3  }
.Ltmp81:
0x50e: {  	v5 =	vor.u32 s21, v5;
	(pc) =	sbr.rel @p0 .LBB2_101-.Ltmp81, $4  }
0x50f: {  	v6 =	vor.u32 s24, v1  }
0x510: {  	v9 =	vmov s24;
	v6 =	vcvt.s32.f32 v6  }
0x511: {  	s24 =	sadd.s32 s25, s4;
	vm1 =	veq.s32 v9, v2  }
0x512: {  	s28 =	sand.u32 $0x70, s25;
	s25 =	sadd.s32 $0x10, s25;
	s26 =	sand.u32 $0xFF80, s24;
	v6 =	vsel vm1, $0xBF800000, v6;
	[tilespmem:v8+s12+$0x0] =	vst.idx.msk $0xffff, v7  }
0x513: {  	_ =	sdelay $0x3  }
0x514: {  	s25 =	sor.u32 s28, s26;
	[tilespmem:v5+s12+$0x0] =	vst.idx.msk $0xffff, v6;
	s21 =	sadd.s32 $0x20, s21  }
0x515: {  	v5 =	vld [tilespmem:s25+$0xDC00];
	v3 =	vor.u32 s21, v3  }
0x516: {  	v4 =	vor.u32 s21, v4  }
0x517: {  	v63 =	vor.u32 s24, v1  }
0x518: {  	v7 =	vmov s24;
	s26 =	rddreg [dreg:$0x14];
	v6 =	vcvt.s32.f32 v63;
	s25 =	sshll.u32 s16, $0xF  }
0x519: {  	vm1 =	veq.s32 v7, v2;
	s16 =	sadd.s32 $0x1, s16;
	s21 =	sadd.s32 s26, s25  }
0x51a: {  	s28 =	rddreg [dreg:$0x3];
	p0 =	sne.s32 s16, $0x19;
	v6 =	vsel vm1, $0xBF800000, v6;
	s21 =	sshrl.u32 s21, $0x3;
	[tilespmem:v3+s12+$0x0] =	vst.idx.msk $0xffff, v5  }
.Ltmp82:
0x51b: {  	s21 =	sadd.s32 s28, s21;
	[tilespmem:v4+s12+$0x0] =	vst.idx.msk $0xffff, v6;
	(pc) =	sbr.rel @p0 .LBB2_100-.Ltmp82, $4  }
0x51c: {  	[hbm4b:s21+s14] =	stream.strided.scatter [tilespmem:s12], [sflag:$0x5], $0x1000, s15, s14, $0x38;
	[tilespmem:$0x1B400] =	vst v63  }
0x51d: {  	_ =	swait.ge [sflag:s13], $0x1000  }
0x51e: {  	[sflag:s13] =	ssyncset.done $0x0  }
0x51f: {  	s4 =	sadd.s32 $0x800, s4;
	[sflag:s13] =	ssyncadd.s32 $0xFFFFF000  }
0x520: {  	s16 =	rddreg [dreg:$0x1c]  }
0x521: {  	s4 =	rddreg [dreg:$0x1b];
	s16 =	sadd.s32 $0x1, s16  }
0x522: {  	p0 =	sne.s32 s16, s4  }
.Ltmp83:
0x523: {  	s28 =	smov.u32 s29;
	(pc) =	sbr.rel @p0 .LBB2_1-.Ltmp83, $4  }
0x524: {  	s29 =	smov.u32 s30;
	s30 =	smov.u32 s31;
	s31 =	smov.u32 s0  }
0x525: {  	s0 =	smov.u32 s3;
	s3 =	smov.u32 s5;
	s5 =	smov.u32 s6  }
0x526: {  	s6 =	smov.u32 s7;
	s7 =	smov.u32 s8;
	s8 =	smov.u32 s9  }
0x527: {  	s9 =	smov.u32 s10;
	s10 =	smov.u32 s11;
	s11 =	rddreg [dreg:$0x17]  }
0x528: {  	_ =	sfence.sel $0x180000  }
0x529: {  	[bflag:$0x0] =	sbarrier.arrive $0xFFFF  }
0x52a: {  	_ =	strace $0x90000047  }
0x52b: {  	s0 =	stileid.u32;
	[bflag:$0x2] =	sbarrier.arrive $0xFFFF  }
0x52c: {  	p0 =	sne.s32 s0, $0x0;
	s0 =	rddreg [dreg:$0x4]  }
0x52d: {  	s0 =	sadd.s32 @!p0 $0x100000, s0  }
0x52e: {  	[sflag:s0] =	ssyncadd.tile.s32 @!p0 $0x1;
	_ =	shalt  }
.Lfunc_end2:
_tile_overlayer_lowered:
.L_overlay_start_2:
0x52f: {  	(tag) =	ssettag $0x2  }
0x530: {  	s0 =	rddreg [dreg:$0x0];
	s2 =	stileid.u32  }
0x531: {  	s1 =	rddreg [dreg:$0x1];
	p0 =	sne.s32 s2, $0x0  }
0x532: {  	s3 =	rddreg [dreg:$0x2];
	[bflag:$0x3] =	sbarrier.arrive $0xFFFF;
	s2 =	simm.s32 @!p0 $0x1C05  }
0x533: {  	[timem:s3], [sflag:s2] =	dma.local @!p0 [hbm:s0], s1  }
0x534: {  	s0 =	simm.s32 @!p0 $0x5  }
0x535: {  	_ =	swait.ge @!p0 [sflag:s0], s1  }
0x536: {  	s1 =	ssub.s32 @!p0 $0x0, s1;
	[sflag:s0] =	ssyncset.done @!p0 $0x0  }
0x537: {  	[sflag:s0] =	ssyncadd.s32 @!p0 s1  }
0x538: {  	[bflag:$0x3] =	sbarrier.arrive $0xFFFF  }
0x539: {  	_ =	shalt  }

</sc_bundles>
